<compile_context>
chip_gen: v7x
topology: tpu7x:2x2x1
jax: 0.10.2.dev20260603
libtpu: 0.0.44.dev20260713+nightly
codegen_flags: <defaults>
</compile_context>

<pallas_src>
import functools

import jax
import jax.numpy as jnp
from jax import lax
from jax.experimental import pallas as pl
from jax.experimental.pallas import tpu as pltpu
from jax.experimental.pallas import tpu_sc as plsc

N = 10000
E = 320000
H = 128
G = 64
HEADS = 4
DH = 32

NC = 2
NS = 16
NW = NC * NS
CH = 128
PTE = 10240
NCHUNK = PTE // CH
EP = NW * PTE
NP = 10112
STRIPE = NP // NS
KF_S, KS_S = 128, 32
KF_G, KS_G = 178, 142
NBLK = 10
BLK = N // NBLK

f32 = jnp.float32
i32 = jnp.int32

_mesh = plsc.VectorSubcoreMesh(core_axis_name="c", subcore_axis_name="s")
_untiled = pltpu.CompilerParams(use_tc_tiling_on_sc=False)


def _tile_ids():
    cid = lax.axis_index("c")
    sid = lax.axis_index("s")
    return cid, sid, cid * NS + sid


@functools.partial(
    pl.kernel,
    out_type=jax.ShapeDtypeStruct((NC, NP, 16), f32),
    mesh=_mesh,
    scratch_types=[
        pltpu.VMEM((CH,), i32),
        pltpu.VMEM((CH, 16), f32),
        pltpu.VMEM_SHARED((NP, 16), f32),
        pltpu.SemaphoreType.DMA,
    ],
)
def _sdeg(dp_hbm, ones_hbm, zeros_hbm, out_hbm, didx_v, ones_v, acc_sh, sem):
    cid, sid, wid = _tile_ids()
    pltpu.sync_copy(zeros_hbm.at[pl.ds(sid * STRIPE, STRIPE)],
                    acc_sh.at[pl.ds(sid * STRIPE, STRIPE)])
    pltpu.sync_copy(ones_hbm, ones_v)
    plsc.subcore_barrier()
    base = wid * PTE

    def step(j, c):
        pltpu.sync_copy(dp_hbm.at[pl.ds(base + j * CH, CH)], didx_v)
        pltpu.sync_copy(ones_v, acc_sh.at[didx_v], add=True)
        return c

    lax.fori_loop(0, NCHUNK, step, 0)
    plsc.subcore_barrier()
    pltpu.sync_copy(acc_sh.at[pl.ds(sid * STRIPE, STRIPE)],
                    out_hbm.at[cid, pl.ds(sid * STRIPE, STRIPE)])


@functools.partial(
    pl.kernel,
    out_type=jax.ShapeDtypeStruct((NC, NP, H), f32),
    mesh=_mesh,
    scratch_types=[
        pltpu.VMEM((CH,), i32),
        pltpu.VMEM((CH,), i32),
        pltpu.VMEM((CH,), i32),
        pltpu.VMEM((CH,), i32),
        pltpu.VMEM((CH, H), f32),
        pltpu.VMEM((CH, H), f32),
        pltpu.VMEM_SHARED((NP, H), f32),
        pltpu.SemaphoreType.DMA,
        pltpu.SemaphoreType.DMA,
    ],
)
def _sscat(q_hbm, sp_hbm, dp_hbm, zeros_hbm, out_hbm,
           sidx_a, sidx_b, didx_a, didx_b, rows_a, rows_b,
           acc_sh, sem_a, sem_b):
    cid, sid, wid = _tile_ids()
    pltpu.sync_copy(zeros_hbm.at[pl.ds(sid * STRIPE, STRIPE)],
                    acc_sh.at[pl.ds(sid * STRIPE, STRIPE)])
    plsc.subcore_barrier()
    base = jnp.where(cid == 0, sid * KF_S, NS * KF_S + sid * KS_S) * CH
    nch = jnp.where(cid == 0, KF_S, KS_S)

    @pl.when(nch > 0)
    def _():
        pltpu.sync_copy(sp_hbm.at[pl.ds(base, CH)], sidx_a)
        pltpu.sync_copy(dp_hbm.at[pl.ds(base, CH)], didx_a)
        pltpu.async_copy(q_hbm.at[sidx_a], rows_a, sem_a)

    def step(j2, c):
        o = base + 2 * j2 * CH
        pltpu.sync_copy(sp_hbm.at[pl.ds(o + CH, CH)], sidx_b)
        pltpu.sync_copy(dp_hbm.at[pl.ds(o + CH, CH)], didx_b)
        pltpu.make_async_copy(q_hbm.at[sidx_a], rows_a, sem_a).wait()
        pltpu.async_copy(q_hbm.at[sidx_b], rows_b, sem_b)
        pltpu.sync_copy(rows_a, acc_sh.at[didx_a], add=True)

        @pl.when(2 * j2 + 2 < nch)
        def _():
            pltpu.sync_copy(sp_hbm.at[pl.ds(o + 2 * CH, CH)], sidx_a)
            pltpu.sync_copy(dp_hbm.at[pl.ds(o + 2 * CH, CH)], didx_a)

        pltpu.make_async_copy(q_hbm.at[sidx_b], rows_b, sem_b).wait()

        @pl.when(2 * j2 + 2 < nch)
        def _():
            pltpu.async_copy(q_hbm.at[sidx_a], rows_a, sem_a)

        pltpu.sync_copy(rows_b, acc_sh.at[didx_b], add=True)
        return c

    lax.fori_loop(0, nch // 2, step, 0)
    plsc.subcore_barrier()
    pltpu.sync_copy(acc_sh.at[pl.ds(sid * STRIPE, STRIPE)],
                    out_hbm.at[cid, pl.ds(sid * STRIPE, STRIPE)])


@functools.partial(
    pl.kernel,
    out_type=(jax.ShapeDtypeStruct((EP, 16), f32),
              jax.ShapeDtypeStruct((NC, NP, 16), f32)),
    mesh=_mesh,
    compiler_params=_untiled,
    scratch_types=[
        pltpu.VMEM((CH,), i32),
        pltpu.VMEM((CH,), i32),
        pltpu.VMEM((CH,), i32),
        pltpu.VMEM((CH,), i32),
        pltpu.VMEM((CH, 16), f32),
        pltpu.VMEM((CH, 16), f32),
        pltpu.VMEM((CH, 16), f32),
        pltpu.VMEM((CH, 16), f32),
        pltpu.VMEM((CH, 16), f32),
        pltpu.VMEM((1, 16), f32),
        pltpu.VMEM_SHARED((NP, 16), f32),
        pltpu.SemaphoreType.DMA,
        pltpu.SemaphoreType.DMA,
    ],
)
def _satt(as_hbm, ad_hbm, m_hbm, sp_hbm, dp_hbm, zeros_hbm,
          ee_hbm, dens_hbm,
          sidx_a, sidx_b, didx_a, didx_b, as_a, as_b, ad_a, ad_b,
          ee_v, m_v, den_sh, sem_a, sem_b):
    cid, sid, wid = _tile_ids()
    pltpu.sync_copy(zeros_hbm.at[pl.ds(sid * STRIPE, STRIPE)],
                    den_sh.at[pl.ds(sid * STRIPE, STRIPE)])
    pltpu.sync_copy(m_hbm, m_v)
    plsc.subcore_barrier()
    base = wid * PTE
    pltpu.sync_copy(sp_hbm.at[pl.ds(base, CH)], sidx_a)
    pltpu.sync_copy(dp_hbm.at[pl.ds(base, CH)], didx_a)
    pltpu.async_copy(as_hbm.at[sidx_a], as_a, sem_a)
    pltpu.async_copy(ad_hbm.at[didx_a], ad_a, sem_a)

    def compute(as_v, ad_v):
        def inner(i, cc):
            m16 = m_v[0, :]
            a = as_v[i, :] + ad_v[i, :]
            ee_v[i, :] = jnp.exp(jnp.maximum(a, 0.2 * a) - m16)
            return cc

        lax.fori_loop(0, CH, inner, 0)

    def step(j2, c):
        off = base + 2 * j2 * CH
        pltpu.sync_copy(sp_hbm.at[pl.ds(off + CH, CH)], sidx_b)
        pltpu.sync_copy(dp_hbm.at[pl.ds(off + CH, CH)], didx_b)
        pltpu.make_async_copy(as_hbm.at[sidx_a], as_a, sem_a).wait()
        pltpu.make_async_copy(ad_hbm.at[didx_a], ad_a, sem_a).wait()
        pltpu.async_copy(as_hbm.at[sidx_b], as_b, sem_b)
        pltpu.async_copy(ad_hbm.at[didx_b], ad_b, sem_b)
        compute(as_a, ad_a)
        pltpu.sync_copy(ee_v, ee_hbm.at[pl.ds(off, CH)])
        pltpu.sync_copy(ee_v, den_sh.at[didx_a], add=True)

        @pl.when(2 * j2 + 2 < NCHUNK)
        def _():
            pltpu.sync_copy(sp_hbm.at[pl.ds(off + 2 * CH, CH)], sidx_a)
            pltpu.sync_copy(dp_hbm.at[pl.ds(off + 2 * CH, CH)], didx_a)

        pltpu.make_async_copy(as_hbm.at[sidx_b], as_b, sem_b).wait()
        pltpu.make_async_copy(ad_hbm.at[didx_b], ad_b, sem_b).wait()

        @pl.when(2 * j2 + 2 < NCHUNK)
        def _():
            pltpu.async_copy(as_hbm.at[sidx_a], as_a, sem_a)
            pltpu.async_copy(ad_hbm.at[didx_a], ad_a, sem_a)

        compute(as_b, ad_b)
        pltpu.sync_copy(ee_v, ee_hbm.at[pl.ds(off + CH, CH)])
        pltpu.sync_copy(ee_v, den_sh.at[didx_b], add=True)
        return c

    lax.fori_loop(0, NCHUNK // 2, step, 0)
    plsc.subcore_barrier()
    pltpu.sync_copy(den_sh.at[pl.ds(sid * STRIPE, STRIPE)],
                    dens_hbm.at[cid, pl.ds(sid * STRIPE, STRIPE)])


CHG = 64
NCHG = PTE // CHG


@functools.partial(
    pl.kernel,
    out_type=jax.ShapeDtypeStruct((NC, NP, H), f32),
    mesh=_mesh,
    compiler_params=_untiled,
    scratch_types=[
        pltpu.VMEM((CHG,), i32),
        pltpu.VMEM((CHG,), i32),
        pltpu.VMEM((CHG,), i32),
        pltpu.VMEM((CHG,), i32),
        pltpu.VMEM((CHG, H), f32),
        pltpu.VMEM((CHG, H), f32),
        pltpu.VMEM((CHG, 16), f32),
        pltpu.VMEM((CHG, 16), f32),
        pltpu.VMEM_SHARED((NP, H), f32),
        pltpu.SemaphoreType.DMA,
        pltpu.SemaphoreType.DMA,
    ],
)
def _sgat(hw_hbm, ee_hbm, sp_hbm, dp_hbm, zeros_hbm, out_hbm,
          sidx_a, sidx_b, didx_a, didx_b, rows_a, rows_b, ee_a, ee_b,
          acc_sh, sem_a, sem_b):
    cid, sid, wid = _tile_ids()
    pltpu.sync_copy(zeros_hbm.at[pl.ds(sid * STRIPE, STRIPE)],
                    acc_sh.at[pl.ds(sid * STRIPE, STRIPE)])
    plsc.subcore_barrier()
    base = jnp.where(cid == 0, sid * KF_G, NS * KF_G + sid * KS_G) * CHG
    nch = jnp.where(cid == 0, KF_G, KS_G)
    pltpu.sync_copy(sp_hbm.at[pl.ds(base, CHG)], sidx_a)
    pltpu.sync_copy(dp_hbm.at[pl.ds(base, CHG)], didx_a)
    pltpu.async_copy(hw_hbm.at[sidx_a], rows_a, sem_a)
    pltpu.sync_copy(ee_hbm.at[pl.ds(base, CHG)], ee_a)

    def compute(rows_v, ee_v):
        def inner(i, cc):
            ee = ee_v[i, :]
            for h in range(HEADS):
                c_h = ee[h]
                rows_v[i, pl.ds(32 * h, 16)] = (
                    rows_v[i, pl.ds(32 * h, 16)] * c_h)
                rows_v[i, pl.ds(32 * h + 16, 16)] = (
                    rows_v[i, pl.ds(32 * h + 16, 16)] * c_h)
            return cc

        lax.fori_loop(0, CHG, inner, 0)

    def step(j2, c):
        off = base + 2 * j2 * CHG
        pltpu.sync_copy(sp_hbm.at[pl.ds(off + CHG, CHG)], sidx_b)
        pltpu.sync_copy(dp_hbm.at[pl.ds(off + CHG, CHG)], didx_b)
        pltpu.sync_copy(ee_hbm.at[pl.ds(off + CHG, CHG)], ee_b)
        pltpu.make_async_copy(hw_hbm.at[sidx_a], rows_a, sem_a).wait()
        pltpu.async_copy(hw_hbm.at[sidx_b], rows_b, sem_b)
        compute(rows_a, ee_a)
        pltpu.sync_copy(rows_a, acc_sh.at[didx_a], add=True)

        @pl.when(2 * j2 + 2 < nch)
        def _():
            pltpu.sync_copy(sp_hbm.at[pl.ds(off + 2 * CHG, CHG)], sidx_a)
            pltpu.sync_copy(dp_hbm.at[pl.ds(off + 2 * CHG, CHG)], didx_a)
            pltpu.sync_copy(ee_hbm.at[pl.ds(off + 2 * CHG, CHG)], ee_a)

        pltpu.make_async_copy(hw_hbm.at[sidx_b], rows_b, sem_b).wait()

        @pl.when(2 * j2 + 2 < nch)
        def _():
            pltpu.async_copy(hw_hbm.at[sidx_a], rows_a, sem_a)

        compute(rows_b, ee_b)
        pltpu.sync_copy(rows_b, acc_sh.at[didx_b], add=True)
        return c

    lax.fori_loop(0, nch // 2, step, 0)
    plsc.subcore_barrier()
    pltpu.sync_copy(acc_sh.at[pl.ds(sid * STRIPE, STRIPE)],
                    out_hbm.at[cid, pl.ds(sid * STRIPE, STRIPE)])


def _k2_body(x_ref, w_ref, degs_ref, q_ref, dinv_ref):
    degs = degs_ref[...]
    deg = degs[0, :, :1] + degs[1, :, :1] + 1.0
    dinv = lax.rsqrt(deg)
    dinv_ref[...] = dinv
    q_ref[...] = dinv * jnp.dot(x_ref[...], w_ref[...],
                                preferred_element_type=f32)


_k2 = pl.pallas_call(
    _k2_body,
    grid=(NBLK,),
    in_specs=[
        pl.BlockSpec((BLK, H), lambda i: (i, 0)),
        pl.BlockSpec((H, H), lambda i: (0, 0)),
        pl.BlockSpec((NC, BLK, 16), lambda i: (0, i, 0)),
    ],
    out_specs=[
        pl.BlockSpec((BLK, H), lambda i: (i, 0)),
        pl.BlockSpec((BLK, 1), lambda i: (i, 0)),
    ],
    out_shape=[
        jax.ShapeDtypeStruct((N, H), f32),
        jax.ShapeDtypeStruct((N, 1), f32),
    ],
)


def _ka_body(acc_ref, q_ref, res_ref, dinv_ref, b_ref, w_ref, h_ref, qn_ref):
    acc = acc_ref[...]
    dinv = dinv_ref[...]
    y = dinv * (acc[0] + acc[1] + q_ref[...]) + b_ref[...]
    h = res_ref[...] + jnp.maximum(y, 0.0)
    h_ref[...] = h
    qn_ref[...] = dinv * jnp.dot(h, w_ref[...], preferred_element_type=f32)


_ka = pl.pallas_call(
    _ka_body,
    grid=(NBLK,),
    in_specs=[
        pl.BlockSpec((NC, BLK, H), lambda i: (0, i, 0)),
        pl.BlockSpec((BLK, H), lambda i: (i, 0)),
        pl.BlockSpec((BLK, H), lambda i: (i, 0)),
        pl.BlockSpec((BLK, 1), lambda i: (i, 0)),
        pl.BlockSpec((1, H), lambda i: (0, 0)),
        pl.BlockSpec((H, H), lambda i: (0, 0)),
    ],
    out_specs=[
        pl.BlockSpec((BLK, H), lambda i: (i, 0)),
        pl.BlockSpec((BLK, H), lambda i: (i, 0)),
    ],
    out_shape=[
        jax.ShapeDtypeStruct((N, H), f32),
        jax.ShapeDtypeStruct((N, H), f32),
    ],
)


def _kb_body(acc_ref, q_ref, res_ref, dinv_ref, b_ref, wg_ref, atts_ref,
             attd_ref, hw_ref, as_ref, ad_ref, m_ref, ms_acc, md_acc):
    i = pl.program_id(0)
    acc = acc_ref[...]
    dinv = dinv_ref[...]
    y = dinv * (acc[0] + acc[1] + q_ref[...]) + b_ref[...]
    h = res_ref[...] + jnp.maximum(y, 0.0)
    hw = jnp.dot(h, wg_ref[...], preferred_element_type=f32)
    hw_ref[...] = hw
    lane = lax.broadcasted_iota(i32, (H, 16), 0)
    col = lax.broadcasted_iota(i32, (H, 16), 1)
    e16 = jnp.where((col < HEADS) & (lane // DH == col), 1.0, 0.0)
    as16 = jnp.dot(hw * atts_ref[...], e16, preferred_element_type=f32)
    ad16 = jnp.dot(hw * attd_ref[...], e16, preferred_element_type=f32)
    as_ref[...] = as16
    ad_ref[...] = ad16
    pms = jnp.max(as16, axis=0, keepdims=True)
    pmd = jnp.max(ad16, axis=0, keepdims=True)

    @pl.when(i == 0)
    def _():
        ms_acc[...] = pms
        md_acc[...] = pmd

    @pl.when(i > 0)
    def _():
        ms_acc[...] = jnp.maximum(ms_acc[...], pms)
        md_acc[...] = jnp.maximum(md_acc[...], pmd)

    @pl.when(i == NBLK - 1)
    def _():
        m_ref[...] = ms_acc[...] + md_acc[...]


_kb = pl.pallas_call(
    _kb_body,
    grid=(NBLK,),
    in_specs=[
        pl.BlockSpec((NC, BLK, H), lambda i: (0, i, 0)),
        pl.BlockSpec((BLK, H), lambda i: (i, 0)),
        pl.BlockSpec((BLK, H), lambda i: (i, 0)),
        pl.BlockSpec((BLK, 1), lambda i: (i, 0)),
        pl.BlockSpec((1, H), lambda i: (0, 0)),
        pl.BlockSpec((H, H), lambda i: (0, 0)),
        pl.BlockSpec((1, H), lambda i: (0, 0)),
        pl.BlockSpec((1, H), lambda i: (0, 0)),
    ],
    out_specs=[
        pl.BlockSpec((BLK, H), lambda i: (i, 0)),
        pl.BlockSpec((BLK, 16), lambda i: (i, 0)),
        pl.BlockSpec((BLK, 16), lambda i: (i, 0)),
        pl.BlockSpec((1, 16), lambda i: (0, 0)),
    ],
    out_shape=[
        jax.ShapeDtypeStruct((N, H), f32),
        jax.ShapeDtypeStruct((N, 16), f32),
        jax.ShapeDtypeStruct((N, 16), f32),
        jax.ShapeDtypeStruct((1, 16), f32),
    ],
    scratch_shapes=[
        pltpu.VMEM((1, 16), f32),
        pltpu.VMEM((1, 16), f32),
    ],
)


def _k7_body(gacc_ref, hw_ref, as_ref, ad_ref, m_ref, dens_ref, bg_ref,
             bcol_ref, p1w_ref, p1b_ref, p2w_ref, p2b_ref,
             p3w_ref, p3b_ref, out_ref, gm_acc, gx_acc, cnt_acc):
    i = pl.program_id(0)

    @pl.when(i == 0)
    def _():
        gm_acc[...] = jnp.zeros((G, H), f32)
        gx_acc[...] = jnp.full((G, H), -jnp.inf, f32)
        cnt_acc[...] = jnp.zeros((G, 1), f32)

    a = as_ref[...] + ad_ref[...]
    ee_self = jnp.exp(jnp.maximum(a, 0.2 * a) - m_ref[...])
    dens = dens_ref[...]
    den16 = dens[0] + dens[1] + ee_self
    colc = lax.broadcasted_iota(i32, (16, H), 0)
    lanec = lax.broadcasted_iota(i32, (16, H), 1)
    t16 = jnp.where((colc < HEADS) & (lanec // DH == colc), 1.0, 0.0)
    den128 = jnp.dot(den16, t16, preferred_element_type=f32)
    ee128 = jnp.dot(ee_self, t16, preferred_element_type=f32)
    gacc = gacc_ref[...]
    g = (gacc[0] + gacc[1] + ee128 * hw_ref[...]) / den128 + bg_ref[...]

    bcol = bcol_ref[...]
    grow = lax.broadcasted_iota(i32, (1, G), 1)
    onehot = jnp.where(bcol == grow, 1.0, 0.0)
    dn = (((0,), (0,)), ((), ()))
    gm_acc[...] = gm_acc[...] + lax.dot_general(
        onehot, g, dn, preferred_element_type=f32)
    cnt_acc[...] = cnt_acc[...] + lax.dot_general(
        onehot, jnp.ones((BLK, 1), f32), dn, preferred_element_type=f32)

    g0 = bcol_ref[0, 0]
    g1 = bcol_ref[BLK - 1, 0]

    def gbody(gi, c):
        vals = jnp.where(bcol == gi, g, -jnp.inf)
        m = jnp.max(vals, axis=0, keepdims=True)
        cur = gx_acc[pl.ds(gi, 1), :]
        gx_acc[pl.ds(gi, 1), :] = jnp.maximum(cur, m)
        return c

    lax.fori_loop(g0, g1 + 1, gbody, 0)

    @pl.when(i == NBLK - 1)
    def _():
        cnt = jnp.maximum(cnt_acc[...], 1.0)
        z = jnp.concatenate([gm_acc[...] / cnt, gx_acc[...]], axis=1)
        z = jnp.maximum(jnp.dot(z, p1w_ref[...], preferred_element_type=f32)
                        + p1b_ref[...], 0.0)
        z = jnp.maximum(jnp.dot(z, p2w_ref[...], preferred_element_type=f32)
                        + p2b_ref[...], 0.0)
        out_ref[...] = (jnp.dot(z, p3w_ref[...], preferred_element_type=f32)
                        + p3b_ref[...])


_k7 = pl.pallas_call(
    _k7_body,
    grid=(NBLK,),
    in_specs=[
        pl.BlockSpec((NC, BLK, H), lambda i: (0, i, 0)),
        pl.BlockSpec((BLK, H), lambda i: (i, 0)),
        pl.BlockSpec((BLK, 16), lambda i: (i, 0)),
        pl.BlockSpec((BLK, 16), lambda i: (i, 0)),
        pl.BlockSpec((1, 16), lambda i: (0, 0)),
        pl.BlockSpec((NC, BLK, 16), lambda i: (0, i, 0)),
        pl.BlockSpec((1, H), lambda i: (0, 0)),
        pl.BlockSpec((BLK, 1), lambda i: (i, 0)),
        pl.BlockSpec((2 * H, H // 2), lambda i: (0, 0)),
        pl.BlockSpec((1, H // 2), lambda i: (0, 0)),
        pl.BlockSpec((H // 2, H // 4), lambda i: (0, 0)),
        pl.BlockSpec((1, H // 4), lambda i: (0, 0)),
        pl.BlockSpec((H // 4, 1), lambda i: (0, 0)),
        pl.BlockSpec((1, 1), lambda i: (0, 0)),
    ],
    out_specs=pl.BlockSpec((G, 1), lambda i: (0, 0)),
    out_shape=jax.ShapeDtypeStruct((G, 1), f32),
    scratch_shapes=[
        pltpu.VMEM((G, H), f32),
        pltpu.VMEM((G, H), f32),
        pltpu.VMEM((G, 1), f32),
    ],
)


def kernel(x, edge_index, batch, W1, b1, W2, b2, W3, b3, Wg, att_src,
           att_dst, bg, P1w, P1b, P2w, P2b, P3w, P3b):
    s = edge_index[0]
    d = edge_index[1]
    pad = EP - E
    sp = jnp.concatenate([s, jnp.zeros((pad,), i32)])
    dp = jnp.concatenate([d, jnp.full((pad,), N, i32)])
    zeros128 = jnp.zeros((NP, H), f32)
    zeros16 = jnp.zeros((NP, 16), f32)
    ones16 = jnp.ones((CH, 16), f32)

    degs = _sdeg(dp, ones16, zeros16)
    q1, dinv = _k2(x, W1, degs)
    acc1 = _sscat(q1, sp, dp, zeros128)
    zres = jnp.zeros((N, H), f32)
    h1, q2 = _ka(acc1, q1, zres, dinv, b1.reshape(1, H), W2)
    acc2 = _sscat(q2, sp, dp, zeros128)
    h2, q3 = _ka(acc2, q2, h1, dinv, b2.reshape(1, H), W3)
    acc3 = _sscat(q3, sp, dp, zeros128)
    hw, as16, ad16, m16 = _kb(acc3, q3, h2, dinv, b3.reshape(1, H), Wg,
                              att_src.reshape(1, H), att_dst.reshape(1, H))
    ee, dens = _satt(as16, ad16, m16, sp, dp, zeros16)
    zeros128u = jnp.zeros((NP, H), f32) + 0.0
    gacc = _sgat(hw, ee, sp, dp, zeros128u)
    out = _k7(gacc, hw, as16, ad16, m16, dens, bg.reshape(1, H),
              batch.reshape(N, 1), P1w,
              P1b.reshape(1, H // 2), P2w, P2b.reshape(1, H // 4), P3w,
              P3b.reshape(1, 1))
    return out.reshape(-1)

# --- scband reference (transcript-rebuilt; emitter-appended) ---
"""Pipeline reference for scband-rbtgraph-net-70987219468970 (READ-ONLY COPY).

The authoritative reference and input builder live on the scoring server;
editing this copy changes nothing except your own understanding.
"""

import jax, jax.numpy as jnp
import numpy as np

N = 10000
E = 320000
D = 128
H = 128
G = 64
HEADS = 4
DH = H // HEADS


def setup_inputs(seed: int = 0):
    key = jax.random.key(seed)
    ks = jax.random.split(key, 16)
    inp = {}
    inp["x"] = jax.random.normal(ks[0], (N, D), dtype=jnp.float32)
    inp["edge_index"] = jax.random.randint(ks[1], (2, E), 0, N, dtype=jnp.int32)
    inp["batch"] = jnp.sort(jax.random.randint(ks[2], (N,), 0, G, dtype=jnp.int32))

    def glorot(k, shape):
        fan_in, fan_out = shape[0], shape[-1]
        s = (2.0 / (fan_in + fan_out)) ** 0.5
        return jax.random.normal(k, shape, dtype=jnp.float32) * s

    inp["W1"] = glorot(ks[3], (D, H)); inp["b1"] = jnp.zeros((H,), jnp.float32)
    inp["W2"] = glorot(ks[4], (H, H)); inp["b2"] = jnp.zeros((H,), jnp.float32)
    inp["W3"] = glorot(ks[5], (H, H)); inp["b3"] = jnp.zeros((H,), jnp.float32)
    inp["Wg"] = glorot(ks[6], (H, HEADS * DH))
    inp["att_src"] = glorot(ks[7], (HEADS, DH))
    inp["att_dst"] = glorot(ks[8], (HEADS, DH))
    inp["bg"] = jnp.zeros((HEADS * DH,), jnp.float32)
    inp["P1w"] = glorot(ks[9], (2 * H, H // 2)); inp["P1b"] = jnp.zeros((H // 2,), jnp.float32)
    inp["P2w"] = glorot(ks[10], (H // 2, H // 4)); inp["P2b"] = jnp.zeros((H // 4,), jnp.float32)
    inp["P3w"] = glorot(ks[11], (H // 4, 1)); inp["P3b"] = jnp.zeros((1,), jnp.float32)
    return inp


def _forward(x, W1, b1, W2, b2, W3, b3, Wg, att_src, att_dst, bg, P1w, P1b, P2w, P2b, P3w, P3b, edge_index, batch):
    n = x.shape[0]
    loop = jnp.arange(n, dtype=edge_index.dtype)
    s = jnp.concatenate([edge_index[0], loop])
    d = jnp.concatenate([edge_index[1], loop])
    deg = jax.ops.segment_sum(jnp.ones_like(d, dtype=jnp.float32), d, num_segments=n)
    dinv = jnp.where(deg > 0, jax.lax.rsqrt(jnp.maximum(deg, 1e-12)), 0.0)
    norm = dinv[s] * dinv[d]

    def gcn(h, W, b):
        hw = h @ W
        msg = hw[s] * norm[:, None]
        return jax.ops.segment_sum(msg, d, num_segments=n) + b

    # GCN stack with residuals (first layer no residual, matching torch code)
    h = jax.nn.relu(gcn(x, W1, b1))
    h = h + jax.nn.relu(gcn(h, W2, b2))
    h = h + jax.nn.relu(gcn(h, W3, b3))
    # dropout is identity at inference

    # GATConv, heads=4, concat=True, with self loops
    hw = (h @ Wg).reshape(n, HEADS, DH)
    a_s = (hw * att_src[None]).sum(-1)  # (n, HEADS)
    a_d = (hw * att_dst[None]).sum(-1)
    e = jax.nn.leaky_relu(a_s[s] + a_d[d], negative_slope=0.2)  # (E+n, HEADS)
    m = jax.ops.segment_max(e, d, num_segments=n)
    ee = jnp.exp(e - m[d])
    den = jax.ops.segment_sum(ee, d, num_segments=n)
    coef = ee / den[d]
    g = jax.ops.segment_sum(coef[:, :, None] * hw[s], d, num_segments=n).reshape(n, HEADS * DH) + bg

    # global mean + max pooling over graphs
    cnt = jax.ops.segment_sum(jnp.ones((n,), jnp.float32), batch, num_segments=G)
    gm = jax.ops.segment_sum(g, batch, num_segments=G) / jnp.maximum(cnt, 1.0)[:, None]
    gx = jax.ops.segment_max(g, batch, num_segments=G)
    z = jnp.concatenate([gm, gx], axis=1)

    z = jax.nn.relu(z @ P1w + P1b)
    z = jax.nn.relu(z @ P2w + P2b)
    out = z @ P3w + P3b
    return out.squeeze(-1)


def reference(x, edge_index, batch, W1, b1, W2, b2, W3, b3, Wg, att_src, att_dst, bg, P1w, P1b, P2w, P2b, P3w, P3b):
    return _forward(x, W1, b1, W2, b2, W3, b3, Wg, att_src, att_dst, bg, P1w, P1b, P2w, P2b, P3w, P3b, edge_index, batch)

if __name__ == "__main__":
    import jax
    _d = setup_inputs()
    print(jax.jit(kernel)(*tuple(_d.values())))

</pallas_src>

<mosaic_0001>
#map = affine_map<(d0, d1) -> (0, 0)>
#map1 = affine_map<(d0, d1) -> (0)>
#map2 = affine_map<(d0, d1) -> (0, 0, 0)>
module attributes {stable_mosaic.version = 14 : i64} {
  func.func @_sscat(%arg0: i32, %arg1: i32, %arg2: memref<10000x128xf32, #tpu.memory_space<hbm>>, %arg3: memref<327680xi32, #tpu.memory_space<hbm>>, %arg4: memref<327680xi32, #tpu.memory_space<hbm>>, %arg5: memref<10112x128xf32, #tpu.memory_space<hbm>>, %arg6: memref<2x10112x128xf32, #tpu.memory_space<hbm>>, %arg7: memref<128xi32, #tpu.memory_space<vmem>>, %arg8: memref<128xi32, #tpu.memory_space<vmem>>, %arg9: memref<128xi32, #tpu.memory_space<vmem>>, %arg10: memref<128xi32, #tpu.memory_space<vmem>>, %arg11: memref<128x128xf32, #tpu.memory_space<vmem>>, %arg12: memref<128x128xf32, #tpu.memory_space<vmem>>, %arg13: memref<10112x128xf32, #tpu.memory_space<vmem_shared>>, %arg14: memref<!tpu.dma_semaphore, #tpu.memory_space<semaphore_mem>>, %arg15: memref<!tpu.dma_semaphore, #tpu.memory_space<semaphore_mem>>) attributes {dimension_semantics = [#tpu.dimension_semantics<core_parallel>, #tpu.dimension_semantics<subcore_parallel>], iteration_bounds = array<i64: 2, 16>, scalar_prefetch = 0 : i64, scratch_operands = 9 : i64, tpu.core_type = #tpu.core_type<sc_vector_subcore>, window_params = [{transform_indices = #map}, {transform_indices = #map1}, {transform_indices = #map1}, {transform_indices = #map}, {transform_indices = #map2}]} {
    %mul3A = arith.constant 16 : i32
    %mul3A_0 = arith.muli %arg0, %mul3A : i32
    %add3A = arith.addi %mul3A_0, %arg1 : i32
    %mul3A_1 = arith.constant 632 : i32
    %mul3A_2 = arith.muli %arg1, %mul3A_1 : i32
    %mul3A_3 = arith.constant 632 : i32
    %mul3A_4 = arith.muli %arg1, %mul3A_3 : i32
    "tpu.region"() ({
      %run_scoped3A = tpu.sem_alloc : memref<!tpu.dma_semaphore, #tpu.memory_space<semaphore_mem>>
      %dma_start3A = arith.constant 0 : i32
      %dma_start3A_52 = tpu.memref_slice %arg13[%mul3A_4, %dma_start3A] : memref<10112x128xf32, #tpu.memory_space<vmem_shared>> -> memref<632x128xf32, #tpu.memory_space<vmem_shared>>
      %dma_start3A_53 = arith.constant 0 : i32
      %dma_start3A_54 = tpu.memref_slice %arg5[%mul3A_2, %dma_start3A_53] : memref<10112x128xf32, #tpu.memory_space<hbm>> -> memref<632x128xf32, #tpu.memory_space<hbm>>
      tpu.enqueue_dma source(%dma_start3A_54 : memref<632x128xf32, #tpu.memory_space<hbm>>) target(%dma_start3A_52 : memref<632x128xf32, #tpu.memory_space<vmem_shared>>) target_semaphore(%run_scoped3A : memref<!tpu.dma_semaphore, #tpu.memory_space<semaphore_mem>>)
      %dma_wait3A = arith.constant 0 : i32
      %dma_wait3A_55 = tpu.memref_slice %arg13[%mul3A_4, %dma_wait3A] : memref<10112x128xf32, #tpu.memory_space<vmem_shared>> -> memref<632x128xf32, #tpu.memory_space<vmem_shared>>
      %dma_wait3A_56 = arith.constant 0 : i32
      %dma_wait3A_57 = tpu.memref_slice %arg5[%mul3A_2, %dma_wait3A_56] : memref<10112x128xf32, #tpu.memory_space<hbm>> -> memref<632x128xf32, #tpu.memory_space<hbm>>
      tpu.wait_dma2 semaphore(%run_scoped3A : memref<!tpu.dma_semaphore, #tpu.memory_space<semaphore_mem>>) src(%dma_wait3A_57 : memref<632x128xf32, #tpu.memory_space<hbm>>) dst(%dma_wait3A_55 : memref<632x128xf32, #tpu.memory_space<vmem_shared>>)
      tpu.yield
    }) : () -> ()
    %barrier3A = arith.constant 0 : index
    tpu.barrier barrier_id(%barrier3A)
    %eq3A = arith.constant 0 : i32
    %eq3A_5 = arith.cmpi eq, %arg0, %eq3A : i32
    %mul3A_6 = arith.constant 128 : i32
    %mul3A_7 = arith.muli %arg1, %mul3A_6 : i32
    %mul3A_8 = arith.constant 32 : i32
    %mul3A_9 = arith.muli %arg1, %mul3A_8 : i32
    %add3A_10 = arith.constant 2048 : i32
    %add3A_11 = arith.addi %add3A_10, %mul3A_9 : i32
    %select_n3A = arith.select %eq3A_5, %mul3A_7, %add3A_11 : i32
    %mul3A_12 = arith.constant 128 : i32
    %mul3A_13 = arith.muli %select_n3A, %mul3A_12 : i32
    %eq3A_14 = arith.constant 0 : i32
    %eq3A_15 = arith.cmpi eq, %arg0, %eq3A_14 : i32
    %jit3A = arith.constant 128 : i32
    %jit3A_16 = arith.constant 32 : i32
    %select_n3A_17 = arith.select %eq3A_15, %jit3A, %jit3A_16 : i32
    %gt3A = arith.constant 0 : i32
    %gt3A_18 = arith.cmpi sgt, %select_n3A_17, %gt3A : i32
    %convert_element_type3A = arith.extui %gt3A_18 : i1 to i32
    %cond3A = arith.constant 0 : i32
    %cond3A_19 = arith.cmpi ne, %convert_element_type3A, %cond3A : i32
    scf.if %cond3A_19 {
      "tpu.region"() ({
        %run_scoped3A = tpu.sem_alloc : memref<!tpu.dma_semaphore, #tpu.memory_space<semaphore_mem>>
        %dma_start3A_54 = tpu.memref_slice %arg3[%mul3A_13] : memref<327680xi32, #tpu.memory_space<hbm>> -> memref<128xi32, #tpu.memory_space<hbm>>
        %dma_start3A_55 = tpu.memref_slice %arg3[%mul3A_13] : memref<327680xi32, #tpu.memory_space<hbm>> -> memref<128xi32, #tpu.memory_space<hbm>>
        tpu.enqueue_dma source(%dma_start3A_55 : memref<128xi32, #tpu.memory_space<hbm>>) target(%arg7 : memref<128xi32, #tpu.memory_space<vmem>>) target_semaphore(%run_scoped3A : memref<!tpu.dma_semaphore, #tpu.memory_space<semaphore_mem>>)
        %dma_wait3A = tpu.memref_slice %arg3[%mul3A_13] : memref<327680xi32, #tpu.memory_space<hbm>> -> memref<128xi32, #tpu.memory_space<hbm>>
        %dma_wait3A_56 = tpu.memref_slice %arg3[%mul3A_13] : memref<327680xi32, #tpu.memory_space<hbm>> -> memref<128xi32, #tpu.memory_space<hbm>>
        tpu.wait_dma2 semaphore(%run_scoped3A : memref<!tpu.dma_semaphore, #tpu.memory_space<semaphore_mem>>) src(%dma_wait3A_56 : memref<128xi32, #tpu.memory_space<hbm>>) dst(%arg7 : memref<128xi32, #tpu.memory_space<vmem>>)
        tpu.yield
      }) : () -> ()
      "tpu.region"() ({
        %run_scoped3A = tpu.sem_alloc : memref<!tpu.dma_semaphore, #tpu.memory_space<semaphore_mem>>
        %dma_start3A_54 = tpu.memref_slice %arg4[%mul3A_13] : memref<327680xi32, #tpu.memory_space<hbm>> -> memref<128xi32, #tpu.memory_space<hbm>>
        %dma_start3A_55 = tpu.memref_slice %arg4[%mul3A_13] : memref<327680xi32, #tpu.memory_space<hbm>> -> memref<128xi32, #tpu.memory_space<hbm>>
        tpu.enqueue_dma source(%dma_start3A_55 : memref<128xi32, #tpu.memory_space<hbm>>) target(%arg9 : memref<128xi32, #tpu.memory_space<vmem>>) target_semaphore(%run_scoped3A : memref<!tpu.dma_semaphore, #tpu.memory_space<semaphore_mem>>)
        %dma_wait3A = tpu.memref_slice %arg4[%mul3A_13] : memref<327680xi32, #tpu.memory_space<hbm>> -> memref<128xi32, #tpu.memory_space<hbm>>
        %dma_wait3A_56 = tpu.memref_slice %arg4[%mul3A_13] : memref<327680xi32, #tpu.memory_space<hbm>> -> memref<128xi32, #tpu.memory_space<hbm>>
        tpu.wait_dma2 semaphore(%run_scoped3A : memref<!tpu.dma_semaphore, #tpu.memory_space<semaphore_mem>>) src(%dma_wait3A_56 : memref<128xi32, #tpu.memory_space<hbm>>) dst(%arg9 : memref<128xi32, #tpu.memory_space<vmem>>)
        tpu.yield
      }) : () -> ()
      %dma_start3A = arith.constant 0 : i32
      %dma_start3A_52 = arith.constant 0 : i32
      %dma_start3A_53 = tpu.memref_slice %arg2[%dma_start3A, %dma_start3A_52] : memref<10000x128xf32, #tpu.memory_space<hbm>> -> memref<10000x128xf32, #tpu.memory_space<hbm>>
      tpu.enqueue_indirect_dma source(%dma_start3A_53 : memref<10000x128xf32, #tpu.memory_space<hbm>>) target(%arg11 : memref<128x128xf32, #tpu.memory_space<vmem>>) offsets(%arg7 : memref<128xi32, #tpu.memory_space<vmem>>) semaphore(%arg14 : memref<!tpu.dma_semaphore, #tpu.memory_space<semaphore_mem>>)
    } else {
    }
    %jit3A_20 = arith.constant 2 : i32
    %div3A = arith.divsi %select_n3A_17, %jit3A_20 : i32
    %sign3A = arith.constant 0 : i32
    %sign3A_21 = arith.cmpi sgt, %select_n3A_17, %sign3A : i32
    %sign3A_22 = arith.extui %sign3A_21 : i1 to i32
    %sign3A_23 = arith.constant 0 : i32
    %sign3A_24 = arith.cmpi slt, %select_n3A_17, %sign3A_23 : i32
    %sign3A_25 = arith.extui %sign3A_24 : i1 to i32
    %sign3A_26 = arith.subi %sign3A_22, %sign3A_25 : i32
    %sign3A_27 = arith.constant 0 : i32
    %sign3A_28 = arith.cmpi sgt, %jit3A_20, %sign3A_27 : i32
    %sign3A_29 = arith.extui %sign3A_28 : i1 to i32
    %sign3A_30 = arith.constant 0 : i32
    %sign3A_31 = arith.cmpi slt, %jit3A_20, %sign3A_30 : i32
    %sign3A_32 = arith.extui %sign3A_31 : i1 to i32
    %sign3A_33 = arith.subi %sign3A_29, %sign3A_32 : i32
    %ne3A = arith.cmpi ne, %sign3A_26, %sign3A_33 : i32
    %rem3A = arith.remsi %select_n3A_17, %jit3A_20 : i32
    %ne3A_34 = arith.constant 0 : i32
    %ne3A_35 = arith.cmpi ne, %rem3A, %ne3A_34 : i32
    %and3A = arith.andi %ne3A, %ne3A_35 : i1
    %sub3A = arith.constant 1 : i32
    %sub3A_36 = arith.subi %div3A, %sub3A : i32
    %select_n3A_37 = arith.select %and3A, %sub3A_36, %div3A : i32
    %while3A = arith.constant 0 : i32
    %while3A_38 = arith.constant 0 : i32
    %while3A_39 = arith.subi %select_n3A_37, %while3A_38 : i32
    %while3A_40 = arith.addi %while3A_38, %while3A_39 : i32
    %while3A_41 = arith.constant 1 : i32
    %while3A_42 = arith.divsi %while3A_39, %while3A_41 : i32
    %while3A_43 = arith.muli %while3A_42, %while3A_41 : i32
    %while3A_44 = arith.addi %while3A_38, %while3A_43 : i32
    %while3A_45 = arith.constant 1 : i32
    scf.for %while3A_52 = %while3A_38 to %while3A_44 step %while3A_45  : i32 {
      %mul3A_53 = arith.constant 2 : i32
      %mul3A_54 = arith.muli %mul3A_53, %while3A_52 : i32
      %mul3A_55 = arith.constant 128 : i32
      %mul3A_56 = arith.muli %mul3A_54, %mul3A_55 : i32
      %add3A_57 = arith.addi %mul3A_13, %mul3A_56 : i32
      %add3A_58 = arith.constant 128 : i32
      %add3A_59 = arith.addi %add3A_57, %add3A_58 : i32
      "tpu.region"() ({
        %run_scoped3A = tpu.sem_alloc : memref<!tpu.dma_semaphore, #tpu.memory_space<semaphore_mem>>
        %dma_start3A_84 = tpu.memref_slice %arg3[%add3A_59] : memref<327680xi32, #tpu.memory_space<hbm>> -> memref<128xi32, #tpu.memory_space<hbm>>
        %dma_start3A_85 = tpu.memref_slice %arg3[%add3A_59] : memref<327680xi32, #tpu.memory_space<hbm>> -> memref<128xi32, #tpu.memory_space<hbm>>
        tpu.enqueue_dma source(%dma_start3A_85 : memref<128xi32, #tpu.memory_space<hbm>>) target(%arg8 : memref<128xi32, #tpu.memory_space<vmem>>) target_semaphore(%run_scoped3A : memref<!tpu.dma_semaphore, #tpu.memory_space<semaphore_mem>>)
        %dma_wait3A_86 = tpu.memref_slice %arg3[%add3A_59] : memref<327680xi32, #tpu.memory_space<hbm>> -> memref<128xi32, #tpu.memory_space<hbm>>
        %dma_wait3A_87 = tpu.memref_slice %arg3[%add3A_59] : memref<327680xi32, #tpu.memory_space<hbm>> -> memref<128xi32, #tpu.memory_space<hbm>>
        tpu.wait_dma2 semaphore(%run_scoped3A : memref<!tpu.dma_semaphore, #tpu.memory_space<semaphore_mem>>) src(%dma_wait3A_87 : memref<128xi32, #tpu.memory_space<hbm>>) dst(%arg8 : memref<128xi32, #tpu.memory_space<vmem>>)
        tpu.yield
      }) : () -> ()
      %add3A_60 = arith.constant 128 : i32
      %add3A_61 = arith.addi %add3A_57, %add3A_60 : i32
      "tpu.region"() ({
        %run_scoped3A = tpu.sem_alloc : memref<!tpu.dma_semaphore, #tpu.memory_space<semaphore_mem>>
        %dma_start3A_84 = tpu.memref_slice %arg4[%add3A_61] : memref<327680xi32, #tpu.memory_space<hbm>> -> memref<128xi32, #tpu.memory_space<hbm>>
        %dma_start3A_85 = tpu.memref_slice %arg4[%add3A_61] : memref<327680xi32, #tpu.memory_space<hbm>> -> memref<128xi32, #tpu.memory_space<hbm>>
        tpu.enqueue_dma source(%dma_start3A_85 : memref<128xi32, #tpu.memory_space<hbm>>) target(%arg10 : memref<128xi32, #tpu.memory_space<vmem>>) target_semaphore(%run_scoped3A : memref<!tpu.dma_semaphore, #tpu.memory_space<semaphore_mem>>)
        %dma_wait3A_86 = tpu.memref_slice %arg4[%add3A_61] : memref<327680xi32, #tpu.memory_space<hbm>> -> memref<128xi32, #tpu.memory_space<hbm>>
        %dma_wait3A_87 = tpu.memref_slice %arg4[%add3A_61] : memref<327680xi32, #tpu.memory_space<hbm>> -> memref<128xi32, #tpu.memory_space<hbm>>
        tpu.wait_dma2 semaphore(%run_scoped3A : memref<!tpu.dma_semaphore, #tpu.memory_space<semaphore_mem>>) src(%dma_wait3A_87 : memref<128xi32, #tpu.memory_space<hbm>>) dst(%arg10 : memref<128xi32, #tpu.memory_space<vmem>>)
        tpu.yield
      }) : () -> ()
      %dma_wait3A = arith.constant 0 : i32
      %dma_wait3A_62 = arith.constant 0 : i32
      %dma_wait3A_63 = tpu.memref_slice %arg2[%dma_wait3A, %dma_wait3A_62] : memref<10000x128xf32, #tpu.memory_space<hbm>> -> memref<10000x128xf32, #tpu.memory_space<hbm>>
      tpu.wait_indirect_dma semaphore(%arg14 : memref<!tpu.dma_semaphore, #tpu.memory_space<semaphore_mem>>) src(%dma_wait3A_63 : memref<10000x128xf32, #tpu.memory_space<hbm>>) dst(%arg11 : memref<128x128xf32, #tpu.memory_space<vmem>>)
      %dma_start3A = arith.constant 0 : i32
      %dma_start3A_64 = arith.constant 0 : i32
      %dma_start3A_65 = tpu.memref_slice %arg2[%dma_start3A, %dma_start3A_64] : memref<10000x128xf32, #tpu.memory_space<hbm>> -> memref<10000x128xf32, #tpu.memory_space<hbm>>
      tpu.enqueue_indirect_dma source(%dma_start3A_65 : memref<10000x128xf32, #tpu.memory_space<hbm>>) target(%arg12 : memref<128x128xf32, #tpu.memory_space<vmem>>) offsets(%arg8 : memref<128xi32, #tpu.memory_space<vmem>>) semaphore(%arg15 : memref<!tpu.dma_semaphore, #tpu.memory_space<semaphore_mem>>)
      "tpu.region"() ({
        %run_scoped3A = tpu.sem_alloc : memref<!tpu.dma_semaphore, #tpu.memory_space<semaphore_mem>>
        %dma_start3A_84 = arith.constant 0 : i32
        %dma_start3A_85 = arith.constant 0 : i32
        %dma_start3A_86 = tpu.memref_slice %arg13[%dma_start3A_84, %dma_start3A_85] : memref<10112x128xf32, #tpu.memory_space<vmem_shared>> -> memref<10112x128xf32, #tpu.memory_space<vmem_shared>>
        tpu.enqueue_indirect_dma source(%arg11 : memref<128x128xf32, #tpu.memory_space<vmem>>) target(%dma_start3A_86 : memref<10112x128xf32, #tpu.memory_space<vmem_shared>>) offsets(%arg9 : memref<128xi32, #tpu.memory_space<vmem>>) semaphore(%run_scoped3A : memref<!tpu.dma_semaphore, #tpu.memory_space<semaphore_mem>>) {add = true}
        %dma_wait3A_87 = arith.constant 0 : i32
        %dma_wait3A_88 = arith.constant 0 : i32
        %dma_wait3A_89 = tpu.memref_slice %arg13[%dma_wait3A_87, %dma_wait3A_88] : memref<10112x128xf32, #tpu.memory_space<vmem_shared>> -> memref<10112x128xf32, #tpu.memory_space<vmem_shared>>
        tpu.wait_indirect_dma semaphore(%run_scoped3A : memref<!tpu.dma_semaphore, #tpu.memory_space<semaphore_mem>>) src(%arg11 : memref<128x128xf32, #tpu.memory_space<vmem>>) dst(%dma_wait3A_89 : memref<10112x128xf32, #tpu.memory_space<vmem_shared>>)
        tpu.yield
      }) : () -> ()
      %mul3A_66 = arith.constant 2 : i32
      %mul3A_67 = arith.muli %mul3A_66, %while3A_52 : i32
      %add3A_68 = arith.constant 2 : i32
      %add3A_69 = arith.addi %mul3A_67, %add3A_68 : i32
      %lt3A = arith.cmpi slt, %add3A_69, %select_n3A_17 : i32
      %convert_element_type3A_70 = arith.extui %lt3A : i1 to i32
      %cond3A_71 = arith.constant 0 : i32
      %cond3A_72 = arith.cmpi ne, %convert_element_type3A_70, %cond3A_71 : i32
      scf.if %cond3A_72 {
        %add3A_84 = arith.constant 256 : i32
        %add3A_85 = arith.addi %add3A_57, %add3A_84 : i32
        "tpu.region"() ({
          %run_scoped3A = tpu.sem_alloc : memref<!tpu.dma_semaphore, #tpu.memory_space<semaphore_mem>>
          %dma_start3A_88 = tpu.memref_slice %arg3[%add3A_85] : memref<327680xi32, #tpu.memory_space<hbm>> -> memref<128xi32, #tpu.memory_space<hbm>>
          %dma_start3A_89 = tpu.memref_slice %arg3[%add3A_85] : memref<327680xi32, #tpu.memory_space<hbm>> -> memref<128xi32, #tpu.memory_space<hbm>>
          tpu.enqueue_dma source(%dma_start3A_89 : memref<128xi32, #tpu.memory_space<hbm>>) target(%arg7 : memref<128xi32, #tpu.memory_space<vmem>>) target_semaphore(%run_scoped3A : memref<!tpu.dma_semaphore, #tpu.memory_space<semaphore_mem>>)
          %dma_wait3A_90 = tpu.memref_slice %arg3[%add3A_85] : memref<327680xi32, #tpu.memory_space<hbm>> -> memref<128xi32, #tpu.memory_space<hbm>>
          %dma_wait3A_91 = tpu.memref_slice %arg3[%add3A_85] : memref<327680xi32, #tpu.memory_space<hbm>> -> memref<128xi32, #tpu.memory_space<hbm>>
          tpu.wait_dma2 semaphore(%run_scoped3A : memref<!tpu.dma_semaphore, #tpu.memory_space<semaphore_mem>>) src(%dma_wait3A_91 : memref<128xi32, #tpu.memory_space<hbm>>) dst(%arg7 : memref<128xi32, #tpu.memory_space<vmem>>)
          tpu.yield
        }) : () -> ()
        %add3A_86 = arith.constant 256 : i32
        %add3A_87 = arith.addi %add3A_57, %add3A_86 : i32
        "tpu.region"() ({
          %run_scoped3A = tpu.sem_alloc : memref<!tpu.dma_semaphore, #tpu.memory_space<semaphore_mem>>
          %dma_start3A_88 = tpu.memref_slice %arg4[%add3A_87] : memref<327680xi32, #tpu.memory_space<hbm>> -> memref<128xi32, #tpu.memory_space<hbm>>
          %dma_start3A_89 = tpu.memref_slice %arg4[%add3A_87] : memref<327680xi32, #tpu.memory_space<hbm>> -> memref<128xi32, #tpu.memory_space<hbm>>
          tpu.enqueue_dma source(%dma_start3A_89 : memref<128xi32, #tpu.memory_space<hbm>>) target(%arg9 : memref<128xi32, #tpu.memory_space<vmem>>) target_semaphore(%run_scoped3A : memref<!tpu.dma_semaphore, #tpu.memory_space<semaphore_mem>>)
          %dma_wait3A_90 = tpu.memref_slice %arg4[%add3A_87] : memref<327680xi32, #tpu.memory_space<hbm>> -> memref<128xi32, #tpu.memory_space<hbm>>
          %dma_wait3A_91 = tpu.memref_slice %arg4[%add3A_87] : memref<327680xi32, #tpu.memory_space<hbm>> -> memref<128xi32, #tpu.memory_space<hbm>>
          tpu.wait_dma2 semaphore(%run_scoped3A : memref<!tpu.dma_semaphore, #tpu.memory_space<semaphore_mem>>) src(%dma_wait3A_91 : memref<128xi32, #tpu.memory_space<hbm>>) dst(%arg9 : memref<128xi32, #tpu.memory_space<vmem>>)
          tpu.yield
        }) : () -> ()
      } else {
      }
      %dma_wait3A_73 = arith.constant 0 : i32
      %dma_wait3A_74 = arith.constant 0 : i32
      %dma_wait3A_75 = tpu.memref_slice %arg2[%dma_wait3A_73, %dma_wait3A_74] : memref<10000x128xf32, #tpu.memory_space<hbm>> -> memref<10000x128xf32, #tpu.memory_space<hbm>>
      tpu.wait_indirect_dma semaphore(%arg15 : memref<!tpu.dma_semaphore, #tpu.memory_space<semaphore_mem>>) src(%dma_wait3A_75 : memref<10000x128xf32, #tpu.memory_space<hbm>>) dst(%arg12 : memref<128x128xf32, #tpu.memory_space<vmem>>)
      %mul3A_76 = arith.constant 2 : i32
      %mul3A_77 = arith.muli %mul3A_76, %while3A_52 : i32
      %add3A_78 = arith.constant 2 : i32
      %add3A_79 = arith.addi %mul3A_77, %add3A_78 : i32
      %lt3A_80 = arith.cmpi slt, %add3A_79, %select_n3A_17 : i32
      %convert_element_type3A_81 = arith.extui %lt3A_80 : i1 to i32
      %cond3A_82 = arith.constant 0 : i32
      %cond3A_83 = arith.cmpi ne, %convert_element_type3A_81, %cond3A_82 : i32
      scf.if %cond3A_83 {
        %dma_start3A_84 = arith.constant 0 : i32
        %dma_start3A_85 = arith.constant 0 : i32
        %dma_start3A_86 = tpu.memref_slice %arg2[%dma_start3A_84, %dma_start3A_85] : memref<10000x128xf32, #tpu.memory_space<hbm>> -> memref<10000x128xf32, #tpu.memory_space<hbm>>
        tpu.enqueue_indirect_dma source(%dma_start3A_86 : memref<10000x128xf32, #tpu.memory_space<hbm>>) target(%arg11 : memref<128x128xf32, #tpu.memory_space<vmem>>) offsets(%arg7 : memref<128xi32, #tpu.memory_space<vmem>>) semaphore(%arg14 : memref<!tpu.dma_semaphore, #tpu.memory_space<semaphore_mem>>)
      } else {
      }
      "tpu.region"() ({
        %run_scoped3A = tpu.sem_alloc : memref<!tpu.dma_semaphore, #tpu.memory_space<semaphore_mem>>
        %dma_start3A_84 = arith.constant 0 : i32
        %dma_start3A_85 = arith.constant 0 : i32
        %dma_start3A_86 = tpu.memref_slice %arg13[%dma_start3A_84, %dma_start3A_85] : memref<10112x128xf32, #tpu.memory_space<vmem_shared>> -> memref<10112x128xf32, #tpu.memory_space<vmem_shared>>
        tpu.enqueue_indirect_dma source(%arg12 : memref<128x128xf32, #tpu.memory_space<vmem>>) target(%dma_start3A_86 : memref<10112x128xf32, #tpu.memory_space<vmem_shared>>) offsets(%arg10 : memref<128xi32, #tpu.memory_space<vmem>>) semaphore(%run_scoped3A : memref<!tpu.dma_semaphore, #tpu.memory_space<semaphore_mem>>) {add = true}
        %dma_wait3A_87 = arith.constant 0 : i32
        %dma_wait3A_88 = arith.constant 0 : i32
        %dma_wait3A_89 = tpu.memref_slice %arg13[%dma_wait3A_87, %dma_wait3A_88] : memref<10112x128xf32, #tpu.memory_space<vmem_shared>> -> memref<10112x128xf32, #tpu.memory_space<vmem_shared>>
        tpu.wait_indirect_dma semaphore(%run_scoped3A : memref<!tpu.dma_semaphore, #tpu.memory_space<semaphore_mem>>) src(%arg12 : memref<128x128xf32, #tpu.memory_space<vmem>>) dst(%dma_wait3A_89 : memref<10112x128xf32, #tpu.memory_space<vmem_shared>>)
        tpu.yield
      }) : () -> ()
    }
    %while3A_46 = arith.constant 1 : i32
    scf.for %while3A_52 = %while3A_44 to %while3A_40 step %while3A_46  : i32 {
      %mul3A_53 = arith.constant 2 : i32
      %mul3A_54 = arith.muli %mul3A_53, %while3A_52 : i32
      %mul3A_55 = arith.constant 128 : i32
      %mul3A_56 = arith.muli %mul3A_54, %mul3A_55 : i32
      %add3A_57 = arith.addi %mul3A_13, %mul3A_56 : i32
      %add3A_58 = arith.constant 128 : i32
      %add3A_59 = arith.addi %add3A_57, %add3A_58 : i32
      "tpu.region"() ({
        %run_scoped3A = tpu.sem_alloc : memref<!tpu.dma_semaphore, #tpu.memory_space<semaphore_mem>>
        %dma_start3A_84 = tpu.memref_slice %arg3[%add3A_59] : memref<327680xi32, #tpu.memory_space<hbm>> -> memref<128xi32, #tpu.memory_space<hbm>>
        %dma_start3A_85 = tpu.memref_slice %arg3[%add3A_59] : memref<327680xi32, #tpu.memory_space<hbm>> -> memref<128xi32, #tpu.memory_space<hbm>>
        tpu.enqueue_dma source(%dma_start3A_85 : memref<128xi32, #tpu.memory_space<hbm>>) target(%arg8 : memref<128xi32, #tpu.memory_space<vmem>>) target_semaphore(%run_scoped3A : memref<!tpu.dma_semaphore, #tpu.memory_space<semaphore_mem>>)
        %dma_wait3A_86 = tpu.memref_slice %arg3[%add3A_59] : memref<327680xi32, #tpu.memory_space<hbm>> -> memref<128xi32, #tpu.memory_space<hbm>>
        %dma_wait3A_87 = tpu.memref_slice %arg3[%add3A_59] : memref<327680xi32, #tpu.memory_space<hbm>> -> memref<128xi32, #tpu.memory_space<hbm>>
        tpu.wait_dma2 semaphore(%run_scoped3A : memref<!tpu.dma_semaphore, #tpu.memory_space<semaphore_mem>>) src(%dma_wait3A_87 : memref<128xi32, #tpu.memory_space<hbm>>) dst(%arg8 : memref<128xi32, #tpu.memory_space<vmem>>)
        tpu.yield
      }) : () -> ()
      %add3A_60 = arith.constant 128 : i32
      %add3A_61 = arith.addi %add3A_57, %add3A_60 : i32
      "tpu.region"() ({
        %run_scoped3A = tpu.sem_alloc : memref<!tpu.dma_semaphore, #tpu.memory_space<semaphore_mem>>
        %dma_start3A_84 = tpu.memref_slice %arg4[%add3A_61] : memref<327680xi32, #tpu.memory_space<hbm>> -> memref<128xi32, #tpu.memory_space<hbm>>
        %dma_start3A_85 = tpu.memref_slice %arg4[%add3A_61] : memref<327680xi32, #tpu.memory_space<hbm>> -> memref<128xi32, #tpu.memory_space<hbm>>
        tpu.enqueue_dma source(%dma_start3A_85 : memref<128xi32, #tpu.memory_space<hbm>>) target(%arg10 : memref<128xi32, #tpu.memory_space<vmem>>) target_semaphore(%run_scoped3A : memref<!tpu.dma_semaphore, #tpu.memory_space<semaphore_mem>>)
        %dma_wait3A_86 = tpu.memref_slice %arg4[%add3A_61] : memref<327680xi32, #tpu.memory_space<hbm>> -> memref<128xi32, #tpu.memory_space<hbm>>
        %dma_wait3A_87 = tpu.memref_slice %arg4[%add3A_61] : memref<327680xi32, #tpu.memory_space<hbm>> -> memref<128xi32, #tpu.memory_space<hbm>>
        tpu.wait_dma2 semaphore(%run_scoped3A : memref<!tpu.dma_semaphore, #tpu.memory_space<semaphore_mem>>) src(%dma_wait3A_87 : memref<128xi32, #tpu.memory_space<hbm>>) dst(%arg10 : memref<128xi32, #tpu.memory_space<vmem>>)
        tpu.yield
      }) : () -> ()
      %dma_wait3A = arith.constant 0 : i32
      %dma_wait3A_62 = arith.constant 0 : i32
      %dma_wait3A_63 = tpu.memref_slice %arg2[%dma_wait3A, %dma_wait3A_62] : memref<10000x128xf32, #tpu.memory_space<hbm>> -> memref<10000x128xf32, #tpu.memory_space<hbm>>
      tpu.wait_indirect_dma semaphore(%arg14 : memref<!tpu.dma_semaphore, #tpu.memory_space<semaphore_mem>>) src(%dma_wait3A_63 : memref<10000x128xf32, #tpu.memory_space<hbm>>) dst(%arg11 : memref<128x128xf32, #tpu.memory_space<vmem>>)
      %dma_start3A = arith.constant 0 : i32
      %dma_start3A_64 = arith.constant 0 : i32
      %dma_start3A_65 = tpu.memref_slice %arg2[%dma_start3A, %dma_start3A_64] : memref<10000x128xf32, #tpu.memory_space<hbm>> -> memref<10000x128xf32, #tpu.memory_space<hbm>>
      tpu.enqueue_indirect_dma source(%dma_start3A_65 : memref<10000x128xf32, #tpu.memory_space<hbm>>) target(%arg12 : memref<128x128xf32, #tpu.memory_space<vmem>>) offsets(%arg8 : memref<128xi32, #tpu.memory_space<vmem>>) semaphore(%arg15 : memref<!tpu.dma_semaphore, #tpu.memory_space<semaphore_mem>>)
      "tpu.region"() ({
        %run_scoped3A = tpu.sem_alloc : memref<!tpu.dma_semaphore, #tpu.memory_space<semaphore_mem>>
        %dma_start3A_84 = arith.constant 0 : i32
        %dma_start3A_85 = arith.constant 0 : i32
        %dma_start3A_86 = tpu.memref_slice %arg13[%dma_start3A_84, %dma_start3A_85] : memref<10112x128xf32, #tpu.memory_space<vmem_shared>> -> memref<10112x128xf32, #tpu.memory_space<vmem_shared>>
        tpu.enqueue_indirect_dma source(%arg11 : memref<128x128xf32, #tpu.memory_space<vmem>>) target(%dma_start3A_86 : memref<10112x128xf32, #tpu.memory_space<vmem_shared>>) offsets(%arg9 : memref<128xi32, #tpu.memory_space<vmem>>) semaphore(%run_scoped3A : memref<!tpu.dma_semaphore, #tpu.memory_space<semaphore_mem>>) {add = true}
        %dma_wait3A_87 = arith.constant 0 : i32
        %dma_wait3A_88 = arith.constant 0 : i32
        %dma_wait3A_89 = tpu.memref_slice %arg13[%dma_wait3A_87, %dma_wait3A_88] : memref<10112x128xf32, #tpu.memory_space<vmem_shared>> -> memref<10112x128xf32, #tpu.memory_space<vmem_shared>>
        tpu.wait_indirect_dma semaphore(%run_scoped3A : memref<!tpu.dma_semaphore, #tpu.memory_space<semaphore_mem>>) src(%arg11 : memref<128x128xf32, #tpu.memory_space<vmem>>) dst(%dma_wait3A_89 : memref<10112x128xf32, #tpu.memory_space<vmem_shared>>)
        tpu.yield
      }) : () -> ()
      %mul3A_66 = arith.constant 2 : i32
      %mul3A_67 = arith.muli %mul3A_66, %while3A_52 : i32
      %add3A_68 = arith.constant 2 : i32
      %add3A_69 = arith.addi %mul3A_67, %add3A_68 : i32
      %lt3A = arith.cmpi slt, %add3A_69, %select_n3A_17 : i32
      %convert_element_type3A_70 = arith.extui %lt3A : i1 to i32
      %cond3A_71 = arith.constant 0 : i32
      %cond3A_72 = arith.cmpi ne, %convert_element_type3A_70, %cond3A_71 : i32
      scf.if %cond3A_72 {
        %add3A_84 = arith.constant 256 : i32
        %add3A_85 = arith.addi %add3A_57, %add3A_84 : i32
        "tpu.region"() ({
          %run_scoped3A = tpu.sem_alloc : memref<!tpu.dma_semaphore, #tpu.memory_space<semaphore_mem>>
          %dma_start3A_88 = tpu.memref_slice %arg3[%add3A_85] : memref<327680xi32, #tpu.memory_space<hbm>> -> memref<128xi32, #tpu.memory_space<hbm>>
          %dma_start3A_89 = tpu.memref_slice %arg3[%add3A_85] : memref<327680xi32, #tpu.memory_space<hbm>> -> memref<128xi32, #tpu.memory_space<hbm>>
          tpu.enqueue_dma source(%dma_start3A_89 : memref<128xi32, #tpu.memory_space<hbm>>) target(%arg7 : memref<128xi32, #tpu.memory_space<vmem>>) target_semaphore(%run_scoped3A : memref<!tpu.dma_semaphore, #tpu.memory_space<semaphore_mem>>)
          %dma_wait3A_90 = tpu.memref_slice %arg3[%add3A_85] : memref<327680xi32, #tpu.memory_space<hbm>> -> memref<128xi32, #tpu.memory_space<hbm>>
          %dma_wait3A_91 = tpu.memref_slice %arg3[%add3A_85] : memref<327680xi32, #tpu.memory_space<hbm>> -> memref<128xi32, #tpu.memory_space<hbm>>
          tpu.wait_dma2 semaphore(%run_scoped3A : memref<!tpu.dma_semaphore, #tpu.memory_space<semaphore_mem>>) src(%dma_wait3A_91 : memref<128xi32, #tpu.memory_space<hbm>>) dst(%arg7 : memref<128xi32, #tpu.memory_space<vmem>>)
          tpu.yield
        }) : () -> ()
        %add3A_86 = arith.constant 256 : i32
        %add3A_87 = arith.addi %add3A_57, %add3A_86 : i32
        "tpu.region"() ({
          %run_scoped3A = tpu.sem_alloc : memref<!tpu.dma_semaphore, #tpu.memory_space<semaphore_mem>>
          %dma_start3A_88 = tpu.memref_slice %arg4[%add3A_87] : memref<327680xi32, #tpu.memory_space<hbm>> -> memref<128xi32, #tpu.memory_space<hbm>>
          %dma_start3A_89 = tpu.memref_slice %arg4[%add3A_87] : memref<327680xi32, #tpu.memory_space<hbm>> -> memref<128xi32, #tpu.memory_space<hbm>>
          tpu.enqueue_dma source(%dma_start3A_89 : memref<128xi32, #tpu.memory_space<hbm>>) target(%arg9 : memref<128xi32, #tpu.memory_space<vmem>>) target_semaphore(%run_scoped3A : memref<!tpu.dma_semaphore, #tpu.memory_space<semaphore_mem>>)
          %dma_wait3A_90 = tpu.memref_slice %arg4[%add3A_87] : memref<327680xi32, #tpu.memory_space<hbm>> -> memref<128xi32, #tpu.memory_space<hbm>>
          %dma_wait3A_91 = tpu.memref_slice %arg4[%add3A_87] : memref<327680xi32, #tpu.memory_space<hbm>> -> memref<128xi32, #tpu.memory_space<hbm>>
          tpu.wait_dma2 semaphore(%run_scoped3A : memref<!tpu.dma_semaphore, #tpu.memory_space<semaphore_mem>>) src(%dma_wait3A_91 : memref<128xi32, #tpu.memory_space<hbm>>) dst(%arg9 : memref<128xi32, #tpu.memory_space<vmem>>)
          tpu.yield
        }) : () -> ()
      } else {
      }
      %dma_wait3A_73 = arith.constant 0 : i32
      %dma_wait3A_74 = arith.constant 0 : i32
      %dma_wait3A_75 = tpu.memref_slice %arg2[%dma_wait3A_73, %dma_wait3A_74] : memref<10000x128xf32, #tpu.memory_space<hbm>> -> memref<10000x128xf32, #tpu.memory_space<hbm>>
      tpu.wait_indirect_dma semaphore(%arg15 : memref<!tpu.dma_semaphore, #tpu.memory_space<semaphore_mem>>) src(%dma_wait3A_75 : memref<10000x128xf32, #tpu.memory_space<hbm>>) dst(%arg12 : memref<128x128xf32, #tpu.memory_space<vmem>>)
      %mul3A_76 = arith.constant 2 : i32
      %mul3A_77 = arith.muli %mul3A_76, %while3A_52 : i32
      %add3A_78 = arith.constant 2 : i32
      %add3A_79 = arith.addi %mul3A_77, %add3A_78 : i32
      %lt3A_80 = arith.cmpi slt, %add3A_79, %select_n3A_17 : i32
      %convert_element_type3A_81 = arith.extui %lt3A_80 : i1 to i32
      %cond3A_82 = arith.constant 0 : i32
      %cond3A_83 = arith.cmpi ne, %convert_element_type3A_81, %cond3A_82 : i32
      scf.if %cond3A_83 {
        %dma_start3A_84 = arith.constant 0 : i32
        %dma_start3A_85 = arith.constant 0 : i32
        %dma_start3A_86 = tpu.memref_slice %arg2[%dma_start3A_84, %dma_start3A_85] : memref<10000x128xf32, #tpu.memory_space<hbm>> -> memref<10000x128xf32, #tpu.memory_space<hbm>>
        tpu.enqueue_indirect_dma source(%dma_start3A_86 : memref<10000x128xf32, #tpu.memory_space<hbm>>) target(%arg11 : memref<128x128xf32, #tpu.memory_space<vmem>>) offsets(%arg7 : memref<128xi32, #tpu.memory_space<vmem>>) semaphore(%arg14 : memref<!tpu.dma_semaphore, #tpu.memory_space<semaphore_mem>>)
      } else {
      }
      "tpu.region"() ({
        %run_scoped3A = tpu.sem_alloc : memref<!tpu.dma_semaphore, #tpu.memory_space<semaphore_mem>>
        %dma_start3A_84 = arith.constant 0 : i32
        %dma_start3A_85 = arith.constant 0 : i32
        %dma_start3A_86 = tpu.memref_slice %arg13[%dma_start3A_84, %dma_start3A_85] : memref<10112x128xf32, #tpu.memory_space<vmem_shared>> -> memref<10112x128xf32, #tpu.memory_space<vmem_shared>>
        tpu.enqueue_indirect_dma source(%arg12 : memref<128x128xf32, #tpu.memory_space<vmem>>) target(%dma_start3A_86 : memref<10112x128xf32, #tpu.memory_space<vmem_shared>>) offsets(%arg10 : memref<128xi32, #tpu.memory_space<vmem>>) semaphore(%run_scoped3A : memref<!tpu.dma_semaphore, #tpu.memory_space<semaphore_mem>>) {add = true}
        %dma_wait3A_87 = arith.constant 0 : i32
        %dma_wait3A_88 = arith.constant 0 : i32
        %dma_wait3A_89 = tpu.memref_slice %arg13[%dma_wait3A_87, %dma_wait3A_88] : memref<10112x128xf32, #tpu.memory_space<vmem_shared>> -> memref<10112x128xf32, #tpu.memory_space<vmem_shared>>
        tpu.wait_indirect_dma semaphore(%run_scoped3A : memref<!tpu.dma_semaphore, #tpu.memory_space<semaphore_mem>>) src(%arg12 : memref<128x128xf32, #tpu.memory_space<vmem>>) dst(%dma_wait3A_89 : memref<10112x128xf32, #tpu.memory_space<vmem_shared>>)
        tpu.yield
      }) : () -> ()
    }
    %barrier3A_47 = arith.constant 0 : index
    tpu.barrier barrier_id(%barrier3A_47)
    %mul3A_48 = arith.constant 632 : i32
    %mul3A_49 = arith.muli %arg1, %mul3A_48 : i32
    %mul3A_50 = arith.constant 632 : i32
    %mul3A_51 = arith.muli %arg1, %mul3A_50 : i32
    "tpu.region"() ({
      %run_scoped3A = tpu.sem_alloc : memref<!tpu.dma_semaphore, #tpu.memory_space<semaphore_mem>>
      %dma_start3A = arith.constant 0 : i32
      %dma_start3A_52 = tpu.memref_slice %arg6[%arg0, %mul3A_51, %dma_start3A] : memref<2x10112x128xf32, #tpu.memory_space<hbm>> -> memref<1x632x128xf32, #tpu.memory_space<hbm>>
      %dma_start3A_53 = tpu.memref_squeeze %dma_start3A_52 : memref<1x632x128xf32, #tpu.memory_space<hbm>> -> memref<632x128xf32, #tpu.memory_space<hbm>>
      %dma_start3A_54 = arith.constant 0 : i32
      %dma_start3A_55 = tpu.memref_slice %arg13[%mul3A_49, %dma_start3A_54] : memref<10112x128xf32, #tpu.memory_space<vmem_shared>> -> memref<632x128xf32, #tpu.memory_space<vmem_shared>>
      tpu.enqueue_dma source(%dma_start3A_55 : memref<632x128xf32, #tpu.memory_space<vmem_shared>>) target(%dma_start3A_53 : memref<632x128xf32, #tpu.memory_space<hbm>>) target_semaphore(%run_scoped3A : memref<!tpu.dma_semaphore, #tpu.memory_space<semaphore_mem>>)
      %dma_wait3A = arith.constant 0 : i32
      %dma_wait3A_56 = tpu.memref_slice %arg6[%arg0, %mul3A_51, %dma_wait3A] : memref<2x10112x128xf32, #tpu.memory_space<hbm>> -> memref<1x632x128xf32, #tpu.memory_space<hbm>>
      %dma_wait3A_57 = tpu.memref_squeeze %dma_wait3A_56 : memref<1x632x128xf32, #tpu.memory_space<hbm>> -> memref<632x128xf32, #tpu.memory_space<hbm>>
      %dma_wait3A_58 = arith.constant 0 : i32
      %dma_wait3A_59 = tpu.memref_slice %arg13[%mul3A_49, %dma_wait3A_58] : memref<10112x128xf32, #tpu.memory_space<vmem_shared>> -> memref<632x128xf32, #tpu.memory_space<vmem_shared>>
      tpu.wait_dma2 semaphore(%run_scoped3A : memref<!tpu.dma_semaphore, #tpu.memory_space<semaphore_mem>>) src(%dma_wait3A_59 : memref<632x128xf32, #tpu.memory_space<vmem_shared>>) dst(%dma_wait3A_57 : memref<632x128xf32, #tpu.memory_space<hbm>>)
      tpu.yield
    }) : () -> ()
    return
  }
}

#map = affine_map<(d0, d1) -> (0, 0)>
#map1 = affine_map<(d0, d1) -> (0)>
#map2 = affine_map<(d0, d1) -> (0, 0, 0)>
module attributes {stable_mosaic.version = 14 : i64} {
  func.func @_sscat(%arg0: i32, %arg1: i32, %arg2: memref<10000x128xf32, #tpu.memory_space<hbm>>, %arg3: memref<327680xi32, #tpu.memory_space<hbm>>, %arg4: memref<327680xi32, #tpu.memory_space<hbm>>, %arg5: memref<10112x128xf32, #tpu.memory_space<hbm>>, %arg6: memref<2x10112x128xf32, #tpu.memory_space<hbm>>, %arg7: memref<128xi32, #tpu.memory_space<vmem>>, %arg8: memref<128xi32, #tpu.memory_space<vmem>>, %arg9: memref<128xi32, #tpu.memory_space<vmem>>, %arg10: memref<128xi32, #tpu.memory_space<vmem>>, %arg11: memref<128x128xf32, #tpu.memory_space<vmem>>, %arg12: memref<128x128xf32, #tpu.memory_space<vmem>>, %arg13: memref<10112x128xf32, #tpu.memory_space<vmem_shared>>, %arg14: memref<!tpu.dma_semaphore, #tpu.memory_space<semaphore_mem>>, %arg15: memref<!tpu.dma_semaphore, #tpu.memory_space<semaphore_mem>>) attributes {dimension_semantics = [#tpu.dimension_semantics<core_parallel>, #tpu.dimension_semantics<subcore_parallel>], iteration_bounds = array<i64: 2, 16>, scalar_prefetch = 0 : i64, scratch_operands = 9 : i64, tpu.core_type = #tpu.core_type<sc_vector_subcore>, window_params = [{transform_indices = #map}, {transform_indices = #map1}, {transform_indices = #map1}, {transform_indices = #map}, {transform_indices = #map2}]} {
    %mul3A = arith.constant 16 : i32
    %mul3A_0 = arith.muli %arg0, %mul3A : i32
    %add3A = arith.addi %mul3A_0, %arg1 : i32
    %mul3A_1 = arith.constant 632 : i32
    %mul3A_2 = arith.muli %arg1, %mul3A_1 : i32
    %mul3A_3 = arith.constant 632 : i32
    %mul3A_4 = arith.muli %arg1, %mul3A_3 : i32
    "tpu.region"() ({
      %run_scoped3A = tpu.sem_alloc : memref<!tpu.dma_semaphore, #tpu.memory_space<semaphore_mem>>
      %dma_start3A = arith.constant 0 : i32
      %dma_start3A_52 = tpu.memref_slice %arg13[%mul3A_4, %dma_start3A] : memref<10112x128xf32, #tpu.memory_space<vmem_shared>> -> memref<632x128xf32, #tpu.memory_space<vmem_shared>>
      %dma_start3A_53 = arith.constant 0 : i32
      %dma_start3A_54 = tpu.memref_slice %arg5[%mul3A_2, %dma_start3A_53] : memref<10112x128xf32, #tpu.memory_space<hbm>> -> memref<632x128xf32, #tpu.memory_space<hbm>>
      tpu.enqueue_dma source(%dma_start3A_54 : memref<632x128xf32, #tpu.memory_space<hbm>>) target(%dma_start3A_52 : memref<632x128xf32, #tpu.memory_space<vmem_shared>>) target_semaphore(%run_scoped3A : memref<!tpu.dma_semaphore, #tpu.memory_space<semaphore_mem>>)
      %dma_wait3A = arith.constant 0 : i32
      %dma_wait3A_55 = tpu.memref_slice %arg13[%mul3A_4, %dma_wait3A] : memref<10112x128xf32, #tpu.memory_space<vmem_shared>> -> memref<632x128xf32, #tpu.memory_space<vmem_shared>>
      %dma_wait3A_56 = arith.constant 0 : i32
      %dma_wait3A_57 = tpu.memref_slice %arg5[%mul3A_2, %dma_wait3A_56] : memref<10112x128xf32, #tpu.memory_space<hbm>> -> memref<632x128xf32, #tpu.memory_space<hbm>>
      tpu.wait_dma2 semaphore(%run_scoped3A : memref<!tpu.dma_semaphore, #tpu.memory_space<semaphore_mem>>) src(%dma_wait3A_57 : memref<632x128xf32, #tpu.memory_space<hbm>>) dst(%dma_wait3A_55 : memref<632x128xf32, #tpu.memory_space<vmem_shared>>)
      tpu.yield
    }) : () -> ()
    %barrier3A = arith.constant 0 : index
    tpu.barrier barrier_id(%barrier3A)
    %eq3A = arith.constant 0 : i32
    %eq3A_5 = arith.cmpi eq, %arg0, %eq3A : i32
    %mul3A_6 = arith.constant 128 : i32
    %mul3A_7 = arith.muli %arg1, %mul3A_6 : i32
    %mul3A_8 = arith.constant 32 : i32
    %mul3A_9 = arith.muli %arg1, %mul3A_8 : i32
    %add3A_10 = arith.constant 2048 : i32
    %add3A_11 = arith.addi %add3A_10, %mul3A_9 : i32
    %select_n3A = arith.select %eq3A_5, %mul3A_7, %add3A_11 : i32
    %mul3A_12 = arith.constant 128 : i32
    %mul3A_13 = arith.muli %select_n3A, %mul3A_12 : i32
    %eq3A_14 = arith.constant 0 : i32
    %eq3A_15 = arith.cmpi eq, %arg0, %eq3A_14 : i32
    %jit3A = arith.constant 128 : i32
    %jit3A_16 = arith.constant 32 : i32
    %select_n3A_17 = arith.select %eq3A_15, %jit3A, %jit3A_16 : i32
    %gt3A = arith.constant 0 : i32
    %gt3A_18 = arith.cmpi sgt, %select_n3A_17, %gt3A : i32
    %convert_element_type3A = arith.extui %gt3A_18 : i1 to i32
    %cond3A = arith.constant 0 : i32
    %cond3A_19 = arith.cmpi ne, %convert_element_type3A, %cond3A : i32
    scf.if %cond3A_19 {
      "tpu.region"() ({
        %run_scoped3A = tpu.sem_alloc : memref<!tpu.dma_semaphore, #tpu.memory_space<semaphore_mem>>
        %dma_start3A_54 = tpu.memref_slice %arg3[%mul3A_13] : memref<327680xi32, #tpu.memory_space<hbm>> -> memref<128xi32, #tpu.memory_space<hbm>>
        %dma_start3A_55 = tpu.memref_slice %arg3[%mul3A_13] : memref<327680xi32, #tpu.memory_space<hbm>> -> memref<128xi32, #tpu.memory_space<hbm>>
        tpu.enqueue_dma source(%dma_start3A_55 : memref<128xi32, #tpu.memory_space<hbm>>) target(%arg7 : memref<128xi32, #tpu.memory_space<vmem>>) target_semaphore(%run_scoped3A : memref<!tpu.dma_semaphore, #tpu.memory_space<semaphore_mem>>)
        %dma_wait3A = tpu.memref_slice %arg3[%mul3A_13] : memref<327680xi32, #tpu.memory_space<hbm>> -> memref<128xi32, #tpu.memory_space<hbm>>
        %dma_wait3A_56 = tpu.memref_slice %arg3[%mul3A_13] : memref<327680xi32, #tpu.memory_space<hbm>> -> memref<128xi32, #tpu.memory_space<hbm>>
        tpu.wait_dma2 semaphore(%run_scoped3A : memref<!tpu.dma_semaphore, #tpu.memory_space<semaphore_mem>>) src(%dma_wait3A_56 : memref<128xi32, #tpu.memory_space<hbm>>) dst(%arg7 : memref<128xi32, #tpu.memory_space<vmem>>)
        tpu.yield
      }) : () -> ()
      "tpu.region"() ({
        %run_scoped3A = tpu.sem_alloc : memref<!tpu.dma_semaphore, #tpu.memory_space<semaphore_mem>>
        %dma_start3A_54 = tpu.memref_slice %arg4[%mul3A_13] : memref<327680xi32, #tpu.memory_space<hbm>> -> memref<128xi32, #tpu.memory_space<hbm>>
        %dma_start3A_55 = tpu.memref_slice %arg4[%mul3A_13] : memref<327680xi32, #tpu.memory_space<hbm>> -> memref<128xi32, #tpu.memory_space<hbm>>
        tpu.enqueue_dma source(%dma_start3A_55 : memref<128xi32, #tpu.memory_space<hbm>>) target(%arg9 : memref<128xi32, #tpu.memory_space<vmem>>) target_semaphore(%run_scoped3A : memref<!tpu.dma_semaphore, #tpu.memory_space<semaphore_mem>>)
        %dma_wait3A = tpu.memref_slice %arg4[%mul3A_13] : memref<327680xi32, #tpu.memory_space<hbm>> -> memref<128xi32, #tpu.memory_space<hbm>>
        %dma_wait3A_56 = tpu.memref_slice %arg4[%mul3A_13] : memref<327680xi32, #tpu.memory_space<hbm>> -> memref<128xi32, #tpu.memory_space<hbm>>
        tpu.wait_dma2 semaphore(%run_scoped3A : memref<!tpu.dma_semaphore, #tpu.memory_space<semaphore_mem>>) src(%dma_wait3A_56 : memref<128xi32, #tpu.memory_space<hbm>>) dst(%arg9 : memref<128xi32, #tpu.memory_space<vmem>>)
        tpu.yield
      }) : () -> ()
      %dma_start3A = arith.constant 0 : i32
      %dma_start3A_52 = arith.constant 0 : i32
      %dma_start3A_53 = tpu.memref_slice %arg2[%dma_start3A, %dma_start3A_52] : memref<10000x128xf32, #tpu.memory_space<hbm>> -> memref<10000x128xf32, #tpu.memory_space<hbm>>
      tpu.enqueue_indirect_dma source(%dma_start3A_53 : memref<10000x128xf32, #tpu.memory_space<hbm>>) target(%arg11 : memref<128x128xf32, #tpu.memory_space<vmem>>) offsets(%arg7 : memref<128xi32, #tpu.memory_space<vmem>>) semaphore(%arg14 : memref<!tpu.dma_semaphore, #tpu.memory_space<semaphore_mem>>)
    } else {
    }
    %jit3A_20 = arith.constant 2 : i32
    %div3A = arith.divsi %select_n3A_17, %jit3A_20 : i32
    %sign3A = arith.constant 0 : i32
    %sign3A_21 = arith.cmpi sgt, %select_n3A_17, %sign3A : i32
    %sign3A_22 = arith.extui %sign3A_21 : i1 to i32
    %sign3A_23 = arith.constant 0 : i32
    %sign3A_24 = arith.cmpi slt, %select_n3A_17, %sign3A_23 : i32
    %sign3A_25 = arith.extui %sign3A_24 : i1 to i32
    %sign3A_26 = arith.subi %sign3A_22, %sign3A_25 : i32
    %sign3A_27 = arith.constant 0 : i32
    %sign3A_28 = arith.cmpi sgt, %jit3A_20, %sign3A_27 : i32
    %sign3A_29 = arith.extui %sign3A_28 : i1 to i32
    %sign3A_30 = arith.constant 0 : i32
    %sign3A_31 = arith.cmpi slt, %jit3A_20, %sign3A_30 : i32
    %sign3A_32 = arith.extui %sign3A_31 : i1 to i32
    %sign3A_33 = arith.subi %sign3A_29, %sign3A_32 : i32
    %ne3A = arith.cmpi ne, %sign3A_26, %sign3A_33 : i32
    %rem3A = arith.remsi %select_n3A_17, %jit3A_20 : i32
    %ne3A_34 = arith.constant 0 : i32
    %ne3A_35 = arith.cmpi ne, %rem3A, %ne3A_34 : i32
    %and3A = arith.andi %ne3A, %ne3A_35 : i1
    %sub3A = arith.constant 1 : i32
    %sub3A_36 = arith.subi %div3A, %sub3A : i32
    %select_n3A_37 = arith.select %and3A, %sub3A_36, %div3A : i32
    %while3A = arith.constant 0 : i32
    %while3A_38 = arith.constant 0 : i32
    %while3A_39 = arith.subi %select_n3A_37, %while3A_38 : i32
    %while3A_40 = arith.addi %while3A_38, %while3A_39 : i32
    %while3A_41 = arith.constant 1 : i32
    %while3A_42 = arith.divsi %while3A_39, %while3A_41 : i32
    %while3A_43 = arith.muli %while3A_42, %while3A_41 : i32
    %while3A_44 = arith.addi %while3A_38, %while3A_43 : i32
    %while3A_45 = arith.constant 1 : i32
    scf.for %while3A_52 = %while3A_38 to %while3A_44 step %while3A_45  : i32 {
      %mul3A_53 = arith.constant 2 : i32
      %mul3A_54 = arith.muli %mul3A_53, %while3A_52 : i32
      %mul3A_55 = arith.constant 128 : i32
      %mul3A_56 = arith.muli %mul3A_54, %mul3A_55 : i32
      %add3A_57 = arith.addi %mul3A_13, %mul3A_56 : i32
      %add3A_58 = arith.constant 128 : i32
      %add3A_59 = arith.addi %add3A_57, %add3A_58 : i32
      "tpu.region"() ({
        %run_scoped3A = tpu.sem_alloc : memref<!tpu.dma_semaphore, #tpu.memory_space<semaphore_mem>>
        %dma_start3A_84 = tpu.memref_slice %arg3[%add3A_59] : memref<327680xi32, #tpu.memory_space<hbm>> -> memref<128xi32, #tpu.memory_space<hbm>>
        %dma_start3A_85 = tpu.memref_slice %arg3[%add3A_59] : memref<327680xi32, #tpu.memory_space<hbm>> -> memref<128xi32, #tpu.memory_space<hbm>>
        tpu.enqueue_dma source(%dma_start3A_85 : memref<128xi32, #tpu.memory_space<hbm>>) target(%arg8 : memref<128xi32, #tpu.memory_space<vmem>>) target_semaphore(%run_scoped3A : memref<!tpu.dma_semaphore, #tpu.memory_space<semaphore_mem>>)
        %dma_wait3A_86 = tpu.memref_slice %arg3[%add3A_59] : memref<327680xi32, #tpu.memory_space<hbm>> -> memref<128xi32, #tpu.memory_space<hbm>>
        %dma_wait3A_87 = tpu.memref_slice %arg3[%add3A_59] : memref<327680xi32, #tpu.memory_space<hbm>> -> memref<128xi32, #tpu.memory_space<hbm>>
        tpu.wait_dma2 semaphore(%run_scoped3A : memref<!tpu.dma_semaphore, #tpu.memory_space<semaphore_mem>>) src(%dma_wait3A_87 : memref<128xi32, #tpu.memory_space<hbm>>) dst(%arg8 : memref<128xi32, #tpu.memory_space<vmem>>)
        tpu.yield
      }) : () -> ()
      %add3A_60 = arith.constant 128 : i32
      %add3A_61 = arith.addi %add3A_57, %add3A_60 : i32
      "tpu.region"() ({
        %run_scoped3A = tpu.sem_alloc : memref<!tpu.dma_semaphore, #tpu.memory_space<semaphore_mem>>
        %dma_start3A_84 = tpu.memref_slice %arg4[%add3A_61] : memref<327680xi32, #tpu.memory_space<hbm>> -> memref<128xi32, #tpu.memory_space<hbm>>
        %dma_start3A_85 = tpu.memref_slice %arg4[%add3A_61] : memref<327680xi32, #tpu.memory_space<hbm>> -> memref<128xi32, #tpu.memory_space<hbm>>
        tpu.enqueue_dma source(%dma_start3A_85 : memref<128xi32, #tpu.memory_space<hbm>>) target(%arg10 : memref<128xi32, #tpu.memory_space<vmem>>) target_semaphore(%run_scoped3A : memref<!tpu.dma_semaphore, #tpu.memory_space<semaphore_mem>>)
        %dma_wait3A_86 = tpu.memref_slice %arg4[%add3A_61] : memref<327680xi32, #tpu.memory_space<hbm>> -> memref<128xi32, #tpu.memory_space<hbm>>
        %dma_wait3A_87 = tpu.memref_slice %arg4[%add3A_61] : memref<327680xi32, #tpu.memory_space<hbm>> -> memref<128xi32, #tpu.memory_space<hbm>>
        tpu.wait_dma2 semaphore(%run_scoped3A : memref<!tpu.dma_semaphore, #tpu.memory_space<semaphore_mem>>) src(%dma_wait3A_87 : memref<128xi32, #tpu.memory_space<hbm>>) dst(%arg10 : memref<128xi32, #tpu.memory_space<vmem>>)
        tpu.yield
      }) : () -> ()
      %dma_wait3A = arith.constant 0 : i32
      %dma_wait3A_62 = arith.constant 0 : i32
      %dma_wait3A_63 = tpu.memref_slice %arg2[%dma_wait3A, %dma_wait3A_62] : memref<10000x128xf32, #tpu.memory_space<hbm>> -> memref<10000x128xf32, #tpu.memory_space<hbm>>
      tpu.wait_indirect_dma semaphore(%arg14 : memref<!tpu.dma_semaphore, #tpu.memory_space<semaphore_mem>>) src(%dma_wait3A_63 : memref<10000x128xf32, #tpu.memory_space<hbm>>) dst(%arg11 : memref<128x128xf32, #tpu.memory_space<vmem>>)
      %dma_start3A = arith.constant 0 : i32
      %dma_start3A_64 = arith.constant 0 : i32
      %dma_start3A_65 = tpu.memref_slice %arg2[%dma_start3A, %dma_start3A_64] : memref<10000x128xf32, #tpu.memory_space<hbm>> -> memref<10000x128xf32, #tpu.memory_space<hbm>>
      tpu.enqueue_indirect_dma source(%dma_start3A_65 : memref<10000x128xf32, #tpu.memory_space<hbm>>) target(%arg12 : memref<128x128xf32, #tpu.memory_space<vmem>>) offsets(%arg8 : memref<128xi32, #tpu.memory_space<vmem>>) semaphore(%arg15 : memref<!tpu.dma_semaphore, #tpu.memory_space<semaphore_mem>>)
      "tpu.region"() ({
        %run_scoped3A = tpu.sem_alloc : memref<!tpu.dma_semaphore, #tpu.memory_space<semaphore_mem>>
        %dma_start3A_84 = arith.constant 0 : i32
        %dma_start3A_85 = arith.constant 0 : i32
        %dma_start3A_86 = tpu.memref_slice %arg13[%dma_start3A_84, %dma_start3A_85] : memref<10112x128xf32, #tpu.memory_space<vmem_shared>> -> memref<10112x128xf32, #tpu.memory_space<vmem_shared>>
        tpu.enqueue_indirect_dma source(%arg11 : memref<128x128xf32, #tpu.memory_space<vmem>>) target(%dma_start3A_86 : memref<10112x128xf32, #tpu.memory_space<vmem_shared>>) offsets(%arg9 : memref<128xi32, #tpu.memory_space<vmem>>) semaphore(%run_scoped3A : memref<!tpu.dma_semaphore, #tpu.memory_space<semaphore_mem>>) {add = true}
        %dma_wait3A_87 = arith.constant 0 : i32
        %dma_wait3A_88 = arith.constant 0 : i32
        %dma_wait3A_89 = tpu.memref_slice %arg13[%dma_wait3A_87, %dma_wait3A_88] : memref<10112x128xf32, #tpu.memory_space<vmem_shared>> -> memref<10112x128xf32, #tpu.memory_space<vmem_shared>>
        tpu.wait_indirect_dma semaphore(%run_scoped3A : memref<!tpu.dma_semaphore, #tpu.memory_space<semaphore_mem>>) src(%arg11 : memref<128x128xf32, #tpu.memory_space<vmem>>) dst(%dma_wait3A_89 : memref<10112x128xf32, #tpu.memory_space<vmem_shared>>)
        tpu.yield
      }) : () -> ()
      %mul3A_66 = arith.constant 2 : i32
      %mul3A_67 = arith.muli %mul3A_66, %while3A_52 : i32
      %add3A_68 = arith.constant 2 : i32
      %add3A_69 = arith.addi %mul3A_67, %add3A_68 : i32
      %lt3A = arith.cmpi slt, %add3A_69, %select_n3A_17 : i32
      %convert_element_type3A_70 = arith.extui %lt3A : i1 to i32
      %cond3A_71 = arith.constant 0 : i32
      %cond3A_72 = arith.cmpi ne, %convert_element_type3A_70, %cond3A_71 : i32
      scf.if %cond3A_72 {
        %add3A_84 = arith.constant 256 : i32
        %add3A_85 = arith.addi %add3A_57, %add3A_84 : i32
        "tpu.region"() ({
          %run_scoped3A = tpu.sem_alloc : memref<!tpu.dma_semaphore, #tpu.memory_space<semaphore_mem>>
          %dma_start3A_88 = tpu.memref_slice %arg3[%add3A_85] : memref<327680xi32, #tpu.memory_space<hbm>> -> memref<128xi32, #tpu.memory_space<hbm>>
          %dma_start3A_89 = tpu.memref_slice %arg3[%add3A_85] : memref<327680xi32, #tpu.memory_space<hbm>> -> memref<128xi32, #tpu.memory_space<hbm>>
          tpu.enqueue_dma source(%dma_start3A_89 : memref<128xi32, #tpu.memory_space<hbm>>) target(%arg7 : memref<128xi32, #tpu.memory_space<vmem>>) target_semaphore(%run_scoped3A : memref<!tpu.dma_semaphore, #tpu.memory_space<semaphore_mem>>)
          %dma_wait3A_90 = tpu.memref_slice %arg3[%add3A_85] : memref<327680xi32, #tpu.memory_space<hbm>> -> memref<128xi32, #tpu.memory_space<hbm>>
          %dma_wait3A_91 = tpu.memref_slice %arg3[%add3A_85] : memref<327680xi32, #tpu.memory_space<hbm>> -> memref<128xi32, #tpu.memory_space<hbm>>
          tpu.wait_dma2 semaphore(%run_scoped3A : memref<!tpu.dma_semaphore, #tpu.memory_space<semaphore_mem>>) src(%dma_wait3A_91 : memref<128xi32, #tpu.memory_space<hbm>>) dst(%arg7 : memref<128xi32, #tpu.memory_space<vmem>>)
          tpu.yield
        }) : () -> ()
        %add3A_86 = arith.constant 256 : i32
        %add3A_87 = arith.addi %add3A_57, %add3A_86 : i32
        "tpu.region"() ({
          %run_scoped3A = tpu.sem_alloc : memref<!tpu.dma_semaphore, #tpu.memory_space<semaphore_mem>>
          %dma_start3A_88 = tpu.memref_slice %arg4[%add3A_87] : memref<327680xi32, #tpu.memory_space<hbm>> -> memref<128xi32, #tpu.memory_space<hbm>>
          %dma_start3A_89 = tpu.memref_slice %arg4[%add3A_87] : memref<327680xi32, #tpu.memory_space<hbm>> -> memref<128xi32, #tpu.memory_space<hbm>>
          tpu.enqueue_dma source(%dma_start3A_89 : memref<128xi32, #tpu.memory_space<hbm>>) target(%arg9 : memref<128xi32, #tpu.memory_space<vmem>>) target_semaphore(%run_scoped3A : memref<!tpu.dma_semaphore, #tpu.memory_space<semaphore_mem>>)
          %dma_wait3A_90 = tpu.memref_slice %arg4[%add3A_87] : memref<327680xi32, #tpu.memory_space<hbm>> -> memref<128xi32, #tpu.memory_space<hbm>>
          %dma_wait3A_91 = tpu.memref_slice %arg4[%add3A_87] : memref<327680xi32, #tpu.memory_space<hbm>> -> memref<128xi32, #tpu.memory_space<hbm>>
          tpu.wait_dma2 semaphore(%run_scoped3A : memref<!tpu.dma_semaphore, #tpu.memory_space<semaphore_mem>>) src(%dma_wait3A_91 : memref<128xi32, #tpu.memory_space<hbm>>) dst(%arg9 : memref<128xi32, #tpu.memory_space<vmem>>)
          tpu.yield
        }) : () -> ()
      } else {
      }
      %dma_wait3A_73 = arith.constant 0 : i32
      %dma_wait3A_74 = arith.constant 0 : i32
      %dma_wait3A_75 = tpu.memref_slice %arg2[%dma_wait3A_73, %dma_wait3A_74] : memref<10000x128xf32, #tpu.memory_space<hbm>> -> memref<10000x128xf32, #tpu.memory_space<hbm>>
      tpu.wait_indirect_dma semaphore(%arg15 : memref<!tpu.dma_semaphore, #tpu.memory_space<semaphore_mem>>) src(%dma_wait3A_75 : memref<10000x128xf32, #tpu.memory_space<hbm>>) dst(%arg12 : memref<128x128xf32, #tpu.memory_space<vmem>>)
      %mul3A_76 = arith.constant 2 : i32
      %mul3A_77 = arith.muli %mul3A_76, %while3A_52 : i32
      %add3A_78 = arith.constant 2 : i32
      %add3A_79 = arith.addi %mul3A_77, %add3A_78 : i32
      %lt3A_80 = arith.cmpi slt, %add3A_79, %select_n3A_17 : i32
      %convert_element_type3A_81 = arith.extui %lt3A_80 : i1 to i32
      %cond3A_82 = arith.constant 0 : i32
      %cond3A_83 = arith.cmpi ne, %convert_element_type3A_81, %cond3A_82 : i32
      scf.if %cond3A_83 {
        %dma_start3A_84 = arith.constant 0 : i32
        %dma_start3A_85 = arith.constant 0 : i32
        %dma_start3A_86 = tpu.memref_slice %arg2[%dma_start3A_84, %dma_start3A_85] : memref<10000x128xf32, #tpu.memory_space<hbm>> -> memref<10000x128xf32, #tpu.memory_space<hbm>>
        tpu.enqueue_indirect_dma source(%dma_start3A_86 : memref<10000x128xf32, #tpu.memory_space<hbm>>) target(%arg11 : memref<128x128xf32, #tpu.memory_space<vmem>>) offsets(%arg7 : memref<128xi32, #tpu.memory_space<vmem>>) semaphore(%arg14 : memref<!tpu.dma_semaphore, #tpu.memory_space<semaphore_mem>>)
      } else {
      }
      "tpu.region"() ({
        %run_scoped3A = tpu.sem_alloc : memref<!tpu.dma_semaphore, #tpu.memory_space<semaphore_mem>>
        %dma_start3A_84 = arith.constant 0 : i32
        %dma_start3A_85 = arith.constant 0 : i32
        %dma_start3A_86 = tpu.memref_slice %arg13[%dma_start3A_84, %dma_start3A_85] : memref<10112x128xf32, #tpu.memory_space<vmem_shared>> -> memref<10112x128xf32, #tpu.memory_space<vmem_shared>>
        tpu.enqueue_indirect_dma source(%arg12 : memref<128x128xf32, #tpu.memory_space<vmem>>) target(%dma_start3A_86 : memref<10112x128xf32, #tpu.memory_space<vmem_shared>>) offsets(%arg10 : memref<128xi32, #tpu.memory_space<vmem>>) semaphore(%run_scoped3A : memref<!tpu.dma_semaphore, #tpu.memory_space<semaphore_mem>>) {add = true}
        %dma_wait3A_87 = arith.constant 0 : i32
        %dma_wait3A_88 = arith.constant 0 : i32
        %dma_wait3A_89 = tpu.memref_slice %arg13[%dma_wait3A_87, %dma_wait3A_88] : memref<10112x128xf32, #tpu.memory_space<vmem_shared>> -> memref<10112x128xf32, #tpu.memory_space<vmem_shared>>
        tpu.wait_indirect_dma semaphore(%run_scoped3A : memref<!tpu.dma_semaphore, #tpu.memory_space<semaphore_mem>>) src(%arg12 : memref<128x128xf32, #tpu.memory_space<vmem>>) dst(%dma_wait3A_89 : memref<10112x128xf32, #tpu.memory_space<vmem_shared>>)
        tpu.yield
      }) : () -> ()
    }
    %while3A_46 = arith.constant 1 : i32
    scf.for %while3A_52 = %while3A_44 to %while3A_40 step %while3A_46  : i32 {
      %mul3A_53 = arith.constant 2 : i32
      %mul3A_54 = arith.muli %mul3A_53, %while3A_52 : i32
      %mul3A_55 = arith.constant 128 : i32
      %mul3A_56 = arith.muli %mul3A_54, %mul3A_55 : i32
      %add3A_57 = arith.addi %mul3A_13, %mul3A_56 : i32
      %add3A_58 = arith.constant 128 : i32
      %add3A_59 = arith.addi %add3A_57, %add3A_58 : i32
      "tpu.region"() ({
        %run_scoped3A = tpu.sem_alloc : memref<!tpu.dma_semaphore, #tpu.memory_space<semaphore_mem>>
        %dma_start3A_84 = tpu.memref_slice %arg3[%add3A_59] : memref<327680xi32, #tpu.memory_space<hbm>> -> memref<128xi32, #tpu.memory_space<hbm>>
        %dma_start3A_85 = tpu.memref_slice %arg3[%add3A_59] : memref<327680xi32, #tpu.memory_space<hbm>> -> memref<128xi32, #tpu.memory_space<hbm>>
        tpu.enqueue_dma source(%dma_start3A_85 : memref<128xi32, #tpu.memory_space<hbm>>) target(%arg8 : memref<128xi32, #tpu.memory_space<vmem>>) target_semaphore(%run_scoped3A : memref<!tpu.dma_semaphore, #tpu.memory_space<semaphore_mem>>)
        %dma_wait3A_86 = tpu.memref_slice %arg3[%add3A_59] : memref<327680xi32, #tpu.memory_space<hbm>> -> memref<128xi32, #tpu.memory_space<hbm>>
        %dma_wait3A_87 = tpu.memref_slice %arg3[%add3A_59] : memref<327680xi32, #tpu.memory_space<hbm>> -> memref<128xi32, #tpu.memory_space<hbm>>
        tpu.wait_dma2 semaphore(%run_scoped3A : memref<!tpu.dma_semaphore, #tpu.memory_space<semaphore_mem>>) src(%dma_wait3A_87 : memref<128xi32, #tpu.memory_space<hbm>>) dst(%arg8 : memref<128xi32, #tpu.memory_space<vmem>>)
        tpu.yield
      }) : () -> ()
      %add3A_60 = arith.constant 128 : i32
      %add3A_61 = arith.addi %add3A_57, %add3A_60 : i32
      "tpu.region"() ({
        %run_scoped3A = tpu.sem_alloc : memref<!tpu.dma_semaphore, #tpu.memory_space<semaphore_mem>>
        %dma_start3A_84 = tpu.memref_slice %arg4[%add3A_61] : memref<327680xi32, #tpu.memory_space<hbm>> -> memref<128xi32, #tpu.memory_space<hbm>>
        %dma_start3A_85 = tpu.memref_slice %arg4[%add3A_61] : memref<327680xi32, #tpu.memory_space<hbm>> -> memref<128xi32, #tpu.memory_space<hbm>>
        tpu.enqueue_dma source(%dma_start3A_85 : memref<128xi32, #tpu.memory_space<hbm>>) target(%arg10 : memref<128xi32, #tpu.memory_space<vmem>>) target_semaphore(%run_scoped3A : memref<!tpu.dma_semaphore, #tpu.memory_space<semaphore_mem>>)
        %dma_wait3A_86 = tpu.memref_slice %arg4[%add3A_61] : memref<327680xi32, #tpu.memory_space<hbm>> -> memref<128xi32, #tpu.memory_space<hbm>>
        %dma_wait3A_87 = tpu.memref_slice %arg4[%add3A_61] : memref<327680xi32, #tpu.memory_space<hbm>> -> memref<128xi32, #tpu.memory_space<hbm>>
        tpu.wait_dma2 semaphore(%run_scoped3A : memref<!tpu.dma_semaphore, #tpu.memory_space<semaphore_mem>>) src(%dma_wait3A_87 : memref<128xi32, #tpu.memory_space<hbm>>) dst(%arg10 : memref<128xi32, #tpu.memory_space<vmem>>)
        tpu.yield
      }) : () -> ()
      %dma_wait3A = arith.constant 0 : i32
      %dma_wait3A_62 = arith.constant 0 : i32
      %dma_wait3A_63 = tpu.memref_slice %arg2[%dma_wait3A, %dma_wait3A_62] : memref<10000x128xf32, #tpu.memory_space<hbm>> -> memref<10000x128xf32, #tpu.memory_space<hbm>>
      tpu.wait_indirect_dma semaphore(%arg14 : memref<!tpu.dma_semaphore, #tpu.memory_space<semaphore_mem>>) src(%dma_wait3A_63 : memref<10000x128xf32, #tpu.memory_space<hbm>>) dst(%arg11 : memref<128x128xf32, #tpu.memory_space<vmem>>)
      %dma_start3A = arith.constant 0 : i32
      %dma_start3A_64 = arith.constant 0 : i32
      %dma_start3A_65 = tpu.memref_slice %arg2[%dma_start3A, %dma_start3A_64] : memref<10000x128xf32, #tpu.memory_space<hbm>> -> memref<10000x128xf32, #tpu.memory_space<hbm>>
      tpu.enqueue_indirect_dma source(%dma_start3A_65 : memref<10000x128xf32, #tpu.memory_space<hbm>>) target(%arg12 : memref<128x128xf32, #tpu.memory_space<vmem>>) offsets(%arg8 : memref<128xi32, #tpu.memory_space<vmem>>) semaphore(%arg15 : memref<!tpu.dma_semaphore, #tpu.memory_space<semaphore_mem>>)
      "tpu.region"() ({
        %run_scoped3A = tpu.sem_alloc : memref<!tpu.dma_semaphore, #tpu.memory_space<semaphore_mem>>
        %dma_start3A_84 = arith.constant 0 : i32
        %dma_start3A_85 = arith.constant 0 : i32
        %dma_start3A_86 = tpu.memref_slice %arg13[%dma_start3A_84, %dma_start3A_85] : memref<10112x128xf32, #tpu.memory_space<vmem_shared>> -> memref<10112x128xf32, #tpu.memory_space<vmem_shared>>
        tpu.enqueue_indirect_dma source(%arg11 : memref<128x128xf32, #tpu.memory_space<vmem>>) target(%dma_start3A_86 : memref<10112x128xf32, #tpu.memory_space<vmem_shared>>) offsets(%arg9 : memref<128xi32, #tpu.memory_space<vmem>>) semaphore(%run_scoped3A : memref<!tpu.dma_semaphore, #tpu.memory_space<semaphore_mem>>) {add = true}
        %dma_wait3A_87 = arith.constant 0 : i32
        %dma_wait3A_88 = arith.constant 0 : i32
        %dma_wait3A_89 = tpu.memref_slice %arg13[%dma_wait3A_87, %dma_wait3A_88] : memref<10112x128xf32, #tpu.memory_space<vmem_shared>> -> memref<10112x128xf32, #tpu.memory_space<vmem_shared>>
        tpu.wait_indirect_dma semaphore(%run_scoped3A : memref<!tpu.dma_semaphore, #tpu.memory_space<semaphore_mem>>) src(%arg11 : memref<128x128xf32, #tpu.memory_space<vmem>>) dst(%dma_wait3A_89 : memref<10112x128xf32, #tpu.memory_space<vmem_shared>>)
        tpu.yield
      }) : () -> ()
      %mul3A_66 = arith.constant 2 : i32
      %mul3A_67 = arith.muli %mul3A_66, %while3A_52 : i32
      %add3A_68 = arith.constant 2 : i32
      %add3A_69 = arith.addi %mul3A_67, %add3A_68 : i32
      %lt3A = arith.cmpi slt, %add3A_69, %select_n3A_17 : i32
      %convert_element_type3A_70 = arith.extui %lt3A : i1 to i32
      %cond3A_71 = arith.constant 0 : i32
      %cond3A_72 = arith.cmpi ne, %convert_element_type3A_70, %cond3A_71 : i32
      scf.if %cond3A_72 {
        %add3A_84 = arith.constant 256 : i32
        %add3A_85 = arith.addi %add3A_57, %add3A_84 : i32
        "tpu.region"() ({
          %run_scoped3A = tpu.sem_alloc : memref<!tpu.dma_semaphore, #tpu.memory_space<semaphore_mem>>
          %dma_start3A_88 = tpu.memref_slice %arg3[%add3A_85] : memref<327680xi32, #tpu.memory_space<hbm>> -> memref<128xi32, #tpu.memory_space<hbm>>
          %dma_start3A_89 = tpu.memref_slice %arg3[%add3A_85] : memref<327680xi32, #tpu.memory_space<hbm>> -> memref<128xi32, #tpu.memory_space<hbm>>
          tpu.enqueue_dma source(%dma_start3A_89 : memref<128xi32, #tpu.memory_space<hbm>>) target(%arg7 : memref<128xi32, #tpu.memory_space<vmem>>) target_semaphore(%run_scoped3A : memref<!tpu.dma_semaphore, #tpu.memory_space<semaphore_mem>>)
          %dma_wait3A_90 = tpu.memref_slice %arg3[%add3A_85] : memref<327680xi32, #tpu.memory_space<hbm>> -> memref<128xi32, #tpu.memory_space<hbm>>
          %dma_wait3A_91 = tpu.memref_slice %arg3[%add3A_85] : memref<327680xi32, #tpu.memory_space<hbm>> -> memref<128xi32, #tpu.memory_space<hbm>>
          tpu.wait_dma2 semaphore(%run_scoped3A : memref<!tpu.dma_semaphore, #tpu.memory_space<semaphore_mem>>) src(%dma_wait3A_91 : memref<128xi32, #tpu.memory_space<hbm>>) dst(%arg7 : memref<128xi32, #tpu.memory_space<vmem>>)
          tpu.yield
        }) : () -> ()
        %add3A_86 = arith.constant 256 : i32
        %add3A_87 = arith.addi %add3A_57, %add3A_86 : i32
        "tpu.region"() ({
          %run_scoped3A = tpu.sem_alloc : memref<!tpu.dma_semaphore, #tpu.memory_space<semaphore_mem>>
          %dma_start3A_88 = tpu.memref_slice %arg4[%add3A_87] : memref<327680xi32, #tpu.memory_space<hbm>> -> memref<128xi32, #tpu.memory_space<hbm>>
          %dma_start3A_89 = tpu.memref_slice %arg4[%add3A_87] : memref<327680xi32, #tpu.memory_space<hbm>> -> memref<128xi32, #tpu.memory_space<hbm>>
          tpu.enqueue_dma source(%dma_start3A_89 : memref<128xi32, #tpu.memory_space<hbm>>) target(%arg9 : memref<128xi32, #tpu.memory_space<vmem>>) target_semaphore(%run_scoped3A : memref<!tpu.dma_semaphore, #tpu.memory_space<semaphore_mem>>)
          %dma_wait3A_90 = tpu.memref_slice %arg4[%add3A_87] : memref<327680xi32, #tpu.memory_space<hbm>> -> memref<128xi32, #tpu.memory_space<hbm>>
          %dma_wait3A_91 = tpu.memref_slice %arg4[%add3A_87] : memref<327680xi32, #tpu.memory_space<hbm>> -> memref<128xi32, #tpu.memory_space<hbm>>
          tpu.wait_dma2 semaphore(%run_scoped3A : memref<!tpu.dma_semaphore, #tpu.memory_space<semaphore_mem>>) src(%dma_wait3A_91 : memref<128xi32, #tpu.memory_space<hbm>>) dst(%arg9 : memref<128xi32, #tpu.memory_space<vmem>>)
          tpu.yield
        }) : () -> ()
      } else {
      }
      %dma_wait3A_73 = arith.constant 0 : i32
      %dma_wait3A_74 = arith.constant 0 : i32
      %dma_wait3A_75 = tpu.memref_slice %arg2[%dma_wait3A_73, %dma_wait3A_74] : memref<10000x128xf32, #tpu.memory_space<hbm>> -> memref<10000x128xf32, #tpu.memory_space<hbm>>
      tpu.wait_indirect_dma semaphore(%arg15 : memref<!tpu.dma_semaphore, #tpu.memory_space<semaphore_mem>>) src(%dma_wait3A_75 : memref<10000x128xf32, #tpu.memory_space<hbm>>) dst(%arg12 : memref<128x128xf32, #tpu.memory_space<vmem>>)
      %mul3A_76 = arith.constant 2 : i32
      %mul3A_77 = arith.muli %mul3A_76, %while3A_52 : i32
      %add3A_78 = arith.constant 2 : i32
      %add3A_79 = arith.addi %mul3A_77, %add3A_78 : i32
      %lt3A_80 = arith.cmpi slt, %add3A_79, %select_n3A_17 : i32
      %convert_element_type3A_81 = arith.extui %lt3A_80 : i1 to i32
      %cond3A_82 = arith.constant 0 : i32
      %cond3A_83 = arith.cmpi ne, %convert_element_type3A_81, %cond3A_82 : i32
      scf.if %cond3A_83 {
        %dma_start3A_84 = arith.constant 0 : i32
        %dma_start3A_85 = arith.constant 0 : i32
        %dma_start3A_86 = tpu.memref_slice %arg2[%dma_start3A_84, %dma_start3A_85] : memref<10000x128xf32, #tpu.memory_space<hbm>> -> memref<10000x128xf32, #tpu.memory_space<hbm>>
        tpu.enqueue_indirect_dma source(%dma_start3A_86 : memref<10000x128xf32, #tpu.memory_space<hbm>>) target(%arg11 : memref<128x128xf32, #tpu.memory_space<vmem>>) offsets(%arg7 : memref<128xi32, #tpu.memory_space<vmem>>) semaphore(%arg14 : memref<!tpu.dma_semaphore, #tpu.memory_space<semaphore_mem>>)
      } else {
      }
      "tpu.region"() ({
        %run_scoped3A = tpu.sem_alloc : memref<!tpu.dma_semaphore, #tpu.memory_space<semaphore_mem>>
        %dma_start3A_84 = arith.constant 0 : i32
        %dma_start3A_85 = arith.constant 0 : i32
        %dma_start3A_86 = tpu.memref_slice %arg13[%dma_start3A_84, %dma_start3A_85] : memref<10112x128xf32, #tpu.memory_space<vmem_shared>> -> memref<10112x128xf32, #tpu.memory_space<vmem_shared>>
        tpu.enqueue_indirect_dma source(%arg12 : memref<128x128xf32, #tpu.memory_space<vmem>>) target(%dma_start3A_86 : memref<10112x128xf32, #tpu.memory_space<vmem_shared>>) offsets(%arg10 : memref<128xi32, #tpu.memory_space<vmem>>) semaphore(%run_scoped3A : memref<!tpu.dma_semaphore, #tpu.memory_space<semaphore_mem>>) {add = true}
        %dma_wait3A_87 = arith.constant 0 : i32
        %dma_wait3A_88 = arith.constant 0 : i32
        %dma_wait3A_89 = tpu.memref_slice %arg13[%dma_wait3A_87, %dma_wait3A_88] : memref<10112x128xf32, #tpu.memory_space<vmem_shared>> -> memref<10112x128xf32, #tpu.memory_space<vmem_shared>>
        tpu.wait_indirect_dma semaphore(%run_scoped3A : memref<!tpu.dma_semaphore, #tpu.memory_space<semaphore_mem>>) src(%arg12 : memref<128x128xf32, #tpu.memory_space<vmem>>) dst(%dma_wait3A_89 : memref<10112x128xf32, #tpu.memory_space<vmem_shared>>)
        tpu.yield
      }) : () -> ()
    }
    %barrier3A_47 = arith.constant 0 : index
    tpu.barrier barrier_id(%barrier3A_47)
    %mul3A_48 = arith.constant 632 : i32
    %mul3A_49 = arith.muli %arg1, %mul3A_48 : i32
    %mul3A_50 = arith.constant 632 : i32
    %mul3A_51 = arith.muli %arg1, %mul3A_50 : i32
    "tpu.region"() ({
      %run_scoped3A = tpu.sem_alloc : memref<!tpu.dma_semaphore, #tpu.memory_space<semaphore_mem>>
      %dma_start3A = arith.constant 0 : i32
      %dma_start3A_52 = tpu.memref_slice %arg6[%arg0, %mul3A_51, %dma_start3A] : memref<2x10112x128xf32, #tpu.memory_space<hbm>> -> memref<1x632x128xf32, #tpu.memory_space<hbm>>
      %dma_start3A_53 = tpu.memref_squeeze %dma_start3A_52 : memref<1x632x128xf32, #tpu.memory_space<hbm>> -> memref<632x128xf32, #tpu.memory_space<hbm>>
      %dma_start3A_54 = arith.constant 0 : i32
      %dma_start3A_55 = tpu.memref_slice %arg13[%mul3A_49, %dma_start3A_54] : memref<10112x128xf32, #tpu.memory_space<vmem_shared>> -> memref<632x128xf32, #tpu.memory_space<vmem_shared>>
      tpu.enqueue_dma source(%dma_start3A_55 : memref<632x128xf32, #tpu.memory_space<vmem_shared>>) target(%dma_start3A_53 : memref<632x128xf32, #tpu.memory_space<hbm>>) target_semaphore(%run_scoped3A : memref<!tpu.dma_semaphore, #tpu.memory_space<semaphore_mem>>)
      %dma_wait3A = arith.constant 0 : i32
      %dma_wait3A_56 = tpu.memref_slice %arg6[%arg0, %mul3A_51, %dma_wait3A] : memref<2x10112x128xf32, #tpu.memory_space<hbm>> -> memref<1x632x128xf32, #tpu.memory_space<hbm>>
      %dma_wait3A_57 = tpu.memref_squeeze %dma_wait3A_56 : memref<1x632x128xf32, #tpu.memory_space<hbm>> -> memref<632x128xf32, #tpu.memory_space<hbm>>
      %dma_wait3A_58 = arith.constant 0 : i32
      %dma_wait3A_59 = tpu.memref_slice %arg13[%mul3A_49, %dma_wait3A_58] : memref<10112x128xf32, #tpu.memory_space<vmem_shared>> -> memref<632x128xf32, #tpu.memory_space<vmem_shared>>
      tpu.wait_dma2 semaphore(%run_scoped3A : memref<!tpu.dma_semaphore, #tpu.memory_space<semaphore_mem>>) src(%dma_wait3A_59 : memref<632x128xf32, #tpu.memory_space<vmem_shared>>) dst(%dma_wait3A_57 : memref<632x128xf32, #tpu.memory_space<hbm>>)
      tpu.yield
    }) : () -> ()
    return
  }
}

#map = affine_map<(d0, d1) -> (0)>
#map1 = affine_map<(d0, d1) -> (0, 0)>
#map2 = affine_map<(d0, d1) -> (0, 0, 0)>
module attributes {stable_mosaic.version = 14 : i64} {
  func.func @_sdeg(%arg0: i32, %arg1: i32, %arg2: memref<327680xi32, #tpu.memory_space<hbm>>, %arg3: memref<128x16xf32, #tpu.memory_space<hbm>>, %arg4: memref<10112x16xf32, #tpu.memory_space<hbm>>, %arg5: memref<2x10112x16xf32, #tpu.memory_space<hbm>>, %arg6: memref<128xi32, #tpu.memory_space<vmem>>, %arg7: memref<128x16xf32, #tpu.memory_space<vmem>>, %arg8: memref<10112x16xf32, #tpu.memory_space<vmem_shared>>, %arg9: memref<!tpu.dma_semaphore, #tpu.memory_space<semaphore_mem>>) attributes {dimension_semantics = [#tpu.dimension_semantics<core_parallel>, #tpu.dimension_semantics<subcore_parallel>], iteration_bounds = array<i64: 2, 16>, scalar_prefetch = 0 : i64, scratch_operands = 4 : i64, tpu.core_type = #tpu.core_type<sc_vector_subcore>, window_params = [{transform_indices = #map}, {transform_indices = #map1}, {transform_indices = #map1}, {transform_indices = #map2}]} {
    %mul3A = arith.constant 16 : i32
    %mul3A_0 = arith.muli %arg0, %mul3A : i32
    %add3A = arith.addi %mul3A_0, %arg1 : i32
    %mul3A_1 = arith.constant 632 : i32
    %mul3A_2 = arith.muli %arg1, %mul3A_1 : i32
    %mul3A_3 = arith.constant 632 : i32
    %mul3A_4 = arith.muli %arg1, %mul3A_3 : i32
    "tpu.region"() ({
      %run_scoped3A = tpu.sem_alloc : memref<!tpu.dma_semaphore, #tpu.memory_space<semaphore_mem>>
      %dma_start3A = arith.constant 0 : i32
      %dma_start3A_17 = tpu.memref_slice %arg8[%mul3A_4, %dma_start3A] : memref<10112x16xf32, #tpu.memory_space<vmem_shared>> -> memref<632x16xf32, #tpu.memory_space<vmem_shared>>
      %dma_start3A_18 = arith.constant 0 : i32
      %dma_start3A_19 = tpu.memref_slice %arg4[%mul3A_2, %dma_start3A_18] : memref<10112x16xf32, #tpu.memory_space<hbm>> -> memref<632x16xf32, #tpu.memory_space<hbm>>
      tpu.enqueue_dma source(%dma_start3A_19 : memref<632x16xf32, #tpu.memory_space<hbm>>) target(%dma_start3A_17 : memref<632x16xf32, #tpu.memory_space<vmem_shared>>) target_semaphore(%run_scoped3A : memref<!tpu.dma_semaphore, #tpu.memory_space<semaphore_mem>>)
      %dma_wait3A = arith.constant 0 : i32
      %dma_wait3A_20 = tpu.memref_slice %arg8[%mul3A_4, %dma_wait3A] : memref<10112x16xf32, #tpu.memory_space<vmem_shared>> -> memref<632x16xf32, #tpu.memory_space<vmem_shared>>
      %dma_wait3A_21 = arith.constant 0 : i32
      %dma_wait3A_22 = tpu.memref_slice %arg4[%mul3A_2, %dma_wait3A_21] : memref<10112x16xf32, #tpu.memory_space<hbm>> -> memref<632x16xf32, #tpu.memory_space<hbm>>
      tpu.wait_dma2 semaphore(%run_scoped3A : memref<!tpu.dma_semaphore, #tpu.memory_space<semaphore_mem>>) src(%dma_wait3A_22 : memref<632x16xf32, #tpu.memory_space<hbm>>) dst(%dma_wait3A_20 : memref<632x16xf32, #tpu.memory_space<vmem_shared>>)
      tpu.yield
    }) : () -> ()
    "tpu.region"() ({
      %run_scoped3A = tpu.sem_alloc : memref<!tpu.dma_semaphore, #tpu.memory_space<semaphore_mem>>
      tpu.enqueue_dma source(%arg3 : memref<128x16xf32, #tpu.memory_space<hbm>>) target(%arg7 : memref<128x16xf32, #tpu.memory_space<vmem>>) target_semaphore(%run_scoped3A : memref<!tpu.dma_semaphore, #tpu.memory_space<semaphore_mem>>)
      tpu.wait_dma2 semaphore(%run_scoped3A : memref<!tpu.dma_semaphore, #tpu.memory_space<semaphore_mem>>) src(%arg3 : memref<128x16xf32, #tpu.memory_space<hbm>>) dst(%arg7 : memref<128x16xf32, #tpu.memory_space<vmem>>)
      tpu.yield
    }) : () -> ()
    %barrier3A = arith.constant 0 : index
    tpu.barrier barrier_id(%barrier3A)
    %mul3A_5 = arith.constant 10240 : i32
    %mul3A_6 = arith.muli %add3A, %mul3A_5 : i32
    %scan3A = arith.constant 0 : i32
    %scan3A_7 = arith.constant 0 : i32
    %scan3A_8 = arith.constant 80 : i32
    %scan3A_9 = arith.addi %scan3A_7, %scan3A_8 : i32
    %scan3A_10 = arith.constant 1 : i32
    scf.for %scan3A_17 = %scan3A_7 to %scan3A_9 step %scan3A_10  : i32 {
      %mul3A_18 = arith.constant 128 : i32
      %mul3A_19 = arith.muli %scan3A_17, %mul3A_18 : i32
      %add3A_20 = arith.addi %mul3A_6, %mul3A_19 : i32
      "tpu.region"() ({
        %run_scoped3A = tpu.sem_alloc : memref<!tpu.dma_semaphore, #tpu.memory_space<semaphore_mem>>
        %dma_start3A = tpu.memref_slice %arg2[%add3A_20] : memref<327680xi32, #tpu.memory_space<hbm>> -> memref<128xi32, #tpu.memory_space<hbm>>
        %dma_start3A_21 = tpu.memref_slice %arg2[%add3A_20] : memref<327680xi32, #tpu.memory_space<hbm>> -> memref<128xi32, #tpu.memory_space<hbm>>
        tpu.enqueue_dma source(%dma_start3A_21 : memref<128xi32, #tpu.memory_space<hbm>>) target(%arg6 : memref<128xi32, #tpu.memory_space<vmem>>) target_semaphore(%run_scoped3A : memref<!tpu.dma_semaphore, #tpu.memory_space<semaphore_mem>>)
        %dma_wait3A = tpu.memref_slice %arg2[%add3A_20] : memref<327680xi32, #tpu.memory_space<hbm>> -> memref<128xi32, #tpu.memory_space<hbm>>
        %dma_wait3A_22 = tpu.memref_slice %arg2[%add3A_20] : memref<327680xi32, #tpu.memory_space<hbm>> -> memref<128xi32, #tpu.memory_space<hbm>>
        tpu.wait_dma2 semaphore(%run_scoped3A : memref<!tpu.dma_semaphore, #tpu.memory_space<semaphore_mem>>) src(%dma_wait3A_22 : memref<128xi32, #tpu.memory_space<hbm>>) dst(%arg6 : memref<128xi32, #tpu.memory_space<vmem>>)
        tpu.yield
      }) : () -> ()
      "tpu.region"() ({
        %run_scoped3A = tpu.sem_alloc : memref<!tpu.dma_semaphore, #tpu.memory_space<semaphore_mem>>
        %dma_start3A = arith.constant 0 : i32
        %dma_start3A_21 = arith.constant 0 : i32
        %dma_start3A_22 = tpu.memref_slice %arg8[%dma_start3A, %dma_start3A_21] : memref<10112x16xf32, #tpu.memory_space<vmem_shared>> -> memref<10112x16xf32, #tpu.memory_space<vmem_shared>>
        tpu.enqueue_indirect_dma source(%arg7 : memref<128x16xf32, #tpu.memory_space<vmem>>) target(%dma_start3A_22 : memref<10112x16xf32, #tpu.memory_space<vmem_shared>>) offsets(%arg6 : memref<128xi32, #tpu.memory_space<vmem>>) semaphore(%run_scoped3A : memref<!tpu.dma_semaphore, #tpu.memory_space<semaphore_mem>>) {add = true}
        %dma_wait3A = arith.constant 0 : i32
        %dma_wait3A_23 = arith.constant 0 : i32
        %dma_wait3A_24 = tpu.memref_slice %arg8[%dma_wait3A, %dma_wait3A_23] : memref<10112x16xf32, #tpu.memory_space<vmem_shared>> -> memref<10112x16xf32, #tpu.memory_space<vmem_shared>>
        tpu.wait_indirect_dma semaphore(%run_scoped3A : memref<!tpu.dma_semaphore, #tpu.memory_space<semaphore_mem>>) src(%arg7 : memref<128x16xf32, #tpu.memory_space<vmem>>) dst(%dma_wait3A_24 : memref<10112x16xf32, #tpu.memory_space<vmem_shared>>)
        tpu.yield
      }) : () -> ()
    }
    %scan3A_11 = arith.constant 80 : i32
    %barrier3A_12 = arith.constant 0 : index
    tpu.barrier barrier_id(%barrier3A_12)
    %mul3A_13 = arith.constant 632 : i32
    %mul3A_14 = arith.muli %arg1, %mul3A_13 : i32
    %mul3A_15 = arith.constant 632 : i32
    %mul3A_16 = arith.muli %arg1, %mul3A_15 : i32
    "tpu.region"() ({
      %run_scoped3A = tpu.sem_alloc : memref<!tpu.dma_semaphore, #tpu.memory_space<semaphore_mem>>
      %dma_start3A = arith.constant 0 : i32
      %dma_start3A_17 = tpu.memref_slice %arg5[%arg0, %mul3A_16, %dma_start3A] : memref<2x10112x16xf32, #tpu.memory_space<hbm>> -> memref<1x632x16xf32, #tpu.memory_space<hbm>>
      %dma_start3A_18 = tpu.memref_squeeze %dma_start3A_17 : memref<1x632x16xf32, #tpu.memory_space<hbm>> -> memref<632x16xf32, #tpu.memory_space<hbm>>
      %dma_start3A_19 = arith.constant 0 : i32
      %dma_start3A_20 = tpu.memref_slice %arg8[%mul3A_14, %dma_start3A_19] : memref<10112x16xf32, #tpu.memory_space<vmem_shared>> -> memref<632x16xf32, #tpu.memory_space<vmem_shared>>
      tpu.enqueue_dma source(%dma_start3A_20 : memref<632x16xf32, #tpu.memory_space<vmem_shared>>) target(%dma_start3A_18 : memref<632x16xf32, #tpu.memory_space<hbm>>) target_semaphore(%run_scoped3A : memref<!tpu.dma_semaphore, #tpu.memory_space<semaphore_mem>>)
      %dma_wait3A = arith.constant 0 : i32
      %dma_wait3A_21 = tpu.memref_slice %arg5[%arg0, %mul3A_16, %dma_wait3A] : memref<2x10112x16xf32, #tpu.memory_space<hbm>> -> memref<1x632x16xf32, #tpu.memory_space<hbm>>
      %dma_wait3A_22 = tpu.memref_squeeze %dma_wait3A_21 : memref<1x632x16xf32, #tpu.memory_space<hbm>> -> memref<632x16xf32, #tpu.memory_space<hbm>>
      %dma_wait3A_23 = arith.constant 0 : i32
      %dma_wait3A_24 = tpu.memref_slice %arg8[%mul3A_14, %dma_wait3A_23] : memref<10112x16xf32, #tpu.memory_space<vmem_shared>> -> memref<632x16xf32, #tpu.memory_space<vmem_shared>>
      tpu.wait_dma2 semaphore(%run_scoped3A : memref<!tpu.dma_semaphore, #tpu.memory_space<semaphore_mem>>) src(%dma_wait3A_24 : memref<632x16xf32, #tpu.memory_space<vmem_shared>>) dst(%dma_wait3A_22 : memref<632x16xf32, #tpu.memory_space<hbm>>)
      tpu.yield
    }) : () -> ()
    return
  }
}

#map = affine_map<(d0, d1) -> (0, 0)>
#map1 = affine_map<(d0, d1) -> (0)>
#map2 = affine_map<(d0, d1) -> (0, 0, 0)>
module attributes {stable_mosaic.version = 14 : i64} {
  func.func @_sscat(%arg0: i32, %arg1: i32, %arg2: memref<10000x128xf32, #tpu.memory_space<hbm>>, %arg3: memref<327680xi32, #tpu.memory_space<hbm>>, %arg4: memref<327680xi32, #tpu.memory_space<hbm>>, %arg5: memref<10112x128xf32, #tpu.memory_space<hbm>>, %arg6: memref<2x10112x128xf32, #tpu.memory_space<hbm>>, %arg7: memref<128xi32, #tpu.memory_space<vmem>>, %arg8: memref<128xi32, #tpu.memory_space<vmem>>, %arg9: memref<128xi32, #tpu.memory_space<vmem>>, %arg10: memref<128xi32, #tpu.memory_space<vmem>>, %arg11: memref<128x128xf32, #tpu.memory_space<vmem>>, %arg12: memref<128x128xf32, #tpu.memory_space<vmem>>, %arg13: memref<10112x128xf32, #tpu.memory_space<vmem_shared>>, %arg14: memref<!tpu.dma_semaphore, #tpu.memory_space<semaphore_mem>>, %arg15: memref<!tpu.dma_semaphore, #tpu.memory_space<semaphore_mem>>) attributes {dimension_semantics = [#tpu.dimension_semantics<core_parallel>, #tpu.dimension_semantics<subcore_parallel>], iteration_bounds = array<i64: 2, 16>, scalar_prefetch = 0 : i64, scratch_operands = 9 : i64, tpu.core_type = #tpu.core_type<sc_vector_subcore>, window_params = [{transform_indices = #map}, {transform_indices = #map1}, {transform_indices = #map1}, {transform_indices = #map}, {transform_indices = #map2}]} {
    %mul3A = arith.constant 16 : i32
    %mul3A_0 = arith.muli %arg0, %mul3A : i32
    %add3A = arith.addi %mul3A_0, %arg1 : i32
    %mul3A_1 = arith.constant 632 : i32
    %mul3A_2 = arith.muli %arg1, %mul3A_1 : i32
    %mul3A_3 = arith.constant 632 : i32
    %mul3A_4 = arith.muli %arg1, %mul3A_3 : i32
    "tpu.region"() ({
      %run_scoped3A = tpu.sem_alloc : memref<!tpu.dma_semaphore, #tpu.memory_space<semaphore_mem>>
      %dma_start3A = arith.constant 0 : i32
      %dma_start3A_52 = tpu.memref_slice %arg13[%mul3A_4, %dma_start3A] : memref<10112x128xf32, #tpu.memory_space<vmem_shared>> -> memref<632x128xf32, #tpu.memory_space<vmem_shared>>
      %dma_start3A_53 = arith.constant 0 : i32
      %dma_start3A_54 = tpu.memref_slice %arg5[%mul3A_2, %dma_start3A_53] : memref<10112x128xf32, #tpu.memory_space<hbm>> -> memref<632x128xf32, #tpu.memory_space<hbm>>
      tpu.enqueue_dma source(%dma_start3A_54 : memref<632x128xf32, #tpu.memory_space<hbm>>) target(%dma_start3A_52 : memref<632x128xf32, #tpu.memory_space<vmem_shared>>) target_semaphore(%run_scoped3A : memref<!tpu.dma_semaphore, #tpu.memory_space<semaphore_mem>>)
      %dma_wait3A = arith.constant 0 : i32
      %dma_wait3A_55 = tpu.memref_slice %arg13[%mul3A_4, %dma_wait3A] : memref<10112x128xf32, #tpu.memory_space<vmem_shared>> -> memref<632x128xf32, #tpu.memory_space<vmem_shared>>
      %dma_wait3A_56 = arith.constant 0 : i32
      %dma_wait3A_57 = tpu.memref_slice %arg5[%mul3A_2, %dma_wait3A_56] : memref<10112x128xf32, #tpu.memory_space<hbm>> -> memref<632x128xf32, #tpu.memory_space<hbm>>
      tpu.wait_dma2 semaphore(%run_scoped3A : memref<!tpu.dma_semaphore, #tpu.memory_space<semaphore_mem>>) src(%dma_wait3A_57 : memref<632x128xf32, #tpu.memory_space<hbm>>) dst(%dma_wait3A_55 : memref<632x128xf32, #tpu.memory_space<vmem_shared>>)
      tpu.yield
    }) : () -> ()
    %barrier3A = arith.constant 0 : index
    tpu.barrier barrier_id(%barrier3A)
    %eq3A = arith.constant 0 : i32
    %eq3A_5 = arith.cmpi eq, %arg0, %eq3A : i32
    %mul3A_6 = arith.constant 128 : i32
    %mul3A_7 = arith.muli %arg1, %mul3A_6 : i32
    %mul3A_8 = arith.constant 32 : i32
    %mul3A_9 = arith.muli %arg1, %mul3A_8 : i32
    %add3A_10 = arith.constant 2048 : i32
    %add3A_11 = arith.addi %add3A_10, %mul3A_9 : i32
    %select_n3A = arith.select %eq3A_5, %mul3A_7, %add3A_11 : i32
    %mul3A_12 = arith.constant 128 : i32
    %mul3A_13 = arith.muli %select_n3A, %mul3A_12 : i32
    %eq3A_14 = arith.constant 0 : i32
    %eq3A_15 = arith.cmpi eq, %arg0, %eq3A_14 : i32
    %jit3A = arith.constant 128 : i32
    %jit3A_16 = arith.constant 32 : i32
    %select_n3A_17 = arith.select %eq3A_15, %jit3A, %jit3A_16 : i32
    %gt3A = arith.constant 0 : i32
    %gt3A_18 = arith.cmpi sgt, %select_n3A_17, %gt3A : i32
    %convert_element_type3A = arith.extui %gt3A_18 : i1 to i32
    %cond3A = arith.constant 0 : i32
    %cond3A_19 = arith.cmpi ne, %convert_element_type3A, %cond3A : i32
    scf.if %cond3A_19 {
      "tpu.region"() ({
        %run_scoped3A = tpu.sem_alloc : memref<!tpu.dma_semaphore, #tpu.memory_space<semaphore_mem>>
        %dma_start3A_54 = tpu.memref_slice %arg3[%mul3A_13] : memref<327680xi32, #tpu.memory_space<hbm>> -> memref<128xi32, #tpu.memory_space<hbm>>
        %dma_start3A_55 = tpu.memref_slice %arg3[%mul3A_13] : memref<327680xi32, #tpu.memory_space<hbm>> -> memref<128xi32, #tpu.memory_space<hbm>>
        tpu.enqueue_dma source(%dma_start3A_55 : memref<128xi32, #tpu.memory_space<hbm>>) target(%arg7 : memref<128xi32, #tpu.memory_space<vmem>>) target_semaphore(%run_scoped3A : memref<!tpu.dma_semaphore, #tpu.memory_space<semaphore_mem>>)
        %dma_wait3A = tpu.memref_slice %arg3[%mul3A_13] : memref<327680xi32, #tpu.memory_space<hbm>> -> memref<128xi32, #tpu.memory_space<hbm>>
        %dma_wait3A_56 = tpu.memref_slice %arg3[%mul3A_13] : memref<327680xi32, #tpu.memory_space<hbm>> -> memref<128xi32, #tpu.memory_space<hbm>>
        tpu.wait_dma2 semaphore(%run_scoped3A : memref<!tpu.dma_semaphore, #tpu.memory_space<semaphore_mem>>) src(%dma_wait3A_56 : memref<128xi32, #tpu.memory_space<hbm>>) dst(%arg7 : memref<128xi32, #tpu.memory_space<vmem>>)
        tpu.yield
      }) : () -> ()
      "tpu.region"() ({
        %run_scoped3A = tpu.sem_alloc : memref<!tpu.dma_semaphore, #tpu.memory_space<semaphore_mem>>
        %dma_start3A_54 = tpu.memref_slice %arg4[%mul3A_13] : memref<327680xi32, #tpu.memory_space<hbm>> -> memref<128xi32, #tpu.memory_space<hbm>>
        %dma_start3A_55 = tpu.memref_slice %arg4[%mul3A_13] : memref<327680xi32, #tpu.memory_space<hbm>> -> memref<128xi32, #tpu.memory_space<hbm>>
        tpu.enqueue_dma source(%dma_start3A_55 : memref<128xi32, #tpu.memory_space<hbm>>) target(%arg9 : memref<128xi32, #tpu.memory_space<vmem>>) target_semaphore(%run_scoped3A : memref<!tpu.dma_semaphore, #tpu.memory_space<semaphore_mem>>)
        %dma_wait3A = tpu.memref_slice %arg4[%mul3A_13] : memref<327680xi32, #tpu.memory_space<hbm>> -> memref<128xi32, #tpu.memory_space<hbm>>
        %dma_wait3A_56 = tpu.memref_slice %arg4[%mul3A_13] : memref<327680xi32, #tpu.memory_space<hbm>> -> memref<128xi32, #tpu.memory_space<hbm>>
        tpu.wait_dma2 semaphore(%run_scoped3A : memref<!tpu.dma_semaphore, #tpu.memory_space<semaphore_mem>>) src(%dma_wait3A_56 : memref<128xi32, #tpu.memory_space<hbm>>) dst(%arg9 : memref<128xi32, #tpu.memory_space<vmem>>)
        tpu.yield
      }) : () -> ()
      %dma_start3A = arith.constant 0 : i32
      %dma_start3A_52 = arith.constant 0 : i32
      %dma_start3A_53 = tpu.memref_slice %arg2[%dma_start3A, %dma_start3A_52] : memref<10000x128xf32, #tpu.memory_space<hbm>> -> memref<10000x128xf32, #tpu.memory_space<hbm>>
      tpu.enqueue_indirect_dma source(%dma_start3A_53 : memref<10000x128xf32, #tpu.memory_space<hbm>>) target(%arg11 : memref<128x128xf32, #tpu.memory_space<vmem>>) offsets(%arg7 : memref<128xi32, #tpu.memory_space<vmem>>) semaphore(%arg14 : memref<!tpu.dma_semaphore, #tpu.memory_space<semaphore_mem>>)
    } else {
    }
    %jit3A_20 = arith.constant 2 : i32
    %div3A = arith.divsi %select_n3A_17, %jit3A_20 : i32
    %sign3A = arith.constant 0 : i32
    %sign3A_21 = arith.cmpi sgt, %select_n3A_17, %sign3A : i32
    %sign3A_22 = arith.extui %sign3A_21 : i1 to i32
    %sign3A_23 = arith.constant 0 : i32
    %sign3A_24 = arith.cmpi slt, %select_n3A_17, %sign3A_23 : i32
    %sign3A_25 = arith.extui %sign3A_24 : i1 to i32
    %sign3A_26 = arith.subi %sign3A_22, %sign3A_25 : i32
    %sign3A_27 = arith.constant 0 : i32
    %sign3A_28 = arith.cmpi sgt, %jit3A_20, %sign3A_27 : i32
    %sign3A_29 = arith.extui %sign3A_28 : i1 to i32
    %sign3A_30 = arith.constant 0 : i32
    %sign3A_31 = arith.cmpi slt, %jit3A_20, %sign3A_30 : i32
    %sign3A_32 = arith.extui %sign3A_31 : i1 to i32
    %sign3A_33 = arith.subi %sign3A_29, %sign3A_32 : i32
    %ne3A = arith.cmpi ne, %sign3A_26, %sign3A_33 : i32
    %rem3A = arith.remsi %select_n3A_17, %jit3A_20 : i32
    %ne3A_34 = arith.constant 0 : i32
    %ne3A_35 = arith.cmpi ne, %rem3A, %ne3A_34 : i32
    %and3A = arith.andi %ne3A, %ne3A_35 : i1
    %sub3A = arith.constant 1 : i32
    %sub3A_36 = arith.subi %div3A, %sub3A : i32
    %select_n3A_37 = arith.select %and3A, %sub3A_36, %div3A : i32
    %while3A = arith.constant 0 : i32
    %while3A_38 = arith.constant 0 : i32
    %while3A_39 = arith.subi %select_n3A_37, %while3A_38 : i32
    %while3A_40 = arith.addi %while3A_38, %while3A_39 : i32
    %while3A_41 = arith.constant 1 : i32
    %while3A_42 = arith.divsi %while3A_39, %while3A_41 : i32
    %while3A_43 = arith.muli %while3A_42, %while3A_41 : i32
    %while3A_44 = arith.addi %while3A_38, %while3A_43 : i32
    %while3A_45 = arith.constant 1 : i32
    scf.for %while3A_52 = %while3A_38 to %while3A_44 step %while3A_45  : i32 {
      %mul3A_53 = arith.constant 2 : i32
      %mul3A_54 = arith.muli %mul3A_53, %while3A_52 : i32
      %mul3A_55 = arith.constant 128 : i32
      %mul3A_56 = arith.muli %mul3A_54, %mul3A_55 : i32
      %add3A_57 = arith.addi %mul3A_13, %mul3A_56 : i32
      %add3A_58 = arith.constant 128 : i32
      %add3A_59 = arith.addi %add3A_57, %add3A_58 : i32
      "tpu.region"() ({
        %run_scoped3A = tpu.sem_alloc : memref<!tpu.dma_semaphore, #tpu.memory_space<semaphore_mem>>
        %dma_start3A_84 = tpu.memref_slice %arg3[%add3A_59] : memref<327680xi32, #tpu.memory_space<hbm>> -> memref<128xi32, #tpu.memory_space<hbm>>
        %dma_start3A_85 = tpu.memref_slice %arg3[%add3A_59] : memref<327680xi32, #tpu.memory_space<hbm>> -> memref<128xi32, #tpu.memory_space<hbm>>
        tpu.enqueue_dma source(%dma_start3A_85 : memref<128xi32, #tpu.memory_space<hbm>>) target(%arg8 : memref<128xi32, #tpu.memory_space<vmem>>) target_semaphore(%run_scoped3A : memref<!tpu.dma_semaphore, #tpu.memory_space<semaphore_mem>>)
        %dma_wait3A_86 = tpu.memref_slice %arg3[%add3A_59] : memref<327680xi32, #tpu.memory_space<hbm>> -> memref<128xi32, #tpu.memory_space<hbm>>
        %dma_wait3A_87 = tpu.memref_slice %arg3[%add3A_59] : memref<327680xi32, #tpu.memory_space<hbm>> -> memref<128xi32, #tpu.memory_space<hbm>>
        tpu.wait_dma2 semaphore(%run_scoped3A : memref<!tpu.dma_semaphore, #tpu.memory_space<semaphore_mem>>) src(%dma_wait3A_87 : memref<128xi32, #tpu.memory_space<hbm>>) dst(%arg8 : memref<128xi32, #tpu.memory_space<vmem>>)
        tpu.yield
      }) : () -> ()
      %add3A_60 = arith.constant 128 : i32
      %add3A_61 = arith.addi %add3A_57, %add3A_60 : i32
      "tpu.region"() ({
        %run_scoped3A = tpu.sem_alloc : memref<!tpu.dma_semaphore, #tpu.memory_space<semaphore_mem>>
        %dma_start3A_84 = tpu.memref_slice %arg4[%add3A_61] : memref<327680xi32, #tpu.memory_space<hbm>> -> memref<128xi32, #tpu.memory_space<hbm>>
        %dma_start3A_85 = tpu.memref_slice %arg4[%add3A_61] : memref<327680xi32, #tpu.memory_space<hbm>> -> memref<128xi32, #tpu.memory_space<hbm>>
        tpu.enqueue_dma source(%dma_start3A_85 : memref<128xi32, #tpu.memory_space<hbm>>) target(%arg10 : memref<128xi32, #tpu.memory_space<vmem>>) target_semaphore(%run_scoped3A : memref<!tpu.dma_semaphore, #tpu.memory_space<semaphore_mem>>)
        %dma_wait3A_86 = tpu.memref_slice %arg4[%add3A_61] : memref<327680xi32, #tpu.memory_space<hbm>> -> memref<128xi32, #tpu.memory_space<hbm>>
        %dma_wait3A_87 = tpu.memref_slice %arg4[%add3A_61] : memref<327680xi32, #tpu.memory_space<hbm>> -> memref<128xi32, #tpu.memory_space<hbm>>
        tpu.wait_dma2 semaphore(%run_scoped3A : memref<!tpu.dma_semaphore, #tpu.memory_space<semaphore_mem>>) src(%dma_wait3A_87 : memref<128xi32, #tpu.memory_space<hbm>>) dst(%arg10 : memref<128xi32, #tpu.memory_space<vmem>>)
        tpu.yield
      }) : () -> ()
      %dma_wait3A = arith.constant 0 : i32
      %dma_wait3A_62 = arith.constant 0 : i32
      %dma_wait3A_63 = tpu.memref_slice %arg2[%dma_wait3A, %dma_wait3A_62] : memref<10000x128xf32, #tpu.memory_space<hbm>> -> memref<10000x128xf32, #tpu.memory_space<hbm>>
      tpu.wait_indirect_dma semaphore(%arg14 : memref<!tpu.dma_semaphore, #tpu.memory_space<semaphore_mem>>) src(%dma_wait3A_63 : memref<10000x128xf32, #tpu.memory_space<hbm>>) dst(%arg11 : memref<128x128xf32, #tpu.memory_space<vmem>>)
      %dma_start3A = arith.constant 0 : i32
      %dma_start3A_64 = arith.constant 0 : i32
      %dma_start3A_65 = tpu.memref_slice %arg2[%dma_start3A, %dma_start3A_64] : memref<10000x128xf32, #tpu.memory_space<hbm>> -> memref<10000x128xf32, #tpu.memory_space<hbm>>
      tpu.enqueue_indirect_dma source(%dma_start3A_65 : memref<10000x128xf32, #tpu.memory_space<hbm>>) target(%arg12 : memref<128x128xf32, #tpu.memory_space<vmem>>) offsets(%arg8 : memref<128xi32, #tpu.memory_space<vmem>>) semaphore(%arg15 : memref<!tpu.dma_semaphore, #tpu.memory_space<semaphore_mem>>)
      "tpu.region"() ({
        %run_scoped3A = tpu.sem_alloc : memref<!tpu.dma_semaphore, #tpu.memory_space<semaphore_mem>>
        %dma_start3A_84 = arith.constant 0 : i32
        %dma_start3A_85 = arith.constant 0 : i32
        %dma_start3A_86 = tpu.memref_slice %arg13[%dma_start3A_84, %dma_start3A_85] : memref<10112x128xf32, #tpu.memory_space<vmem_shared>> -> memref<10112x128xf32, #tpu.memory_space<vmem_shared>>
        tpu.enqueue_indirect_dma source(%arg11 : memref<128x128xf32, #tpu.memory_space<vmem>>) target(%dma_start3A_86 : memref<10112x128xf32, #tpu.memory_space<vmem_shared>>) offsets(%arg9 : memref<128xi32, #tpu.memory_space<vmem>>) semaphore(%run_scoped3A : memref<!tpu.dma_semaphore, #tpu.memory_space<semaphore_mem>>) {add = true}
        %dma_wait3A_87 = arith.constant 0 : i32
        %dma_wait3A_88 = arith.constant 0 : i32
        %dma_wait3A_89 = tpu.memref_slice %arg13[%dma_wait3A_87, %dma_wait3A_88] : memref<10112x128xf32, #tpu.memory_space<vmem_shared>> -> memref<10112x128xf32, #tpu.memory_space<vmem_shared>>
        tpu.wait_indirect_dma semaphore(%run_scoped3A : memref<!tpu.dma_semaphore, #tpu.memory_space<semaphore_mem>>) src(%arg11 : memref<128x128xf32, #tpu.memory_space<vmem>>) dst(%dma_wait3A_89 : memref<10112x128xf32, #tpu.memory_space<vmem_shared>>)
        tpu.yield
      }) : () -> ()
      %mul3A_66 = arith.constant 2 : i32
      %mul3A_67 = arith.muli %mul3A_66, %while3A_52 : i32
      %add3A_68 = arith.constant 2 : i32
      %add3A_69 = arith.addi %mul3A_67, %add3A_68 : i32
      %lt3A = arith.cmpi slt, %add3A_69, %select_n3A_17 : i32
      %convert_element_type3A_70 = arith.extui %lt3A : i1 to i32
      %cond3A_71 = arith.constant 0 : i32
      %cond3A_72 = arith.cmpi ne, %convert_element_type3A_70, %cond3A_71 : i32
      scf.if %cond3A_72 {
        %add3A_84 = arith.constant 256 : i32
        %add3A_85 = arith.addi %add3A_57, %add3A_84 : i32
        "tpu.region"() ({
          %run_scoped3A = tpu.sem_alloc : memref<!tpu.dma_semaphore, #tpu.memory_space<semaphore_mem>>
          %dma_start3A_88 = tpu.memref_slice %arg3[%add3A_85] : memref<327680xi32, #tpu.memory_space<hbm>> -> memref<128xi32, #tpu.memory_space<hbm>>
          %dma_start3A_89 = tpu.memref_slice %arg3[%add3A_85] : memref<327680xi32, #tpu.memory_space<hbm>> -> memref<128xi32, #tpu.memory_space<hbm>>
          tpu.enqueue_dma source(%dma_start3A_89 : memref<128xi32, #tpu.memory_space<hbm>>) target(%arg7 : memref<128xi32, #tpu.memory_space<vmem>>) target_semaphore(%run_scoped3A : memref<!tpu.dma_semaphore, #tpu.memory_space<semaphore_mem>>)
          %dma_wait3A_90 = tpu.memref_slice %arg3[%add3A_85] : memref<327680xi32, #tpu.memory_space<hbm>> -> memref<128xi32, #tpu.memory_space<hbm>>
          %dma_wait3A_91 = tpu.memref_slice %arg3[%add3A_85] : memref<327680xi32, #tpu.memory_space<hbm>> -> memref<128xi32, #tpu.memory_space<hbm>>
          tpu.wait_dma2 semaphore(%run_scoped3A : memref<!tpu.dma_semaphore, #tpu.memory_space<semaphore_mem>>) src(%dma_wait3A_91 : memref<128xi32, #tpu.memory_space<hbm>>) dst(%arg7 : memref<128xi32, #tpu.memory_space<vmem>>)
          tpu.yield
        }) : () -> ()
        %add3A_86 = arith.constant 256 : i32
        %add3A_87 = arith.addi %add3A_57, %add3A_86 : i32
        "tpu.region"() ({
          %run_scoped3A = tpu.sem_alloc : memref<!tpu.dma_semaphore, #tpu.memory_space<semaphore_mem>>
          %dma_start3A_88 = tpu.memref_slice %arg4[%add3A_87] : memref<327680xi32, #tpu.memory_space<hbm>> -> memref<128xi32, #tpu.memory_space<hbm>>
          %dma_start3A_89 = tpu.memref_slice %arg4[%add3A_87] : memref<327680xi32, #tpu.memory_space<hbm>> -> memref<128xi32, #tpu.memory_space<hbm>>
          tpu.enqueue_dma source(%dma_start3A_89 : memref<128xi32, #tpu.memory_space<hbm>>) target(%arg9 : memref<128xi32, #tpu.memory_space<vmem>>) target_semaphore(%run_scoped3A : memref<!tpu.dma_semaphore, #tpu.memory_space<semaphore_mem>>)
          %dma_wait3A_90 = tpu.memref_slice %arg4[%add3A_87] : memref<327680xi32, #tpu.memory_space<hbm>> -> memref<128xi32, #tpu.memory_space<hbm>>
          %dma_wait3A_91 = tpu.memref_slice %arg4[%add3A_87] : memref<327680xi32, #tpu.memory_space<hbm>> -> memref<128xi32, #tpu.memory_space<hbm>>
          tpu.wait_dma2 semaphore(%run_scoped3A : memref<!tpu.dma_semaphore, #tpu.memory_space<semaphore_mem>>) src(%dma_wait3A_91 : memref<128xi32, #tpu.memory_space<hbm>>) dst(%arg9 : memref<128xi32, #tpu.memory_space<vmem>>)
          tpu.yield
        }) : () -> ()
      } else {
      }
      %dma_wait3A_73 = arith.constant 0 : i32
      %dma_wait3A_74 = arith.constant 0 : i32
      %dma_wait3A_75 = tpu.memref_slice %arg2[%dma_wait3A_73, %dma_wait3A_74] : memref<10000x128xf32, #tpu.memory_space<hbm>> -> memref<10000x128xf32, #tpu.memory_space<hbm>>
      tpu.wait_indirect_dma semaphore(%arg15 : memref<!tpu.dma_semaphore, #tpu.memory_space<semaphore_mem>>) src(%dma_wait3A_75 : memref<10000x128xf32, #tpu.memory_space<hbm>>) dst(%arg12 : memref<128x128xf32, #tpu.memory_space<vmem>>)
      %mul3A_76 = arith.constant 2 : i32
      %mul3A_77 = arith.muli %mul3A_76, %while3A_52 : i32
      %add3A_78 = arith.constant 2 : i32
      %add3A_79 = arith.addi %mul3A_77, %add3A_78 : i32
      %lt3A_80 = arith.cmpi slt, %add3A_79, %select_n3A_17 : i32
      %convert_element_type3A_81 = arith.extui %lt3A_80 : i1 to i32
      %cond3A_82 = arith.constant 0 : i32
      %cond3A_83 = arith.cmpi ne, %convert_element_type3A_81, %cond3A_82 : i32
      scf.if %cond3A_83 {
        %dma_start3A_84 = arith.constant 0 : i32
        %dma_start3A_85 = arith.constant 0 : i32
        %dma_start3A_86 = tpu.memref_slice %arg2[%dma_start3A_84, %dma_start3A_85] : memref<10000x128xf32, #tpu.memory_space<hbm>> -> memref<10000x128xf32, #tpu.memory_space<hbm>>
        tpu.enqueue_indirect_dma source(%dma_start3A_86 : memref<10000x128xf32, #tpu.memory_space<hbm>>) target(%arg11 : memref<128x128xf32, #tpu.memory_space<vmem>>) offsets(%arg7 : memref<128xi32, #tpu.memory_space<vmem>>) semaphore(%arg14 : memref<!tpu.dma_semaphore, #tpu.memory_space<semaphore_mem>>)
      } else {
      }
      "tpu.region"() ({
        %run_scoped3A = tpu.sem_alloc : memref<!tpu.dma_semaphore, #tpu.memory_space<semaphore_mem>>
        %dma_start3A_84 = arith.constant 0 : i32
        %dma_start3A_85 = arith.constant 0 : i32
        %dma_start3A_86 = tpu.memref_slice %arg13[%dma_start3A_84, %dma_start3A_85] : memref<10112x128xf32, #tpu.memory_space<vmem_shared>> -> memref<10112x128xf32, #tpu.memory_space<vmem_shared>>
        tpu.enqueue_indirect_dma source(%arg12 : memref<128x128xf32, #tpu.memory_space<vmem>>) target(%dma_start3A_86 : memref<10112x128xf32, #tpu.memory_space<vmem_shared>>) offsets(%arg10 : memref<128xi32, #tpu.memory_space<vmem>>) semaphore(%run_scoped3A : memref<!tpu.dma_semaphore, #tpu.memory_space<semaphore_mem>>) {add = true}
        %dma_wait3A_87 = arith.constant 0 : i32
        %dma_wait3A_88 = arith.constant 0 : i32
        %dma_wait3A_89 = tpu.memref_slice %arg13[%dma_wait3A_87, %dma_wait3A_88] : memref<10112x128xf32, #tpu.memory_space<vmem_shared>> -> memref<10112x128xf32, #tpu.memory_space<vmem_shared>>
        tpu.wait_indirect_dma semaphore(%run_scoped3A : memref<!tpu.dma_semaphore, #tpu.memory_space<semaphore_mem>>) src(%arg12 : memref<128x128xf32, #tpu.memory_space<vmem>>) dst(%dma_wait3A_89 : memref<10112x128xf32, #tpu.memory_space<vmem_shared>>)
        tpu.yield
      }) : () -> ()
    }
    %while3A_46 = arith.constant 1 : i32
    scf.for %while3A_52 = %while3A_44 to %while3A_40 step %while3A_46  : i32 {
      %mul3A_53 = arith.constant 2 : i32
      %mul3A_54 = arith.muli %mul3A_53, %while3A_52 : i32
      %mul3A_55 = arith.constant 128 : i32
      %mul3A_56 = arith.muli %mul3A_54, %mul3A_55 : i32
      %add3A_57 = arith.addi %mul3A_13, %mul3A_56 : i32
      %add3A_58 = arith.constant 128 : i32
      %add3A_59 = arith.addi %add3A_57, %add3A_58 : i32
      "tpu.region"() ({
        %run_scoped3A = tpu.sem_alloc : memref<!tpu.dma_semaphore, #tpu.memory_space<semaphore_mem>>
        %dma_start3A_84 = tpu.memref_slice %arg3[%add3A_59] : memref<327680xi32, #tpu.memory_space<hbm>> -> memref<128xi32, #tpu.memory_space<hbm>>
        %dma_start3A_85 = tpu.memref_slice %arg3[%add3A_59] : memref<327680xi32, #tpu.memory_space<hbm>> -> memref<128xi32, #tpu.memory_space<hbm>>
        tpu.enqueue_dma source(%dma_start3A_85 : memref<128xi32, #tpu.memory_space<hbm>>) target(%arg8 : memref<128xi32, #tpu.memory_space<vmem>>) target_semaphore(%run_scoped3A : memref<!tpu.dma_semaphore, #tpu.memory_space<semaphore_mem>>)
        %dma_wait3A_86 = tpu.memref_slice %arg3[%add3A_59] : memref<327680xi32, #tpu.memory_space<hbm>> -> memref<128xi32, #tpu.memory_space<hbm>>
        %dma_wait3A_87 = tpu.memref_slice %arg3[%add3A_59] : memref<327680xi32, #tpu.memory_space<hbm>> -> memref<128xi32, #tpu.memory_space<hbm>>
        tpu.wait_dma2 semaphore(%run_scoped3A : memref<!tpu.dma_semaphore, #tpu.memory_space<semaphore_mem>>) src(%dma_wait3A_87 : memref<128xi32, #tpu.memory_space<hbm>>) dst(%arg8 : memref<128xi32, #tpu.memory_space<vmem>>)
        tpu.yield
      }) : () -> ()
      %add3A_60 = arith.constant 128 : i32
      %add3A_61 = arith.addi %add3A_57, %add3A_60 : i32
      "tpu.region"() ({
        %run_scoped3A = tpu.sem_alloc : memref<!tpu.dma_semaphore, #tpu.memory_space<semaphore_mem>>
        %dma_start3A_84 = tpu.memref_slice %arg4[%add3A_61] : memref<327680xi32, #tpu.memory_space<hbm>> -> memref<128xi32, #tpu.memory_space<hbm>>
        %dma_start3A_85 = tpu.memref_slice %arg4[%add3A_61] : memref<327680xi32, #tpu.memory_space<hbm>> -> memref<128xi32, #tpu.memory_space<hbm>>
        tpu.enqueue_dma source(%dma_start3A_85 : memref<128xi32, #tpu.memory_space<hbm>>) target(%arg10 : memref<128xi32, #tpu.memory_space<vmem>>) target_semaphore(%run_scoped3A : memref<!tpu.dma_semaphore, #tpu.memory_space<semaphore_mem>>)
        %dma_wait3A_86 = tpu.memref_slice %arg4[%add3A_61] : memref<327680xi32, #tpu.memory_space<hbm>> -> memref<128xi32, #tpu.memory_space<hbm>>
        %dma_wait3A_87 = tpu.memref_slice %arg4[%add3A_61] : memref<327680xi32, #tpu.memory_space<hbm>> -> memref<128xi32, #tpu.memory_space<hbm>>
        tpu.wait_dma2 semaphore(%run_scoped3A : memref<!tpu.dma_semaphore, #tpu.memory_space<semaphore_mem>>) src(%dma_wait3A_87 : memref<128xi32, #tpu.memory_space<hbm>>) dst(%arg10 : memref<128xi32, #tpu.memory_space<vmem>>)
        tpu.yield
      }) : () -> ()
      %dma_wait3A = arith.constant 0 : i32
      %dma_wait3A_62 = arith.constant 0 : i32
      %dma_wait3A_63 = tpu.memref_slice %arg2[%dma_wait3A, %dma_wait3A_62] : memref<10000x128xf32, #tpu.memory_space<hbm>> -> memref<10000x128xf32, #tpu.memory_space<hbm>>
      tpu.wait_indirect_dma semaphore(%arg14 : memref<!tpu.dma_semaphore, #tpu.memory_space<semaphore_mem>>) src(%dma_wait3A_63 : memref<10000x128xf32, #tpu.memory_space<hbm>>) dst(%arg11 : memref<128x128xf32, #tpu.memory_space<vmem>>)
      %dma_start3A = arith.constant 0 : i32
      %dma_start3A_64 = arith.constant 0 : i32
      %dma_start3A_65 = tpu.memref_slice %arg2[%dma_start3A, %dma_start3A_64] : memref<10000x128xf32, #tpu.memory_space<hbm>> -> memref<10000x128xf32, #tpu.memory_space<hbm>>
      tpu.enqueue_indirect_dma source(%dma_start3A_65 : memref<10000x128xf32, #tpu.memory_space<hbm>>) target(%arg12 : memref<128x128xf32, #tpu.memory_space<vmem>>) offsets(%arg8 : memref<128xi32, #tpu.memory_space<vmem>>) semaphore(%arg15 : memref<!tpu.dma_semaphore, #tpu.memory_space<semaphore_mem>>)
      "tpu.region"() ({
        %run_scoped3A = tpu.sem_alloc : memref<!tpu.dma_semaphore, #tpu.memory_space<semaphore_mem>>
        %dma_start3A_84 = arith.constant 0 : i32
        %dma_start3A_85 = arith.constant 0 : i32
        %dma_start3A_86 = tpu.memref_slice %arg13[%dma_start3A_84, %dma_start3A_85] : memref<10112x128xf32, #tpu.memory_space<vmem_shared>> -> memref<10112x128xf32, #tpu.memory_space<vmem_shared>>
        tpu.enqueue_indirect_dma source(%arg11 : memref<128x128xf32, #tpu.memory_space<vmem>>) target(%dma_start3A_86 : memref<10112x128xf32, #tpu.memory_space<vmem_shared>>) offsets(%arg9 : memref<128xi32, #tpu.memory_space<vmem>>) semaphore(%run_scoped3A : memref<!tpu.dma_semaphore, #tpu.memory_space<semaphore_mem>>) {add = true}
        %dma_wait3A_87 = arith.constant 0 : i32
        %dma_wait3A_88 = arith.constant 0 : i32
        %dma_wait3A_89 = tpu.memref_slice %arg13[%dma_wait3A_87, %dma_wait3A_88] : memref<10112x128xf32, #tpu.memory_space<vmem_shared>> -> memref<10112x128xf32, #tpu.memory_space<vmem_shared>>
        tpu.wait_indirect_dma semaphore(%run_scoped3A : memref<!tpu.dma_semaphore, #tpu.memory_space<semaphore_mem>>) src(%arg11 : memref<128x128xf32, #tpu.memory_space<vmem>>) dst(%dma_wait3A_89 : memref<10112x128xf32, #tpu.memory_space<vmem_shared>>)
        tpu.yield
      }) : () -> ()
      %mul3A_66 = arith.constant 2 : i32
      %mul3A_67 = arith.muli %mul3A_66, %while3A_52 : i32
      %add3A_68 = arith.constant 2 : i32
      %add3A_69 = arith.addi %mul3A_67, %add3A_68 : i32
      %lt3A = arith.cmpi slt, %add3A_69, %select_n3A_17 : i32
      %convert_element_type3A_70 = arith.extui %lt3A : i1 to i32
      %cond3A_71 = arith.constant 0 : i32
      %cond3A_72 = arith.cmpi ne, %convert_element_type3A_70, %cond3A_71 : i32
      scf.if %cond3A_72 {
        %add3A_84 = arith.constant 256 : i32
        %add3A_85 = arith.addi %add3A_57, %add3A_84 : i32
        "tpu.region"() ({
          %run_scoped3A = tpu.sem_alloc : memref<!tpu.dma_semaphore, #tpu.memory_space<semaphore_mem>>
          %dma_start3A_88 = tpu.memref_slice %arg3[%add3A_85] : memref<327680xi32, #tpu.memory_space<hbm>> -> memref<128xi32, #tpu.memory_space<hbm>>
          %dma_start3A_89 = tpu.memref_slice %arg3[%add3A_85] : memref<327680xi32, #tpu.memory_space<hbm>> -> memref<128xi32, #tpu.memory_space<hbm>>
          tpu.enqueue_dma source(%dma_start3A_89 : memref<128xi32, #tpu.memory_space<hbm>>) target(%arg7 : memref<128xi32, #tpu.memory_space<vmem>>) target_semaphore(%run_scoped3A : memref<!tpu.dma_semaphore, #tpu.memory_space<semaphore_mem>>)
          %dma_wait3A_90 = tpu.memref_slice %arg3[%add3A_85] : memref<327680xi32, #tpu.memory_space<hbm>> -> memref<128xi32, #tpu.memory_space<hbm>>
          %dma_wait3A_91 = tpu.memref_slice %arg3[%add3A_85] : memref<327680xi32, #tpu.memory_space<hbm>> -> memref<128xi32, #tpu.memory_space<hbm>>
          tpu.wait_dma2 semaphore(%run_scoped3A : memref<!tpu.dma_semaphore, #tpu.memory_space<semaphore_mem>>) src(%dma_wait3A_91 : memref<128xi32, #tpu.memory_space<hbm>>) dst(%arg7 : memref<128xi32, #tpu.memory_space<vmem>>)
          tpu.yield
        }) : () -> ()
        %add3A_86 = arith.constant 256 : i32
        %add3A_87 = arith.addi %add3A_57, %add3A_86 : i32
        "tpu.region"() ({
          %run_scoped3A = tpu.sem_alloc : memref<!tpu.dma_semaphore, #tpu.memory_space<semaphore_mem>>
          %dma_start3A_88 = tpu.memref_slice %arg4[%add3A_87] : memref<327680xi32, #tpu.memory_space<hbm>> -> memref<128xi32, #tpu.memory_space<hbm>>
          %dma_start3A_89 = tpu.memref_slice %arg4[%add3A_87] : memref<327680xi32, #tpu.memory_space<hbm>> -> memref<128xi32, #tpu.memory_space<hbm>>
          tpu.enqueue_dma source(%dma_start3A_89 : memref<128xi32, #tpu.memory_space<hbm>>) target(%arg9 : memref<128xi32, #tpu.memory_space<vmem>>) target_semaphore(%run_scoped3A : memref<!tpu.dma_semaphore, #tpu.memory_space<semaphore_mem>>)
          %dma_wait3A_90 = tpu.memref_slice %arg4[%add3A_87] : memref<327680xi32, #tpu.memory_space<hbm>> -> memref<128xi32, #tpu.memory_space<hbm>>
          %dma_wait3A_91 = tpu.memref_slice %arg4[%add3A_87] : memref<327680xi32, #tpu.memory_space<hbm>> -> memref<128xi32, #tpu.memory_space<hbm>>
          tpu.wait_dma2 semaphore(%run_scoped3A : memref<!tpu.dma_semaphore, #tpu.memory_space<semaphore_mem>>) src(%dma_wait3A_91 : memref<128xi32, #tpu.memory_space<hbm>>) dst(%arg9 : memref<128xi32, #tpu.memory_space<vmem>>)
          tpu.yield
        }) : () -> ()
      } else {
      }
      %dma_wait3A_73 = arith.constant 0 : i32
      %dma_wait3A_74 = arith.constant 0 : i32
      %dma_wait3A_75 = tpu.memref_slice %arg2[%dma_wait3A_73, %dma_wait3A_74] : memref<10000x128xf32, #tpu.memory_space<hbm>> -> memref<10000x128xf32, #tpu.memory_space<hbm>>
      tpu.wait_indirect_dma semaphore(%arg15 : memref<!tpu.dma_semaphore, #tpu.memory_space<semaphore_mem>>) src(%dma_wait3A_75 : memref<10000x128xf32, #tpu.memory_space<hbm>>) dst(%arg12 : memref<128x128xf32, #tpu.memory_space<vmem>>)
      %mul3A_76 = arith.constant 2 : i32
      %mul3A_77 = arith.muli %mul3A_76, %while3A_52 : i32
      %add3A_78 = arith.constant 2 : i32
      %add3A_79 = arith.addi %mul3A_77, %add3A_78 : i32
      %lt3A_80 = arith.cmpi slt, %add3A_79, %select_n3A_17 : i32
      %convert_element_type3A_81 = arith.extui %lt3A_80 : i1 to i32
      %cond3A_82 = arith.constant 0 : i32
      %cond3A_83 = arith.cmpi ne, %convert_element_type3A_81, %cond3A_82 : i32
      scf.if %cond3A_83 {
        %dma_start3A_84 = arith.constant 0 : i32
        %dma_start3A_85 = arith.constant 0 : i32
        %dma_start3A_86 = tpu.memref_slice %arg2[%dma_start3A_84, %dma_start3A_85] : memref<10000x128xf32, #tpu.memory_space<hbm>> -> memref<10000x128xf32, #tpu.memory_space<hbm>>
        tpu.enqueue_indirect_dma source(%dma_start3A_86 : memref<10000x128xf32, #tpu.memory_space<hbm>>) target(%arg11 : memref<128x128xf32, #tpu.memory_space<vmem>>) offsets(%arg7 : memref<128xi32, #tpu.memory_space<vmem>>) semaphore(%arg14 : memref<!tpu.dma_semaphore, #tpu.memory_space<semaphore_mem>>)
      } else {
      }
      "tpu.region"() ({
        %run_scoped3A = tpu.sem_alloc : memref<!tpu.dma_semaphore, #tpu.memory_space<semaphore_mem>>
        %dma_start3A_84 = arith.constant 0 : i32
        %dma_start3A_85 = arith.constant 0 : i32
        %dma_start3A_86 = tpu.memref_slice %arg13[%dma_start3A_84, %dma_start3A_85] : memref<10112x128xf32, #tpu.memory_space<vmem_shared>> -> memref<10112x128xf32, #tpu.memory_space<vmem_shared>>
        tpu.enqueue_indirect_dma source(%arg12 : memref<128x128xf32, #tpu.memory_space<vmem>>) target(%dma_start3A_86 : memref<10112x128xf32, #tpu.memory_space<vmem_shared>>) offsets(%arg10 : memref<128xi32, #tpu.memory_space<vmem>>) semaphore(%run_scoped3A : memref<!tpu.dma_semaphore, #tpu.memory_space<semaphore_mem>>) {add = true}
        %dma_wait3A_87 = arith.constant 0 : i32
        %dma_wait3A_88 = arith.constant 0 : i32
        %dma_wait3A_89 = tpu.memref_slice %arg13[%dma_wait3A_87, %dma_wait3A_88] : memref<10112x128xf32, #tpu.memory_space<vmem_shared>> -> memref<10112x128xf32, #tpu.memory_space<vmem_shared>>
        tpu.wait_indirect_dma semaphore(%run_scoped3A : memref<!tpu.dma_semaphore, #tpu.memory_space<semaphore_mem>>) src(%arg12 : memref<128x128xf32, #tpu.memory_space<vmem>>) dst(%dma_wait3A_89 : memref<10112x128xf32, #tpu.memory_space<vmem_shared>>)
        tpu.yield
      }) : () -> ()
    }
    %barrier3A_47 = arith.constant 0 : index
    tpu.barrier barrier_id(%barrier3A_47)
    %mul3A_48 = arith.constant 632 : i32
    %mul3A_49 = arith.muli %arg1, %mul3A_48 : i32
    %mul3A_50 = arith.constant 632 : i32
    %mul3A_51 = arith.muli %arg1, %mul3A_50 : i32
    "tpu.region"() ({
      %run_scoped3A = tpu.sem_alloc : memref<!tpu.dma_semaphore, #tpu.memory_space<semaphore_mem>>
      %dma_start3A = arith.constant 0 : i32
      %dma_start3A_52 = tpu.memref_slice %arg6[%arg0, %mul3A_51, %dma_start3A] : memref<2x10112x128xf32, #tpu.memory_space<hbm>> -> memref<1x632x128xf32, #tpu.memory_space<hbm>>
      %dma_start3A_53 = tpu.memref_squeeze %dma_start3A_52 : memref<1x632x128xf32, #tpu.memory_space<hbm>> -> memref<632x128xf32, #tpu.memory_space<hbm>>
      %dma_start3A_54 = arith.constant 0 : i32
      %dma_start3A_55 = tpu.memref_slice %arg13[%mul3A_49, %dma_start3A_54] : memref<10112x128xf32, #tpu.memory_space<vmem_shared>> -> memref<632x128xf32, #tpu.memory_space<vmem_shared>>
      tpu.enqueue_dma source(%dma_start3A_55 : memref<632x128xf32, #tpu.memory_space<vmem_shared>>) target(%dma_start3A_53 : memref<632x128xf32, #tpu.memory_space<hbm>>) target_semaphore(%run_scoped3A : memref<!tpu.dma_semaphore, #tpu.memory_space<semaphore_mem>>)
      %dma_wait3A = arith.constant 0 : i32
      %dma_wait3A_56 = tpu.memref_slice %arg6[%arg0, %mul3A_51, %dma_wait3A] : memref<2x10112x128xf32, #tpu.memory_space<hbm>> -> memref<1x632x128xf32, #tpu.memory_space<hbm>>
      %dma_wait3A_57 = tpu.memref_squeeze %dma_wait3A_56 : memref<1x632x128xf32, #tpu.memory_space<hbm>> -> memref<632x128xf32, #tpu.memory_space<hbm>>
      %dma_wait3A_58 = arith.constant 0 : i32
      %dma_wait3A_59 = tpu.memref_slice %arg13[%mul3A_49, %dma_wait3A_58] : memref<10112x128xf32, #tpu.memory_space<vmem_shared>> -> memref<632x128xf32, #tpu.memory_space<vmem_shared>>
      tpu.wait_dma2 semaphore(%run_scoped3A : memref<!tpu.dma_semaphore, #tpu.memory_space<semaphore_mem>>) src(%dma_wait3A_59 : memref<632x128xf32, #tpu.memory_space<vmem_shared>>) dst(%dma_wait3A_57 : memref<632x128xf32, #tpu.memory_space<hbm>>)
      tpu.yield
    }) : () -> ()
    return
  }
}

#map = affine_map<(d0, d1) -> (0, 0)>
#map1 = affine_map<(d0, d1) -> (0)>
#map2 = affine_map<(d0, d1) -> (0, 0, 0)>
module attributes {stable_mosaic.version = 14 : i64} {
  func.func @_satt(%arg0: i32, %arg1: i32, %arg2: memref<10000x16xf32, #tpu.memory_space<hbm>>, %arg3: memref<10000x16xf32, #tpu.memory_space<hbm>>, %arg4: memref<1x16xf32, #tpu.memory_space<hbm>>, %arg5: memref<327680xi32, #tpu.memory_space<hbm>>, %arg6: memref<327680xi32, #tpu.memory_space<hbm>>, %arg7: memref<10112x16xf32, #tpu.memory_space<hbm>>, %arg8: memref<327680x16xf32, #tpu.memory_space<hbm>>, %arg9: memref<2x10112x16xf32, #tpu.memory_space<hbm>>, %arg10: memref<128xi32, #tpu.memory_space<vmem>>, %arg11: memref<128xi32, #tpu.memory_space<vmem>>, %arg12: memref<128xi32, #tpu.memory_space<vmem>>, %arg13: memref<128xi32, #tpu.memory_space<vmem>>, %arg14: memref<128x16xf32, #tpu.memory_space<vmem>>, %arg15: memref<128x16xf32, #tpu.memory_space<vmem>>, %arg16: memref<128x16xf32, #tpu.memory_space<vmem>>, %arg17: memref<128x16xf32, #tpu.memory_space<vmem>>, %arg18: memref<128x16xf32, #tpu.memory_space<vmem>>, %arg19: memref<1x16xf32, #tpu.memory_space<vmem>>, %arg20: memref<10112x16xf32, #tpu.memory_space<vmem_shared>>, %arg21: memref<!tpu.dma_semaphore, #tpu.memory_space<semaphore_mem>>, %arg22: memref<!tpu.dma_semaphore, #tpu.memory_space<semaphore_mem>>) attributes {dimension_semantics = [#tpu.dimension_semantics<core_parallel>, #tpu.dimension_semantics<subcore_parallel>], iteration_bounds = array<i64: 2, 16>, scalar_prefetch = 0 : i64, scratch_operands = 13 : i64, tpu.core_type = #tpu.core_type<sc_vector_subcore>, window_params = [{transform_indices = #map}, {transform_indices = #map}, {transform_indices = #map}, {transform_indices = #map1}, {transform_indices = #map1}, {transform_indices = #map}, {transform_indices = #map}, {transform_indices = #map2}]} {
    %mul3A = arith.constant 16 : i32
    %mul3A_0 = arith.muli %arg0, %mul3A : i32
    %add3A = arith.addi %mul3A_0, %arg1 : i32
    %mul3A_1 = arith.constant 632 : i32
    %mul3A_2 = arith.muli %arg1, %mul3A_1 : i32
    %mul3A_3 = arith.constant 632 : i32
    %mul3A_4 = arith.muli %arg1, %mul3A_3 : i32
    "tpu.region"() ({
      %run_scoped3A = tpu.sem_alloc : memref<!tpu.dma_semaphore, #tpu.memory_space<semaphore_mem>>
      %dma_start3A_22 = arith.constant 0 : i32
      %dma_start3A_23 = tpu.memref_slice %arg20[%mul3A_4, %dma_start3A_22] : memref<10112x16xf32, #tpu.memory_space<vmem_shared>> -> memref<632x16xf32, #tpu.memory_space<vmem_shared>>
      %dma_start3A_24 = arith.constant 0 : i32
      %dma_start3A_25 = tpu.memref_slice %arg7[%mul3A_2, %dma_start3A_24] : memref<10112x16xf32, #tpu.memory_space<hbm>> -> memref<632x16xf32, #tpu.memory_space<hbm>>
      tpu.enqueue_dma source(%dma_start3A_25 : memref<632x16xf32, #tpu.memory_space<hbm>>) target(%dma_start3A_23 : memref<632x16xf32, #tpu.memory_space<vmem_shared>>) target_semaphore(%run_scoped3A : memref<!tpu.dma_semaphore, #tpu.memory_space<semaphore_mem>>)
      %dma_wait3A = arith.constant 0 : i32
      %dma_wait3A_26 = tpu.memref_slice %arg20[%mul3A_4, %dma_wait3A] : memref<10112x16xf32, #tpu.memory_space<vmem_shared>> -> memref<632x16xf32, #tpu.memory_space<vmem_shared>>
      %dma_wait3A_27 = arith.constant 0 : i32
      %dma_wait3A_28 = tpu.memref_slice %arg7[%mul3A_2, %dma_wait3A_27] : memref<10112x16xf32, #tpu.memory_space<hbm>> -> memref<632x16xf32, #tpu.memory_space<hbm>>
      tpu.wait_dma2 semaphore(%run_scoped3A : memref<!tpu.dma_semaphore, #tpu.memory_space<semaphore_mem>>) src(%dma_wait3A_28 : memref<632x16xf32, #tpu.memory_space<hbm>>) dst(%dma_wait3A_26 : memref<632x16xf32, #tpu.memory_space<vmem_shared>>)
      tpu.yield
    }) : () -> ()
    "tpu.region"() ({
      %run_scoped3A = tpu.sem_alloc : memref<!tpu.dma_semaphore, #tpu.memory_space<semaphore_mem>>
      tpu.enqueue_dma source(%arg4 : memref<1x16xf32, #tpu.memory_space<hbm>>) target(%arg19 : memref<1x16xf32, #tpu.memory_space<vmem>>) target_semaphore(%run_scoped3A : memref<!tpu.dma_semaphore, #tpu.memory_space<semaphore_mem>>)
      tpu.wait_dma2 semaphore(%run_scoped3A : memref<!tpu.dma_semaphore, #tpu.memory_space<semaphore_mem>>) src(%arg4 : memref<1x16xf32, #tpu.memory_space<hbm>>) dst(%arg19 : memref<1x16xf32, #tpu.memory_space<vmem>>)
      tpu.yield
    }) : () -> ()
    %barrier3A = arith.constant 0 : index
    tpu.barrier barrier_id(%barrier3A)
    %mul3A_5 = arith.constant 10240 : i32
    %mul3A_6 = arith.muli %add3A, %mul3A_5 : i32
    "tpu.region"() ({
      %run_scoped3A = tpu.sem_alloc : memref<!tpu.dma_semaphore, #tpu.memory_space<semaphore_mem>>
      %dma_start3A_22 = tpu.memref_slice %arg5[%mul3A_6] : memref<327680xi32, #tpu.memory_space<hbm>> -> memref<128xi32, #tpu.memory_space<hbm>>
      %dma_start3A_23 = tpu.memref_slice %arg5[%mul3A_6] : memref<327680xi32, #tpu.memory_space<hbm>> -> memref<128xi32, #tpu.memory_space<hbm>>
      tpu.enqueue_dma source(%dma_start3A_23 : memref<128xi32, #tpu.memory_space<hbm>>) target(%arg10 : memref<128xi32, #tpu.memory_space<vmem>>) target_semaphore(%run_scoped3A : memref<!tpu.dma_semaphore, #tpu.memory_space<semaphore_mem>>)
      %dma_wait3A = tpu.memref_slice %arg5[%mul3A_6] : memref<327680xi32, #tpu.memory_space<hbm>> -> memref<128xi32, #tpu.memory_space<hbm>>
      %dma_wait3A_24 = tpu.memref_slice %arg5[%mul3A_6] : memref<327680xi32, #tpu.memory_space<hbm>> -> memref<128xi32, #tpu.memory_space<hbm>>
      tpu.wait_dma2 semaphore(%run_scoped3A : memref<!tpu.dma_semaphore, #tpu.memory_space<semaphore_mem>>) src(%dma_wait3A_24 : memref<128xi32, #tpu.memory_space<hbm>>) dst(%arg10 : memref<128xi32, #tpu.memory_space<vmem>>)
      tpu.yield
    }) : () -> ()
    "tpu.region"() ({
      %run_scoped3A = tpu.sem_alloc : memref<!tpu.dma_semaphore, #tpu.memory_space<semaphore_mem>>
      %dma_start3A_22 = tpu.memref_slice %arg6[%mul3A_6] : memref<327680xi32, #tpu.memory_space<hbm>> -> memref<128xi32, #tpu.memory_space<hbm>>
      %dma_start3A_23 = tpu.memref_slice %arg6[%mul3A_6] : memref<327680xi32, #tpu.memory_space<hbm>> -> memref<128xi32, #tpu.memory_space<hbm>>
      tpu.enqueue_dma source(%dma_start3A_23 : memref<128xi32, #tpu.memory_space<hbm>>) target(%arg12 : memref<128xi32, #tpu.memory_space<vmem>>) target_semaphore(%run_scoped3A : memref<!tpu.dma_semaphore, #tpu.memory_space<semaphore_mem>>)
      %dma_wait3A = tpu.memref_slice %arg6[%mul3A_6] : memref<327680xi32, #tpu.memory_space<hbm>> -> memref<128xi32, #tpu.memory_space<hbm>>
      %dma_wait3A_24 = tpu.memref_slice %arg6[%mul3A_6] : memref<327680xi32, #tpu.memory_space<hbm>> -> memref<128xi32, #tpu.memory_space<hbm>>
      tpu.wait_dma2 semaphore(%run_scoped3A : memref<!tpu.dma_semaphore, #tpu.memory_space<semaphore_mem>>) src(%dma_wait3A_24 : memref<128xi32, #tpu.memory_space<hbm>>) dst(%arg12 : memref<128xi32, #tpu.memory_space<vmem>>)
      tpu.yield
    }) : () -> ()
    %dma_start3A = arith.constant 0 : i32
    %dma_start3A_7 = arith.constant 0 : i32
    %dma_start3A_8 = tpu.memref_slice %arg2[%dma_start3A, %dma_start3A_7] : memref<10000x16xf32, #tpu.memory_space<hbm>> -> memref<10000x16xf32, #tpu.memory_space<hbm>>
    tpu.enqueue_indirect_dma source(%dma_start3A_8 : memref<10000x16xf32, #tpu.memory_space<hbm>>) target(%arg14 : memref<128x16xf32, #tpu.memory_space<vmem>>) offsets(%arg10 : memref<128xi32, #tpu.memory_space<vmem>>) semaphore(%arg21 : memref<!tpu.dma_semaphore, #tpu.memory_space<semaphore_mem>>)
    %dma_start3A_9 = arith.constant 0 : i32
    %dma_start3A_10 = arith.constant 0 : i32
    %dma_start3A_11 = tpu.memref_slice %arg3[%dma_start3A_9, %dma_start3A_10] : memref<10000x16xf32, #tpu.memory_space<hbm>> -> memref<10000x16xf32, #tpu.memory_space<hbm>>
    tpu.enqueue_indirect_dma source(%dma_start3A_11 : memref<10000x16xf32, #tpu.memory_space<hbm>>) target(%arg16 : memref<128x16xf32, #tpu.memory_space<vmem>>) offsets(%arg12 : memref<128xi32, #tpu.memory_space<vmem>>) semaphore(%arg21 : memref<!tpu.dma_semaphore, #tpu.memory_space<semaphore_mem>>)
    %scan3A = arith.constant 0 : i32
    %scan3A_12 = arith.constant 0 : i32
    %scan3A_13 = arith.constant 40 : i32
    %scan3A_14 = arith.addi %scan3A_12, %scan3A_13 : i32
    %scan3A_15 = arith.constant 1 : i32
    scf.for %scan3A_22 = %scan3A_12 to %scan3A_14 step %scan3A_15  : i32 {
      %mul3A_23 = arith.constant 2 : i32
      %mul3A_24 = arith.muli %mul3A_23, %scan3A_22 : i32
      %mul3A_25 = arith.constant 128 : i32
      %mul3A_26 = arith.muli %mul3A_24, %mul3A_25 : i32
      %add3A_27 = arith.addi %mul3A_6, %mul3A_26 : i32
      %add3A_28 = arith.constant 128 : i32
      %add3A_29 = arith.addi %add3A_27, %add3A_28 : i32
      "tpu.region"() ({
        %run_scoped3A = tpu.sem_alloc : memref<!tpu.dma_semaphore, #tpu.memory_space<semaphore_mem>>
        %dma_start3A_78 = tpu.memref_slice %arg5[%add3A_29] : memref<327680xi32, #tpu.memory_space<hbm>> -> memref<128xi32, #tpu.memory_space<hbm>>
        %dma_start3A_79 = tpu.memref_slice %arg5[%add3A_29] : memref<327680xi32, #tpu.memory_space<hbm>> -> memref<128xi32, #tpu.memory_space<hbm>>
        tpu.enqueue_dma source(%dma_start3A_79 : memref<128xi32, #tpu.memory_space<hbm>>) target(%arg11 : memref<128xi32, #tpu.memory_space<vmem>>) target_semaphore(%run_scoped3A : memref<!tpu.dma_semaphore, #tpu.memory_space<semaphore_mem>>)
        %dma_wait3A_80 = tpu.memref_slice %arg5[%add3A_29] : memref<327680xi32, #tpu.memory_space<hbm>> -> memref<128xi32, #tpu.memory_space<hbm>>
        %dma_wait3A_81 = tpu.memref_slice %arg5[%add3A_29] : memref<327680xi32, #tpu.memory_space<hbm>> -> memref<128xi32, #tpu.memory_space<hbm>>
        tpu.wait_dma2 semaphore(%run_scoped3A : memref<!tpu.dma_semaphore, #tpu.memory_space<semaphore_mem>>) src(%dma_wait3A_81 : memref<128xi32, #tpu.memory_space<hbm>>) dst(%arg11 : memref<128xi32, #tpu.memory_space<vmem>>)
        tpu.yield
      }) : () -> ()
      %add3A_30 = arith.constant 128 : i32
      %add3A_31 = arith.addi %add3A_27, %add3A_30 : i32
      "tpu.region"() ({
        %run_scoped3A = tpu.sem_alloc : memref<!tpu.dma_semaphore, #tpu.memory_space<semaphore_mem>>
        %dma_start3A_78 = tpu.memref_slice %arg6[%add3A_31] : memref<327680xi32, #tpu.memory_space<hbm>> -> memref<128xi32, #tpu.memory_space<hbm>>
        %dma_start3A_79 = tpu.memref_slice %arg6[%add3A_31] : memref<327680xi32, #tpu.memory_space<hbm>> -> memref<128xi32, #tpu.memory_space<hbm>>
        tpu.enqueue_dma source(%dma_start3A_79 : memref<128xi32, #tpu.memory_space<hbm>>) target(%arg13 : memref<128xi32, #tpu.memory_space<vmem>>) target_semaphore(%run_scoped3A : memref<!tpu.dma_semaphore, #tpu.memory_space<semaphore_mem>>)
        %dma_wait3A_80 = tpu.memref_slice %arg6[%add3A_31] : memref<327680xi32, #tpu.memory_space<hbm>> -> memref<128xi32, #tpu.memory_space<hbm>>
        %dma_wait3A_81 = tpu.memref_slice %arg6[%add3A_31] : memref<327680xi32, #tpu.memory_space<hbm>> -> memref<128xi32, #tpu.memory_space<hbm>>
        tpu.wait_dma2 semaphore(%run_scoped3A : memref<!tpu.dma_semaphore, #tpu.memory_space<semaphore_mem>>) src(%dma_wait3A_81 : memref<128xi32, #tpu.memory_space<hbm>>) dst(%arg13 : memref<128xi32, #tpu.memory_space<vmem>>)
        tpu.yield
      }) : () -> ()
      %dma_wait3A = arith.constant 0 : i32
      %dma_wait3A_32 = arith.constant 0 : i32
      %dma_wait3A_33 = tpu.memref_slice %arg2[%dma_wait3A, %dma_wait3A_32] : memref<10000x16xf32, #tpu.memory_space<hbm>> -> memref<10000x16xf32, #tpu.memory_space<hbm>>
      tpu.wait_indirect_dma semaphore(%arg21 : memref<!tpu.dma_semaphore, #tpu.memory_space<semaphore_mem>>) src(%dma_wait3A_33 : memref<10000x16xf32, #tpu.memory_space<hbm>>) dst(%arg14 : memref<128x16xf32, #tpu.memory_space<vmem>>)
      %dma_wait3A_34 = arith.constant 0 : i32
      %dma_wait3A_35 = arith.constant 0 : i32
      %dma_wait3A_36 = tpu.memref_slice %arg3[%dma_wait3A_34, %dma_wait3A_35] : memref<10000x16xf32, #tpu.memory_space<hbm>> -> memref<10000x16xf32, #tpu.memory_space<hbm>>
      tpu.wait_indirect_dma semaphore(%arg21 : memref<!tpu.dma_semaphore, #tpu.memory_space<semaphore_mem>>) src(%dma_wait3A_36 : memref<10000x16xf32, #tpu.memory_space<hbm>>) dst(%arg16 : memref<128x16xf32, #tpu.memory_space<vmem>>)
      %dma_start3A_37 = arith.constant 0 : i32
      %dma_start3A_38 = arith.constant 0 : i32
      %dma_start3A_39 = tpu.memref_slice %arg2[%dma_start3A_37, %dma_start3A_38] : memref<10000x16xf32, #tpu.memory_space<hbm>> -> memref<10000x16xf32, #tpu.memory_space<hbm>>
      tpu.enqueue_indirect_dma source(%dma_start3A_39 : memref<10000x16xf32, #tpu.memory_space<hbm>>) target(%arg15 : memref<128x16xf32, #tpu.memory_space<vmem>>) offsets(%arg11 : memref<128xi32, #tpu.memory_space<vmem>>) semaphore(%arg22 : memref<!tpu.dma_semaphore, #tpu.memory_space<semaphore_mem>>)
      %dma_start3A_40 = arith.constant 0 : i32
      %dma_start3A_41 = arith.constant 0 : i32
      %dma_start3A_42 = tpu.memref_slice %arg3[%dma_start3A_40, %dma_start3A_41] : memref<10000x16xf32, #tpu.memory_space<hbm>> -> memref<10000x16xf32, #tpu.memory_space<hbm>>
      tpu.enqueue_indirect_dma source(%dma_start3A_42 : memref<10000x16xf32, #tpu.memory_space<hbm>>) target(%arg17 : memref<128x16xf32, #tpu.memory_space<vmem>>) offsets(%arg13 : memref<128xi32, #tpu.memory_space<vmem>>) semaphore(%arg22 : memref<!tpu.dma_semaphore, #tpu.memory_space<semaphore_mem>>)
      %scan3A_43 = arith.constant 0 : i32
      %scan3A_44 = arith.constant 0 : i32
      %scan3A_45 = arith.constant 128 : i32
      %scan3A_46 = arith.addi %scan3A_44, %scan3A_45 : i32
      %scan3A_47 = arith.constant 1 : i32
      scf.for %scan3A_78 = %scan3A_44 to %scan3A_46 step %scan3A_47  : i32 {
        %get3A = arith.constant 0 : i32
        %get3A_79 = arith.index_cast %get3A : i32 to index
        %get3A_80 = arith.constant 0 : index
        %get3A_81 = tpu.vector_load %arg19[%get3A_79, %get3A_80] {strides = array<i32>} : memref<1x16xf32, #tpu.memory_space<vmem>>, vector<1x16xf32>,
        %get3A_82 = vector.shape_cast %get3A_81 : vector<1x16xf32> to vector<16xf32>
        %get3A_83 = arith.index_cast %scan3A_78 : i32 to index
        %get3A_84 = arith.constant 0 : index
        %get3A_85 = tpu.vector_load %arg14[%get3A_83, %get3A_84] {strides = array<i32>} : memref<128x16xf32, #tpu.memory_space<vmem>>, vector<1x16xf32>,
        %get3A_86 = vector.shape_cast %get3A_85 : vector<1x16xf32> to vector<16xf32>
        %get3A_87 = arith.index_cast %scan3A_78 : i32 to index
        %get3A_88 = arith.constant 0 : index
        %get3A_89 = tpu.vector_load %arg16[%get3A_87, %get3A_88] {strides = array<i32>} : memref<128x16xf32, #tpu.memory_space<vmem>>, vector<1x16xf32>,
        %get3A_90 = vector.shape_cast %get3A_89 : vector<1x16xf32> to vector<16xf32>
        %add3A_91 = arith.addf %get3A_86, %get3A_90 : vector<16xf32>
        %mul3A_92 = arith.constant 2.000000e-01 : f32
        %mul3A_93 = vector.broadcast %mul3A_92 : f32 to vector<16xf32>
        %mul3A_94 = arith.mulf %mul3A_93, %add3A_91 : vector<16xf32>
        %max3A = arith.maximumf %add3A_91, %mul3A_94 : vector<16xf32>
        %sub3A = arith.subf %max3A, %get3A_82 : vector<16xf32>
        %exp3A = math.exp %sub3A : vector<16xf32>
        %swap3A = arith.index_cast %scan3A_78 : i32 to index
        %swap3A_95 = arith.constant 0 : index
        %swap3A_96 = tpu.vector_load %arg18[%swap3A, %swap3A_95] {strides = array<i32>} : memref<128x16xf32, #tpu.memory_space<vmem>>, vector<1x16xf32>,
        %swap3A_97 = vector.shape_cast %swap3A_96 : vector<1x16xf32> to vector<16xf32>
        %swap3A_98 = vector.shape_cast %exp3A : vector<16xf32> to vector<1x16xf32>
        tpu.vector_store %arg18[%swap3A, %swap3A_95], %swap3A_98 {strides = array<i32>} : memref<128x16xf32, #tpu.memory_space<vmem>>, vector<1x16xf32>,
      }
      %scan3A_48 = arith.constant 128 : i32
      "tpu.region"() ({
        %run_scoped3A = tpu.sem_alloc : memref<!tpu.dma_semaphore, #tpu.memory_space<semaphore_mem>>
        %dma_start3A_78 = arith.constant 0 : i32
        %dma_start3A_79 = tpu.memref_slice %arg8[%add3A_27, %dma_start3A_78] : memref<327680x16xf32, #tpu.memory_space<hbm>> -> memref<128x16xf32, #tpu.memory_space<hbm>>
        %dma_start3A_80 = arith.constant 0 : i32
        %dma_start3A_81 = tpu.memref_slice %arg8[%add3A_27, %dma_start3A_80] : memref<327680x16xf32, #tpu.memory_space<hbm>> -> memref<128x16xf32, #tpu.memory_space<hbm>>
        tpu.enqueue_dma source(%arg18 : memref<128x16xf32, #tpu.memory_space<vmem>>) target(%dma_start3A_81 : memref<128x16xf32, #tpu.memory_space<hbm>>) target_semaphore(%run_scoped3A : memref<!tpu.dma_semaphore, #tpu.memory_space<semaphore_mem>>)
        %dma_wait3A_82 = arith.constant 0 : i32
        %dma_wait3A_83 = tpu.memref_slice %arg8[%add3A_27, %dma_wait3A_82] : memref<327680x16xf32, #tpu.memory_space<hbm>> -> memref<128x16xf32, #tpu.memory_space<hbm>>
        %dma_wait3A_84 = arith.constant 0 : i32
        %dma_wait3A_85 = tpu.memref_slice %arg8[%add3A_27, %dma_wait3A_84] : memref<327680x16xf32, #tpu.memory_space<hbm>> -> memref<128x16xf32, #tpu.memory_space<hbm>>
        tpu.wait_dma2 semaphore(%run_scoped3A : memref<!tpu.dma_semaphore, #tpu.memory_space<semaphore_mem>>) src(%arg18 : memref<128x16xf32, #tpu.memory_space<vmem>>) dst(%dma_wait3A_85 : memref<128x16xf32, #tpu.memory_space<hbm>>)
        tpu.yield
      }) : () -> ()
      "tpu.region"() ({
        %run_scoped3A = tpu.sem_alloc : memref<!tpu.dma_semaphore, #tpu.memory_space<semaphore_mem>>
        %dma_start3A_78 = arith.constant 0 : i32
        %dma_start3A_79 = arith.constant 0 : i32
        %dma_start3A_80 = tpu.memref_slice %arg20[%dma_start3A_78, %dma_start3A_79] : memref<10112x16xf32, #tpu.memory_space<vmem_shared>> -> memref<10112x16xf32, #tpu.memory_space<vmem_shared>>
        tpu.enqueue_indirect_dma source(%arg18 : memref<128x16xf32, #tpu.memory_space<vmem>>) target(%dma_start3A_80 : memref<10112x16xf32, #tpu.memory_space<vmem_shared>>) offsets(%arg12 : memref<128xi32, #tpu.memory_space<vmem>>) semaphore(%run_scoped3A : memref<!tpu.dma_semaphore, #tpu.memory_space<semaphore_mem>>) {add = true}
        %dma_wait3A_81 = arith.constant 0 : i32
        %dma_wait3A_82 = arith.constant 0 : i32
        %dma_wait3A_83 = tpu.memref_slice %arg20[%dma_wait3A_81, %dma_wait3A_82] : memref<10112x16xf32, #tpu.memory_space<vmem_shared>> -> memref<10112x16xf32, #tpu.memory_space<vmem_shared>>
        tpu.wait_indirect_dma semaphore(%run_scoped3A : memref<!tpu.dma_semaphore, #tpu.memory_space<semaphore_mem>>) src(%arg18 : memref<128x16xf32, #tpu.memory_space<vmem>>) dst(%dma_wait3A_83 : memref<10112x16xf32, #tpu.memory_space<vmem_shared>>)
        tpu.yield
      }) : () -> ()
      %mul3A_49 = arith.constant 2 : i32
      %mul3A_50 = arith.muli %mul3A_49, %scan3A_22 : i32
      %add3A_51 = arith.constant 2 : i32
      %add3A_52 = arith.addi %mul3A_50, %add3A_51 : i32
      %lt3A = arith.constant 80 : i32
      %lt3A_53 = arith.cmpi slt, %add3A_52, %lt3A : i32
      %convert_element_type3A = arith.extui %lt3A_53 : i1 to i32
      %cond3A = arith.constant 0 : i32
      %cond3A_54 = arith.cmpi ne, %convert_element_type3A, %cond3A : i32
      scf.if %cond3A_54 {
        %add3A_78 = arith.constant 256 : i32
        %add3A_79 = arith.addi %add3A_27, %add3A_78 : i32
        "tpu.region"() ({
          %run_scoped3A = tpu.sem_alloc : memref<!tpu.dma_semaphore, #tpu.memory_space<semaphore_mem>>
          %dma_start3A_82 = tpu.memref_slice %arg5[%add3A_79] : memref<327680xi32, #tpu.memory_space<hbm>> -> memref<128xi32, #tpu.memory_space<hbm>>
          %dma_start3A_83 = tpu.memref_slice %arg5[%add3A_79] : memref<327680xi32, #tpu.memory_space<hbm>> -> memref<128xi32, #tpu.memory_space<hbm>>
          tpu.enqueue_dma source(%dma_start3A_83 : memref<128xi32, #tpu.memory_space<hbm>>) target(%arg10 : memref<128xi32, #tpu.memory_space<vmem>>) target_semaphore(%run_scoped3A : memref<!tpu.dma_semaphore, #tpu.memory_space<semaphore_mem>>)
          %dma_wait3A_84 = tpu.memref_slice %arg5[%add3A_79] : memref<327680xi32, #tpu.memory_space<hbm>> -> memref<128xi32, #tpu.memory_space<hbm>>
          %dma_wait3A_85 = tpu.memref_slice %arg5[%add3A_79] : memref<327680xi32, #tpu.memory_space<hbm>> -> memref<128xi32, #tpu.memory_space<hbm>>
          tpu.wait_dma2 semaphore(%run_scoped3A : memref<!tpu.dma_semaphore, #tpu.memory_space<semaphore_mem>>) src(%dma_wait3A_85 : memref<128xi32, #tpu.memory_space<hbm>>) dst(%arg10 : memref<128xi32, #tpu.memory_space<vmem>>)
          tpu.yield
        }) : () -> ()
        %add3A_80 = arith.constant 256 : i32
        %add3A_81 = arith.addi %add3A_27, %add3A_80 : i32
        "tpu.region"() ({
          %run_scoped3A = tpu.sem_alloc : memref<!tpu.dma_semaphore, #tpu.memory_space<semaphore_mem>>
          %dma_start3A_82 = tpu.memref_slice %arg6[%add3A_81] : memref<327680xi32, #tpu.memory_space<hbm>> -> memref<128xi32, #tpu.memory_space<hbm>>
          %dma_start3A_83 = tpu.memref_slice %arg6[%add3A_81] : memref<327680xi32, #tpu.memory_space<hbm>> -> memref<128xi32, #tpu.memory_space<hbm>>
          tpu.enqueue_dma source(%dma_start3A_83 : memref<128xi32, #tpu.memory_space<hbm>>) target(%arg12 : memref<128xi32, #tpu.memory_space<vmem>>) target_semaphore(%run_scoped3A : memref<!tpu.dma_semaphore, #tpu.memory_space<semaphore_mem>>)
          %dma_wait3A_84 = tpu.memref_slice %arg6[%add3A_81] : memref<327680xi32, #tpu.memory_space<hbm>> -> memref<128xi32, #tpu.memory_space<hbm>>
          %dma_wait3A_85 = tpu.memref_slice %arg6[%add3A_81] : memref<327680xi32, #tpu.memory_space<hbm>> -> memref<128xi32, #tpu.memory_space<hbm>>
          tpu.wait_dma2 semaphore(%run_scoped3A : memref<!tpu.dma_semaphore, #tpu.memory_space<semaphore_mem>>) src(%dma_wait3A_85 : memref<128xi32, #tpu.memory_space<hbm>>) dst(%arg12 : memref<128xi32, #tpu.memory_space<vmem>>)
          tpu.yield
        }) : () -> ()
      } else {
      }
      %dma_wait3A_55 = arith.constant 0 : i32
      %dma_wait3A_56 = arith.constant 0 : i32
      %dma_wait3A_57 = tpu.memref_slice %arg2[%dma_wait3A_55, %dma_wait3A_56] : memref<10000x16xf32, #tpu.memory_space<hbm>> -> memref<10000x16xf32, #tpu.memory_space<hbm>>
      tpu.wait_indirect_dma semaphore(%arg22 : memref<!tpu.dma_semaphore, #tpu.memory_space<semaphore_mem>>) src(%dma_wait3A_57 : memref<10000x16xf32, #tpu.memory_space<hbm>>) dst(%arg15 : memref<128x16xf32, #tpu.memory_space<vmem>>)
      %dma_wait3A_58 = arith.constant 0 : i32
      %dma_wait3A_59 = arith.constant 0 : i32
      %dma_wait3A_60 = tpu.memref_slice %arg3[%dma_wait3A_58, %dma_wait3A_59] : memref<10000x16xf32, #tpu.memory_space<hbm>> -> memref<10000x16xf32, #tpu.memory_space<hbm>>
      tpu.wait_indirect_dma semaphore(%arg22 : memref<!tpu.dma_semaphore, #tpu.memory_space<semaphore_mem>>) src(%dma_wait3A_60 : memref<10000x16xf32, #tpu.memory_space<hbm>>) dst(%arg17 : memref<128x16xf32, #tpu.memory_space<vmem>>)
      %mul3A_61 = arith.constant 2 : i32
      %mul3A_62 = arith.muli %mul3A_61, %scan3A_22 : i32
      %add3A_63 = arith.constant 2 : i32
      %add3A_64 = arith.addi %mul3A_62, %add3A_63 : i32
      %lt3A_65 = arith.constant 80 : i32
      %lt3A_66 = arith.cmpi slt, %add3A_64, %lt3A_65 : i32
      %convert_element_type3A_67 = arith.extui %lt3A_66 : i1 to i32
      %cond3A_68 = arith.constant 0 : i32
      %cond3A_69 = arith.cmpi ne, %convert_element_type3A_67, %cond3A_68 : i32
      scf.if %cond3A_69 {
        %dma_start3A_78 = arith.constant 0 : i32
        %dma_start3A_79 = arith.constant 0 : i32
        %dma_start3A_80 = tpu.memref_slice %arg2[%dma_start3A_78, %dma_start3A_79] : memref<10000x16xf32, #tpu.memory_space<hbm>> -> memref<10000x16xf32, #tpu.memory_space<hbm>>
        tpu.enqueue_indirect_dma source(%dma_start3A_80 : memref<10000x16xf32, #tpu.memory_space<hbm>>) target(%arg14 : memref<128x16xf32, #tpu.memory_space<vmem>>) offsets(%arg10 : memref<128xi32, #tpu.memory_space<vmem>>) semaphore(%arg21 : memref<!tpu.dma_semaphore, #tpu.memory_space<semaphore_mem>>)
        %dma_start3A_81 = arith.constant 0 : i32
        %dma_start3A_82 = arith.constant 0 : i32
        %dma_start3A_83 = tpu.memref_slice %arg3[%dma_start3A_81, %dma_start3A_82] : memref<10000x16xf32, #tpu.memory_space<hbm>> -> memref<10000x16xf32, #tpu.memory_space<hbm>>
        tpu.enqueue_indirect_dma source(%dma_start3A_83 : memref<10000x16xf32, #tpu.memory_space<hbm>>) target(%arg16 : memref<128x16xf32, #tpu.memory_space<vmem>>) offsets(%arg12 : memref<128xi32, #tpu.memory_space<vmem>>) semaphore(%arg21 : memref<!tpu.dma_semaphore, #tpu.memory_space<semaphore_mem>>)
      } else {
      }
      %scan3A_70 = arith.constant 0 : i32
      %scan3A_71 = arith.constant 0 : i32
      %scan3A_72 = arith.constant 128 : i32
      %scan3A_73 = arith.addi %scan3A_71, %scan3A_72 : i32
      %scan3A_74 = arith.constant 1 : i32
      scf.for %scan3A_78 = %scan3A_71 to %scan3A_73 step %scan3A_74  : i32 {
        %get3A = arith.constant 0 : i32
        %get3A_79 = arith.index_cast %get3A : i32 to index
        %get3A_80 = arith.constant 0 : index
        %get3A_81 = tpu.vector_load %arg19[%get3A_79, %get3A_80] {strides = array<i32>} : memref<1x16xf32, #tpu.memory_space<vmem>>, vector<1x16xf32>,
        %get3A_82 = vector.shape_cast %get3A_81 : vector<1x16xf32> to vector<16xf32>
        %get3A_83 = arith.index_cast %scan3A_78 : i32 to index
        %get3A_84 = arith.constant 0 : index
        %get3A_85 = tpu.vector_load %arg15[%get3A_83, %get3A_84] {strides = array<i32>} : memref<128x16xf32, #tpu.memory_space<vmem>>, vector<1x16xf32>,
        %get3A_86 = vector.shape_cast %get3A_85 : vector<1x16xf32> to vector<16xf32>
        %get3A_87 = arith.index_cast %scan3A_78 : i32 to index
        %get3A_88 = arith.constant 0 : index
        %get3A_89 = tpu.vector_load %arg17[%get3A_87, %get3A_88] {strides = array<i32>} : memref<128x16xf32, #tpu.memory_space<vmem>>, vector<1x16xf32>,
        %get3A_90 = vector.shape_cast %get3A_89 : vector<1x16xf32> to vector<16xf32>
        %add3A_91 = arith.addf %get3A_86, %get3A_90 : vector<16xf32>
        %mul3A_92 = arith.constant 2.000000e-01 : f32
        %mul3A_93 = vector.broadcast %mul3A_92 : f32 to vector<16xf32>
        %mul3A_94 = arith.mulf %mul3A_93, %add3A_91 : vector<16xf32>
        %max3A = arith.maximumf %add3A_91, %mul3A_94 : vector<16xf32>
        %sub3A = arith.subf %max3A, %get3A_82 : vector<16xf32>
        %exp3A = math.exp %sub3A : vector<16xf32>
        %swap3A = arith.index_cast %scan3A_78 : i32 to index
        %swap3A_95 = arith.constant 0 : index
        %swap3A_96 = tpu.vector_load %arg18[%swap3A, %swap3A_95] {strides = array<i32>} : memref<128x16xf32, #tpu.memory_space<vmem>>, vector<1x16xf32>,
        %swap3A_97 = vector.shape_cast %swap3A_96 : vector<1x16xf32> to vector<16xf32>
        %swap3A_98 = vector.shape_cast %exp3A : vector<16xf32> to vector<1x16xf32>
        tpu.vector_store %arg18[%swap3A, %swap3A_95], %swap3A_98 {strides = array<i32>} : memref<128x16xf32, #tpu.memory_space<vmem>>, vector<1x16xf32>,
      }
      %scan3A_75 = arith.constant 128 : i32
      %add3A_76 = arith.constant 128 : i32
      %add3A_77 = arith.addi %add3A_27, %add3A_76 : i32
      "tpu.region"() ({
        %run_scoped3A = tpu.sem_alloc : memref<!tpu.dma_semaphore, #tpu.memory_space<semaphore_mem>>
        %dma_start3A_78 = arith.constant 0 : i32
        %dma_start3A_79 = tpu.memref_slice %arg8[%add3A_77, %dma_start3A_78] : memref<327680x16xf32, #tpu.memory_space<hbm>> -> memref<128x16xf32, #tpu.memory_space<hbm>>
        %dma_start3A_80 = arith.constant 0 : i32
        %dma_start3A_81 = tpu.memref_slice %arg8[%add3A_77, %dma_start3A_80] : memref<327680x16xf32, #tpu.memory_space<hbm>> -> memref<128x16xf32, #tpu.memory_space<hbm>>
        tpu.enqueue_dma source(%arg18 : memref<128x16xf32, #tpu.memory_space<vmem>>) target(%dma_start3A_81 : memref<128x16xf32, #tpu.memory_space<hbm>>) target_semaphore(%run_scoped3A : memref<!tpu.dma_semaphore, #tpu.memory_space<semaphore_mem>>)
        %dma_wait3A_82 = arith.constant 0 : i32
        %dma_wait3A_83 = tpu.memref_slice %arg8[%add3A_77, %dma_wait3A_82] : memref<327680x16xf32, #tpu.memory_space<hbm>> -> memref<128x16xf32, #tpu.memory_space<hbm>>
        %dma_wait3A_84 = arith.constant 0 : i32
        %dma_wait3A_85 = tpu.memref_slice %arg8[%add3A_77, %dma_wait3A_84] : memref<327680x16xf32, #tpu.memory_space<hbm>> -> memref<128x16xf32, #tpu.memory_space<hbm>>
        tpu.wait_dma2 semaphore(%run_scoped3A : memref<!tpu.dma_semaphore, #tpu.memory_space<semaphore_mem>>) src(%arg18 : memref<128x16xf32, #tpu.memory_space<vmem>>) dst(%dma_wait3A_85 : memref<128x16xf32, #tpu.memory_space<hbm>>)
        tpu.yield
      }) : () -> ()
      "tpu.region"() ({
        %run_scoped3A = tpu.sem_alloc : memref<!tpu.dma_semaphore, #tpu.memory_space<semaphore_mem>>
        %dma_start3A_78 = arith.constant 0 : i32
        %dma_start3A_79 = arith.constant 0 : i32
        %dma_start3A_80 = tpu.memref_slice %arg20[%dma_start3A_78, %dma_start3A_79] : memref<10112x16xf32, #tpu.memory_space<vmem_shared>> -> memref<10112x16xf32, #tpu.memory_space<vmem_shared>>
        tpu.enqueue_indirect_dma source(%arg18 : memref<128x16xf32, #tpu.memory_space<vmem>>) target(%dma_start3A_80 : memref<10112x16xf32, #tpu.memory_space<vmem_shared>>) offsets(%arg13 : memref<128xi32, #tpu.memory_space<vmem>>) semaphore(%run_scoped3A : memref<!tpu.dma_semaphore, #tpu.memory_space<semaphore_mem>>) {add = true}
        %dma_wait3A_81 = arith.constant 0 : i32
        %dma_wait3A_82 = arith.constant 0 : i32
        %dma_wait3A_83 = tpu.memref_slice %arg20[%dma_wait3A_81, %dma_wait3A_82] : memref<10112x16xf32, #tpu.memory_space<vmem_shared>> -> memref<10112x16xf32, #tpu.memory_space<vmem_shared>>
        tpu.wait_indirect_dma semaphore(%run_scoped3A : memref<!tpu.dma_semaphore, #tpu.memory_space<semaphore_mem>>) src(%arg18 : memref<128x16xf32, #tpu.memory_space<vmem>>) dst(%dma_wait3A_83 : memref<10112x16xf32, #tpu.memory_space<vmem_shared>>)
        tpu.yield
      }) : () -> ()
    }
    %scan3A_16 = arith.constant 40 : i32
    %barrier3A_17 = arith.constant 0 : index
    tpu.barrier barrier_id(%barrier3A_17)
    %mul3A_18 = arith.constant 632 : i32
    %mul3A_19 = arith.muli %arg1, %mul3A_18 : i32
    %mul3A_20 = arith.constant 632 : i32
    %mul3A_21 = arith.muli %arg1, %mul3A_20 : i32
    "tpu.region"() ({
      %run_scoped3A = tpu.sem_alloc : memref<!tpu.dma_semaphore, #tpu.memory_space<semaphore_mem>>
      %dma_start3A_22 = arith.constant 0 : i32
      %dma_start3A_23 = tpu.memref_slice %arg9[%arg0, %mul3A_21, %dma_start3A_22] : memref<2x10112x16xf32, #tpu.memory_space<hbm>> -> memref<1x632x16xf32, #tpu.memory_space<hbm>>
      %dma_start3A_24 = tpu.memref_squeeze %dma_start3A_23 : memref<1x632x16xf32, #tpu.memory_space<hbm>> -> memref<632x16xf32, #tpu.memory_space<hbm>>
      %dma_start3A_25 = arith.constant 0 : i32
      %dma_start3A_26 = tpu.memref_slice %arg20[%mul3A_19, %dma_start3A_25] : memref<10112x16xf32, #tpu.memory_space<vmem_shared>> -> memref<632x16xf32, #tpu.memory_space<vmem_shared>>
      tpu.enqueue_dma source(%dma_start3A_26 : memref<632x16xf32, #tpu.memory_space<vmem_shared>>) target(%dma_start3A_24 : memref<632x16xf32, #tpu.memory_space<hbm>>) target_semaphore(%run_scoped3A : memref<!tpu.dma_semaphore, #tpu.memory_space<semaphore_mem>>)
      %dma_wait3A = arith.constant 0 : i32
      %dma_wait3A_27 = tpu.memref_slice %arg9[%arg0, %mul3A_21, %dma_wait3A] : memref<2x10112x16xf32, #tpu.memory_space<hbm>> -> memref<1x632x16xf32, #tpu.memory_space<hbm>>
      %dma_wait3A_28 = tpu.memref_squeeze %dma_wait3A_27 : memref<1x632x16xf32, #tpu.memory_space<hbm>> -> memref<632x16xf32, #tpu.memory_space<hbm>>
      %dma_wait3A_29 = arith.constant 0 : i32
      %dma_wait3A_30 = tpu.memref_slice %arg20[%mul3A_19, %dma_wait3A_29] : memref<10112x16xf32, #tpu.memory_space<vmem_shared>> -> memref<632x16xf32, #tpu.memory_space<vmem_shared>>
      tpu.wait_dma2 semaphore(%run_scoped3A : memref<!tpu.dma_semaphore, #tpu.memory_space<semaphore_mem>>) src(%dma_wait3A_30 : memref<632x16xf32, #tpu.memory_space<vmem_shared>>) dst(%dma_wait3A_28 : memref<632x16xf32, #tpu.memory_space<hbm>>)
      tpu.yield
    }) : () -> ()
    return
  }
}

#map = affine_map<(d0, d1) -> (0, 0)>
#map1 = affine_map<(d0, d1) -> (0)>
#map2 = affine_map<(d0, d1) -> (0, 0, 0)>
module attributes {stable_mosaic.version = 14 : i64} {
  func.func @_sgat(%arg0: i32, %arg1: i32, %arg2: memref<10000x128xf32, #tpu.memory_space<hbm>>, %arg3: memref<327680x16xf32, #tpu.memory_space<hbm>>, %arg4: memref<327680xi32, #tpu.memory_space<hbm>>, %arg5: memref<327680xi32, #tpu.memory_space<hbm>>, %arg6: memref<10112x128xf32, #tpu.memory_space<hbm>>, %arg7: memref<2x10112x128xf32, #tpu.memory_space<hbm>>, %arg8: memref<64xi32, #tpu.memory_space<vmem>>, %arg9: memref<64xi32, #tpu.memory_space<vmem>>, %arg10: memref<64xi32, #tpu.memory_space<vmem>>, %arg11: memref<64xi32, #tpu.memory_space<vmem>>, %arg12: memref<64x128xf32, #tpu.memory_space<vmem>>, %arg13: memref<64x128xf32, #tpu.memory_space<vmem>>, %arg14: memref<64x16xf32, #tpu.memory_space<vmem>>, %arg15: memref<64x16xf32, #tpu.memory_space<vmem>>, %arg16: memref<10112x128xf32, #tpu.memory_space<vmem_shared>>, %arg17: memref<!tpu.dma_semaphore, #tpu.memory_space<semaphore_mem>>, %arg18: memref<!tpu.dma_semaphore, #tpu.memory_space<semaphore_mem>>) attributes {dimension_semantics = [#tpu.dimension_semantics<core_parallel>, #tpu.dimension_semantics<subcore_parallel>], iteration_bounds = array<i64: 2, 16>, scalar_prefetch = 0 : i64, scratch_operands = 11 : i64, tpu.core_type = #tpu.core_type<sc_vector_subcore>, window_params = [{transform_indices = #map}, {transform_indices = #map}, {transform_indices = #map1}, {transform_indices = #map1}, {transform_indices = #map}, {transform_indices = #map2}]} {
    %mul3A = arith.constant 16 : i32
    %mul3A_0 = arith.muli %arg0, %mul3A : i32
    %add3A = arith.addi %mul3A_0, %arg1 : i32
    %mul3A_1 = arith.constant 632 : i32
    %mul3A_2 = arith.muli %arg1, %mul3A_1 : i32
    %mul3A_3 = arith.constant 632 : i32
    %mul3A_4 = arith.muli %arg1, %mul3A_3 : i32
    "tpu.region"() ({
      %run_scoped3A = tpu.sem_alloc : memref<!tpu.dma_semaphore, #tpu.memory_space<semaphore_mem>>
      %dma_start3A_52 = arith.constant 0 : i32
      %dma_start3A_53 = tpu.memref_slice %arg16[%mul3A_4, %dma_start3A_52] : memref<10112x128xf32, #tpu.memory_space<vmem_shared>> -> memref<632x128xf32, #tpu.memory_space<vmem_shared>>
      %dma_start3A_54 = arith.constant 0 : i32
      %dma_start3A_55 = tpu.memref_slice %arg6[%mul3A_2, %dma_start3A_54] : memref<10112x128xf32, #tpu.memory_space<hbm>> -> memref<632x128xf32, #tpu.memory_space<hbm>>
      tpu.enqueue_dma source(%dma_start3A_55 : memref<632x128xf32, #tpu.memory_space<hbm>>) target(%dma_start3A_53 : memref<632x128xf32, #tpu.memory_space<vmem_shared>>) target_semaphore(%run_scoped3A : memref<!tpu.dma_semaphore, #tpu.memory_space<semaphore_mem>>)
      %dma_wait3A = arith.constant 0 : i32
      %dma_wait3A_56 = tpu.memref_slice %arg16[%mul3A_4, %dma_wait3A] : memref<10112x128xf32, #tpu.memory_space<vmem_shared>> -> memref<632x128xf32, #tpu.memory_space<vmem_shared>>
      %dma_wait3A_57 = arith.constant 0 : i32
      %dma_wait3A_58 = tpu.memref_slice %arg6[%mul3A_2, %dma_wait3A_57] : memref<10112x128xf32, #tpu.memory_space<hbm>> -> memref<632x128xf32, #tpu.memory_space<hbm>>
      tpu.wait_dma2 semaphore(%run_scoped3A : memref<!tpu.dma_semaphore, #tpu.memory_space<semaphore_mem>>) src(%dma_wait3A_58 : memref<632x128xf32, #tpu.memory_space<hbm>>) dst(%dma_wait3A_56 : memref<632x128xf32, #tpu.memory_space<vmem_shared>>)
      tpu.yield
    }) : () -> ()
    %barrier3A = arith.constant 0 : index
    tpu.barrier barrier_id(%barrier3A)
    %eq3A = arith.constant 0 : i32
    %eq3A_5 = arith.cmpi eq, %arg0, %eq3A : i32
    %mul3A_6 = arith.constant 178 : i32
    %mul3A_7 = arith.muli %arg1, %mul3A_6 : i32
    %mul3A_8 = arith.constant 142 : i32
    %mul3A_9 = arith.muli %arg1, %mul3A_8 : i32
    %add3A_10 = arith.constant 2848 : i32
    %add3A_11 = arith.addi %add3A_10, %mul3A_9 : i32
    %select_n3A = arith.select %eq3A_5, %mul3A_7, %add3A_11 : i32
    %mul3A_12 = arith.constant 64 : i32
    %mul3A_13 = arith.muli %select_n3A, %mul3A_12 : i32
    %eq3A_14 = arith.constant 0 : i32
    %eq3A_15 = arith.cmpi eq, %arg0, %eq3A_14 : i32
    %jit3A = arith.constant 178 : i32
    %jit3A_16 = arith.constant 142 : i32
    %select_n3A_17 = arith.select %eq3A_15, %jit3A, %jit3A_16 : i32
    "tpu.region"() ({
      %run_scoped3A = tpu.sem_alloc : memref<!tpu.dma_semaphore, #tpu.memory_space<semaphore_mem>>
      %dma_start3A_52 = tpu.memref_slice %arg4[%mul3A_13] : memref<327680xi32, #tpu.memory_space<hbm>> -> memref<64xi32, #tpu.memory_space<hbm>>
      %dma_start3A_53 = tpu.memref_slice %arg4[%mul3A_13] : memref<327680xi32, #tpu.memory_space<hbm>> -> memref<64xi32, #tpu.memory_space<hbm>>
      tpu.enqueue_dma source(%dma_start3A_53 : memref<64xi32, #tpu.memory_space<hbm>>) target(%arg8 : memref<64xi32, #tpu.memory_space<vmem>>) target_semaphore(%run_scoped3A : memref<!tpu.dma_semaphore, #tpu.memory_space<semaphore_mem>>)
      %dma_wait3A = tpu.memref_slice %arg4[%mul3A_13] : memref<327680xi32, #tpu.memory_space<hbm>> -> memref<64xi32, #tpu.memory_space<hbm>>
      %dma_wait3A_54 = tpu.memref_slice %arg4[%mul3A_13] : memref<327680xi32, #tpu.memory_space<hbm>> -> memref<64xi32, #tpu.memory_space<hbm>>
      tpu.wait_dma2 semaphore(%run_scoped3A : memref<!tpu.dma_semaphore, #tpu.memory_space<semaphore_mem>>) src(%dma_wait3A_54 : memref<64xi32, #tpu.memory_space<hbm>>) dst(%arg8 : memref<64xi32, #tpu.memory_space<vmem>>)
      tpu.yield
    }) : () -> ()
    "tpu.region"() ({
      %run_scoped3A = tpu.sem_alloc : memref<!tpu.dma_semaphore, #tpu.memory_space<semaphore_mem>>
      %dma_start3A_52 = tpu.memref_slice %arg5[%mul3A_13] : memref<327680xi32, #tpu.memory_space<hbm>> -> memref<64xi32, #tpu.memory_space<hbm>>
      %dma_start3A_53 = tpu.memref_slice %arg5[%mul3A_13] : memref<327680xi32, #tpu.memory_space<hbm>> -> memref<64xi32, #tpu.memory_space<hbm>>
      tpu.enqueue_dma source(%dma_start3A_53 : memref<64xi32, #tpu.memory_space<hbm>>) target(%arg10 : memref<64xi32, #tpu.memory_space<vmem>>) target_semaphore(%run_scoped3A : memref<!tpu.dma_semaphore, #tpu.memory_space<semaphore_mem>>)
      %dma_wait3A = tpu.memref_slice %arg5[%mul3A_13] : memref<327680xi32, #tpu.memory_space<hbm>> -> memref<64xi32, #tpu.memory_space<hbm>>
      %dma_wait3A_54 = tpu.memref_slice %arg5[%mul3A_13] : memref<327680xi32, #tpu.memory_space<hbm>> -> memref<64xi32, #tpu.memory_space<hbm>>
      tpu.wait_dma2 semaphore(%run_scoped3A : memref<!tpu.dma_semaphore, #tpu.memory_space<semaphore_mem>>) src(%dma_wait3A_54 : memref<64xi32, #tpu.memory_space<hbm>>) dst(%arg10 : memref<64xi32, #tpu.memory_space<vmem>>)
      tpu.yield
    }) : () -> ()
    %dma_start3A = arith.constant 0 : i32
    %dma_start3A_18 = arith.constant 0 : i32
    %dma_start3A_19 = tpu.memref_slice %arg2[%dma_start3A, %dma_start3A_18] : memref<10000x128xf32, #tpu.memory_space<hbm>> -> memref<10000x128xf32, #tpu.memory_space<hbm>>
    tpu.enqueue_indirect_dma source(%dma_start3A_19 : memref<10000x128xf32, #tpu.memory_space<hbm>>) target(%arg12 : memref<64x128xf32, #tpu.memory_space<vmem>>) offsets(%arg8 : memref<64xi32, #tpu.memory_space<vmem>>) semaphore(%arg17 : memref<!tpu.dma_semaphore, #tpu.memory_space<semaphore_mem>>)
    "tpu.region"() ({
      %run_scoped3A = tpu.sem_alloc : memref<!tpu.dma_semaphore, #tpu.memory_space<semaphore_mem>>
      %dma_start3A_52 = arith.constant 0 : i32
      %dma_start3A_53 = tpu.memref_slice %arg3[%mul3A_13, %dma_start3A_52] : memref<327680x16xf32, #tpu.memory_space<hbm>> -> memref<64x16xf32, #tpu.memory_space<hbm>>
      %dma_start3A_54 = arith.constant 0 : i32
      %dma_start3A_55 = tpu.memref_slice %arg3[%mul3A_13, %dma_start3A_54] : memref<327680x16xf32, #tpu.memory_space<hbm>> -> memref<64x16xf32, #tpu.memory_space<hbm>>
      tpu.enqueue_dma source(%dma_start3A_55 : memref<64x16xf32, #tpu.memory_space<hbm>>) target(%arg14 : memref<64x16xf32, #tpu.memory_space<vmem>>) target_semaphore(%run_scoped3A : memref<!tpu.dma_semaphore, #tpu.memory_space<semaphore_mem>>)
      %dma_wait3A = arith.constant 0 : i32
      %dma_wait3A_56 = tpu.memref_slice %arg3[%mul3A_13, %dma_wait3A] : memref<327680x16xf32, #tpu.memory_space<hbm>> -> memref<64x16xf32, #tpu.memory_space<hbm>>
      %dma_wait3A_57 = arith.constant 0 : i32
      %dma_wait3A_58 = tpu.memref_slice %arg3[%mul3A_13, %dma_wait3A_57] : memref<327680x16xf32, #tpu.memory_space<hbm>> -> memref<64x16xf32, #tpu.memory_space<hbm>>
      tpu.wait_dma2 semaphore(%run_scoped3A : memref<!tpu.dma_semaphore, #tpu.memory_space<semaphore_mem>>) src(%dma_wait3A_58 : memref<64x16xf32, #tpu.memory_space<hbm>>) dst(%arg14 : memref<64x16xf32, #tpu.memory_space<vmem>>)
      tpu.yield
    }) : () -> ()
    %jit3A_20 = arith.constant 2 : i32
    %div3A = arith.divsi %select_n3A_17, %jit3A_20 : i32
    %sign3A = arith.constant 0 : i32
    %sign3A_21 = arith.cmpi sgt, %select_n3A_17, %sign3A : i32
    %sign3A_22 = arith.extui %sign3A_21 : i1 to i32
    %sign3A_23 = arith.constant 0 : i32
    %sign3A_24 = arith.cmpi slt, %select_n3A_17, %sign3A_23 : i32
    %sign3A_25 = arith.extui %sign3A_24 : i1 to i32
    %sign3A_26 = arith.subi %sign3A_22, %sign3A_25 : i32
    %sign3A_27 = arith.constant 0 : i32
    %sign3A_28 = arith.cmpi sgt, %jit3A_20, %sign3A_27 : i32
    %sign3A_29 = arith.extui %sign3A_28 : i1 to i32
    %sign3A_30 = arith.constant 0 : i32
    %sign3A_31 = arith.cmpi slt, %jit3A_20, %sign3A_30 : i32
    %sign3A_32 = arith.extui %sign3A_31 : i1 to i32
    %sign3A_33 = arith.subi %sign3A_29, %sign3A_32 : i32
    %ne3A = arith.cmpi ne, %sign3A_26, %sign3A_33 : i32
    %rem3A = arith.remsi %select_n3A_17, %jit3A_20 : i32
    %ne3A_34 = arith.constant 0 : i32
    %ne3A_35 = arith.cmpi ne, %rem3A, %ne3A_34 : i32
    %and3A = arith.andi %ne3A, %ne3A_35 : i1
    %sub3A = arith.constant 1 : i32
    %sub3A_36 = arith.subi %div3A, %sub3A : i32
    %select_n3A_37 = arith.select %and3A, %sub3A_36, %div3A : i32
    %while3A = arith.constant 0 : i32
    %while3A_38 = arith.constant 0 : i32
    %while3A_39 = arith.subi %select_n3A_37, %while3A_38 : i32
    %while3A_40 = arith.addi %while3A_38, %while3A_39 : i32
    %while3A_41 = arith.constant 1 : i32
    %while3A_42 = arith.divsi %while3A_39, %while3A_41 : i32
    %while3A_43 = arith.muli %while3A_42, %while3A_41 : i32
    %while3A_44 = arith.addi %while3A_38, %while3A_43 : i32
    %while3A_45 = arith.constant 1 : i32
    scf.for %while3A_52 = %while3A_38 to %while3A_44 step %while3A_45  : i32 {
      %mul3A_53 = arith.constant 2 : i32
      %mul3A_54 = arith.muli %mul3A_53, %while3A_52 : i32
      %mul3A_55 = arith.constant 64 : i32
      %mul3A_56 = arith.muli %mul3A_54, %mul3A_55 : i32
      %add3A_57 = arith.addi %mul3A_13, %mul3A_56 : i32
      %add3A_58 = arith.constant 64 : i32
      %add3A_59 = arith.addi %add3A_57, %add3A_58 : i32
      "tpu.region"() ({
        %run_scoped3A = tpu.sem_alloc : memref<!tpu.dma_semaphore, #tpu.memory_space<semaphore_mem>>
        %dma_start3A_96 = tpu.memref_slice %arg4[%add3A_59] : memref<327680xi32, #tpu.memory_space<hbm>> -> memref<64xi32, #tpu.memory_space<hbm>>
        %dma_start3A_97 = tpu.memref_slice %arg4[%add3A_59] : memref<327680xi32, #tpu.memory_space<hbm>> -> memref<64xi32, #tpu.memory_space<hbm>>
        tpu.enqueue_dma source(%dma_start3A_97 : memref<64xi32, #tpu.memory_space<hbm>>) target(%arg9 : memref<64xi32, #tpu.memory_space<vmem>>) target_semaphore(%run_scoped3A : memref<!tpu.dma_semaphore, #tpu.memory_space<semaphore_mem>>)
        %dma_wait3A_98 = tpu.memref_slice %arg4[%add3A_59] : memref<327680xi32, #tpu.memory_space<hbm>> -> memref<64xi32, #tpu.memory_space<hbm>>
        %dma_wait3A_99 = tpu.memref_slice %arg4[%add3A_59] : memref<327680xi32, #tpu.memory_space<hbm>> -> memref<64xi32, #tpu.memory_space<hbm>>
        tpu.wait_dma2 semaphore(%run_scoped3A : memref<!tpu.dma_semaphore, #tpu.memory_space<semaphore_mem>>) src(%dma_wait3A_99 : memref<64xi32, #tpu.memory_space<hbm>>) dst(%arg9 : memref<64xi32, #tpu.memory_space<vmem>>)
        tpu.yield
      }) : () -> ()
      %add3A_60 = arith.constant 64 : i32
      %add3A_61 = arith.addi %add3A_57, %add3A_60 : i32
      "tpu.region"() ({
        %run_scoped3A = tpu.sem_alloc : memref<!tpu.dma_semaphore, #tpu.memory_space<semaphore_mem>>
        %dma_start3A_96 = tpu.memref_slice %arg5[%add3A_61] : memref<327680xi32, #tpu.memory_space<hbm>> -> memref<64xi32, #tpu.memory_space<hbm>>
        %dma_start3A_97 = tpu.memref_slice %arg5[%add3A_61] : memref<327680xi32, #tpu.memory_space<hbm>> -> memref<64xi32, #tpu.memory_space<hbm>>
        tpu.enqueue_dma source(%dma_start3A_97 : memref<64xi32, #tpu.memory_space<hbm>>) target(%arg11 : memref<64xi32, #tpu.memory_space<vmem>>) target_semaphore(%run_scoped3A : memref<!tpu.dma_semaphore, #tpu.memory_space<semaphore_mem>>)
        %dma_wait3A_98 = tpu.memref_slice %arg5[%add3A_61] : memref<327680xi32, #tpu.memory_space<hbm>> -> memref<64xi32, #tpu.memory_space<hbm>>
        %dma_wait3A_99 = tpu.memref_slice %arg5[%add3A_61] : memref<327680xi32, #tpu.memory_space<hbm>> -> memref<64xi32, #tpu.memory_space<hbm>>
        tpu.wait_dma2 semaphore(%run_scoped3A : memref<!tpu.dma_semaphore, #tpu.memory_space<semaphore_mem>>) src(%dma_wait3A_99 : memref<64xi32, #tpu.memory_space<hbm>>) dst(%arg11 : memref<64xi32, #tpu.memory_space<vmem>>)
        tpu.yield
      }) : () -> ()
      %add3A_62 = arith.constant 64 : i32
      %add3A_63 = arith.addi %add3A_57, %add3A_62 : i32
      "tpu.region"() ({
        %run_scoped3A = tpu.sem_alloc : memref<!tpu.dma_semaphore, #tpu.memory_space<semaphore_mem>>
        %dma_start3A_96 = arith.constant 0 : i32
        %dma_start3A_97 = tpu.memref_slice %arg3[%add3A_63, %dma_start3A_96] : memref<327680x16xf32, #tpu.memory_space<hbm>> -> memref<64x16xf32, #tpu.memory_space<hbm>>
        %dma_start3A_98 = arith.constant 0 : i32
        %dma_start3A_99 = tpu.memref_slice %arg3[%add3A_63, %dma_start3A_98] : memref<327680x16xf32, #tpu.memory_space<hbm>> -> memref<64x16xf32, #tpu.memory_space<hbm>>
        tpu.enqueue_dma source(%dma_start3A_99 : memref<64x16xf32, #tpu.memory_space<hbm>>) target(%arg15 : memref<64x16xf32, #tpu.memory_space<vmem>>) target_semaphore(%run_scoped3A : memref<!tpu.dma_semaphore, #tpu.memory_space<semaphore_mem>>)
        %dma_wait3A_100 = arith.constant 0 : i32
        %dma_wait3A_101 = tpu.memref_slice %arg3[%add3A_63, %dma_wait3A_100] : memref<327680x16xf32, #tpu.memory_space<hbm>> -> memref<64x16xf32, #tpu.memory_space<hbm>>
        %dma_wait3A_102 = arith.constant 0 : i32
        %dma_wait3A_103 = tpu.memref_slice %arg3[%add3A_63, %dma_wait3A_102] : memref<327680x16xf32, #tpu.memory_space<hbm>> -> memref<64x16xf32, #tpu.memory_space<hbm>>
        tpu.wait_dma2 semaphore(%run_scoped3A : memref<!tpu.dma_semaphore, #tpu.memory_space<semaphore_mem>>) src(%dma_wait3A_103 : memref<64x16xf32, #tpu.memory_space<hbm>>) dst(%arg15 : memref<64x16xf32, #tpu.memory_space<vmem>>)
        tpu.yield
      }) : () -> ()
      %dma_wait3A = arith.constant 0 : i32
      %dma_wait3A_64 = arith.constant 0 : i32
      %dma_wait3A_65 = tpu.memref_slice %arg2[%dma_wait3A, %dma_wait3A_64] : memref<10000x128xf32, #tpu.memory_space<hbm>> -> memref<10000x128xf32, #tpu.memory_space<hbm>>
      tpu.wait_indirect_dma semaphore(%arg17 : memref<!tpu.dma_semaphore, #tpu.memory_space<semaphore_mem>>) src(%dma_wait3A_65 : memref<10000x128xf32, #tpu.memory_space<hbm>>) dst(%arg12 : memref<64x128xf32, #tpu.memory_space<vmem>>)
      %dma_start3A_66 = arith.constant 0 : i32
      %dma_start3A_67 = arith.constant 0 : i32
      %dma_start3A_68 = tpu.memref_slice %arg2[%dma_start3A_66, %dma_start3A_67] : memref<10000x128xf32, #tpu.memory_space<hbm>> -> memref<10000x128xf32, #tpu.memory_space<hbm>>
      tpu.enqueue_indirect_dma source(%dma_start3A_68 : memref<10000x128xf32, #tpu.memory_space<hbm>>) target(%arg13 : memref<64x128xf32, #tpu.memory_space<vmem>>) offsets(%arg9 : memref<64xi32, #tpu.memory_space<vmem>>) semaphore(%arg18 : memref<!tpu.dma_semaphore, #tpu.memory_space<semaphore_mem>>)
      %scan3A = arith.constant 0 : i32
      %scan3A_69 = arith.constant 0 : i32
      %scan3A_70 = arith.constant 64 : i32
      %scan3A_71 = arith.addi %scan3A_69, %scan3A_70 : i32
      %scan3A_72 = arith.constant 1 : i32
      scf.for %scan3A_96 = %scan3A_69 to %scan3A_71 step %scan3A_72  : i32 {
        %get3A = arith.index_cast %scan3A_96 : i32 to index
        %get3A_97 = arith.constant 0 : index
        %get3A_98 = tpu.vector_load %arg14[%get3A, %get3A_97] {strides = array<i32>} : memref<64x16xf32, #tpu.memory_space<vmem>>, vector<1x16xf32>,
        %get3A_99 = vector.shape_cast %get3A_98 : vector<1x16xf32> to vector<16xf32>
        %slice3A = vector.extract_strided_slice %get3A_99 {offsets = [0], sizes = [1], strides = [1]} : vector<16xf32> to vector<1xf32>
        %squeeze3A = vector.extract %slice3A[0] : f32 from vector<1xf32>
        %get3A_100 = arith.index_cast %scan3A_96 : i32 to index
        %get3A_101 = arith.constant 0 : index
        %get3A_102 = tpu.vector_load %arg12[%get3A_100, %get3A_101] {strides = array<i32>} : memref<64x128xf32, #tpu.memory_space<vmem>>, vector<1x16xf32>,
        %get3A_103 = vector.shape_cast %get3A_102 : vector<1x16xf32> to vector<16xf32>
        %mul3A_104 = vector.broadcast %squeeze3A : f32 to vector<16xf32>
        %mul3A_105 = arith.mulf %get3A_103, %mul3A_104 : vector<16xf32>
        %swap3A = arith.index_cast %scan3A_96 : i32 to index
        %swap3A_106 = arith.constant 0 : index
        %swap3A_107 = tpu.vector_load %arg12[%swap3A, %swap3A_106] {strides = array<i32>} : memref<64x128xf32, #tpu.memory_space<vmem>>, vector<1x16xf32>,
        %swap3A_108 = vector.shape_cast %swap3A_107 : vector<1x16xf32> to vector<16xf32>
        %swap3A_109 = vector.shape_cast %mul3A_105 : vector<16xf32> to vector<1x16xf32>
        tpu.vector_store %arg12[%swap3A, %swap3A_106], %swap3A_109 {strides = array<i32>} : memref<64x128xf32, #tpu.memory_space<vmem>>, vector<1x16xf32>,
        %get3A_110 = arith.index_cast %scan3A_96 : i32 to index
        %get3A_111 = arith.constant 16 : index
        %get3A_112 = tpu.vector_load %arg12[%get3A_110, %get3A_111] {strides = array<i32>} : memref<64x128xf32, #tpu.memory_space<vmem>>, vector<1x16xf32>,
        %get3A_113 = vector.shape_cast %get3A_112 : vector<1x16xf32> to vector<16xf32>
        %mul3A_114 = vector.broadcast %squeeze3A : f32 to vector<16xf32>
        %mul3A_115 = arith.mulf %get3A_113, %mul3A_114 : vector<16xf32>
        %swap3A_116 = arith.index_cast %scan3A_96 : i32 to index
        %swap3A_117 = arith.constant 16 : index
        %swap3A_118 = tpu.vector_load %arg12[%swap3A_116, %swap3A_117] {strides = array<i32>} : memref<64x128xf32, #tpu.memory_space<vmem>>, vector<1x16xf32>,
        %swap3A_119 = vector.shape_cast %swap3A_118 : vector<1x16xf32> to vector<16xf32>
        %swap3A_120 = vector.shape_cast %mul3A_115 : vector<16xf32> to vector<1x16xf32>
        tpu.vector_store %arg12[%swap3A_116, %swap3A_117], %swap3A_120 {strides = array<i32>} : memref<64x128xf32, #tpu.memory_space<vmem>>, vector<1x16xf32>,
        %slice3A_121 = vector.extract_strided_slice %get3A_99 {offsets = [1], sizes = [1], strides = [1]} : vector<16xf32> to vector<1xf32>
        %squeeze3A_122 = vector.extract %slice3A_121[0] : f32 from vector<1xf32>
        %get3A_123 = arith.index_cast %scan3A_96 : i32 to index
        %get3A_124 = arith.constant 32 : index
        %get3A_125 = tpu.vector_load %arg12[%get3A_123, %get3A_124] {strides = array<i32>} : memref<64x128xf32, #tpu.memory_space<vmem>>, vector<1x16xf32>,
        %get3A_126 = vector.shape_cast %get3A_125 : vector<1x16xf32> to vector<16xf32>
        %mul3A_127 = vector.broadcast %squeeze3A_122 : f32 to vector<16xf32>
        %mul3A_128 = arith.mulf %get3A_126, %mul3A_127 : vector<16xf32>
        %swap3A_129 = arith.index_cast %scan3A_96 : i32 to index
        %swap3A_130 = arith.constant 32 : index
        %swap3A_131 = tpu.vector_load %arg12[%swap3A_129, %swap3A_130] {strides = array<i32>} : memref<64x128xf32, #tpu.memory_space<vmem>>, vector<1x16xf32>,
        %swap3A_132 = vector.shape_cast %swap3A_131 : vector<1x16xf32> to vector<16xf32>
        %swap3A_133 = vector.shape_cast %mul3A_128 : vector<16xf32> to vector<1x16xf32>
        tpu.vector_store %arg12[%swap3A_129, %swap3A_130], %swap3A_133 {strides = array<i32>} : memref<64x128xf32, #tpu.memory_space<vmem>>, vector<1x16xf32>,
        %get3A_134 = arith.index_cast %scan3A_96 : i32 to index
        %get3A_135 = arith.constant 48 : index
        %get3A_136 = tpu.vector_load %arg12[%get3A_134, %get3A_135] {strides = array<i32>} : memref<64x128xf32, #tpu.memory_space<vmem>>, vector<1x16xf32>,
        %get3A_137 = vector.shape_cast %get3A_136 : vector<1x16xf32> to vector<16xf32>
        %mul3A_138 = vector.broadcast %squeeze3A_122 : f32 to vector<16xf32>
        %mul3A_139 = arith.mulf %get3A_137, %mul3A_138 : vector<16xf32>
        %swap3A_140 = arith.index_cast %scan3A_96 : i32 to index
        %swap3A_141 = arith.constant 48 : index
        %swap3A_142 = tpu.vector_load %arg12[%swap3A_140, %swap3A_141] {strides = array<i32>} : memref<64x128xf32, #tpu.memory_space<vmem>>, vector<1x16xf32>,
        %swap3A_143 = vector.shape_cast %swap3A_142 : vector<1x16xf32> to vector<16xf32>
        %swap3A_144 = vector.shape_cast %mul3A_139 : vector<16xf32> to vector<1x16xf32>
        tpu.vector_store %arg12[%swap3A_140, %swap3A_141], %swap3A_144 {strides = array<i32>} : memref<64x128xf32, #tpu.memory_space<vmem>>, vector<1x16xf32>,
        %slice3A_145 = vector.extract_strided_slice %get3A_99 {offsets = [2], sizes = [1], strides = [1]} : vector<16xf32> to vector<1xf32>
        %squeeze3A_146 = vector.extract %slice3A_145[0] : f32 from vector<1xf32>
        %get3A_147 = arith.index_cast %scan3A_96 : i32 to index
        %get3A_148 = arith.constant 64 : index
        %get3A_149 = tpu.vector_load %arg12[%get3A_147, %get3A_148] {strides = array<i32>} : memref<64x128xf32, #tpu.memory_space<vmem>>, vector<1x16xf32>,
        %get3A_150 = vector.shape_cast %get3A_149 : vector<1x16xf32> to vector<16xf32>
        %mul3A_151 = vector.broadcast %squeeze3A_146 : f32 to vector<16xf32>
        %mul3A_152 = arith.mulf %get3A_150, %mul3A_151 : vector<16xf32>
        %swap3A_153 = arith.index_cast %scan3A_96 : i32 to index
        %swap3A_154 = arith.constant 64 : index
        %swap3A_155 = tpu.vector_load %arg12[%swap3A_153, %swap3A_154] {strides = array<i32>} : memref<64x128xf32, #tpu.memory_space<vmem>>, vector<1x16xf32>,
        %swap3A_156 = vector.shape_cast %swap3A_155 : vector<1x16xf32> to vector<16xf32>
        %swap3A_157 = vector.shape_cast %mul3A_152 : vector<16xf32> to vector<1x16xf32>
        tpu.vector_store %arg12[%swap3A_153, %swap3A_154], %swap3A_157 {strides = array<i32>} : memref<64x128xf32, #tpu.memory_space<vmem>>, vector<1x16xf32>,
        %get3A_158 = arith.index_cast %scan3A_96 : i32 to index
        %get3A_159 = arith.constant 80 : index
        %get3A_160 = tpu.vector_load %arg12[%get3A_158, %get3A_159] {strides = array<i32>} : memref<64x128xf32, #tpu.memory_space<vmem>>, vector<1x16xf32>,
        %get3A_161 = vector.shape_cast %get3A_160 : vector<1x16xf32> to vector<16xf32>
        %mul3A_162 = vector.broadcast %squeeze3A_146 : f32 to vector<16xf32>
        %mul3A_163 = arith.mulf %get3A_161, %mul3A_162 : vector<16xf32>
        %swap3A_164 = arith.index_cast %scan3A_96 : i32 to index
        %swap3A_165 = arith.constant 80 : index
        %swap3A_166 = tpu.vector_load %arg12[%swap3A_164, %swap3A_165] {strides = array<i32>} : memref<64x128xf32, #tpu.memory_space<vmem>>, vector<1x16xf32>,
        %swap3A_167 = vector.shape_cast %swap3A_166 : vector<1x16xf32> to vector<16xf32>
        %swap3A_168 = vector.shape_cast %mul3A_163 : vector<16xf32> to vector<1x16xf32>
        tpu.vector_store %arg12[%swap3A_164, %swap3A_165], %swap3A_168 {strides = array<i32>} : memref<64x128xf32, #tpu.memory_space<vmem>>, vector<1x16xf32>,
        %slice3A_169 = vector.extract_strided_slice %get3A_99 {offsets = [3], sizes = [1], strides = [1]} : vector<16xf32> to vector<1xf32>
        %squeeze3A_170 = vector.extract %slice3A_169[0] : f32 from vector<1xf32>
        %get3A_171 = arith.index_cast %scan3A_96 : i32 to index
        %get3A_172 = arith.constant 96 : index
        %get3A_173 = tpu.vector_load %arg12[%get3A_171, %get3A_172] {strides = array<i32>} : memref<64x128xf32, #tpu.memory_space<vmem>>, vector<1x16xf32>,
        %get3A_174 = vector.shape_cast %get3A_173 : vector<1x16xf32> to vector<16xf32>
        %mul3A_175 = vector.broadcast %squeeze3A_170 : f32 to vector<16xf32>
        %mul3A_176 = arith.mulf %get3A_174, %mul3A_175 : vector<16xf32>
        %swap3A_177 = arith.index_cast %scan3A_96 : i32 to index
        %swap3A_178 = arith.constant 96 : index
        %swap3A_179 = tpu.vector_load %arg12[%swap3A_177, %swap3A_178] {strides = array<i32>} : memref<64x128xf32, #tpu.memory_space<vmem>>, vector<1x16xf32>,
        %swap3A_180 = vector.shape_cast %swap3A_179 : vector<1x16xf32> to vector<16xf32>
        %swap3A_181 = vector.shape_cast %mul3A_176 : vector<16xf32> to vector<1x16xf32>
        tpu.vector_store %arg12[%swap3A_177, %swap3A_178], %swap3A_181 {strides = array<i32>} : memref<64x128xf32, #tpu.memory_space<vmem>>, vector<1x16xf32>,
        %get3A_182 = arith.index_cast %scan3A_96 : i32 to index
        %get3A_183 = arith.constant 112 : index
        %get3A_184 = tpu.vector_load %arg12[%get3A_182, %get3A_183] {strides = array<i32>} : memref<64x128xf32, #tpu.memory_space<vmem>>, vector<1x16xf32>,
        %get3A_185 = vector.shape_cast %get3A_184 : vector<1x16xf32> to vector<16xf32>
        %mul3A_186 = vector.broadcast %squeeze3A_170 : f32 to vector<16xf32>
        %mul3A_187 = arith.mulf %get3A_185, %mul3A_186 : vector<16xf32>
        %swap3A_188 = arith.index_cast %scan3A_96 : i32 to index
        %swap3A_189 = arith.constant 112 : index
        %swap3A_190 = tpu.vector_load %arg12[%swap3A_188, %swap3A_189] {strides = array<i32>} : memref<64x128xf32, #tpu.memory_space<vmem>>, vector<1x16xf32>,
        %swap3A_191 = vector.shape_cast %swap3A_190 : vector<1x16xf32> to vector<16xf32>
        %swap3A_192 = vector.shape_cast %mul3A_187 : vector<16xf32> to vector<1x16xf32>
        tpu.vector_store %arg12[%swap3A_188, %swap3A_189], %swap3A_192 {strides = array<i32>} : memref<64x128xf32, #tpu.memory_space<vmem>>, vector<1x16xf32>,
      }
      %scan3A_73 = arith.constant 64 : i32
      "tpu.region"() ({
        %run_scoped3A = tpu.sem_alloc : memref<!tpu.dma_semaphore, #tpu.memory_space<semaphore_mem>>
        %dma_start3A_96 = arith.constant 0 : i32
        %dma_start3A_97 = arith.constant 0 : i32
        %dma_start3A_98 = tpu.memref_slice %arg16[%dma_start3A_96, %dma_start3A_97] : memref<10112x128xf32, #tpu.memory_space<vmem_shared>> -> memref<10112x128xf32, #tpu.memory_space<vmem_shared>>
        tpu.enqueue_indirect_dma source(%arg12 : memref<64x128xf32, #tpu.memory_space<vmem>>) target(%dma_start3A_98 : memref<10112x128xf32, #tpu.memory_space<vmem_shared>>) offsets(%arg10 : memref<64xi32, #tpu.memory_space<vmem>>) semaphore(%run_scoped3A : memref<!tpu.dma_semaphore, #tpu.memory_space<semaphore_mem>>) {add = true}
        %dma_wait3A_99 = arith.constant 0 : i32
        %dma_wait3A_100 = arith.constant 0 : i32
        %dma_wait3A_101 = tpu.memref_slice %arg16[%dma_wait3A_99, %dma_wait3A_100] : memref<10112x128xf32, #tpu.memory_space<vmem_shared>> -> memref<10112x128xf32, #tpu.memory_space<vmem_shared>>
        tpu.wait_indirect_dma semaphore(%run_scoped3A : memref<!tpu.dma_semaphore, #tpu.memory_space<semaphore_mem>>) src(%arg12 : memref<64x128xf32, #tpu.memory_space<vmem>>) dst(%dma_wait3A_101 : memref<10112x128xf32, #tpu.memory_space<vmem_shared>>)
        tpu.yield
      }) : () -> ()
      %mul3A_74 = arith.constant 2 : i32
      %mul3A_75 = arith.muli %mul3A_74, %while3A_52 : i32
      %add3A_76 = arith.constant 2 : i32
      %add3A_77 = arith.addi %mul3A_75, %add3A_76 : i32
      %lt3A = arith.cmpi slt, %add3A_77, %select_n3A_17 : i32
      %convert_element_type3A = arith.extui %lt3A : i1 to i32
      %cond3A = arith.constant 0 : i32
      %cond3A_78 = arith.cmpi ne, %convert_element_type3A, %cond3A : i32
      scf.if %cond3A_78 {
        %add3A_96 = arith.constant 128 : i32
        %add3A_97 = arith.addi %add3A_57, %add3A_96 : i32
        "tpu.region"() ({
          %run_scoped3A = tpu.sem_alloc : memref<!tpu.dma_semaphore, #tpu.memory_space<semaphore_mem>>
          %dma_start3A_102 = tpu.memref_slice %arg4[%add3A_97] : memref<327680xi32, #tpu.memory_space<hbm>> -> memref<64xi32, #tpu.memory_space<hbm>>
          %dma_start3A_103 = tpu.memref_slice %arg4[%add3A_97] : memref<327680xi32, #tpu.memory_space<hbm>> -> memref<64xi32, #tpu.memory_space<hbm>>
          tpu.enqueue_dma source(%dma_start3A_103 : memref<64xi32, #tpu.memory_space<hbm>>) target(%arg8 : memref<64xi32, #tpu.memory_space<vmem>>) target_semaphore(%run_scoped3A : memref<!tpu.dma_semaphore, #tpu.memory_space<semaphore_mem>>)
          %dma_wait3A_104 = tpu.memref_slice %arg4[%add3A_97] : memref<327680xi32, #tpu.memory_space<hbm>> -> memref<64xi32, #tpu.memory_space<hbm>>
          %dma_wait3A_105 = tpu.memref_slice %arg4[%add3A_97] : memref<327680xi32, #tpu.memory_space<hbm>> -> memref<64xi32, #tpu.memory_space<hbm>>
          tpu.wait_dma2 semaphore(%run_scoped3A : memref<!tpu.dma_semaphore, #tpu.memory_space<semaphore_mem>>) src(%dma_wait3A_105 : memref<64xi32, #tpu.memory_space<hbm>>) dst(%arg8 : memref<64xi32, #tpu.memory_space<vmem>>)
          tpu.yield
        }) : () -> ()
        %add3A_98 = arith.constant 128 : i32
        %add3A_99 = arith.addi %add3A_57, %add3A_98 : i32
        "tpu.region"() ({
          %run_scoped3A = tpu.sem_alloc : memref<!tpu.dma_semaphore, #tpu.memory_space<semaphore_mem>>
          %dma_start3A_102 = tpu.memref_slice %arg5[%add3A_99] : memref<327680xi32, #tpu.memory_space<hbm>> -> memref<64xi32, #tpu.memory_space<hbm>>
          %dma_start3A_103 = tpu.memref_slice %arg5[%add3A_99] : memref<327680xi32, #tpu.memory_space<hbm>> -> memref<64xi32, #tpu.memory_space<hbm>>
          tpu.enqueue_dma source(%dma_start3A_103 : memref<64xi32, #tpu.memory_space<hbm>>) target(%arg10 : memref<64xi32, #tpu.memory_space<vmem>>) target_semaphore(%run_scoped3A : memref<!tpu.dma_semaphore, #tpu.memory_space<semaphore_mem>>)
          %dma_wait3A_104 = tpu.memref_slice %arg5[%add3A_99] : memref<327680xi32, #tpu.memory_space<hbm>> -> memref<64xi32, #tpu.memory_space<hbm>>
          %dma_wait3A_105 = tpu.memref_slice %arg5[%add3A_99] : memref<327680xi32, #tpu.memory_space<hbm>> -> memref<64xi32, #tpu.memory_space<hbm>>
          tpu.wait_dma2 semaphore(%run_scoped3A : memref<!tpu.dma_semaphore, #tpu.memory_space<semaphore_mem>>) src(%dma_wait3A_105 : memref<64xi32, #tpu.memory_space<hbm>>) dst(%arg10 : memref<64xi32, #tpu.memory_space<vmem>>)
          tpu.yield
        }) : () -> ()
        %add3A_100 = arith.constant 128 : i32
        %add3A_101 = arith.addi %add3A_57, %add3A_100 : i32
        "tpu.region"() ({
          %run_scoped3A = tpu.sem_alloc : memref<!tpu.dma_semaphore, #tpu.memory_space<semaphore_mem>>
          %dma_start3A_102 = arith.constant 0 : i32
          %dma_start3A_103 = tpu.memref_slice %arg3[%add3A_101, %dma_start3A_102] : memref<327680x16xf32, #tpu.memory_space<hbm>> -> memref<64x16xf32, #tpu.memory_space<hbm>>
          %dma_start3A_104 = arith.constant 0 : i32
          %dma_start3A_105 = tpu.memref_slice %arg3[%add3A_101, %dma_start3A_104] : memref<327680x16xf32, #tpu.memory_space<hbm>> -> memref<64x16xf32, #tpu.memory_space<hbm>>
          tpu.enqueue_dma source(%dma_start3A_105 : memref<64x16xf32, #tpu.memory_space<hbm>>) target(%arg14 : memref<64x16xf32, #tpu.memory_space<vmem>>) target_semaphore(%run_scoped3A : memref<!tpu.dma_semaphore, #tpu.memory_space<semaphore_mem>>)
          %dma_wait3A_106 = arith.constant 0 : i32
          %dma_wait3A_107 = tpu.memref_slice %arg3[%add3A_101, %dma_wait3A_106] : memref<327680x16xf32, #tpu.memory_space<hbm>> -> memref<64x16xf32, #tpu.memory_space<hbm>>
          %dma_wait3A_108 = arith.constant 0 : i32
          %dma_wait3A_109 = tpu.memref_slice %arg3[%add3A_101, %dma_wait3A_108] : memref<327680x16xf32, #tpu.memory_space<hbm>> -> memref<64x16xf32, #tpu.memory_space<hbm>>
          tpu.wait_dma2 semaphore(%run_scoped3A : memref<!tpu.dma_semaphore, #tpu.memory_space<semaphore_mem>>) src(%dma_wait3A_109 : memref<64x16xf32, #tpu.memory_space<hbm>>) dst(%arg14 : memref<64x16xf32, #tpu.memory_space<vmem>>)
          tpu.yield
        }) : () -> ()
      } else {
      }
      %dma_wait3A_79 = arith.constant 0 : i32
      %dma_wait3A_80 = arith.constant 0 : i32
      %dma_wait3A_81 = tpu.memref_slice %arg2[%dma_wait3A_79, %dma_wait3A_80] : memref<10000x128xf32, #tpu.memory_space<hbm>> -> memref<10000x128xf32, #tpu.memory_space<hbm>>
      tpu.wait_indirect_dma semaphore(%arg18 : memref<!tpu.dma_semaphore, #tpu.memory_space<semaphore_mem>>) src(%dma_wait3A_81 : memref<10000x128xf32, #tpu.memory_space<hbm>>) dst(%arg13 : memref<64x128xf32, #tpu.memory_space<vmem>>)
      %mul3A_82 = arith.constant 2 : i32
      %mul3A_83 = arith.muli %mul3A_82, %while3A_52 : i32
      %add3A_84 = arith.constant 2 : i32
      %add3A_85 = arith.addi %mul3A_83, %add3A_84 : i32
      %lt3A_86 = arith.cmpi slt, %add3A_85, %select_n3A_17 : i32
      %convert_element_type3A_87 = arith.extui %lt3A_86 : i1 to i32
      %cond3A_88 = arith.constant 0 : i32
      %cond3A_89 = arith.cmpi ne, %convert_element_type3A_87, %cond3A_88 : i32
      scf.if %cond3A_89 {
        %dma_start3A_96 = arith.constant 0 : i32
        %dma_start3A_97 = arith.constant 0 : i32
        %dma_start3A_98 = tpu.memref_slice %arg2[%dma_start3A_96, %dma_start3A_97] : memref<10000x128xf32, #tpu.memory_space<hbm>> -> memref<10000x128xf32, #tpu.memory_space<hbm>>
        tpu.enqueue_indirect_dma source(%dma_start3A_98 : memref<10000x128xf32, #tpu.memory_space<hbm>>) target(%arg12 : memref<64x128xf32, #tpu.memory_space<vmem>>) offsets(%arg8 : memref<64xi32, #tpu.memory_space<vmem>>) semaphore(%arg17 : memref<!tpu.dma_semaphore, #tpu.memory_space<semaphore_mem>>)
      } else {
      }
      %scan3A_90 = arith.constant 0 : i32
      %scan3A_91 = arith.constant 0 : i32
      %scan3A_92 = arith.constant 64 : i32
      %scan3A_93 = arith.addi %scan3A_91, %scan3A_92 : i32
      %scan3A_94 = arith.constant 1 : i32
      scf.for %scan3A_96 = %scan3A_91 to %scan3A_93 step %scan3A_94  : i32 {
        %get3A = arith.index_cast %scan3A_96 : i32 to index
        %get3A_97 = arith.constant 0 : index
        %get3A_98 = tpu.vector_load %arg15[%get3A, %get3A_97] {strides = array<i32>} : memref<64x16xf32, #tpu.memory_space<vmem>>, vector<1x16xf32>,
        %get3A_99 = vector.shape_cast %get3A_98 : vector<1x16xf32> to vector<16xf32>
        %slice3A = vector.extract_strided_slice %get3A_99 {offsets = [0], sizes = [1], strides = [1]} : vector<16xf32> to vector<1xf32>
        %squeeze3A = vector.extract %slice3A[0] : f32 from vector<1xf32>
        %get3A_100 = arith.index_cast %scan3A_96 : i32 to index
        %get3A_101 = arith.constant 0 : index
        %get3A_102 = tpu.vector_load %arg13[%get3A_100, %get3A_101] {strides = array<i32>} : memref<64x128xf32, #tpu.memory_space<vmem>>, vector<1x16xf32>,
        %get3A_103 = vector.shape_cast %get3A_102 : vector<1x16xf32> to vector<16xf32>
        %mul3A_104 = vector.broadcast %squeeze3A : f32 to vector<16xf32>
        %mul3A_105 = arith.mulf %get3A_103, %mul3A_104 : vector<16xf32>
        %swap3A = arith.index_cast %scan3A_96 : i32 to index
        %swap3A_106 = arith.constant 0 : index
        %swap3A_107 = tpu.vector_load %arg13[%swap3A, %swap3A_106] {strides = array<i32>} : memref<64x128xf32, #tpu.memory_space<vmem>>, vector<1x16xf32>,
        %swap3A_108 = vector.shape_cast %swap3A_107 : vector<1x16xf32> to vector<16xf32>
        %swap3A_109 = vector.shape_cast %mul3A_105 : vector<16xf32> to vector<1x16xf32>
        tpu.vector_store %arg13[%swap3A, %swap3A_106], %swap3A_109 {strides = array<i32>} : memref<64x128xf32, #tpu.memory_space<vmem>>, vector<1x16xf32>,
        %get3A_110 = arith.index_cast %scan3A_96 : i32 to index
        %get3A_111 = arith.constant 16 : index
        %get3A_112 = tpu.vector_load %arg13[%get3A_110, %get3A_111] {strides = array<i32>} : memref<64x128xf32, #tpu.memory_space<vmem>>, vector<1x16xf32>,
        %get3A_113 = vector.shape_cast %get3A_112 : vector<1x16xf32> to vector<16xf32>
        %mul3A_114 = vector.broadcast %squeeze3A : f32 to vector<16xf32>
        %mul3A_115 = arith.mulf %get3A_113, %mul3A_114 : vector<16xf32>
        %swap3A_116 = arith.index_cast %scan3A_96 : i32 to index
        %swap3A_117 = arith.constant 16 : index
        %swap3A_118 = tpu.vector_load %arg13[%swap3A_116, %swap3A_117] {strides = array<i32>} : memref<64x128xf32, #tpu.memory_space<vmem>>, vector<1x16xf32>,
        %swap3A_119 = vector.shape_cast %swap3A_118 : vector<1x16xf32> to vector<16xf32>
        %swap3A_120 = vector.shape_cast %mul3A_115 : vector<16xf32> to vector<1x16xf32>
        tpu.vector_store %arg13[%swap3A_116, %swap3A_117], %swap3A_120 {strides = array<i32>} : memref<64x128xf32, #tpu.memory_space<vmem>>, vector<1x16xf32>,
        %slice3A_121 = vector.extract_strided_slice %get3A_99 {offsets = [1], sizes = [1], strides = [1]} : vector<16xf32> to vector<1xf32>
        %squeeze3A_122 = vector.extract %slice3A_121[0] : f32 from vector<1xf32>
        %get3A_123 = arith.index_cast %scan3A_96 : i32 to index
        %get3A_124 = arith.constant 32 : index
        %get3A_125 = tpu.vector_load %arg13[%get3A_123, %get3A_124] {strides = array<i32>} : memref<64x128xf32, #tpu.memory_space<vmem>>, vector<1x16xf32>,
        %get3A_126 = vector.shape_cast %get3A_125 : vector<1x16xf32> to vector<16xf32>
        %mul3A_127 = vector.broadcast %squeeze3A_122 : f32 to vector<16xf32>
        %mul3A_128 = arith.mulf %get3A_126, %mul3A_127 : vector<16xf32>
        %swap3A_129 = arith.index_cast %scan3A_96 : i32 to index
        %swap3A_130 = arith.constant 32 : index
        %swap3A_131 = tpu.vector_load %arg13[%swap3A_129, %swap3A_130] {strides = array<i32>} : memref<64x128xf32, #tpu.memory_space<vmem>>, vector<1x16xf32>,
        %swap3A_132 = vector.shape_cast %swap3A_131 : vector<1x16xf32> to vector<16xf32>
        %swap3A_133 = vector.shape_cast %mul3A_128 : vector<16xf32> to vector<1x16xf32>
        tpu.vector_store %arg13[%swap3A_129, %swap3A_130], %swap3A_133 {strides = array<i32>} : memref<64x128xf32, #tpu.memory_space<vmem>>, vector<1x16xf32>,
        %get3A_134 = arith.index_cast %scan3A_96 : i32 to index
        %get3A_135 = arith.constant 48 : index
        %get3A_136 = tpu.vector_load %arg13[%get3A_134, %get3A_135] {strides = array<i32>} : memref<64x128xf32, #tpu.memory_space<vmem>>, vector<1x16xf32>,
        %get3A_137 = vector.shape_cast %get3A_136 : vector<1x16xf32> to vector<16xf32>
        %mul3A_138 = vector.broadcast %squeeze3A_122 : f32 to vector<16xf32>
        %mul3A_139 = arith.mulf %get3A_137, %mul3A_138 : vector<16xf32>
        %swap3A_140 = arith.index_cast %scan3A_96 : i32 to index
        %swap3A_141 = arith.constant 48 : index
        %swap3A_142 = tpu.vector_load %arg13[%swap3A_140, %swap3A_141] {strides = array<i32>} : memref<64x128xf32, #tpu.memory_space<vmem>>, vector<1x16xf32>,
        %swap3A_143 = vector.shape_cast %swap3A_142 : vector<1x16xf32> to vector<16xf32>
        %swap3A_144 = vector.shape_cast %mul3A_139 : vector<16xf32> to vector<1x16xf32>
        tpu.vector_store %arg13[%swap3A_140, %swap3A_141], %swap3A_144 {strides = array<i32>} : memref<64x128xf32, #tpu.memory_space<vmem>>, vector<1x16xf32>,
        %slice3A_145 = vector.extract_strided_slice %get3A_99 {offsets = [2], sizes = [1], strides = [1]} : vector<16xf32> to vector<1xf32>
        %squeeze3A_146 = vector.extract %slice3A_145[0] : f32 from vector<1xf32>
        %get3A_147 = arith.index_cast %scan3A_96 : i32 to index
        %get3A_148 = arith.constant 64 : index
        %get3A_149 = tpu.vector_load %arg13[%get3A_147, %get3A_148] {strides = array<i32>} : memref<64x128xf32, #tpu.memory_space<vmem>>, vector<1x16xf32>,
        %get3A_150 = vector.shape_cast %get3A_149 : vector<1x16xf32> to vector<16xf32>
        %mul3A_151 = vector.broadcast %squeeze3A_146 : f32 to vector<16xf32>
        %mul3A_152 = arith.mulf %get3A_150, %mul3A_151 : vector<16xf32>
        %swap3A_153 = arith.index_cast %scan3A_96 : i32 to index
        %swap3A_154 = arith.constant 64 : index
        %swap3A_155 = tpu.vector_load %arg13[%swap3A_153, %swap3A_154] {strides = array<i32>} : memref<64x128xf32, #tpu.memory_space<vmem>>, vector<1x16xf32>,
        %swap3A_156 = vector.shape_cast %swap3A_155 : vector<1x16xf32> to vector<16xf32>
        %swap3A_157 = vector.shape_cast %mul3A_152 : vector<16xf32> to vector<1x16xf32>
        tpu.vector_store %arg13[%swap3A_153, %swap3A_154], %swap3A_157 {strides = array<i32>} : memref<64x128xf32, #tpu.memory_space<vmem>>, vector<1x16xf32>,
        %get3A_158 = arith.index_cast %scan3A_96 : i32 to index
        %get3A_159 = arith.constant 80 : index
        %get3A_160 = tpu.vector_load %arg13[%get3A_158, %get3A_159] {strides = array<i32>} : memref<64x128xf32, #tpu.memory_space<vmem>>, vector<1x16xf32>,
        %get3A_161 = vector.shape_cast %get3A_160 : vector<1x16xf32> to vector<16xf32>
        %mul3A_162 = vector.broadcast %squeeze3A_146 : f32 to vector<16xf32>
        %mul3A_163 = arith.mulf %get3A_161, %mul3A_162 : vector<16xf32>
        %swap3A_164 = arith.index_cast %scan3A_96 : i32 to index
        %swap3A_165 = arith.constant 80 : index
        %swap3A_166 = tpu.vector_load %arg13[%swap3A_164, %swap3A_165] {strides = array<i32>} : memref<64x128xf32, #tpu.memory_space<vmem>>, vector<1x16xf32>,
        %swap3A_167 = vector.shape_cast %swap3A_166 : vector<1x16xf32> to vector<16xf32>
        %swap3A_168 = vector.shape_cast %mul3A_163 : vector<16xf32> to vector<1x16xf32>
        tpu.vector_store %arg13[%swap3A_164, %swap3A_165], %swap3A_168 {strides = array<i32>} : memref<64x128xf32, #tpu.memory_space<vmem>>, vector<1x16xf32>,
        %slice3A_169 = vector.extract_strided_slice %get3A_99 {offsets = [3], sizes = [1], strides = [1]} : vector<16xf32> to vector<1xf32>
        %squeeze3A_170 = vector.extract %slice3A_169[0] : f32 from vector<1xf32>
        %get3A_171 = arith.index_cast %scan3A_96 : i32 to index
        %get3A_172 = arith.constant 96 : index
        %get3A_173 = tpu.vector_load %arg13[%get3A_171, %get3A_172] {strides = array<i32>} : memref<64x128xf32, #tpu.memory_space<vmem>>, vector<1x16xf32>,
        %get3A_174 = vector.shape_cast %get3A_173 : vector<1x16xf32> to vector<16xf32>
        %mul3A_175 = vector.broadcast %squeeze3A_170 : f32 to vector<16xf32>
        %mul3A_176 = arith.mulf %get3A_174, %mul3A_175 : vector<16xf32>
        %swap3A_177 = arith.index_cast %scan3A_96 : i32 to index
        %swap3A_178 = arith.constant 96 : index
        %swap3A_179 = tpu.vector_load %arg13[%swap3A_177, %swap3A_178] {strides = array<i32>} : memref<64x128xf32, #tpu.memory_space<vmem>>, vector<1x16xf32>,
        %swap3A_180 = vector.shape_cast %swap3A_179 : vector<1x16xf32> to vector<16xf32>
        %swap3A_181 = vector.shape_cast %mul3A_176 : vector<16xf32> to vector<1x16xf32>
        tpu.vector_store %arg13[%swap3A_177, %swap3A_178], %swap3A_181 {strides = array<i32>} : memref<64x128xf32, #tpu.memory_space<vmem>>, vector<1x16xf32>,
        %get3A_182 = arith.index_cast %scan3A_96 : i32 to index
        %get3A_183 = arith.constant 112 : index
        %get3A_184 = tpu.vector_load %arg13[%get3A_182, %get3A_183] {strides = array<i32>} : memref<64x128xf32, #tpu.memory_space<vmem>>, vector<1x16xf32>,
        %get3A_185 = vector.shape_cast %get3A_184 : vector<1x16xf32> to vector<16xf32>
        %mul3A_186 = vector.broadcast %squeeze3A_170 : f32 to vector<16xf32>
        %mul3A_187 = arith.mulf %get3A_185, %mul3A_186 : vector<16xf32>
        %swap3A_188 = arith.index_cast %scan3A_96 : i32 to index
        %swap3A_189 = arith.constant 112 : index
        %swap3A_190 = tpu.vector_load %arg13[%swap3A_188, %swap3A_189] {strides = array<i32>} : memref<64x128xf32, #tpu.memory_space<vmem>>, vector<1x16xf32>,
        %swap3A_191 = vector.shape_cast %swap3A_190 : vector<1x16xf32> to vector<16xf32>
        %swap3A_192 = vector.shape_cast %mul3A_187 : vector<16xf32> to vector<1x16xf32>
        tpu.vector_store %arg13[%swap3A_188, %swap3A_189], %swap3A_192 {strides = array<i32>} : memref<64x128xf32, #tpu.memory_space<vmem>>, vector<1x16xf32>,
      }
      %scan3A_95 = arith.constant 64 : i32
      "tpu.region"() ({
        %run_scoped3A = tpu.sem_alloc : memref<!tpu.dma_semaphore, #tpu.memory_space<semaphore_mem>>
        %dma_start3A_96 = arith.constant 0 : i32
        %dma_start3A_97 = arith.constant 0 : i32
        %dma_start3A_98 = tpu.memref_slice %arg16[%dma_start3A_96, %dma_start3A_97] : memref<10112x128xf32, #tpu.memory_space<vmem_shared>> -> memref<10112x128xf32, #tpu.memory_space<vmem_shared>>
        tpu.enqueue_indirect_dma source(%arg13 : memref<64x128xf32, #tpu.memory_space<vmem>>) target(%dma_start3A_98 : memref<10112x128xf32, #tpu.memory_space<vmem_shared>>) offsets(%arg11 : memref<64xi32, #tpu.memory_space<vmem>>) semaphore(%run_scoped3A : memref<!tpu.dma_semaphore, #tpu.memory_space<semaphore_mem>>) {add = true}
        %dma_wait3A_99 = arith.constant 0 : i32
        %dma_wait3A_100 = arith.constant 0 : i32
        %dma_wait3A_101 = tpu.memref_slice %arg16[%dma_wait3A_99, %dma_wait3A_100] : memref<10112x128xf32, #tpu.memory_space<vmem_shared>> -> memref<10112x128xf32, #tpu.memory_space<vmem_shared>>
        tpu.wait_indirect_dma semaphore(%run_scoped3A : memref<!tpu.dma_semaphore, #tpu.memory_space<semaphore_mem>>) src(%arg13 : memref<64x128xf32, #tpu.memory_space<vmem>>) dst(%dma_wait3A_101 : memref<10112x128xf32, #tpu.memory_space<vmem_shared>>)
        tpu.yield
      }) : () -> ()
    }
    %while3A_46 = arith.constant 1 : i32
    scf.for %while3A_52 = %while3A_44 to %while3A_40 step %while3A_46  : i32 {
      %mul3A_53 = arith.constant 2 : i32
      %mul3A_54 = arith.muli %mul3A_53, %while3A_52 : i32
      %mul3A_55 = arith.constant 64 : i32
      %mul3A_56 = arith.muli %mul3A_54, %mul3A_55 : i32
      %add3A_57 = arith.addi %mul3A_13, %mul3A_56 : i32
      %add3A_58 = arith.constant 64 : i32
      %add3A_59 = arith.addi %add3A_57, %add3A_58 : i32
      "tpu.region"() ({
        %run_scoped3A = tpu.sem_alloc : memref<!tpu.dma_semaphore, #tpu.memory_space<semaphore_mem>>
        %dma_start3A_96 = tpu.memref_slice %arg4[%add3A_59] : memref<327680xi32, #tpu.memory_space<hbm>> -> memref<64xi32, #tpu.memory_space<hbm>>
        %dma_start3A_97 = tpu.memref_slice %arg4[%add3A_59] : memref<327680xi32, #tpu.memory_space<hbm>> -> memref<64xi32, #tpu.memory_space<hbm>>
        tpu.enqueue_dma source(%dma_start3A_97 : memref<64xi32, #tpu.memory_space<hbm>>) target(%arg9 : memref<64xi32, #tpu.memory_space<vmem>>) target_semaphore(%run_scoped3A : memref<!tpu.dma_semaphore, #tpu.memory_space<semaphore_mem>>)
        %dma_wait3A_98 = tpu.memref_slice %arg4[%add3A_59] : memref<327680xi32, #tpu.memory_space<hbm>> -> memref<64xi32, #tpu.memory_space<hbm>>
        %dma_wait3A_99 = tpu.memref_slice %arg4[%add3A_59] : memref<327680xi32, #tpu.memory_space<hbm>> -> memref<64xi32, #tpu.memory_space<hbm>>
        tpu.wait_dma2 semaphore(%run_scoped3A : memref<!tpu.dma_semaphore, #tpu.memory_space<semaphore_mem>>) src(%dma_wait3A_99 : memref<64xi32, #tpu.memory_space<hbm>>) dst(%arg9 : memref<64xi32, #tpu.memory_space<vmem>>)
        tpu.yield
      }) : () -> ()
      %add3A_60 = arith.constant 64 : i32
      %add3A_61 = arith.addi %add3A_57, %add3A_60 : i32
      "tpu.region"() ({
        %run_scoped3A = tpu.sem_alloc : memref<!tpu.dma_semaphore, #tpu.memory_space<semaphore_mem>>
        %dma_start3A_96 = tpu.memref_slice %arg5[%add3A_61] : memref<327680xi32, #tpu.memory_space<hbm>> -> memref<64xi32, #tpu.memory_space<hbm>>
        %dma_start3A_97 = tpu.memref_slice %arg5[%add3A_61] : memref<327680xi32, #tpu.memory_space<hbm>> -> memref<64xi32, #tpu.memory_space<hbm>>
        tpu.enqueue_dma source(%dma_start3A_97 : memref<64xi32, #tpu.memory_space<hbm>>) target(%arg11 : memref<64xi32, #tpu.memory_space<vmem>>) target_semaphore(%run_scoped3A : memref<!tpu.dma_semaphore, #tpu.memory_space<semaphore_mem>>)
        %dma_wait3A_98 = tpu.memref_slice %arg5[%add3A_61] : memref<327680xi32, #tpu.memory_space<hbm>> -> memref<64xi32, #tpu.memory_space<hbm>>
        %dma_wait3A_99 = tpu.memref_slice %arg5[%add3A_61] : memref<327680xi32, #tpu.memory_space<hbm>> -> memref<64xi32, #tpu.memory_space<hbm>>
        tpu.wait_dma2 semaphore(%run_scoped3A : memref<!tpu.dma_semaphore, #tpu.memory_space<semaphore_mem>>) src(%dma_wait3A_99 : memref<64xi32, #tpu.memory_space<hbm>>) dst(%arg11 : memref<64xi32, #tpu.memory_space<vmem>>)
        tpu.yield
      }) : () -> ()
      %add3A_62 = arith.constant 64 : i32
      %add3A_63 = arith.addi %add3A_57, %add3A_62 : i32
      "tpu.region"() ({
        %run_scoped3A = tpu.sem_alloc : memref<!tpu.dma_semaphore, #tpu.memory_space<semaphore_mem>>
        %dma_start3A_96 = arith.constant 0 : i32
        %dma_start3A_97 = tpu.memref_slice %arg3[%add3A_63, %dma_start3A_96] : memref<327680x16xf32, #tpu.memory_space<hbm>> -> memref<64x16xf32, #tpu.memory_space<hbm>>
        %dma_start3A_98 = arith.constant 0 : i32
        %dma_start3A_99 = tpu.memref_slice %arg3[%add3A_63, %dma_start3A_98] : memref<327680x16xf32, #tpu.memory_space<hbm>> -> memref<64x16xf32, #tpu.memory_space<hbm>>
        tpu.enqueue_dma source(%dma_start3A_99 : memref<64x16xf32, #tpu.memory_space<hbm>>) target(%arg15 : memref<64x16xf32, #tpu.memory_space<vmem>>) target_semaphore(%run_scoped3A : memref<!tpu.dma_semaphore, #tpu.memory_space<semaphore_mem>>)
        %dma_wait3A_100 = arith.constant 0 : i32
        %dma_wait3A_101 = tpu.memref_slice %arg3[%add3A_63, %dma_wait3A_100] : memref<327680x16xf32, #tpu.memory_space<hbm>> -> memref<64x16xf32, #tpu.memory_space<hbm>>
        %dma_wait3A_102 = arith.constant 0 : i32
        %dma_wait3A_103 = tpu.memref_slice %arg3[%add3A_63, %dma_wait3A_102] : memref<327680x16xf32, #tpu.memory_space<hbm>> -> memref<64x16xf32, #tpu.memory_space<hbm>>
        tpu.wait_dma2 semaphore(%run_scoped3A : memref<!tpu.dma_semaphore, #tpu.memory_space<semaphore_mem>>) src(%dma_wait3A_103 : memref<64x16xf32, #tpu.memory_space<hbm>>) dst(%arg15 : memref<64x16xf32, #tpu.memory_space<vmem>>)
        tpu.yield
      }) : () -> ()
      %dma_wait3A = arith.constant 0 : i32
      %dma_wait3A_64 = arith.constant 0 : i32
      %dma_wait3A_65 = tpu.memref_slice %arg2[%dma_wait3A, %dma_wait3A_64] : memref<10000x128xf32, #tpu.memory_space<hbm>> -> memref<10000x128xf32, #tpu.memory_space<hbm>>
      tpu.wait_indirect_dma semaphore(%arg17 : memref<!tpu.dma_semaphore, #tpu.memory_space<semaphore_mem>>) src(%dma_wait3A_65 : memref<10000x128xf32, #tpu.memory_space<hbm>>) dst(%arg12 : memref<64x128xf32, #tpu.memory_space<vmem>>)
      %dma_start3A_66 = arith.constant 0 : i32
      %dma_start3A_67 = arith.constant 0 : i32
      %dma_start3A_68 = tpu.memref_slice %arg2[%dma_start3A_66, %dma_start3A_67] : memref<10000x128xf32, #tpu.memory_space<hbm>> -> memref<10000x128xf32, #tpu.memory_space<hbm>>
      tpu.enqueue_indirect_dma source(%dma_start3A_68 : memref<10000x128xf32, #tpu.memory_space<hbm>>) target(%arg13 : memref<64x128xf32, #tpu.memory_space<vmem>>) offsets(%arg9 : memref<64xi32, #tpu.memory_space<vmem>>) semaphore(%arg18 : memref<!tpu.dma_semaphore, #tpu.memory_space<semaphore_mem>>)
      %scan3A = arith.constant 0 : i32
      %scan3A_69 = arith.constant 0 : i32
      %scan3A_70 = arith.constant 64 : i32
      %scan3A_71 = arith.addi %scan3A_69, %scan3A_70 : i32
      %scan3A_72 = arith.constant 1 : i32
      scf.for %scan3A_96 = %scan3A_69 to %scan3A_71 step %scan3A_72  : i32 {
        %get3A = arith.index_cast %scan3A_96 : i32 to index
        %get3A_97 = arith.constant 0 : index
        %get3A_98 = tpu.vector_load %arg14[%get3A, %get3A_97] {strides = array<i32>} : memref<64x16xf32, #tpu.memory_space<vmem>>, vector<1x16xf32>,
        %get3A_99 = vector.shape_cast %get3A_98 : vector<1x16xf32> to vector<16xf32>
        %slice3A = vector.extract_strided_slice %get3A_99 {offsets = [0], sizes = [1], strides = [1]} : vector<16xf32> to vector<1xf32>
        %squeeze3A = vector.extract %slice3A[0] : f32 from vector<1xf32>
        %get3A_100 = arith.index_cast %scan3A_96 : i32 to index
        %get3A_101 = arith.constant 0 : index
        %get3A_102 = tpu.vector_load %arg12[%get3A_100, %get3A_101] {strides = array<i32>} : memref<64x128xf32, #tpu.memory_space<vmem>>, vector<1x16xf32>,
        %get3A_103 = vector.shape_cast %get3A_102 : vector<1x16xf32> to vector<16xf32>
        %mul3A_104 = vector.broadcast %squeeze3A : f32 to vector<16xf32>
        %mul3A_105 = arith.mulf %get3A_103, %mul3A_104 : vector<16xf32>
        %swap3A = arith.index_cast %scan3A_96 : i32 to index
        %swap3A_106 = arith.constant 0 : index
        %swap3A_107 = tpu.vector_load %arg12[%swap3A, %swap3A_106] {strides = array<i32>} : memref<64x128xf32, #tpu.memory_space<vmem>>, vector<1x16xf32>,
        %swap3A_108 = vector.shape_cast %swap3A_107 : vector<1x16xf32> to vector<16xf32>
        %swap3A_109 = vector.shape_cast %mul3A_105 : vector<16xf32> to vector<1x16xf32>
        tpu.vector_store %arg12[%swap3A, %swap3A_106], %swap3A_109 {strides = array<i32>} : memref<64x128xf32, #tpu.memory_space<vmem>>, vector<1x16xf32>,
        %get3A_110 = arith.index_cast %scan3A_96 : i32 to index
        %get3A_111 = arith.constant 16 : index
        %get3A_112 = tpu.vector_load %arg12[%get3A_110, %get3A_111] {strides = array<i32>} : memref<64x128xf32, #tpu.memory_space<vmem>>, vector<1x16xf32>,
        %get3A_113 = vector.shape_cast %get3A_112 : vector<1x16xf32> to vector<16xf32>
        %mul3A_114 = vector.broadcast %squeeze3A : f32 to vector<16xf32>
        %mul3A_115 = arith.mulf %get3A_113, %mul3A_114 : vector<16xf32>
        %swap3A_116 = arith.index_cast %scan3A_96 : i32 to index
        %swap3A_117 = arith.constant 16 : index
        %swap3A_118 = tpu.vector_load %arg12[%swap3A_116, %swap3A_117] {strides = array<i32>} : memref<64x128xf32, #tpu.memory_space<vmem>>, vector<1x16xf32>,
        %swap3A_119 = vector.shape_cast %swap3A_118 : vector<1x16xf32> to vector<16xf32>
        %swap3A_120 = vector.shape_cast %mul3A_115 : vector<16xf32> to vector<1x16xf32>
        tpu.vector_store %arg12[%swap3A_116, %swap3A_117], %swap3A_120 {strides = array<i32>} : memref<64x128xf32, #tpu.memory_space<vmem>>, vector<1x16xf32>,
        %slice3A_121 = vector.extract_strided_slice %get3A_99 {offsets = [1], sizes = [1], strides = [1]} : vector<16xf32> to vector<1xf32>
        %squeeze3A_122 = vector.extract %slice3A_121[0] : f32 from vector<1xf32>
        %get3A_123 = arith.index_cast %scan3A_96 : i32 to index
        %get3A_124 = arith.constant 32 : index
        %get3A_125 = tpu.vector_load %arg12[%get3A_123, %get3A_124] {strides = array<i32>} : memref<64x128xf32, #tpu.memory_space<vmem>>, vector<1x16xf32>,
        %get3A_126 = vector.shape_cast %get3A_125 : vector<1x16xf32> to vector<16xf32>
        %mul3A_127 = vector.broadcast %squeeze3A_122 : f32 to vector<16xf32>
        %mul3A_128 = arith.mulf %get3A_126, %mul3A_127 : vector<16xf32>
        %swap3A_129 = arith.index_cast %scan3A_96 : i32 to index
        %swap3A_130 = arith.constant 32 : index
        %swap3A_131 = tpu.vector_load %arg12[%swap3A_129, %swap3A_130] {strides = array<i32>} : memref<64x128xf32, #tpu.memory_space<vmem>>, vector<1x16xf32>,
        %swap3A_132 = vector.shape_cast %swap3A_131 : vector<1x16xf32> to vector<16xf32>
        %swap3A_133 = vector.shape_cast %mul3A_128 : vector<16xf32> to vector<1x16xf32>
        tpu.vector_store %arg12[%swap3A_129, %swap3A_130], %swap3A_133 {strides = array<i32>} : memref<64x128xf32, #tpu.memory_space<vmem>>, vector<1x16xf32>,
        %get3A_134 = arith.index_cast %scan3A_96 : i32 to index
        %get3A_135 = arith.constant 48 : index
        %get3A_136 = tpu.vector_load %arg12[%get3A_134, %get3A_135] {strides = array<i32>} : memref<64x128xf32, #tpu.memory_space<vmem>>, vector<1x16xf32>,
        %get3A_137 = vector.shape_cast %get3A_136 : vector<1x16xf32> to vector<16xf32>
        %mul3A_138 = vector.broadcast %squeeze3A_122 : f32 to vector<16xf32>
        %mul3A_139 = arith.mulf %get3A_137, %mul3A_138 : vector<16xf32>
        %swap3A_140 = arith.index_cast %scan3A_96 : i32 to index
        %swap3A_141 = arith.constant 48 : index
        %swap3A_142 = tpu.vector_load %arg12[%swap3A_140, %swap3A_141] {strides = array<i32>} : memref<64x128xf32, #tpu.memory_space<vmem>>, vector<1x16xf32>,
        %swap3A_143 = vector.shape_cast %swap3A_142 : vector<1x16xf32> to vector<16xf32>
        %swap3A_144 = vector.shape_cast %mul3A_139 : vector<16xf32> to vector<1x16xf32>
        tpu.vector_store %arg12[%swap3A_140, %swap3A_141], %swap3A_144 {strides = array<i32>} : memref<64x128xf32, #tpu.memory_space<vmem>>, vector<1x16xf32>,
        %slice3A_145 = vector.extract_strided_slice %get3A_99 {offsets = [2], sizes = [1], strides = [1]} : vector<16xf32> to vector<1xf32>
        %squeeze3A_146 = vector.extract %slice3A_145[0] : f32 from vector<1xf32>
        %get3A_147 = arith.index_cast %scan3A_96 : i32 to index
        %get3A_148 = arith.constant 64 : index
        %get3A_149 = tpu.vector_load %arg12[%get3A_147, %get3A_148] {strides = array<i32>} : memref<64x128xf32, #tpu.memory_space<vmem>>, vector<1x16xf32>,
        %get3A_150 = vector.shape_cast %get3A_149 : vector<1x16xf32> to vector<16xf32>
        %mul3A_151 = vector.broadcast %squeeze3A_146 : f32 to vector<16xf32>
        %mul3A_152 = arith.mulf %get3A_150, %mul3A_151 : vector<16xf32>
        %swap3A_153 = arith.index_cast %scan3A_96 : i32 to index
        %swap3A_154 = arith.constant 64 : index
        %swap3A_155 = tpu.vector_load %arg12[%swap3A_153, %swap3A_154] {strides = array<i32>} : memref<64x128xf32, #tpu.memory_space<vmem>>, vector<1x16xf32>,
        %swap3A_156 = vector.shape_cast %swap3A_155 : vector<1x16xf32> to vector<16xf32>
        %swap3A_157 = vector.shape_cast %mul3A_152 : vector<16xf32> to vector<1x16xf32>
        tpu.vector_store %arg12[%swap3A_153, %swap3A_154], %swap3A_157 {strides = array<i32>} : memref<64x128xf32, #tpu.memory_space<vmem>>, vector<1x16xf32>,
        %get3A_158 = arith.index_cast %scan3A_96 : i32 to index
        %get3A_159 = arith.constant 80 : index
        %get3A_160 = tpu.vector_load %arg12[%get3A_158, %get3A_159] {strides = array<i32>} : memref<64x128xf32, #tpu.memory_space<vmem>>, vector<1x16xf32>,
        %get3A_161 = vector.shape_cast %get3A_160 : vector<1x16xf32> to vector<16xf32>
        %mul3A_162 = vector.broadcast %squeeze3A_146 : f32 to vector<16xf32>
        %mul3A_163 = arith.mulf %get3A_161, %mul3A_162 : vector<16xf32>
        %swap3A_164 = arith.index_cast %scan3A_96 : i32 to index
        %swap3A_165 = arith.constant 80 : index
        %swap3A_166 = tpu.vector_load %arg12[%swap3A_164, %swap3A_165] {strides = array<i32>} : memref<64x128xf32, #tpu.memory_space<vmem>>, vector<1x16xf32>,
        %swap3A_167 = vector.shape_cast %swap3A_166 : vector<1x16xf32> to vector<16xf32>
        %swap3A_168 = vector.shape_cast %mul3A_163 : vector<16xf32> to vector<1x16xf32>
        tpu.vector_store %arg12[%swap3A_164, %swap3A_165], %swap3A_168 {strides = array<i32>} : memref<64x128xf32, #tpu.memory_space<vmem>>, vector<1x16xf32>,
        %slice3A_169 = vector.extract_strided_slice %get3A_99 {offsets = [3], sizes = [1], strides = [1]} : vector<16xf32> to vector<1xf32>
        %squeeze3A_170 = vector.extract %slice3A_169[0] : f32 from vector<1xf32>
        %get3A_171 = arith.index_cast %scan3A_96 : i32 to index
        %get3A_172 = arith.constant 96 : index
        %get3A_173 = tpu.vector_load %arg12[%get3A_171, %get3A_172] {strides = array<i32>} : memref<64x128xf32, #tpu.memory_space<vmem>>, vector<1x16xf32>,
        %get3A_174 = vector.shape_cast %get3A_173 : vector<1x16xf32> to vector<16xf32>
        %mul3A_175 = vector.broadcast %squeeze3A_170 : f32 to vector<16xf32>
        %mul3A_176 = arith.mulf %get3A_174, %mul3A_175 : vector<16xf32>
        %swap3A_177 = arith.index_cast %scan3A_96 : i32 to index
        %swap3A_178 = arith.constant 96 : index
        %swap3A_179 = tpu.vector_load %arg12[%swap3A_177, %swap3A_178] {strides = array<i32>} : memref<64x128xf32, #tpu.memory_space<vmem>>, vector<1x16xf32>,
        %swap3A_180 = vector.shape_cast %swap3A_179 : vector<1x16xf32> to vector<16xf32>
        %swap3A_181 = vector.shape_cast %mul3A_176 : vector<16xf32> to vector<1x16xf32>
        tpu.vector_store %arg12[%swap3A_177, %swap3A_178], %swap3A_181 {strides = array<i32>} : memref<64x128xf32, #tpu.memory_space<vmem>>, vector<1x16xf32>,
        %get3A_182 = arith.index_cast %scan3A_96 : i32 to index
        %get3A_183 = arith.constant 112 : index
        %get3A_184 = tpu.vector_load %arg12[%get3A_182, %get3A_183] {strides = array<i32>} : memref<64x128xf32, #tpu.memory_space<vmem>>, vector<1x16xf32>,
        %get3A_185 = vector.shape_cast %get3A_184 : vector<1x16xf32> to vector<16xf32>
        %mul3A_186 = vector.broadcast %squeeze3A_170 : f32 to vector<16xf32>
        %mul3A_187 = arith.mulf %get3A_185, %mul3A_186 : vector<16xf32>
        %swap3A_188 = arith.index_cast %scan3A_96 : i32 to index
        %swap3A_189 = arith.constant 112 : index
        %swap3A_190 = tpu.vector_load %arg12[%swap3A_188, %swap3A_189] {strides = array<i32>} : memref<64x128xf32, #tpu.memory_space<vmem>>, vector<1x16xf32>,
        %swap3A_191 = vector.shape_cast %swap3A_190 : vector<1x16xf32> to vector<16xf32>
        %swap3A_192 = vector.shape_cast %mul3A_187 : vector<16xf32> to vector<1x16xf32>
        tpu.vector_store %arg12[%swap3A_188, %swap3A_189], %swap3A_192 {strides = array<i32>} : memref<64x128xf32, #tpu.memory_space<vmem>>, vector<1x16xf32>,
      }
      %scan3A_73 = arith.constant 64 : i32
      "tpu.region"() ({
        %run_scoped3A = tpu.sem_alloc : memref<!tpu.dma_semaphore, #tpu.memory_space<semaphore_mem>>
        %dma_start3A_96 = arith.constant 0 : i32
        %dma_start3A_97 = arith.constant 0 : i32
        %dma_start3A_98 = tpu.memref_slice %arg16[%dma_start3A_96, %dma_start3A_97] : memref<10112x128xf32, #tpu.memory_space<vmem_shared>> -> memref<10112x128xf32, #tpu.memory_space<vmem_shared>>
        tpu.enqueue_indirect_dma source(%arg12 : memref<64x128xf32, #tpu.memory_space<vmem>>) target(%dma_start3A_98 : memref<10112x128xf32, #tpu.memory_space<vmem_shared>>) offsets(%arg10 : memref<64xi32, #tpu.memory_space<vmem>>) semaphore(%run_scoped3A : memref<!tpu.dma_semaphore, #tpu.memory_space<semaphore_mem>>) {add = true}
        %dma_wait3A_99 = arith.constant 0 : i32
        %dma_wait3A_100 = arith.constant 0 : i32
        %dma_wait3A_101 = tpu.memref_slice %arg16[%dma_wait3A_99, %dma_wait3A_100] : memref<10112x128xf32, #tpu.memory_space<vmem_shared>> -> memref<10112x128xf32, #tpu.memory_space<vmem_shared>>
        tpu.wait_indirect_dma semaphore(%run_scoped3A : memref<!tpu.dma_semaphore, #tpu.memory_space<semaphore_mem>>) src(%arg12 : memref<64x128xf32, #tpu.memory_space<vmem>>) dst(%dma_wait3A_101 : memref<10112x128xf32, #tpu.memory_space<vmem_shared>>)
        tpu.yield
      }) : () -> ()
      %mul3A_74 = arith.constant 2 : i32
      %mul3A_75 = arith.muli %mul3A_74, %while3A_52 : i32
      %add3A_76 = arith.constant 2 : i32
      %add3A_77 = arith.addi %mul3A_75, %add3A_76 : i32
      %lt3A = arith.cmpi slt, %add3A_77, %select_n3A_17 : i32
      %convert_element_type3A = arith.extui %lt3A : i1 to i32
      %cond3A = arith.constant 0 : i32
      %cond3A_78 = arith.cmpi ne, %convert_element_type3A, %cond3A : i32
      scf.if %cond3A_78 {
        %add3A_96 = arith.constant 128 : i32
        %add3A_97 = arith.addi %add3A_57, %add3A_96 : i32
        "tpu.region"() ({
          %run_scoped3A = tpu.sem_alloc : memref<!tpu.dma_semaphore, #tpu.memory_space<semaphore_mem>>
          %dma_start3A_102 = tpu.memref_slice %arg4[%add3A_97] : memref<327680xi32, #tpu.memory_space<hbm>> -> memref<64xi32, #tpu.memory_space<hbm>>
          %dma_start3A_103 = tpu.memref_slice %arg4[%add3A_97] : memref<327680xi32, #tpu.memory_space<hbm>> -> memref<64xi32, #tpu.memory_space<hbm>>
          tpu.enqueue_dma source(%dma_start3A_103 : memref<64xi32, #tpu.memory_space<hbm>>) target(%arg8 : memref<64xi32, #tpu.memory_space<vmem>>) target_semaphore(%run_scoped3A : memref<!tpu.dma_semaphore, #tpu.memory_space<semaphore_mem>>)
          %dma_wait3A_104 = tpu.memref_slice %arg4[%add3A_97] : memref<327680xi32, #tpu.memory_space<hbm>> -> memref<64xi32, #tpu.memory_space<hbm>>
          %dma_wait3A_105 = tpu.memref_slice %arg4[%add3A_97] : memref<327680xi32, #tpu.memory_space<hbm>> -> memref<64xi32, #tpu.memory_space<hbm>>
          tpu.wait_dma2 semaphore(%run_scoped3A : memref<!tpu.dma_semaphore, #tpu.memory_space<semaphore_mem>>) src(%dma_wait3A_105 : memref<64xi32, #tpu.memory_space<hbm>>) dst(%arg8 : memref<64xi32, #tpu.memory_space<vmem>>)
          tpu.yield
        }) : () -> ()
        %add3A_98 = arith.constant 128 : i32
        %add3A_99 = arith.addi %add3A_57, %add3A_98 : i32
        "tpu.region"() ({
          %run_scoped3A = tpu.sem_alloc : memref<!tpu.dma_semaphore, #tpu.memory_space<semaphore_mem>>
          %dma_start3A_102 = tpu.memref_slice %arg5[%add3A_99] : memref<327680xi32, #tpu.memory_space<hbm>> -> memref<64xi32, #tpu.memory_space<hbm>>
          %dma_start3A_103 = tpu.memref_slice %arg5[%add3A_99] : memref<327680xi32, #tpu.memory_space<hbm>> -> memref<64xi32, #tpu.memory_space<hbm>>
          tpu.enqueue_dma source(%dma_start3A_103 : memref<64xi32, #tpu.memory_space<hbm>>) target(%arg10 : memref<64xi32, #tpu.memory_space<vmem>>) target_semaphore(%run_scoped3A : memref<!tpu.dma_semaphore, #tpu.memory_space<semaphore_mem>>)
          %dma_wait3A_104 = tpu.memref_slice %arg5[%add3A_99] : memref<327680xi32, #tpu.memory_space<hbm>> -> memref<64xi32, #tpu.memory_space<hbm>>
          %dma_wait3A_105 = tpu.memref_slice %arg5[%add3A_99] : memref<327680xi32, #tpu.memory_space<hbm>> -> memref<64xi32, #tpu.memory_space<hbm>>
          tpu.wait_dma2 semaphore(%run_scoped3A : memref<!tpu.dma_semaphore, #tpu.memory_space<semaphore_mem>>) src(%dma_wait3A_105 : memref<64xi32, #tpu.memory_space<hbm>>) dst(%arg10 : memref<64xi32, #tpu.memory_space<vmem>>)
          tpu.yield
        }) : () -> ()
        %add3A_100 = arith.constant 128 : i32
        %add3A_101 = arith.addi %add3A_57, %add3A_100 : i32
        "tpu.region"() ({
          %run_scoped3A = tpu.sem_alloc : memref<!tpu.dma_semaphore, #tpu.memory_space<semaphore_mem>>
          %dma_start3A_102 = arith.constant 0 : i32
          %dma_start3A_103 = tpu.memref_slice %arg3[%add3A_101, %dma_start3A_102] : memref<327680x16xf32, #tpu.memory_space<hbm>> -> memref<64x16xf32, #tpu.memory_space<hbm>>
          %dma_start3A_104 = arith.constant 0 : i32
          %dma_start3A_105 = tpu.memref_slice %arg3[%add3A_101, %dma_start3A_104] : memref<327680x16xf32, #tpu.memory_space<hbm>> -> memref<64x16xf32, #tpu.memory_space<hbm>>
          tpu.enqueue_dma source(%dma_start3A_105 : memref<64x16xf32, #tpu.memory_space<hbm>>) target(%arg14 : memref<64x16xf32, #tpu.memory_space<vmem>>) target_semaphore(%run_scoped3A : memref<!tpu.dma_semaphore, #tpu.memory_space<semaphore_mem>>)
          %dma_wait3A_106 = arith.constant 0 : i32
          %dma_wait3A_107 = tpu.memref_slice %arg3[%add3A_101, %dma_wait3A_106] : memref<327680x16xf32, #tpu.memory_space<hbm>> -> memref<64x16xf32, #tpu.memory_space<hbm>>
          %dma_wait3A_108 = arith.constant 0 : i32
          %dma_wait3A_109 = tpu.memref_slice %arg3[%add3A_101, %dma_wait3A_108] : memref<327680x16xf32, #tpu.memory_space<hbm>> -> memref<64x16xf32, #tpu.memory_space<hbm>>
          tpu.wait_dma2 semaphore(%run_scoped3A : memref<!tpu.dma_semaphore, #tpu.memory_space<semaphore_mem>>) src(%dma_wait3A_109 : memref<64x16xf32, #tpu.memory_space<hbm>>) dst(%arg14 : memref<64x16xf32, #tpu.memory_space<vmem>>)
          tpu.yield
        }) : () -> ()
      } else {
      }
      %dma_wait3A_79 = arith.constant 0 : i32
      %dma_wait3A_80 = arith.constant 0 : i32
      %dma_wait3A_81 = tpu.memref_slice %arg2[%dma_wait3A_79, %dma_wait3A_80] : memref<10000x128xf32, #tpu.memory_space<hbm>> -> memref<10000x128xf32, #tpu.memory_space<hbm>>
      tpu.wait_indirect_dma semaphore(%arg18 : memref<!tpu.dma_semaphore, #tpu.memory_space<semaphore_mem>>) src(%dma_wait3A_81 : memref<10000x128xf32, #tpu.memory_space<hbm>>) dst(%arg13 : memref<64x128xf32, #tpu.memory_space<vmem>>)
      %mul3A_82 = arith.constant 2 : i32
      %mul3A_83 = arith.muli %mul3A_82, %while3A_52 : i32
      %add3A_84 = arith.constant 2 : i32
      %add3A_85 = arith.addi %mul3A_83, %add3A_84 : i32
      %lt3A_86 = arith.cmpi slt, %add3A_85, %select_n3A_17 : i32
      %convert_element_type3A_87 = arith.extui %lt3A_86 : i1 to i32
      %cond3A_88 = arith.constant 0 : i32
      %cond3A_89 = arith.cmpi ne, %convert_element_type3A_87, %cond3A_88 : i32
      scf.if %cond3A_89 {
        %dma_start3A_96 = arith.constant 0 : i32
        %dma_start3A_97 = arith.constant 0 : i32
        %dma_start3A_98 = tpu.memref_slice %arg2[%dma_start3A_96, %dma_start3A_97] : memref<10000x128xf32, #tpu.memory_space<hbm>> -> memref<10000x128xf32, #tpu.memory_space<hbm>>
        tpu.enqueue_indirect_dma source(%dma_start3A_98 : memref<10000x128xf32, #tpu.memory_space<hbm>>) target(%arg12 : memref<64x128xf32, #tpu.memory_space<vmem>>) offsets(%arg8 : memref<64xi32, #tpu.memory_space<vmem>>) semaphore(%arg17 : memref<!tpu.dma_semaphore, #tpu.memory_space<semaphore_mem>>)
      } else {
      }
      %scan3A_90 = arith.constant 0 : i32
      %scan3A_91 = arith.constant 0 : i32
      %scan3A_92 = arith.constant 64 : i32
      %scan3A_93 = arith.addi %scan3A_91, %scan3A_92 : i32
      %scan3A_94 = arith.constant 1 : i32
      scf.for %scan3A_96 = %scan3A_91 to %scan3A_93 step %scan3A_94  : i32 {
        %get3A = arith.index_cast %scan3A_96 : i32 to index
        %get3A_97 = arith.constant 0 : index
        %get3A_98 = tpu.vector_load %arg15[%get3A, %get3A_97] {strides = array<i32>} : memref<64x16xf32, #tpu.memory_space<vmem>>, vector<1x16xf32>,
        %get3A_99 = vector.shape_cast %get3A_98 : vector<1x16xf32> to vector<16xf32>
        %slice3A = vector.extract_strided_slice %get3A_99 {offsets = [0], sizes = [1], strides = [1]} : vector<16xf32> to vector<1xf32>
        %squeeze3A = vector.extract %slice3A[0] : f32 from vector<1xf32>
        %get3A_100 = arith.index_cast %scan3A_96 : i32 to index
        %get3A_101 = arith.constant 0 : index
        %get3A_102 = tpu.vector_load %arg13[%get3A_100, %get3A_101] {strides = array<i32>} : memref<64x128xf32, #tpu.memory_space<vmem>>, vector<1x16xf32>,
        %get3A_103 = vector.shape_cast %get3A_102 : vector<1x16xf32> to vector<16xf32>
        %mul3A_104 = vector.broadcast %squeeze3A : f32 to vector<16xf32>
        %mul3A_105 = arith.mulf %get3A_103, %mul3A_104 : vector<16xf32>
        %swap3A = arith.index_cast %scan3A_96 : i32 to index
        %swap3A_106 = arith.constant 0 : index
        %swap3A_107 = tpu.vector_load %arg13[%swap3A, %swap3A_106] {strides = array<i32>} : memref<64x128xf32, #tpu.memory_space<vmem>>, vector<1x16xf32>,
        %swap3A_108 = vector.shape_cast %swap3A_107 : vector<1x16xf32> to vector<16xf32>
        %swap3A_109 = vector.shape_cast %mul3A_105 : vector<16xf32> to vector<1x16xf32>
        tpu.vector_store %arg13[%swap3A, %swap3A_106], %swap3A_109 {strides = array<i32>} : memref<64x128xf32, #tpu.memory_space<vmem>>, vector<1x16xf32>,
        %get3A_110 = arith.index_cast %scan3A_96 : i32 to index
        %get3A_111 = arith.constant 16 : index
        %get3A_112 = tpu.vector_load %arg13[%get3A_110, %get3A_111] {strides = array<i32>} : memref<64x128xf32, #tpu.memory_space<vmem>>, vector<1x16xf32>,
        %get3A_113 = vector.shape_cast %get3A_112 : vector<1x16xf32> to vector<16xf32>
        %mul3A_114 = vector.broadcast %squeeze3A : f32 to vector<16xf32>
        %mul3A_115 = arith.mulf %get3A_113, %mul3A_114 : vector<16xf32>
        %swap3A_116 = arith.index_cast %scan3A_96 : i32 to index
        %swap3A_117 = arith.constant 16 : index
        %swap3A_118 = tpu.vector_load %arg13[%swap3A_116, %swap3A_117] {strides = array<i32>} : memref<64x128xf32, #tpu.memory_space<vmem>>, vector<1x16xf32>,
        %swap3A_119 = vector.shape_cast %swap3A_118 : vector<1x16xf32> to vector<16xf32>
        %swap3A_120 = vector.shape_cast %mul3A_115 : vector<16xf32> to vector<1x16xf32>
        tpu.vector_store %arg13[%swap3A_116, %swap3A_117], %swap3A_120 {strides = array<i32>} : memref<64x128xf32, #tpu.memory_space<vmem>>, vector<1x16xf32>,
        %slice3A_121 = vector.extract_strided_slice %get3A_99 {offsets = [1], sizes = [1], strides = [1]} : vector<16xf32> to vector<1xf32>
        %squeeze3A_122 = vector.extract %slice3A_121[0] : f32 from vector<1xf32>
        %get3A_123 = arith.index_cast %scan3A_96 : i32 to index
        %get3A_124 = arith.constant 32 : index
        %get3A_125 = tpu.vector_load %arg13[%get3A_123, %get3A_124] {strides = array<i32>} : memref<64x128xf32, #tpu.memory_space<vmem>>, vector<1x16xf32>,
        %get3A_126 = vector.shape_cast %get3A_125 : vector<1x16xf32> to vector<16xf32>
        %mul3A_127 = vector.broadcast %squeeze3A_122 : f32 to vector<16xf32>
        %mul3A_128 = arith.mulf %get3A_126, %mul3A_127 : vector<16xf32>
        %swap3A_129 = arith.index_cast %scan3A_96 : i32 to index
        %swap3A_130 = arith.constant 32 : index
        %swap3A_131 = tpu.vector_load %arg13[%swap3A_129, %swap3A_130] {strides = array<i32>} : memref<64x128xf32, #tpu.memory_space<vmem>>, vector<1x16xf32>,
        %swap3A_132 = vector.shape_cast %swap3A_131 : vector<1x16xf32> to vector<16xf32>
        %swap3A_133 = vector.shape_cast %mul3A_128 : vector<16xf32> to vector<1x16xf32>
        tpu.vector_store %arg13[%swap3A_129, %swap3A_130], %swap3A_133 {strides = array<i32>} : memref<64x128xf32, #tpu.memory_space<vmem>>, vector<1x16xf32>,
        %get3A_134 = arith.index_cast %scan3A_96 : i32 to index
        %get3A_135 = arith.constant 48 : index
        %get3A_136 = tpu.vector_load %arg13[%get3A_134, %get3A_135] {strides = array<i32>} : memref<64x128xf32, #tpu.memory_space<vmem>>, vector<1x16xf32>,
        %get3A_137 = vector.shape_cast %get3A_136 : vector<1x16xf32> to vector<16xf32>
        %mul3A_138 = vector.broadcast %squeeze3A_122 : f32 to vector<16xf32>
        %mul3A_139 = arith.mulf %get3A_137, %mul3A_138 : vector<16xf32>
        %swap3A_140 = arith.index_cast %scan3A_96 : i32 to index
        %swap3A_141 = arith.constant 48 : index
        %swap3A_142 = tpu.vector_load %arg13[%swap3A_140, %swap3A_141] {strides = array<i32>} : memref<64x128xf32, #tpu.memory_space<vmem>>, vector<1x16xf32>,
        %swap3A_143 = vector.shape_cast %swap3A_142 : vector<1x16xf32> to vector<16xf32>
        %swap3A_144 = vector.shape_cast %mul3A_139 : vector<16xf32> to vector<1x16xf32>
        tpu.vector_store %arg13[%swap3A_140, %swap3A_141], %swap3A_144 {strides = array<i32>} : memref<64x128xf32, #tpu.memory_space<vmem>>, vector<1x16xf32>,
        %slice3A_145 = vector.extract_strided_slice %get3A_99 {offsets = [2], sizes = [1], strides = [1]} : vector<16xf32> to vector<1xf32>
        %squeeze3A_146 = vector.extract %slice3A_145[0] : f32 from vector<1xf32>
        %get3A_147 = arith.index_cast %scan3A_96 : i32 to index
        %get3A_148 = arith.constant 64 : index
        %get3A_149 = tpu.vector_load %arg13[%get3A_147, %get3A_148] {strides = array<i32>} : memref<64x128xf32, #tpu.memory_space<vmem>>, vector<1x16xf32>,
        %get3A_150 = vector.shape_cast %get3A_149 : vector<1x16xf32> to vector<16xf32>
        %mul3A_151 = vector.broadcast %squeeze3A_146 : f32 to vector<16xf32>
        %mul3A_152 = arith.mulf %get3A_150, %mul3A_151 : vector<16xf32>
        %swap3A_153 = arith.index_cast %scan3A_96 : i32 to index
        %swap3A_154 = arith.constant 64 : index
        %swap3A_155 = tpu.vector_load %arg13[%swap3A_153, %swap3A_154] {strides = array<i32>} : memref<64x128xf32, #tpu.memory_space<vmem>>, vector<1x16xf32>,
        %swap3A_156 = vector.shape_cast %swap3A_155 : vector<1x16xf32> to vector<16xf32>
        %swap3A_157 = vector.shape_cast %mul3A_152 : vector<16xf32> to vector<1x16xf32>
        tpu.vector_store %arg13[%swap3A_153, %swap3A_154], %swap3A_157 {strides = array<i32>} : memref<64x128xf32, #tpu.memory_space<vmem>>, vector<1x16xf32>,
        %get3A_158 = arith.index_cast %scan3A_96 : i32 to index
        %get3A_159 = arith.constant 80 : index
        %get3A_160 = tpu.vector_load %arg13[%get3A_158, %get3A_159] {strides = array<i32>} : memref<64x128xf32, #tpu.memory_space<vmem>>, vector<1x16xf32>,
        %get3A_161 = vector.shape_cast %get3A_160 : vector<1x16xf32> to vector<16xf32>
        %mul3A_162 = vector.broadcast %squeeze3A_146 : f32 to vector<16xf32>
        %mul3A_163 = arith.mulf %get3A_161, %mul3A_162 : vector<16xf32>
        %swap3A_164 = arith.index_cast %scan3A_96 : i32 to index
        %swap3A_165 = arith.constant 80 : index
        %swap3A_166 = tpu.vector_load %arg13[%swap3A_164, %swap3A_165] {strides = array<i32>} : memref<64x128xf32, #tpu.memory_space<vmem>>, vector<1x16xf32>,
        %swap3A_167 = vector.shape_cast %swap3A_166 : vector<1x16xf32> to vector<16xf32>
        %swap3A_168 = vector.shape_cast %mul3A_163 : vector<16xf32> to vector<1x16xf32>
        tpu.vector_store %arg13[%swap3A_164, %swap3A_165], %swap3A_168 {strides = array<i32>} : memref<64x128xf32, #tpu.memory_space<vmem>>, vector<1x16xf32>,
        %slice3A_169 = vector.extract_strided_slice %get3A_99 {offsets = [3], sizes = [1], strides = [1]} : vector<16xf32> to vector<1xf32>
        %squeeze3A_170 = vector.extract %slice3A_169[0] : f32 from vector<1xf32>
        %get3A_171 = arith.index_cast %scan3A_96 : i32 to index
        %get3A_172 = arith.constant 96 : index
        %get3A_173 = tpu.vector_load %arg13[%get3A_171, %get3A_172] {strides = array<i32>} : memref<64x128xf32, #tpu.memory_space<vmem>>, vector<1x16xf32>,
        %get3A_174 = vector.shape_cast %get3A_173 : vector<1x16xf32> to vector<16xf32>
        %mul3A_175 = vector.broadcast %squeeze3A_170 : f32 to vector<16xf32>
        %mul3A_176 = arith.mulf %get3A_174, %mul3A_175 : vector<16xf32>
        %swap3A_177 = arith.index_cast %scan3A_96 : i32 to index
        %swap3A_178 = arith.constant 96 : index
        %swap3A_179 = tpu.vector_load %arg13[%swap3A_177, %swap3A_178] {strides = array<i32>} : memref<64x128xf32, #tpu.memory_space<vmem>>, vector<1x16xf32>,
        %swap3A_180 = vector.shape_cast %swap3A_179 : vector<1x16xf32> to vector<16xf32>
        %swap3A_181 = vector.shape_cast %mul3A_176 : vector<16xf32> to vector<1x16xf32>
        tpu.vector_store %arg13[%swap3A_177, %swap3A_178], %swap3A_181 {strides = array<i32>} : memref<64x128xf32, #tpu.memory_space<vmem>>, vector<1x16xf32>,
        %get3A_182 = arith.index_cast %scan3A_96 : i32 to index
        %get3A_183 = arith.constant 112 : index
        %get3A_184 = tpu.vector_load %arg13[%get3A_182, %get3A_183] {strides = array<i32>} : memref<64x128xf32, #tpu.memory_space<vmem>>, vector<1x16xf32>,
        %get3A_185 = vector.shape_cast %get3A_184 : vector<1x16xf32> to vector<16xf32>
        %mul3A_186 = vector.broadcast %squeeze3A_170 : f32 to vector<16xf32>
        %mul3A_187 = arith.mulf %get3A_185, %mul3A_186 : vector<16xf32>
        %swap3A_188 = arith.index_cast %scan3A_96 : i32 to index
        %swap3A_189 = arith.constant 112 : index
        %swap3A_190 = tpu.vector_load %arg13[%swap3A_188, %swap3A_189] {strides = array<i32>} : memref<64x128xf32, #tpu.memory_space<vmem>>, vector<1x16xf32>,
        %swap3A_191 = vector.shape_cast %swap3A_190 : vector<1x16xf32> to vector<16xf32>
        %swap3A_192 = vector.shape_cast %mul3A_187 : vector<16xf32> to vector<1x16xf32>
        tpu.vector_store %arg13[%swap3A_188, %swap3A_189], %swap3A_192 {strides = array<i32>} : memref<64x128xf32, #tpu.memory_space<vmem>>, vector<1x16xf32>,
      }
      %scan3A_95 = arith.constant 64 : i32
      "tpu.region"() ({
        %run_scoped3A = tpu.sem_alloc : memref<!tpu.dma_semaphore, #tpu.memory_space<semaphore_mem>>
        %dma_start3A_96 = arith.constant 0 : i32
        %dma_start3A_97 = arith.constant 0 : i32
        %dma_start3A_98 = tpu.memref_slice %arg16[%dma_start3A_96, %dma_start3A_97] : memref<10112x128xf32, #tpu.memory_space<vmem_shared>> -> memref<10112x128xf32, #tpu.memory_space<vmem_shared>>
        tpu.enqueue_indirect_dma source(%arg13 : memref<64x128xf32, #tpu.memory_space<vmem>>) target(%dma_start3A_98 : memref<10112x128xf32, #tpu.memory_space<vmem_shared>>) offsets(%arg11 : memref<64xi32, #tpu.memory_space<vmem>>) semaphore(%run_scoped3A : memref<!tpu.dma_semaphore, #tpu.memory_space<semaphore_mem>>) {add = true}
        %dma_wait3A_99 = arith.constant 0 : i32
        %dma_wait3A_100 = arith.constant 0 : i32
        %dma_wait3A_101 = tpu.memref_slice %arg16[%dma_wait3A_99, %dma_wait3A_100] : memref<10112x128xf32, #tpu.memory_space<vmem_shared>> -> memref<10112x128xf32, #tpu.memory_space<vmem_shared>>
        tpu.wait_indirect_dma semaphore(%run_scoped3A : memref<!tpu.dma_semaphore, #tpu.memory_space<semaphore_mem>>) src(%arg13 : memref<64x128xf32, #tpu.memory_space<vmem>>) dst(%dma_wait3A_101 : memref<10112x128xf32, #tpu.memory_space<vmem_shared>>)
        tpu.yield
      }) : () -> ()
    }
    %barrier3A_47 = arith.constant 0 : index
    tpu.barrier barrier_id(%barrier3A_47)
    %mul3A_48 = arith.constant 632 : i32
    %mul3A_49 = arith.muli %arg1, %mul3A_48 : i32
    %mul3A_50 = arith.constant 632 : i32
    %mul3A_51 = arith.muli %arg1, %mul3A_50 : i32
    "tpu.region"() ({
      %run_scoped3A = tpu.sem_alloc : memref<!tpu.dma_semaphore, #tpu.memory_space<semaphore_mem>>
      %dma_start3A_52 = arith.constant 0 : i32
      %dma_start3A_53 = tpu.memref_slice %arg7[%arg0, %mul3A_51, %dma_start3A_52] : memref<2x10112x128xf32, #tpu.memory_space<hbm>> -> memref<1x632x128xf32, #tpu.memory_space<hbm>>
      %dma_start3A_54 = tpu.memref_squeeze %dma_start3A_53 : memref<1x632x128xf32, #tpu.memory_space<hbm>> -> memref<632x128xf32, #tpu.memory_space<hbm>>
      %dma_start3A_55 = arith.constant 0 : i32
      %dma_start3A_56 = tpu.memref_slice %arg16[%mul3A_49, %dma_start3A_55] : memref<10112x128xf32, #tpu.memory_space<vmem_shared>> -> memref<632x128xf32, #tpu.memory_space<vmem_shared>>
      tpu.enqueue_dma source(%dma_start3A_56 : memref<632x128xf32, #tpu.memory_space<vmem_shared>>) target(%dma_start3A_54 : memref<632x128xf32, #tpu.memory_space<hbm>>) target_semaphore(%run_scoped3A : memref<!tpu.dma_semaphore, #tpu.memory_space<semaphore_mem>>)
      %dma_wait3A = arith.constant 0 : i32
      %dma_wait3A_57 = tpu.memref_slice %arg7[%arg0, %mul3A_51, %dma_wait3A] : memref<2x10112x128xf32, #tpu.memory_space<hbm>> -> memref<1x632x128xf32, #tpu.memory_space<hbm>>
      %dma_wait3A_58 = tpu.memref_squeeze %dma_wait3A_57 : memref<1x632x128xf32, #tpu.memory_space<hbm>> -> memref<632x128xf32, #tpu.memory_space<hbm>>
      %dma_wait3A_59 = arith.constant 0 : i32
      %dma_wait3A_60 = tpu.memref_slice %arg16[%mul3A_49, %dma_wait3A_59] : memref<10112x128xf32, #tpu.memory_space<vmem_shared>> -> memref<632x128xf32, #tpu.memory_space<vmem_shared>>
      tpu.wait_dma2 semaphore(%run_scoped3A : memref<!tpu.dma_semaphore, #tpu.memory_space<semaphore_mem>>) src(%dma_wait3A_60 : memref<632x128xf32, #tpu.memory_space<vmem_shared>>) dst(%dma_wait3A_58 : memref<632x128xf32, #tpu.memory_space<hbm>>)
      tpu.yield
    }) : () -> ()
    return
  }
}

module attributes {stable_mosaic.version = 14 : i64} {
  func.func @_k2_body(%arg0: i32, %arg1: memref<1000x128xf32, #tpu.memory_space<vmem>>, %arg2: memref<128x128xf32, #tpu.memory_space<vmem>>, %arg3: memref<2x1000x16xf32, #tpu.memory_space<vmem>>, %arg4: memref<1000x128xf32, #tpu.memory_space<vmem>>, %arg5: memref<1000x1xf32, #tpu.memory_space<vmem>>) attributes {dimension_semantics = [#tpu.dimension_semantics<arbitrary>], iteration_bounds = array<i64: 10>, scalar_prefetch = 0 : i64, scratch_operands = 0 : i64, tpu.core_type = #tpu.core_type<tc>, window_params = [{transform_indices = @transform_0, window_bounds = array<i64: 1000, 128>}, {pipeline_mode = #tpu.pipeline_mode<synchronous>, transform_indices = @transform_1, window_bounds = array<i64: 128, 128>}, {transform_indices = @transform_2, window_bounds = array<i64: 2, 1000, 16>}, {transform_indices = @transform_3, window_bounds = array<i64: 1000, 128>}, {transform_indices = @transform_4, window_bounds = array<i64: 1000, 1>}]} {
    %get3A = arith.constant 0 : index
    %get3A_0 = arith.constant 0 : index
    %get3A_1 = arith.constant 0 : index
    %get3A_2 = vector.load %arg3[%get3A, %get3A_0, %get3A_1] : memref<2x1000x16xf32, #tpu.memory_space<vmem>>, vector<2x1000x16xf32>
    %slice3A = vector.extract_strided_slice %get3A_2 {offsets = [0, 0, 0], sizes = [1, 1000, 1], strides = [1, 1, 1]} : vector<2x1000x16xf32> to vector<1x1000x1xf32>
    %squeeze3A = vector.shape_cast %slice3A : vector<1x1000x1xf32> to vector<1000x1xf32>
    %slice3A_3 = vector.extract_strided_slice %get3A_2 {offsets = [1, 0, 0], sizes = [1, 1000, 1], strides = [1, 1, 1]} : vector<2x1000x16xf32> to vector<1x1000x1xf32>
    %squeeze3A_4 = vector.shape_cast %slice3A_3 : vector<1x1000x1xf32> to vector<1000x1xf32>
    %add3A = arith.addf %squeeze3A, %squeeze3A_4 : vector<1000x1xf32>
    %add3A_5 = arith.constant 1.000000e+00 : f32
    %add3A_6 = vector.broadcast %add3A_5 : f32 to vector<1000x1xf32>
    %add3A_7 = arith.addf %add3A, %add3A_6 : vector<1000x1xf32>
    %rsqrt3A = math.rsqrt %add3A_7 : vector<1000x1xf32>
    %swap3A = arith.constant 0 : index
    %swap3A_8 = arith.constant 0 : index
    %swap3A_9 = vector.load %arg5[%swap3A, %swap3A_8] : memref<1000x1xf32, #tpu.memory_space<vmem>>, vector<1000x1xf32>
    tpu.vector_store %arg5[%swap3A, %swap3A_8], %rsqrt3A {strides = array<i32>} : memref<1000x1xf32, #tpu.memory_space<vmem>>, vector<1000x1xf32>,
    %get3A_10 = arith.constant 0 : index
    %get3A_11 = arith.constant 0 : index
    %get3A_12 = vector.load %arg1[%get3A_10, %get3A_11] : memref<1000x128xf32, #tpu.memory_space<vmem>>, vector<1000x128xf32>
    %get3A_13 = arith.constant 0 : index
    %get3A_14 = arith.constant 0 : index
    %get3A_15 = vector.load %arg2[%get3A_13, %get3A_14] : memref<128x128xf32, #tpu.memory_space<vmem>>, vector<128x128xf32>
    %dot_general3A = arith.constant dense<0.000000e+00> : vector<1000x128xf32>
    %dot_general3A_16 = tpu.matmul %get3A_12, %get3A_15, %dot_general3A {dimension_numbers = #tpu.dot_dimension_numbers<[1], [0], [0], [1], [0, 0, 1, 1], [], []>, transpose_lhs_hint = false} : vector<1000x128xf32>, vector<128x128xf32>, vector<1000x128xf32> -> vector<1000x128xf32>
    %mul3A = vector.broadcast %rsqrt3A : vector<1000x1xf32> to vector<1000x128xf32>
    %mul3A_17 = arith.mulf %mul3A, %dot_general3A_16 : vector<1000x128xf32>
    %swap3A_18 = arith.constant 0 : index
    %swap3A_19 = arith.constant 0 : index
    %swap3A_20 = vector.load %arg4[%swap3A_18, %swap3A_19] : memref<1000x128xf32, #tpu.memory_space<vmem>>, vector<1000x128xf32>
    tpu.vector_store %arg4[%swap3A_18, %swap3A_19], %mul3A_17 {strides = array<i32>} : memref<1000x128xf32, #tpu.memory_space<vmem>>, vector<1000x128xf32>,
    return
  }
  func.func @transform_0(%arg0: i32) -> (i32, i32) {
    %c0_i32 = arith.constant 0 : i32
    %c0_i32_0 = arith.constant 0 : i32
    return %arg0, %c0_i32 : i32, i32
  }
  func.func @transform_1(%arg0: i32) -> (i32, i32) {
    %c0_i32 = arith.constant 0 : i32
    %c0_i32_0 = arith.constant 0 : i32
    %c0_i32_1 = arith.constant 0 : i32
    return %c0_i32, %c0_i32_0 : i32, i32
  }
  func.func @transform_2(%arg0: i32) -> (i32, i32, i32) {
    %c0_i32 = arith.constant 0 : i32
    %c0_i32_0 = arith.constant 0 : i32
    %c0_i32_1 = arith.constant 0 : i32
    return %c0_i32, %arg0, %c0_i32_0 : i32, i32, i32
  }
  func.func @transform_3(%arg0: i32) -> (i32, i32) {
    %c0_i32 = arith.constant 0 : i32
    %c0_i32_0 = arith.constant 0 : i32
    return %arg0, %c0_i32 : i32, i32
  }
  func.func @transform_4(%arg0: i32) -> (i32, i32) {
    %c0_i32 = arith.constant 0 : i32
    %c0_i32_0 = arith.constant 0 : i32
    return %arg0, %c0_i32 : i32, i32
  }
}

module attributes {stable_mosaic.version = 14 : i64} {
  func.func @_ka_body(%arg0: i32, %arg1: memref<2x1000x128xf32, #tpu.memory_space<vmem>>, %arg2: memref<1000x128xf32, #tpu.memory_space<vmem>>, %arg3: memref<1000x128xf32, #tpu.memory_space<vmem>>, %arg4: memref<1000x1xf32, #tpu.memory_space<vmem>>, %arg5: memref<1x128xf32, #tpu.memory_space<vmem>>, %arg6: memref<128x128xf32, #tpu.memory_space<vmem>>, %arg7: memref<1000x128xf32, #tpu.memory_space<vmem>>, %arg8: memref<1000x128xf32, #tpu.memory_space<vmem>>) attributes {dimension_semantics = [#tpu.dimension_semantics<arbitrary>], iteration_bounds = array<i64: 10>, scalar_prefetch = 0 : i64, scratch_operands = 0 : i64, tpu.core_type = #tpu.core_type<tc>, window_params = [{transform_indices = @transform_0, window_bounds = array<i64: 2, 1000, 128>}, {transform_indices = @transform_1, window_bounds = array<i64: 1000, 128>}, {transform_indices = @transform_2, window_bounds = array<i64: 1000, 128>}, {transform_indices = @transform_3, window_bounds = array<i64: 1000, 1>}, {pipeline_mode = #tpu.pipeline_mode<synchronous>, transform_indices = @transform_4, window_bounds = array<i64: 1, 128>}, {pipeline_mode = #tpu.pipeline_mode<synchronous>, transform_indices = @transform_5, window_bounds = array<i64: 128, 128>}, {transform_indices = @transform_6, window_bounds = array<i64: 1000, 128>}, {transform_indices = @transform_7, window_bounds = array<i64: 1000, 128>}]} {
    %get3A = arith.constant 0 : index
    %get3A_0 = arith.constant 0 : index
    %get3A_1 = arith.constant 0 : index
    %get3A_2 = vector.load %arg1[%get3A, %get3A_0, %get3A_1] : memref<2x1000x128xf32, #tpu.memory_space<vmem>>, vector<2x1000x128xf32>
    %get3A_3 = arith.constant 0 : index
    %get3A_4 = arith.constant 0 : index
    %get3A_5 = vector.load %arg4[%get3A_3, %get3A_4] : memref<1000x1xf32, #tpu.memory_space<vmem>>, vector<1000x1xf32>
    %slice3A = vector.extract_strided_slice %get3A_2 {offsets = [0, 0, 0], sizes = [1, 1000, 128], strides = [1, 1, 1]} : vector<2x1000x128xf32> to vector<1x1000x128xf32>
    %squeeze3A = vector.shape_cast %slice3A : vector<1x1000x128xf32> to vector<1000x128xf32>
    %slice3A_6 = vector.extract_strided_slice %get3A_2 {offsets = [1, 0, 0], sizes = [1, 1000, 128], strides = [1, 1, 1]} : vector<2x1000x128xf32> to vector<1x1000x128xf32>
    %squeeze3A_7 = vector.shape_cast %slice3A_6 : vector<1x1000x128xf32> to vector<1000x128xf32>
    %add3A = arith.addf %squeeze3A, %squeeze3A_7 : vector<1000x128xf32>
    %get3A_8 = arith.constant 0 : index
    %get3A_9 = arith.constant 0 : index
    %get3A_10 = vector.load %arg2[%get3A_8, %get3A_9] : memref<1000x128xf32, #tpu.memory_space<vmem>>, vector<1000x128xf32>
    %add3A_11 = arith.addf %add3A, %get3A_10 : vector<1000x128xf32>
    %mul3A = vector.broadcast %get3A_5 : vector<1000x1xf32> to vector<1000x128xf32>
    %mul3A_12 = arith.mulf %mul3A, %add3A_11 : vector<1000x128xf32>
    %get3A_13 = arith.constant 0 : index
    %get3A_14 = arith.constant 0 : index
    %get3A_15 = vector.load %arg5[%get3A_13, %get3A_14] : memref<1x128xf32, #tpu.memory_space<vmem>>, vector<1x128xf32>
    %add3A_16 = vector.broadcast %get3A_15 : vector<1x128xf32> to vector<1000x128xf32>
    %add3A_17 = arith.addf %mul3A_12, %add3A_16 : vector<1000x128xf32>
    %get3A_18 = arith.constant 0 : index
    %get3A_19 = arith.constant 0 : index
    %get3A_20 = vector.load %arg3[%get3A_18, %get3A_19] : memref<1000x128xf32, #tpu.memory_space<vmem>>, vector<1000x128xf32>
    %max3A = arith.constant 0.000000e+00 : f32
    %max3A_21 = vector.broadcast %max3A : f32 to vector<1000x128xf32>
    %max3A_22 = arith.maximumf %add3A_17, %max3A_21 : vector<1000x128xf32>
    %add3A_23 = arith.addf %get3A_20, %max3A_22 : vector<1000x128xf32>
    %swap3A = arith.constant 0 : index
    %swap3A_24 = arith.constant 0 : index
    %swap3A_25 = vector.load %arg7[%swap3A, %swap3A_24] : memref<1000x128xf32, #tpu.memory_space<vmem>>, vector<1000x128xf32>
    tpu.vector_store %arg7[%swap3A, %swap3A_24], %add3A_23 {strides = array<i32>} : memref<1000x128xf32, #tpu.memory_space<vmem>>, vector<1000x128xf32>,
    %get3A_26 = arith.constant 0 : index
    %get3A_27 = arith.constant 0 : index
    %get3A_28 = vector.load %arg6[%get3A_26, %get3A_27] : memref<128x128xf32, #tpu.memory_space<vmem>>, vector<128x128xf32>
    %dot_general3A = arith.constant dense<0.000000e+00> : vector<1000x128xf32>
    %dot_general3A_29 = tpu.matmul %add3A_23, %get3A_28, %dot_general3A {dimension_numbers = #tpu.dot_dimension_numbers<[1], [0], [0], [1], [0, 0, 1, 1], [], []>, transpose_lhs_hint = false} : vector<1000x128xf32>, vector<128x128xf32>, vector<1000x128xf32> -> vector<1000x128xf32>
    %mul3A_30 = vector.broadcast %get3A_5 : vector<1000x1xf32> to vector<1000x128xf32>
    %mul3A_31 = arith.mulf %mul3A_30, %dot_general3A_29 : vector<1000x128xf32>
    %swap3A_32 = arith.constant 0 : index
    %swap3A_33 = arith.constant 0 : index
    %swap3A_34 = vector.load %arg8[%swap3A_32, %swap3A_33] : memref<1000x128xf32, #tpu.memory_space<vmem>>, vector<1000x128xf32>
    tpu.vector_store %arg8[%swap3A_32, %swap3A_33], %mul3A_31 {strides = array<i32>} : memref<1000x128xf32, #tpu.memory_space<vmem>>, vector<1000x128xf32>,
    return
  }
  func.func @transform_0(%arg0: i32) -> (i32, i32, i32) {
    %c0_i32 = arith.constant 0 : i32
    %c0_i32_0 = arith.constant 0 : i32
    %c0_i32_1 = arith.constant 0 : i32
    return %c0_i32, %arg0, %c0_i32_0 : i32, i32, i32
  }
  func.func @transform_1(%arg0: i32) -> (i32, i32) {
    %c0_i32 = arith.constant 0 : i32
    %c0_i32_0 = arith.constant 0 : i32
    return %arg0, %c0_i32 : i32, i32
  }
  func.func @transform_2(%arg0: i32) -> (i32, i32) {
    %c0_i32 = arith.constant 0 : i32
    %c0_i32_0 = arith.constant 0 : i32
    return %arg0, %c0_i32 : i32, i32
  }
  func.func @transform_3(%arg0: i32) -> (i32, i32) {
    %c0_i32 = arith.constant 0 : i32
    %c0_i32_0 = arith.constant 0 : i32
    return %arg0, %c0_i32 : i32, i32
  }
  func.func @transform_4(%arg0: i32) -> (i32, i32) {
    %c0_i32 = arith.constant 0 : i32
    %c0_i32_0 = arith.constant 0 : i32
    %c0_i32_1 = arith.constant 0 : i32
    return %c0_i32, %c0_i32_0 : i32, i32
  }
  func.func @transform_5(%arg0: i32) -> (i32, i32) {
    %c0_i32 = arith.constant 0 : i32
    %c0_i32_0 = arith.constant 0 : i32
    %c0_i32_1 = arith.constant 0 : i32
    return %c0_i32, %c0_i32_0 : i32, i32
  }
  func.func @transform_6(%arg0: i32) -> (i32, i32) {
    %c0_i32 = arith.constant 0 : i32
    %c0_i32_0 = arith.constant 0 : i32
    return %arg0, %c0_i32 : i32, i32
  }
  func.func @transform_7(%arg0: i32) -> (i32, i32) {
    %c0_i32 = arith.constant 0 : i32
    %c0_i32_0 = arith.constant 0 : i32
    return %arg0, %c0_i32 : i32, i32
  }
}

module attributes {stable_mosaic.version = 14 : i64} {
  func.func @_kb_body(%arg0: i32, %arg1: memref<2x1000x128xf32, #tpu.memory_space<vmem>>, %arg2: memref<1000x128xf32, #tpu.memory_space<vmem>>, %arg3: memref<1000x128xf32, #tpu.memory_space<vmem>>, %arg4: memref<1000x1xf32, #tpu.memory_space<vmem>>, %arg5: memref<1x128xf32, #tpu.memory_space<vmem>>, %arg6: memref<128x128xf32, #tpu.memory_space<vmem>>, %arg7: memref<1x128xf32, #tpu.memory_space<vmem>>, %arg8: memref<1x128xf32, #tpu.memory_space<vmem>>, %arg9: memref<1000x128xf32, #tpu.memory_space<vmem>>, %arg10: memref<1000x16xf32, #tpu.memory_space<vmem>>, %arg11: memref<1000x16xf32, #tpu.memory_space<vmem>>, %arg12: memref<1x16xf32, #tpu.memory_space<vmem>>, %arg13: memref<1x16xf32, #tpu.memory_space<vmem>>, %arg14: memref<1x16xf32, #tpu.memory_space<vmem>>) attributes {dimension_semantics = [#tpu.dimension_semantics<arbitrary>], iteration_bounds = array<i64: 10>, scalar_prefetch = 0 : i64, scratch_operands = 2 : i64, tpu.core_type = #tpu.core_type<tc>, window_params = [{transform_indices = @transform_0, window_bounds = array<i64: 2, 1000, 128>}, {transform_indices = @transform_1, window_bounds = array<i64: 1000, 128>}, {transform_indices = @transform_2, window_bounds = array<i64: 1000, 128>}, {transform_indices = @transform_3, window_bounds = array<i64: 1000, 1>}, {pipeline_mode = #tpu.pipeline_mode<synchronous>, transform_indices = @transform_4, window_bounds = array<i64: 1, 128>}, {pipeline_mode = #tpu.pipeline_mode<synchronous>, transform_indices = @transform_5, window_bounds = array<i64: 128, 128>}, {pipeline_mode = #tpu.pipeline_mode<synchronous>, transform_indices = @transform_6, window_bounds = array<i64: 1, 128>}, {pipeline_mode = #tpu.pipeline_mode<synchronous>, transform_indices = @transform_7, window_bounds = array<i64: 1, 128>}, {transform_indices = @transform_8, window_bounds = array<i64: 1000, 128>}, {transform_indices = @transform_9, window_bounds = array<i64: 1000, 16>}, {transform_indices = @transform_10, window_bounds = array<i64: 1000, 16>}, {pipeline_mode = #tpu.pipeline_mode<synchronous>, transform_indices = @transform_11, window_bounds = array<i64: 1, 16>}]} {
    %get3A = arith.constant 0 : index
    %get3A_0 = arith.constant 0 : index
    %get3A_1 = arith.constant 0 : index
    %get3A_2 = vector.load %arg1[%get3A, %get3A_0, %get3A_1] : memref<2x1000x128xf32, #tpu.memory_space<vmem>>, vector<2x1000x128xf32>
    %get3A_3 = arith.constant 0 : index
    %get3A_4 = arith.constant 0 : index
    %get3A_5 = vector.load %arg4[%get3A_3, %get3A_4] : memref<1000x1xf32, #tpu.memory_space<vmem>>, vector<1000x1xf32>
    %slice3A = vector.extract_strided_slice %get3A_2 {offsets = [0, 0, 0], sizes = [1, 1000, 128], strides = [1, 1, 1]} : vector<2x1000x128xf32> to vector<1x1000x128xf32>
    %squeeze3A = vector.shape_cast %slice3A : vector<1x1000x128xf32> to vector<1000x128xf32>
    %slice3A_6 = vector.extract_strided_slice %get3A_2 {offsets = [1, 0, 0], sizes = [1, 1000, 128], strides = [1, 1, 1]} : vector<2x1000x128xf32> to vector<1x1000x128xf32>
    %squeeze3A_7 = vector.shape_cast %slice3A_6 : vector<1x1000x128xf32> to vector<1000x128xf32>
    %add3A = arith.addf %squeeze3A, %squeeze3A_7 : vector<1000x128xf32>
    %get3A_8 = arith.constant 0 : index
    %get3A_9 = arith.constant 0 : index
    %get3A_10 = vector.load %arg2[%get3A_8, %get3A_9] : memref<1000x128xf32, #tpu.memory_space<vmem>>, vector<1000x128xf32>
    %add3A_11 = arith.addf %add3A, %get3A_10 : vector<1000x128xf32>
    %mul3A = vector.broadcast %get3A_5 : vector<1000x1xf32> to vector<1000x128xf32>
    %mul3A_12 = arith.mulf %mul3A, %add3A_11 : vector<1000x128xf32>
    %get3A_13 = arith.constant 0 : index
    %get3A_14 = arith.constant 0 : index
    %get3A_15 = vector.load %arg5[%get3A_13, %get3A_14] : memref<1x128xf32, #tpu.memory_space<vmem>>, vector<1x128xf32>
    %add3A_16 = vector.broadcast %get3A_15 : vector<1x128xf32> to vector<1000x128xf32>
    %add3A_17 = arith.addf %mul3A_12, %add3A_16 : vector<1000x128xf32>
    %get3A_18 = arith.constant 0 : index
    %get3A_19 = arith.constant 0 : index
    %get3A_20 = vector.load %arg3[%get3A_18, %get3A_19] : memref<1000x128xf32, #tpu.memory_space<vmem>>, vector<1000x128xf32>
    %max3A = arith.constant 0.000000e+00 : f32
    %max3A_21 = vector.broadcast %max3A : f32 to vector<1000x128xf32>
    %max3A_22 = arith.maximumf %add3A_17, %max3A_21 : vector<1000x128xf32>
    %add3A_23 = arith.addf %get3A_20, %max3A_22 : vector<1000x128xf32>
    %get3A_24 = arith.constant 0 : index
    %get3A_25 = arith.constant 0 : index
    %get3A_26 = vector.load %arg6[%get3A_24, %get3A_25] : memref<128x128xf32, #tpu.memory_space<vmem>>, vector<128x128xf32>
    %dot_general3A = arith.constant dense<0.000000e+00> : vector<1000x128xf32>
    %dot_general3A_27 = tpu.matmul %add3A_23, %get3A_26, %dot_general3A {dimension_numbers = #tpu.dot_dimension_numbers<[1], [0], [0], [1], [0, 0, 1, 1], [], []>, transpose_lhs_hint = false} : vector<1000x128xf32>, vector<128x128xf32>, vector<1000x128xf32> -> vector<1000x128xf32>
    %swap3A = arith.constant 0 : index
    %swap3A_28 = arith.constant 0 : index
    %swap3A_29 = vector.load %arg9[%swap3A, %swap3A_28] : memref<1000x128xf32, #tpu.memory_space<vmem>>, vector<1000x128xf32>
    tpu.vector_store %arg9[%swap3A, %swap3A_28], %dot_general3A_27 {strides = array<i32>} : memref<1000x128xf32, #tpu.memory_space<vmem>>, vector<1000x128xf32>,
    %iota3A = tpu.iota {dimensions = array<i32: 0>} : vector<128x16xi32>
    %iota3A_30 = tpu.iota {dimensions = array<i32: 1>} : vector<128x16xi32>
    %lt3A = arith.constant 4 : i32
    %lt3A_31 = vector.broadcast %lt3A : i32 to vector<128x16xi32>
    %lt3A_32 = arith.cmpi slt, %iota3A_30, %lt3A_31 : vector<128x16xi32>
    %jit3A = arith.constant 32 : i32
    %div3A = vector.broadcast %jit3A : i32 to vector<128x16xi32>
    %div3A_33 = arith.divsi %iota3A, %div3A : vector<128x16xi32>
    %sign3A = arith.constant 0 : i32
    %sign3A_34 = vector.broadcast %sign3A : i32 to vector<128x16xi32>
    %sign3A_35 = arith.cmpi sgt, %iota3A, %sign3A_34 : vector<128x16xi32>
    %sign3A_36 = arith.extui %sign3A_35 : vector<128x16xi1> to vector<128x16xi32>
    %sign3A_37 = arith.constant 0 : i32
    %sign3A_38 = vector.broadcast %sign3A_37 : i32 to vector<128x16xi32>
    %sign3A_39 = arith.cmpi slt, %iota3A, %sign3A_38 : vector<128x16xi32>
    %sign3A_40 = arith.extui %sign3A_39 : vector<128x16xi1> to vector<128x16xi32>
    %sign3A_41 = arith.subi %sign3A_36, %sign3A_40 : vector<128x16xi32>
    %sign3A_42 = arith.constant 0 : i32
    %sign3A_43 = arith.cmpi sgt, %jit3A, %sign3A_42 : i32
    %sign3A_44 = arith.extui %sign3A_43 : i1 to i32
    %sign3A_45 = arith.constant 0 : i32
    %sign3A_46 = arith.cmpi slt, %jit3A, %sign3A_45 : i32
    %sign3A_47 = arith.extui %sign3A_46 : i1 to i32
    %sign3A_48 = arith.subi %sign3A_44, %sign3A_47 : i32
    %ne3A = vector.broadcast %sign3A_48 : i32 to vector<128x16xi32>
    %ne3A_49 = arith.cmpi ne, %sign3A_41, %ne3A : vector<128x16xi32>
    %rem3A = vector.broadcast %jit3A : i32 to vector<128x16xi32>
    %rem3A_50 = arith.remsi %iota3A, %rem3A : vector<128x16xi32>
    %ne3A_51 = arith.constant 0 : i32
    %ne3A_52 = vector.broadcast %ne3A_51 : i32 to vector<128x16xi32>
    %ne3A_53 = arith.cmpi ne, %rem3A_50, %ne3A_52 : vector<128x16xi32>
    %and3A = arith.andi %ne3A_49, %ne3A_53 : vector<128x16xi1>
    %sub3A = arith.constant 1 : i32
    %sub3A_54 = vector.broadcast %sub3A : i32 to vector<128x16xi32>
    %sub3A_55 = arith.subi %div3A_33, %sub3A_54 : vector<128x16xi32>
    %select_n3A = arith.select %and3A, %sub3A_55, %div3A_33 : vector<128x16xi1>, vector<128x16xi32>
    %eq3A = arith.cmpi eq, %select_n3A, %iota3A_30 : vector<128x16xi32>
    %and3A_56 = arith.andi %lt3A_32, %eq3A : vector<128x16xi1>
    %jit3A_57 = arith.constant 1.000000e+00 : f32
    %jit3A_58 = arith.constant 0.000000e+00 : f32
    %broadcast_in_dim3A = vector.broadcast %jit3A_57 : f32 to vector<128x16xf32>
    %broadcast_in_dim3A_59 = vector.broadcast %jit3A_58 : f32 to vector<128x16xf32>
    %select_n3A_60 = arith.select %and3A_56, %broadcast_in_dim3A, %broadcast_in_dim3A_59 : vector<128x16xi1>, vector<128x16xf32>
    %get3A_61 = arith.constant 0 : index
    %get3A_62 = arith.constant 0 : index
    %get3A_63 = vector.load %arg7[%get3A_61, %get3A_62] : memref<1x128xf32, #tpu.memory_space<vmem>>, vector<1x128xf32>
    %mul3A_64 = vector.broadcast %get3A_63 : vector<1x128xf32> to vector<1000x128xf32>
    %mul3A_65 = arith.mulf %dot_general3A_27, %mul3A_64 : vector<1000x128xf32>
    %dot_general3A_66 = arith.constant dense<0.000000e+00> : vector<1000x16xf32>
    %dot_general3A_67 = tpu.matmul %mul3A_65, %select_n3A_60, %dot_general3A_66 {dimension_numbers = #tpu.dot_dimension_numbers<[1], [0], [0], [1], [0, 0, 1, 1], [], []>, transpose_lhs_hint = false} : vector<1000x128xf32>, vector<128x16xf32>, vector<1000x16xf32> -> vector<1000x16xf32>
    %get3A_68 = arith.constant 0 : index
    %get3A_69 = arith.constant 0 : index
    %get3A_70 = vector.load %arg8[%get3A_68, %get3A_69] : memref<1x128xf32, #tpu.memory_space<vmem>>, vector<1x128xf32>
    %mul3A_71 = vector.broadcast %get3A_70 : vector<1x128xf32> to vector<1000x128xf32>
    %mul3A_72 = arith.mulf %dot_general3A_27, %mul3A_71 : vector<1000x128xf32>
    %dot_general3A_73 = arith.constant dense<0.000000e+00> : vector<1000x16xf32>
    %dot_general3A_74 = tpu.matmul %mul3A_72, %select_n3A_60, %dot_general3A_73 {dimension_numbers = #tpu.dot_dimension_numbers<[1], [0], [0], [1], [0, 0, 1, 1], [], []>, transpose_lhs_hint = false} : vector<1000x128xf32>, vector<128x16xf32>, vector<1000x16xf32> -> vector<1000x16xf32>
    %swap3A_75 = arith.constant 0 : index
    %swap3A_76 = arith.constant 0 : index
    %swap3A_77 = vector.load %arg10[%swap3A_75, %swap3A_76] : memref<1000x16xf32, #tpu.memory_space<vmem>>, vector<1000x16xf32>
    tpu.vector_store %arg10[%swap3A_75, %swap3A_76], %dot_general3A_67 {strides = array<i32>} : memref<1000x16xf32, #tpu.memory_space<vmem>>, vector<1000x16xf32>,
    %swap3A_78 = arith.constant 0 : index
    %swap3A_79 = arith.constant 0 : index
    %swap3A_80 = vector.load %arg11[%swap3A_78, %swap3A_79] : memref<1000x16xf32, #tpu.memory_space<vmem>>, vector<1000x16xf32>
    tpu.vector_store %arg11[%swap3A_78, %swap3A_79], %dot_general3A_74 {strides = array<i32>} : memref<1000x16xf32, #tpu.memory_space<vmem>>, vector<1000x16xf32>,
    %reduce_max3A = arith.constant dense<0xFF800000> : vector<16xf32>
    %reduce_max3A_81 = vector.multi_reduction <maximumf>, %dot_general3A_67, %reduce_max3A [0] : vector<1000x16xf32> to vector<16xf32>
    %broadcast_in_dim3A_82 = vector.shape_cast %reduce_max3A_81 : vector<16xf32> to vector<1x16xf32>
    %reduce_max3A_83 = arith.constant dense<0xFF800000> : vector<16xf32>
    %reduce_max3A_84 = vector.multi_reduction <maximumf>, %dot_general3A_74, %reduce_max3A_83 [0] : vector<1000x16xf32> to vector<16xf32>
    %broadcast_in_dim3A_85 = vector.shape_cast %reduce_max3A_84 : vector<16xf32> to vector<1x16xf32>
    %eq3A_86 = arith.constant 0 : i32
    %eq3A_87 = arith.cmpi eq, %arg0, %eq3A_86 : i32
    %convert_element_type3A = arith.extui %eq3A_87 : i1 to i32
    %cond3A = arith.constant 0 : i32
    %cond3A_88 = arith.cmpi ne, %convert_element_type3A, %cond3A : i32
    scf.if %cond3A_88 {
      %swap3A_98 = arith.constant 0 : index
      %swap3A_99 = arith.constant 0 : index
      %swap3A_100 = vector.load %arg13[%swap3A_98, %swap3A_99] : memref<1x16xf32, #tpu.memory_space<vmem>>, vector<1x16xf32>
      tpu.vector_store %arg13[%swap3A_98, %swap3A_99], %broadcast_in_dim3A_82 {strides = array<i32>} : memref<1x16xf32, #tpu.memory_space<vmem>>, vector<1x16xf32>,
      %swap3A_101 = arith.constant 0 : index
      %swap3A_102 = arith.constant 0 : index
      %swap3A_103 = vector.load %arg14[%swap3A_101, %swap3A_102] : memref<1x16xf32, #tpu.memory_space<vmem>>, vector<1x16xf32>
      tpu.vector_store %arg14[%swap3A_101, %swap3A_102], %broadcast_in_dim3A_85 {strides = array<i32>} : memref<1x16xf32, #tpu.memory_space<vmem>>, vector<1x16xf32>,
    } else {
    }
    %gt3A = arith.constant 0 : i32
    %gt3A_89 = arith.cmpi sgt, %arg0, %gt3A : i32
    %convert_element_type3A_90 = arith.extui %gt3A_89 : i1 to i32
    %cond3A_91 = arith.constant 0 : i32
    %cond3A_92 = arith.cmpi ne, %convert_element_type3A_90, %cond3A_91 : i32
    scf.if %cond3A_92 {
      %get3A_98 = arith.constant 0 : index
      %get3A_99 = arith.constant 0 : index
      %get3A_100 = vector.load %arg13[%get3A_98, %get3A_99] : memref<1x16xf32, #tpu.memory_space<vmem>>, vector<1x16xf32>
      %max3A_101 = arith.maximumf %get3A_100, %broadcast_in_dim3A_82 : vector<1x16xf32>
      %swap3A_102 = arith.constant 0 : index
      %swap3A_103 = arith.constant 0 : index
      %swap3A_104 = vector.load %arg13[%swap3A_102, %swap3A_103] : memref<1x16xf32, #tpu.memory_space<vmem>>, vector<1x16xf32>
      tpu.vector_store %arg13[%swap3A_102, %swap3A_103], %max3A_101 {strides = array<i32>} : memref<1x16xf32, #tpu.memory_space<vmem>>, vector<1x16xf32>,
      %get3A_105 = arith.constant 0 : index
      %get3A_106 = arith.constant 0 : index
      %get3A_107 = vector.load %arg14[%get3A_105, %get3A_106] : memref<1x16xf32, #tpu.memory_space<vmem>>, vector<1x16xf32>
      %max3A_108 = arith.maximumf %get3A_107, %broadcast_in_dim3A_85 : vector<1x16xf32>
      %swap3A_109 = arith.constant 0 : index
      %swap3A_110 = arith.constant 0 : index
      %swap3A_111 = vector.load %arg14[%swap3A_109, %swap3A_110] : memref<1x16xf32, #tpu.memory_space<vmem>>, vector<1x16xf32>
      tpu.vector_store %arg14[%swap3A_109, %swap3A_110], %max3A_108 {strides = array<i32>} : memref<1x16xf32, #tpu.memory_space<vmem>>, vector<1x16xf32>,
    } else {
    }
    %eq3A_93 = arith.constant 9 : i32
    %eq3A_94 = arith.cmpi eq, %arg0, %eq3A_93 : i32
    %convert_element_type3A_95 = arith.extui %eq3A_94 : i1 to i32
    %cond3A_96 = arith.constant 0 : i32
    %cond3A_97 = arith.cmpi ne, %convert_element_type3A_95, %cond3A_96 : i32
    scf.if %cond3A_97 {
      %get3A_98 = arith.constant 0 : index
      %get3A_99 = arith.constant 0 : index
      %get3A_100 = vector.load %arg13[%get3A_98, %get3A_99] : memref<1x16xf32, #tpu.memory_space<vmem>>, vector<1x16xf32>
      %get3A_101 = arith.constant 0 : index
      %get3A_102 = arith.constant 0 : index
      %get3A_103 = vector.load %arg14[%get3A_101, %get3A_102] : memref<1x16xf32, #tpu.memory_space<vmem>>, vector<1x16xf32>
      %add3A_104 = arith.addf %get3A_100, %get3A_103 : vector<1x16xf32>
      %swap3A_105 = arith.constant 0 : index
      %swap3A_106 = arith.constant 0 : index
      %swap3A_107 = vector.load %arg12[%swap3A_105, %swap3A_106] : memref<1x16xf32, #tpu.memory_space<vmem>>, vector<1x16xf32>
      tpu.vector_store %arg12[%swap3A_105, %swap3A_106], %add3A_104 {strides = array<i32>} : memref<1x16xf32, #tpu.memory_space<vmem>>, vector<1x16xf32>,
    } else {
    }
    return
  }
  func.func @transform_0(%arg0: i32) -> (i32, i32, i32) {
    %c0_i32 = arith.constant 0 : i32
    %c0_i32_0 = arith.constant 0 : i32
    %c0_i32_1 = arith.constant 0 : i32
    return %c0_i32, %arg0, %c0_i32_0 : i32, i32, i32
  }
  func.func @transform_1(%arg0: i32) -> (i32, i32) {
    %c0_i32 = arith.constant 0 : i32
    %c0_i32_0 = arith.constant 0 : i32
    return %arg0, %c0_i32 : i32, i32
  }
  func.func @transform_2(%arg0: i32) -> (i32, i32) {
    %c0_i32 = arith.constant 0 : i32
    %c0_i32_0 = arith.constant 0 : i32
    return %arg0, %c0_i32 : i32, i32
  }
  func.func @transform_3(%arg0: i32) -> (i32, i32) {
    %c0_i32 = arith.constant 0 : i32
    %c0_i32_0 = arith.constant 0 : i32
    return %arg0, %c0_i32 : i32, i32
  }
  func.func @transform_4(%arg0: i32) -> (i32, i32) {
    %c0_i32 = arith.constant 0 : i32
    %c0_i32_0 = arith.constant 0 : i32
    %c0_i32_1 = arith.constant 0 : i32
    return %c0_i32, %c0_i32_0 : i32, i32
  }
  func.func @transform_5(%arg0: i32) -> (i32, i32) {
    %c0_i32 = arith.constant 0 : i32
    %c0_i32_0 = arith.constant 0 : i32
    %c0_i32_1 = arith.constant 0 : i32
    return %c0_i32, %c0_i32_0 : i32, i32
  }
  func.func @transform_6(%arg0: i32) -> (i32, i32) {
    %c0_i32 = arith.constant 0 : i32
    %c0_i32_0 = arith.constant 0 : i32
    %c0_i32_1 = arith.constant 0 : i32
    return %c0_i32, %c0_i32_0 : i32, i32
  }
  func.func @transform_7(%arg0: i32) -> (i32, i32) {
    %c0_i32 = arith.constant 0 : i32
    %c0_i32_0 = arith.constant 0 : i32
    %c0_i32_1 = arith.constant 0 : i32
    return %c0_i32, %c0_i32_0 : i32, i32
  }
  func.func @transform_8(%arg0: i32) -> (i32, i32) {
    %c0_i32 = arith.constant 0 : i32
    %c0_i32_0 = arith.constant 0 : i32
    return %arg0, %c0_i32 : i32, i32
  }
  func.func @transform_9(%arg0: i32) -> (i32, i32) {
    %c0_i32 = arith.constant 0 : i32
    %c0_i32_0 = arith.constant 0 : i32
    return %arg0, %c0_i32 : i32, i32
  }
  func.func @transform_10(%arg0: i32) -> (i32, i32) {
    %c0_i32 = arith.constant 0 : i32
    %c0_i32_0 = arith.constant 0 : i32
    return %arg0, %c0_i32 : i32, i32
  }
  func.func @transform_11(%arg0: i32) -> (i32, i32) {
    %c0_i32 = arith.constant 0 : i32
    %c0_i32_0 = arith.constant 0 : i32
    %c0_i32_1 = arith.constant 0 : i32
    return %c0_i32, %c0_i32_0 : i32, i32
  }
}

module attributes {stable_mosaic.version = 14 : i64} {
  func.func @_k7_body(%arg0: i32, %arg1: memref<2x1000x128xf32, #tpu.memory_space<vmem>>, %arg2: memref<1000x128xf32, #tpu.memory_space<vmem>>, %arg3: memref<1000x16xf32, #tpu.memory_space<vmem>>, %arg4: memref<1000x16xf32, #tpu.memory_space<vmem>>, %arg5: memref<1x16xf32, #tpu.memory_space<vmem>>, %arg6: memref<2x1000x16xf32, #tpu.memory_space<vmem>>, %arg7: memref<1x128xf32, #tpu.memory_space<vmem>>, %arg8: memref<1000x1xi32, #tpu.memory_space<vmem>>, %arg9: memref<256x64xf32, #tpu.memory_space<vmem>>, %arg10: memref<1x64xf32, #tpu.memory_space<vmem>>, %arg11: memref<64x32xf32, #tpu.memory_space<vmem>>, %arg12: memref<1x32xf32, #tpu.memory_space<vmem>>, %arg13: memref<32x1xf32, #tpu.memory_space<vmem>>, %arg14: memref<1x1xf32, #tpu.memory_space<vmem>>, %arg15: memref<64x1xf32, #tpu.memory_space<vmem>>, %arg16: memref<64x128xf32, #tpu.memory_space<vmem>>, %arg17: memref<64x128xf32, #tpu.memory_space<vmem>>, %arg18: memref<64x1xf32, #tpu.memory_space<vmem>>) attributes {dimension_semantics = [#tpu.dimension_semantics<arbitrary>], iteration_bounds = array<i64: 10>, scalar_prefetch = 0 : i64, scratch_operands = 3 : i64, tpu.core_type = #tpu.core_type<tc>, window_params = [{transform_indices = @transform_0, window_bounds = array<i64: 2, 1000, 128>}, {transform_indices = @transform_1, window_bounds = array<i64: 1000, 128>}, {transform_indices = @transform_2, window_bounds = array<i64: 1000, 16>}, {transform_indices = @transform_3, window_bounds = array<i64: 1000, 16>}, {pipeline_mode = #tpu.pipeline_mode<synchronous>, transform_indices = @transform_4, window_bounds = array<i64: 1, 16>}, {transform_indices = @transform_5, window_bounds = array<i64: 2, 1000, 16>}, {pipeline_mode = #tpu.pipeline_mode<synchronous>, transform_indices = @transform_6, window_bounds = array<i64: 1, 128>}, {transform_indices = @transform_7, window_bounds = array<i64: 1000, 1>}, {pipeline_mode = #tpu.pipeline_mode<synchronous>, transform_indices = @transform_8, window_bounds = array<i64: 256, 64>}, {pipeline_mode = #tpu.pipeline_mode<synchronous>, transform_indices = @transform_9, window_bounds = array<i64: 1, 64>}, {pipeline_mode = #tpu.pipeline_mode<synchronous>, transform_indices = @transform_10, window_bounds = array<i64: 64, 32>}, {pipeline_mode = #tpu.pipeline_mode<synchronous>, transform_indices = @transform_11, window_bounds = array<i64: 1, 32>}, {pipeline_mode = #tpu.pipeline_mode<synchronous>, transform_indices = @transform_12, window_bounds = array<i64: 32, 1>}, {pipeline_mode = #tpu.pipeline_mode<synchronous>, transform_indices = @transform_13, window_bounds = array<i64: 1, 1>}, {pipeline_mode = #tpu.pipeline_mode<synchronous>, transform_indices = @transform_14, window_bounds = array<i64: 64, 1>}]} {
    %eq3A = arith.constant 0 : i32
    %eq3A_0 = arith.cmpi eq, %arg0, %eq3A : i32
    %convert_element_type3A = arith.extui %eq3A_0 : i1 to i32
    %cond3A = arith.constant 0 : i32
    %cond3A_1 = arith.cmpi ne, %convert_element_type3A, %cond3A : i32
    scf.if %cond3A_1 {
      %broadcast_in_dim3A_131 = arith.constant 0.000000e+00 : f32
      %broadcast_in_dim3A_132 = vector.broadcast %broadcast_in_dim3A_131 : f32 to vector<64x128xf32>
      %swap3A_133 = arith.constant 0 : index
      %swap3A_134 = arith.constant 0 : index
      %swap3A_135 = vector.load %arg16[%swap3A_133, %swap3A_134] : memref<64x128xf32, #tpu.memory_space<vmem>>, vector<64x128xf32>
      tpu.vector_store %arg16[%swap3A_133, %swap3A_134], %broadcast_in_dim3A_132 {strides = array<i32>} : memref<64x128xf32, #tpu.memory_space<vmem>>, vector<64x128xf32>,
      %broadcast_in_dim3A_136 = arith.constant 0xFF800000 : f32
      %broadcast_in_dim3A_137 = vector.broadcast %broadcast_in_dim3A_136 : f32 to vector<64x128xf32>
      %swap3A_138 = arith.constant 0 : index
      %swap3A_139 = arith.constant 0 : index
      %swap3A_140 = vector.load %arg17[%swap3A_138, %swap3A_139] : memref<64x128xf32, #tpu.memory_space<vmem>>, vector<64x128xf32>
      tpu.vector_store %arg17[%swap3A_138, %swap3A_139], %broadcast_in_dim3A_137 {strides = array<i32>} : memref<64x128xf32, #tpu.memory_space<vmem>>, vector<64x128xf32>,
      %broadcast_in_dim3A_141 = arith.constant 0.000000e+00 : f32
      %broadcast_in_dim3A_142 = vector.broadcast %broadcast_in_dim3A_141 : f32 to vector<64x1xf32>
      %swap3A_143 = arith.constant 0 : index
      %swap3A_144 = arith.constant 0 : index
      %swap3A_145 = vector.load %arg18[%swap3A_143, %swap3A_144] : memref<64x1xf32, #tpu.memory_space<vmem>>, vector<64x1xf32>
      tpu.vector_store %arg18[%swap3A_143, %swap3A_144], %broadcast_in_dim3A_142 {strides = array<i32>} : memref<64x1xf32, #tpu.memory_space<vmem>>, vector<64x1xf32>,
    } else {
    }
    %get3A = arith.constant 0 : index
    %get3A_2 = arith.constant 0 : index
    %get3A_3 = vector.load %arg3[%get3A, %get3A_2] : memref<1000x16xf32, #tpu.memory_space<vmem>>, vector<1000x16xf32>
    %get3A_4 = arith.constant 0 : index
    %get3A_5 = arith.constant 0 : index
    %get3A_6 = vector.load %arg4[%get3A_4, %get3A_5] : memref<1000x16xf32, #tpu.memory_space<vmem>>, vector<1000x16xf32>
    %add3A = arith.addf %get3A_3, %get3A_6 : vector<1000x16xf32>
    %mul3A = arith.constant 2.000000e-01 : f32
    %mul3A_7 = vector.broadcast %mul3A : f32 to vector<1000x16xf32>
    %mul3A_8 = arith.mulf %mul3A_7, %add3A : vector<1000x16xf32>
    %max3A = arith.maximumf %add3A, %mul3A_8 : vector<1000x16xf32>
    %get3A_9 = arith.constant 0 : index
    %get3A_10 = arith.constant 0 : index
    %get3A_11 = vector.load %arg5[%get3A_9, %get3A_10] : memref<1x16xf32, #tpu.memory_space<vmem>>, vector<1x16xf32>
    %sub3A = vector.broadcast %get3A_11 : vector<1x16xf32> to vector<1000x16xf32>
    %sub3A_12 = arith.subf %max3A, %sub3A : vector<1000x16xf32>
    %exp3A = math.exp %sub3A_12 : vector<1000x16xf32>
    %get3A_13 = arith.constant 0 : index
    %get3A_14 = arith.constant 0 : index
    %get3A_15 = arith.constant 0 : index
    %get3A_16 = vector.load %arg6[%get3A_13, %get3A_14, %get3A_15] : memref<2x1000x16xf32, #tpu.memory_space<vmem>>, vector<2x1000x16xf32>
    %slice3A = vector.extract_strided_slice %get3A_16 {offsets = [0, 0, 0], sizes = [1, 1000, 16], strides = [1, 1, 1]} : vector<2x1000x16xf32> to vector<1x1000x16xf32>
    %squeeze3A = vector.shape_cast %slice3A : vector<1x1000x16xf32> to vector<1000x16xf32>
    %slice3A_17 = vector.extract_strided_slice %get3A_16 {offsets = [1, 0, 0], sizes = [1, 1000, 16], strides = [1, 1, 1]} : vector<2x1000x16xf32> to vector<1x1000x16xf32>
    %squeeze3A_18 = vector.shape_cast %slice3A_17 : vector<1x1000x16xf32> to vector<1000x16xf32>
    %add3A_19 = arith.addf %squeeze3A, %squeeze3A_18 : vector<1000x16xf32>
    %add3A_20 = arith.addf %add3A_19, %exp3A : vector<1000x16xf32>
    %iota3A = tpu.iota {dimensions = array<i32: 0>} : vector<16x128xi32>
    %iota3A_21 = tpu.iota {dimensions = array<i32: 1>} : vector<16x128xi32>
    %lt3A = arith.constant 4 : i32
    %lt3A_22 = vector.broadcast %lt3A : i32 to vector<16x128xi32>
    %lt3A_23 = arith.cmpi slt, %iota3A, %lt3A_22 : vector<16x128xi32>
    %jit3A = arith.constant 32 : i32
    %div3A = vector.broadcast %jit3A : i32 to vector<16x128xi32>
    %div3A_24 = arith.divsi %iota3A_21, %div3A : vector<16x128xi32>
    %sign3A = arith.constant 0 : i32
    %sign3A_25 = vector.broadcast %sign3A : i32 to vector<16x128xi32>
    %sign3A_26 = arith.cmpi sgt, %iota3A_21, %sign3A_25 : vector<16x128xi32>
    %sign3A_27 = arith.extui %sign3A_26 : vector<16x128xi1> to vector<16x128xi32>
    %sign3A_28 = arith.constant 0 : i32
    %sign3A_29 = vector.broadcast %sign3A_28 : i32 to vector<16x128xi32>
    %sign3A_30 = arith.cmpi slt, %iota3A_21, %sign3A_29 : vector<16x128xi32>
    %sign3A_31 = arith.extui %sign3A_30 : vector<16x128xi1> to vector<16x128xi32>
    %sign3A_32 = arith.subi %sign3A_27, %sign3A_31 : vector<16x128xi32>
    %sign3A_33 = arith.constant 0 : i32
    %sign3A_34 = arith.cmpi sgt, %jit3A, %sign3A_33 : i32
    %sign3A_35 = arith.extui %sign3A_34 : i1 to i32
    %sign3A_36 = arith.constant 0 : i32
    %sign3A_37 = arith.cmpi slt, %jit3A, %sign3A_36 : i32
    %sign3A_38 = arith.extui %sign3A_37 : i1 to i32
    %sign3A_39 = arith.subi %sign3A_35, %sign3A_38 : i32
    %ne3A = vector.broadcast %sign3A_39 : i32 to vector<16x128xi32>
    %ne3A_40 = arith.cmpi ne, %sign3A_32, %ne3A : vector<16x128xi32>
    %rem3A = vector.broadcast %jit3A : i32 to vector<16x128xi32>
    %rem3A_41 = arith.remsi %iota3A_21, %rem3A : vector<16x128xi32>
    %ne3A_42 = arith.constant 0 : i32
    %ne3A_43 = vector.broadcast %ne3A_42 : i32 to vector<16x128xi32>
    %ne3A_44 = arith.cmpi ne, %rem3A_41, %ne3A_43 : vector<16x128xi32>
    %and3A = arith.andi %ne3A_40, %ne3A_44 : vector<16x128xi1>
    %sub3A_45 = arith.constant 1 : i32
    %sub3A_46 = vector.broadcast %sub3A_45 : i32 to vector<16x128xi32>
    %sub3A_47 = arith.subi %div3A_24, %sub3A_46 : vector<16x128xi32>
    %select_n3A = arith.select %and3A, %sub3A_47, %div3A_24 : vector<16x128xi1>, vector<16x128xi32>
    %eq3A_48 = arith.cmpi eq, %select_n3A, %iota3A : vector<16x128xi32>
    %and3A_49 = arith.andi %lt3A_23, %eq3A_48 : vector<16x128xi1>
    %jit3A_50 = arith.constant 1.000000e+00 : f32
    %jit3A_51 = arith.constant 0.000000e+00 : f32
    %broadcast_in_dim3A = vector.broadcast %jit3A_50 : f32 to vector<16x128xf32>
    %broadcast_in_dim3A_52 = vector.broadcast %jit3A_51 : f32 to vector<16x128xf32>
    %select_n3A_53 = arith.select %and3A_49, %broadcast_in_dim3A, %broadcast_in_dim3A_52 : vector<16x128xi1>, vector<16x128xf32>
    %dot_general3A = arith.constant dense<0.000000e+00> : vector<1000x128xf32>
    %dot_general3A_54 = tpu.matmul %add3A_20, %select_n3A_53, %dot_general3A {dimension_numbers = #tpu.dot_dimension_numbers<[1], [0], [0], [1], [0, 0, 1, 1], [], []>, transpose_lhs_hint = false} : vector<1000x16xf32>, vector<16x128xf32>, vector<1000x128xf32> -> vector<1000x128xf32>
    %dot_general3A_55 = arith.constant dense<0.000000e+00> : vector<1000x128xf32>
    %dot_general3A_56 = tpu.matmul %exp3A, %select_n3A_53, %dot_general3A_55 {dimension_numbers = #tpu.dot_dimension_numbers<[1], [0], [0], [1], [0, 0, 1, 1], [], []>, transpose_lhs_hint = false} : vector<1000x16xf32>, vector<16x128xf32>, vector<1000x128xf32> -> vector<1000x128xf32>
    %get3A_57 = arith.constant 0 : index
    %get3A_58 = arith.constant 0 : index
    %get3A_59 = arith.constant 0 : index
    %get3A_60 = vector.load %arg1[%get3A_57, %get3A_58, %get3A_59] : memref<2x1000x128xf32, #tpu.memory_space<vmem>>, vector<2x1000x128xf32>
    %slice3A_61 = vector.extract_strided_slice %get3A_60 {offsets = [0, 0, 0], sizes = [1, 1000, 128], strides = [1, 1, 1]} : vector<2x1000x128xf32> to vector<1x1000x128xf32>
    %squeeze3A_62 = vector.shape_cast %slice3A_61 : vector<1x1000x128xf32> to vector<1000x128xf32>
    %slice3A_63 = vector.extract_strided_slice %get3A_60 {offsets = [1, 0, 0], sizes = [1, 1000, 128], strides = [1, 1, 1]} : vector<2x1000x128xf32> to vector<1x1000x128xf32>
    %squeeze3A_64 = vector.shape_cast %slice3A_63 : vector<1x1000x128xf32> to vector<1000x128xf32>
    %add3A_65 = arith.addf %squeeze3A_62, %squeeze3A_64 : vector<1000x128xf32>
    %get3A_66 = arith.constant 0 : index
    %get3A_67 = arith.constant 0 : index
    %get3A_68 = vector.load %arg2[%get3A_66, %get3A_67] : memref<1000x128xf32, #tpu.memory_space<vmem>>, vector<1000x128xf32>
    %mul3A_69 = arith.mulf %dot_general3A_56, %get3A_68 : vector<1000x128xf32>
    %add3A_70 = arith.addf %add3A_65, %mul3A_69 : vector<1000x128xf32>
    %div3A_71 = arith.divf %add3A_70, %dot_general3A_54 : vector<1000x128xf32>
    %get3A_72 = arith.constant 0 : index
    %get3A_73 = arith.constant 0 : index
    %get3A_74 = vector.load %arg7[%get3A_72, %get3A_73] : memref<1x128xf32, #tpu.memory_space<vmem>>, vector<1x128xf32>
    %add3A_75 = vector.broadcast %get3A_74 : vector<1x128xf32> to vector<1000x128xf32>
    %add3A_76 = arith.addf %div3A_71, %add3A_75 : vector<1000x128xf32>
    %get3A_77 = arith.constant 0 : index
    %get3A_78 = arith.constant 0 : index
    %get3A_79 = vector.load %arg8[%get3A_77, %get3A_78] : memref<1000x1xi32, #tpu.memory_space<vmem>>, vector<1000x1xi32>
    %iota3A_80 = tpu.iota {dimensions = array<i32: 1>} : vector<1x64xi32>
    %eq3A_81 = vector.broadcast %get3A_79 : vector<1000x1xi32> to vector<1000x64xi32>
    %eq3A_82 = vector.broadcast %iota3A_80 : vector<1x64xi32> to vector<1000x64xi32>
    %eq3A_83 = arith.cmpi eq, %eq3A_81, %eq3A_82 : vector<1000x64xi32>
    %jit3A_84 = arith.constant 1.000000e+00 : f32
    %jit3A_85 = arith.constant 0.000000e+00 : f32
    %broadcast_in_dim3A_86 = vector.broadcast %jit3A_84 : f32 to vector<1000x64xf32>
    %broadcast_in_dim3A_87 = vector.broadcast %jit3A_85 : f32 to vector<1000x64xf32>
    %select_n3A_88 = arith.select %eq3A_83, %broadcast_in_dim3A_86, %broadcast_in_dim3A_87 : vector<1000x64xi1>, vector<1000x64xf32>
    %get3A_89 = arith.constant 0 : index
    %get3A_90 = arith.constant 0 : index
    %get3A_91 = vector.load %arg16[%get3A_89, %get3A_90] : memref<64x128xf32, #tpu.memory_space<vmem>>, vector<64x128xf32>
    %dot_general3A_92 = arith.constant dense<0.000000e+00> : vector<64x128xf32>
    %dot_general3A_93 = tpu.matmul %select_n3A_88, %add3A_76, %dot_general3A_92 {dimension_numbers = #tpu.dot_dimension_numbers<[0], [0], [1], [1], [0, 1, 1, 1], [], []>, transpose_lhs_hint = false} : vector<1000x64xf32>, vector<1000x128xf32>, vector<64x128xf32> -> vector<64x128xf32>
    %add3A_94 = arith.addf %get3A_91, %dot_general3A_93 : vector<64x128xf32>
    %swap3A = arith.constant 0 : index
    %swap3A_95 = arith.constant 0 : index
    %swap3A_96 = vector.load %arg16[%swap3A, %swap3A_95] : memref<64x128xf32, #tpu.memory_space<vmem>>, vector<64x128xf32>
    tpu.vector_store %arg16[%swap3A, %swap3A_95], %add3A_94 {strides = array<i32>} : memref<64x128xf32, #tpu.memory_space<vmem>>, vector<64x128xf32>,
    %get3A_97 = arith.constant 0 : index
    %get3A_98 = arith.constant 0 : index
    %get3A_99 = vector.load %arg18[%get3A_97, %get3A_98] : memref<64x1xf32, #tpu.memory_space<vmem>>, vector<64x1xf32>
    %broadcast_in_dim3A_100 = arith.constant 1.000000e+00 : f32
    %broadcast_in_dim3A_101 = vector.broadcast %broadcast_in_dim3A_100 : f32 to vector<1000x1xf32>
    %dot_general3A_102 = arith.constant dense<0.000000e+00> : vector<64x1xf32>
    %dot_general3A_103 = tpu.matmul %select_n3A_88, %broadcast_in_dim3A_101, %dot_general3A_102 {dimension_numbers = #tpu.dot_dimension_numbers<[0], [0], [1], [1], [0, 1, 1, 1], [], []>, transpose_lhs_hint = false} : vector<1000x64xf32>, vector<1000x1xf32>, vector<64x1xf32> -> vector<64x1xf32>
    %add3A_104 = arith.addf %get3A_99, %dot_general3A_103 : vector<64x1xf32>
    %swap3A_105 = arith.constant 0 : index
    %swap3A_106 = arith.constant 0 : index
    %swap3A_107 = vector.load %arg18[%swap3A_105, %swap3A_106] : memref<64x1xf32, #tpu.memory_space<vmem>>, vector<64x1xf32>
    tpu.vector_store %arg18[%swap3A_105, %swap3A_106], %add3A_104 {strides = array<i32>} : memref<64x1xf32, #tpu.memory_space<vmem>>, vector<64x1xf32>,
    %get3A_108 = arith.constant 0 : index
    %get3A_109 = arith.constant 0 : index
    %get3A_110 = vector.load %arg8[%get3A_108, %get3A_109] : memref<1000x1xi32, #tpu.memory_space<vmem>>, vector<1x1xi32>
    %get3A_111 = vector.extract %get3A_110[0, 0] : i32 from vector<1x1xi32>
    %get3A_112 = arith.constant 999 : index
    %get3A_113 = arith.constant 0 : index
    %get3A_114 = vector.load %arg8[%get3A_112, %get3A_113] : memref<1000x1xi32, #tpu.memory_space<vmem>>, vector<1x1xi32>
    %get3A_115 = vector.extract %get3A_114[0, 0] : i32 from vector<1x1xi32>
    %add3A_116 = arith.constant 1 : i32
    %add3A_117 = arith.addi %get3A_115, %add3A_116 : i32
    %while3A = arith.constant 0 : i32
    %while3A_118 = arith.subi %add3A_117, %get3A_111 : i32
    %while3A_119 = arith.addi %get3A_111, %while3A_118 : i32
    %while3A_120 = arith.constant 1 : i32
    %while3A_121 = arith.divsi %while3A_118, %while3A_120 : i32
    %while3A_122 = arith.muli %while3A_121, %while3A_120 : i32
    %while3A_123 = arith.addi %get3A_111, %while3A_122 : i32
    %while3A_124 = arith.constant 1 : i32
    scf.for %while3A_131 = %get3A_111 to %while3A_123 step %while3A_124  : i32 {
      %eq3A_132 = vector.broadcast %while3A_131 : i32 to vector<1000x1xi32>
      %eq3A_133 = arith.cmpi eq, %get3A_79, %eq3A_132 : vector<1000x1xi32>
      %jit3A_134 = arith.constant 0xFF800000 : f32
      %broadcast_in_dim3A_135 = vector.shape_cast %eq3A_133 : vector<1000x1xi1> to vector<1000x1xi1>
      %broadcast_in_dim3A_136 = vector.broadcast %broadcast_in_dim3A_135 : vector<1000x1xi1> to vector<1000x128xi1>
      %broadcast_in_dim3A_137 = vector.broadcast %jit3A_134 : f32 to vector<1000x128xf32>
      %select_n3A_138 = arith.select %broadcast_in_dim3A_136, %add3A_76, %broadcast_in_dim3A_137 : vector<1000x128xi1>, vector<1000x128xf32>
      %reduce_max3A = arith.constant dense<0xFF800000> : vector<128xf32>
      %reduce_max3A_139 = vector.multi_reduction <maximumf>, %select_n3A_138, %reduce_max3A [0] : vector<1000x128xf32> to vector<128xf32>
      %broadcast_in_dim3A_140 = vector.shape_cast %reduce_max3A_139 : vector<128xf32> to vector<1x128xf32>
      %get3A_141 = arith.index_cast %while3A_131 : i32 to index
      %get3A_142 = arith.constant 0 : index
      %get3A_143 = vector.load %arg17[%get3A_141, %get3A_142] : memref<64x128xf32, #tpu.memory_space<vmem>>, vector<1x128xf32>
      %max3A_144 = arith.maximumf %get3A_143, %broadcast_in_dim3A_140 : vector<1x128xf32>
      %swap3A_145 = arith.index_cast %while3A_131 : i32 to index
      %swap3A_146 = arith.constant 0 : index
      %swap3A_147 = vector.load %arg17[%swap3A_145, %swap3A_146] : memref<64x128xf32, #tpu.memory_space<vmem>>, vector<1x128xf32>
      tpu.vector_store %arg17[%swap3A_145, %swap3A_146], %max3A_144 {strides = array<i32>} : memref<64x128xf32, #tpu.memory_space<vmem>>, vector<1x128xf32>,
    }
    %while3A_125 = arith.constant 1 : i32
    scf.for %while3A_131 = %while3A_123 to %while3A_119 step %while3A_125  : i32 {
      %eq3A_132 = vector.broadcast %while3A_131 : i32 to vector<1000x1xi32>
      %eq3A_133 = arith.cmpi eq, %get3A_79, %eq3A_132 : vector<1000x1xi32>
      %jit3A_134 = arith.constant 0xFF800000 : f32
      %broadcast_in_dim3A_135 = vector.shape_cast %eq3A_133 : vector<1000x1xi1> to vector<1000x1xi1>
      %broadcast_in_dim3A_136 = vector.broadcast %broadcast_in_dim3A_135 : vector<1000x1xi1> to vector<1000x128xi1>
      %broadcast_in_dim3A_137 = vector.broadcast %jit3A_134 : f32 to vector<1000x128xf32>
      %select_n3A_138 = arith.select %broadcast_in_dim3A_136, %add3A_76, %broadcast_in_dim3A_137 : vector<1000x128xi1>, vector<1000x128xf32>
      %reduce_max3A = arith.constant dense<0xFF800000> : vector<128xf32>
      %reduce_max3A_139 = vector.multi_reduction <maximumf>, %select_n3A_138, %reduce_max3A [0] : vector<1000x128xf32> to vector<128xf32>
      %broadcast_in_dim3A_140 = vector.shape_cast %reduce_max3A_139 : vector<128xf32> to vector<1x128xf32>
      %get3A_141 = arith.index_cast %while3A_131 : i32 to index
      %get3A_142 = arith.constant 0 : index
      %get3A_143 = vector.load %arg17[%get3A_141, %get3A_142] : memref<64x128xf32, #tpu.memory_space<vmem>>, vector<1x128xf32>
      %max3A_144 = arith.maximumf %get3A_143, %broadcast_in_dim3A_140 : vector<1x128xf32>
      %swap3A_145 = arith.index_cast %while3A_131 : i32 to index
      %swap3A_146 = arith.constant 0 : index
      %swap3A_147 = vector.load %arg17[%swap3A_145, %swap3A_146] : memref<64x128xf32, #tpu.memory_space<vmem>>, vector<1x128xf32>
      tpu.vector_store %arg17[%swap3A_145, %swap3A_146], %max3A_144 {strides = array<i32>} : memref<64x128xf32, #tpu.memory_space<vmem>>, vector<1x128xf32>,
    }
    %eq3A_126 = arith.constant 9 : i32
    %eq3A_127 = arith.cmpi eq, %arg0, %eq3A_126 : i32
    %convert_element_type3A_128 = arith.extui %eq3A_127 : i1 to i32
    %cond3A_129 = arith.constant 0 : i32
    %cond3A_130 = arith.cmpi ne, %convert_element_type3A_128, %cond3A_129 : i32
    scf.if %cond3A_130 {
      %get3A_131 = arith.constant 0 : index
      %get3A_132 = arith.constant 0 : index
      %get3A_133 = vector.load %arg18[%get3A_131, %get3A_132] : memref<64x1xf32, #tpu.memory_space<vmem>>, vector<64x1xf32>
      %max3A_134 = arith.constant 1.000000e+00 : f32
      %max3A_135 = vector.broadcast %max3A_134 : f32 to vector<64x1xf32>
      %max3A_136 = arith.maximumf %get3A_133, %max3A_135 : vector<64x1xf32>
      %get3A_137 = arith.constant 0 : index
      %get3A_138 = arith.constant 0 : index
      %get3A_139 = vector.load %arg16[%get3A_137, %get3A_138] : memref<64x128xf32, #tpu.memory_space<vmem>>, vector<64x128xf32>
      %div3A_140 = vector.broadcast %max3A_136 : vector<64x1xf32> to vector<64x128xf32>
      %div3A_141 = arith.divf %get3A_139, %div3A_140 : vector<64x128xf32>
      %get3A_142 = arith.constant 0 : index
      %get3A_143 = arith.constant 0 : index
      %get3A_144 = vector.load %arg17[%get3A_142, %get3A_143] : memref<64x128xf32, #tpu.memory_space<vmem>>, vector<64x128xf32>
      %concatenate3A = tpu.concatenate %div3A_141, %get3A_144 in 1 : vector<64x128xf32>, vector<64x128xf32> -> vector<64x256xf32>
      %get3A_145 = arith.constant 0 : index
      %get3A_146 = arith.constant 0 : index
      %get3A_147 = vector.load %arg9[%get3A_145, %get3A_146] : memref<256x64xf32, #tpu.memory_space<vmem>>, vector<256x64xf32>
      %dot_general3A_148 = arith.constant dense<0.000000e+00> : vector<64x64xf32>
      %dot_general3A_149 = tpu.matmul %concatenate3A, %get3A_147, %dot_general3A_148 {dimension_numbers = #tpu.dot_dimension_numbers<[1], [0], [0], [1], [0, 0, 1, 1], [], []>, transpose_lhs_hint = false} : vector<64x256xf32>, vector<256x64xf32>, vector<64x64xf32> -> vector<64x64xf32>
      %get3A_150 = arith.constant 0 : index
      %get3A_151 = arith.constant 0 : index
      %get3A_152 = vector.load %arg10[%get3A_150, %get3A_151] : memref<1x64xf32, #tpu.memory_space<vmem>>, vector<1x64xf32>
      %add3A_153 = vector.broadcast %get3A_152 : vector<1x64xf32> to vector<64x64xf32>
      %add3A_154 = arith.addf %dot_general3A_149, %add3A_153 : vector<64x64xf32>
      %max3A_155 = arith.constant 0.000000e+00 : f32
      %max3A_156 = vector.broadcast %max3A_155 : f32 to vector<64x64xf32>
      %max3A_157 = arith.maximumf %add3A_154, %max3A_156 : vector<64x64xf32>
      %get3A_158 = arith.constant 0 : index
      %get3A_159 = arith.constant 0 : index
      %get3A_160 = vector.load %arg11[%get3A_158, %get3A_159] : memref<64x32xf32, #tpu.memory_space<vmem>>, vector<64x32xf32>
      %dot_general3A_161 = arith.constant dense<0.000000e+00> : vector<64x32xf32>
      %dot_general3A_162 = tpu.matmul %max3A_157, %get3A_160, %dot_general3A_161 {dimension_numbers = #tpu.dot_dimension_numbers<[1], [0], [0], [1], [0, 0, 1, 1], [], []>, transpose_lhs_hint = false} : vector<64x64xf32>, vector<64x32xf32>, vector<64x32xf32> -> vector<64x32xf32>
      %get3A_163 = arith.constant 0 : index
      %get3A_164 = arith.constant 0 : index
      %get3A_165 = vector.load %arg12[%get3A_163, %get3A_164] : memref<1x32xf32, #tpu.memory_space<vmem>>, vector<1x32xf32>
      %add3A_166 = vector.broadcast %get3A_165 : vector<1x32xf32> to vector<64x32xf32>
      %add3A_167 = arith.addf %dot_general3A_162, %add3A_166 : vector<64x32xf32>
      %max3A_168 = arith.constant 0.000000e+00 : f32
      %max3A_169 = vector.broadcast %max3A_168 : f32 to vector<64x32xf32>
      %max3A_170 = arith.maximumf %add3A_167, %max3A_169 : vector<64x32xf32>
      %get3A_171 = arith.constant 0 : index
      %get3A_172 = arith.constant 0 : index
      %get3A_173 = vector.load %arg13[%get3A_171, %get3A_172] : memref<32x1xf32, #tpu.memory_space<vmem>>, vector<32x1xf32>
      %dot_general3A_174 = arith.constant dense<0.000000e+00> : vector<64x1xf32>
      %dot_general3A_175 = tpu.matmul %max3A_170, %get3A_173, %dot_general3A_174 {dimension_numbers = #tpu.dot_dimension_numbers<[1], [0], [0], [1], [0, 0, 1, 1], [], []>, transpose_lhs_hint = false} : vector<64x32xf32>, vector<32x1xf32>, vector<64x1xf32> -> vector<64x1xf32>
      %get3A_176 = arith.constant 0 : index
      %get3A_177 = arith.constant 0 : index
      %get3A_178 = vector.load %arg14[%get3A_176, %get3A_177] : memref<1x1xf32, #tpu.memory_space<vmem>>, vector<1x1xf32>
      %add3A_179 = vector.broadcast %get3A_178 : vector<1x1xf32> to vector<64x1xf32>
      %add3A_180 = arith.addf %dot_general3A_175, %add3A_179 : vector<64x1xf32>
      %swap3A_181 = arith.constant 0 : index
      %swap3A_182 = arith.constant 0 : index
      %swap3A_183 = vector.load %arg15[%swap3A_181, %swap3A_182] : memref<64x1xf32, #tpu.memory_space<vmem>>, vector<64x1xf32>
      tpu.vector_store %arg15[%swap3A_181, %swap3A_182], %add3A_180 {strides = array<i32>} : memref<64x1xf32, #tpu.memory_space<vmem>>, vector<64x1xf32>,
    } else {
    }
    return
  }
  func.func @transform_0(%arg0: i32) -> (i32, i32, i32) {
    %c0_i32 = arith.constant 0 : i32
    %c0_i32_0 = arith.constant 0 : i32
    %c0_i32_1 = arith.constant 0 : i32
    return %c0_i32, %arg0, %c0_i32_0 : i32, i32, i32
  }
  func.func @transform_1(%arg0: i32) -> (i32, i32) {
    %c0_i32 = arith.constant 0 : i32
    %c0_i32_0 = arith.constant 0 : i32
    return %arg0, %c0_i32 : i32, i32
  }
  func.func @transform_2(%arg0: i32) -> (i32, i32) {
    %c0_i32 = arith.constant 0 : i32
    %c0_i32_0 = arith.constant 0 : i32
    return %arg0, %c0_i32 : i32, i32
  }
  func.func @transform_3(%arg0: i32) -> (i32, i32) {
    %c0_i32 = arith.constant 0 : i32
    %c0_i32_0 = arith.constant 0 : i32
    return %arg0, %c0_i32 : i32, i32
  }
  func.func @transform_4(%arg0: i32) -> (i32, i32) {
    %c0_i32 = arith.constant 0 : i32
    %c0_i32_0 = arith.constant 0 : i32
    %c0_i32_1 = arith.constant 0 : i32
    return %c0_i32, %c0_i32_0 : i32, i32
  }
  func.func @transform_5(%arg0: i32) -> (i32, i32, i32) {
    %c0_i32 = arith.constant 0 : i32
    %c0_i32_0 = arith.constant 0 : i32
    %c0_i32_1 = arith.constant 0 : i32
    return %c0_i32, %arg0, %c0_i32_0 : i32, i32, i32
  }
  func.func @transform_6(%arg0: i32) -> (i32, i32) {
    %c0_i32 = arith.constant 0 : i32
    %c0_i32_0 = arith.constant 0 : i32
    %c0_i32_1 = arith.constant 0 : i32
    return %c0_i32, %c0_i32_0 : i32, i32
  }
  func.func @transform_7(%arg0: i32) -> (i32, i32) {
    %c0_i32 = arith.constant 0 : i32
    %c0_i32_0 = arith.constant 0 : i32
    return %arg0, %c0_i32 : i32, i32
  }
  func.func @transform_8(%arg0: i32) -> (i32, i32) {
    %c0_i32 = arith.constant 0 : i32
    %c0_i32_0 = arith.constant 0 : i32
    %c0_i32_1 = arith.constant 0 : i32
    return %c0_i32, %c0_i32_0 : i32, i32
  }
  func.func @transform_9(%arg0: i32) -> (i32, i32) {
    %c0_i32 = arith.constant 0 : i32
    %c0_i32_0 = arith.constant 0 : i32
    %c0_i32_1 = arith.constant 0 : i32
    return %c0_i32, %c0_i32_0 : i32, i32
  }
  func.func @transform_10(%arg0: i32) -> (i32, i32) {
    %c0_i32 = arith.constant 0 : i32
    %c0_i32_0 = arith.constant 0 : i32
    %c0_i32_1 = arith.constant 0 : i32
    return %c0_i32, %c0_i32_0 : i32, i32
  }
  func.func @transform_11(%arg0: i32) -> (i32, i32) {
    %c0_i32 = arith.constant 0 : i32
    %c0_i32_0 = arith.constant 0 : i32
    %c0_i32_1 = arith.constant 0 : i32
    return %c0_i32, %c0_i32_0 : i32, i32
  }
  func.func @transform_12(%arg0: i32) -> (i32, i32) {
    %c0_i32 = arith.constant 0 : i32
    %c0_i32_0 = arith.constant 0 : i32
    %c0_i32_1 = arith.constant 0 : i32
    return %c0_i32, %c0_i32_0 : i32, i32
  }
  func.func @transform_13(%arg0: i32) -> (i32, i32) {
    %c0_i32 = arith.constant 0 : i32
    %c0_i32_0 = arith.constant 0 : i32
    %c0_i32_1 = arith.constant 0 : i32
    return %c0_i32, %c0_i32_0 : i32, i32
  }
  func.func @transform_14(%arg0: i32) -> (i32, i32) {
    %c0_i32 = arith.constant 0 : i32
    %c0_i32_0 = arith.constant 0 : i32
    %c0_i32_1 = arith.constant 0 : i32
    return %c0_i32, %c0_i32_0 : i32, i32
  }
}

</mosaic_0001>

<sc_bundles>
// kernel: kernel.13.cloned.1.call-start
scs
__scs_entry_jumppad:
0x0: {  	(pc) =	sbr.rel $0x88, $3  }
0x1: {  	(tag) =	ssettag $0x0;
	lr =	simm.s32 $0x1  }
0x2: {  	[smem:$0x3F8E] =	sst lr;
	_ =	strace $0xD0000000  }
0x3: {  	_ = 	snop  }
0x4: {  	_ = 	snop  }
0x5: {  	_ = 	snop  }
0x6: {  	_ = 	snop  }
0x7: {  	_ = 	snop  }
__scs_overlays_trampoline_lowered:
0x8: {  	[smem:$0x3F9D] =	sst s0  }
0x9: {  	[smem:$0x3F9E] =	sst s1  }
0xa: {  	[smem:$0x3F9F] =	sst s2  }
0xb: {  	[smem:$0x3FA0] =	sst s3  }
0xc: {  	[smem:$0x3FA1] =	sst s4  }
0xd: {  	[smem:$0x3FA2] =	sst s5  }
0xe: {  	[smem:$0x3FA3] =	sst s6  }
0xf: {  	[smem:$0x3FA4] =	sst s7  }
0x10: {  	[smem:$0x3FA5] =	sst s8  }
0x11: {  	[smem:$0x3FA6] =	sst s9;
	s0 =	simm.s32 @!p0 $0x0  }
0x12: {  	s1 =	sld [smem:$0x3F8C];
	s0 =	simm.s32 @p0 $0x1  }
0x13: {  	[smem:$0x3FA7] =	sst s0;
	s0 =	simm.s32 @!p1 $0x0  }
0x14: {  	s2 =	sld [smem:$0x3F8B];
	s0 =	simm.s32 @p1 $0x1  }
0x15: {  	[smem:$0x3FA8] =	sst s0;
	s0 =	simm.s32 @!p2 $0x0  }
0x16: {  	s3 =	sld [smem:$0x3FDB];
	s0 =	simm.s32 @p2 $0x1  }
0x17: {  	s4 =	simm.s32 $0x1BF5;
	[smem:$0x3FAA] =	sst s0  }
0x18: {  	s0 =	sld [smem:$0x3F8D];
	_ =	swait.ge [sflag:s4], $0x0  }
0x19: {  	s7 =	sld [smem:$0x3F8E]  }
0x1a: {  	s8 =	sadd.s32 $0xFFFFE003, lr  }
0x1b: {  	s9 =	sadd.s32 $0xFFFFFEF7, lr;
	s5 =	simm.s32 $0xFFFFFFFF;
	p2 =	slt.u32 s8, $0xFFFFF086  }
0x1c: {  	p1 =	slt.u32 s9, $0xF7A;
	s5 =	simm.s32 @!p2 $0x0  }
0x1d: {  	s5 =	simm.s32 @p1 $0x1;
	p0 =	seq.s32 s7, s2  }
0x1e: {  	s7 =	smul.u32 @!p0 $0xF7A, s2;
	p2 =	seq.s32 @!p0 s5, $0x0  }
0x1f: {  	s9 =	smul.u32 $0xF7A, s1;
	s8 =	simm.s32 @!p0 $0x1BF5;
	p2 =	por !p2, p0  }
0x20: {  	[sflag:s8] =	ssyncset.s32 @!p0 $0xFFFFF086;
	s6 =	sadd.s32 @!p0 s3, s7;
	s7 =	simm.s32 @!p0 $0x108  }
0x21: {  	s3 =	sadd.s32 s3, s9;
	s6 =	sadd.s32 @!p0 $0x88, s6;
	s7 =	simm.s32 @p2 $0x1082  }
0x22: {  	[simem:s7], [sflag:s8] =	dma.local @!p0 [hbm:s6], $0xF7A  }
0x23: {  	s9 =	sor.u32 $0xD0000000, s2;
	s6 =	simm.s32 $0x108;
	_ =	swait.ge @!p0 [sflag:s8], $0x0  }
0x24: {  	s3 =	sadd.s32 $0x88, s3;
	s6 =	simm.s32 @!p1 $0x1082;
	[sflag:s4] =	ssyncset.s32 $0xFFFFF086  }
0x25: {  	[simem:s6], [sflag:s4] =	dma.local [hbm:s3], $0xF7A  }
0x26: {  	[smem:$0x3F8E] =	sst s1;
	(tag) =	ssettag s2;
	_ =	strace s9  }
0x27: {  	s1 =	sld [smem:$0x3F9E]  }
0x28: {  	s2 =	sld [smem:$0x3F9F]  }
0x29: {  	s4 =	sld [smem:$0x3FA1]  }
0x2a: {  	p0 =	seq.s32 s5, $0x0;
	s5 =	sld [smem:$0x3FA2]  }
0x2b: {  	s6 =	sld [smem:$0x3FA3]  }
0x2c: {  	s7 =	sld [smem:$0x3FA4]  }
0x2d: {  	s3 =	simm.s32 $0x108;
	s8 =	sld [smem:$0x3FA5]  }
0x2e: {  	s3 =	simm.s32 @!p0 $0x1082;
	s9 =	sld [smem:$0x3FA6]  }
0x2f: {  	lr =	sadd.s32 s0, s3;
	s0 =	sld [smem:$0x3F9D]  }
0x30: {  	s3 =	sld [smem:$0x3FA0]  }
0x31: {  	[smem:$0x3FA9] =	sst s10  }
0x32: {  	s10 =	sld [smem:$0x3FA7];
	_ =	sdelay $0x3  }
0x33: {  	p0 =	seq.s32 s10, $0x1;
	s10 =	sld [smem:$0x3FA9];
	_ =	sdelay $0x3  }
0x34: {  	[smem:$0x3FA9] =	sst s10  }
0x35: {  	s10 =	sld [smem:$0x3FA8];
	_ =	sdelay $0x3  }
0x36: {  	p1 =	seq.s32 s10, $0x1;
	s10 =	sld [smem:$0x3FA9];
	_ =	sdelay $0x3  }
0x37: {  	[smem:$0x3FA9] =	sst s10  }
0x38: {  	s10 =	sld [smem:$0x3FAA]  }
0x39: {  	_ = 	snop;
	(pc) =	sbr.ind lr, $3  }
0x3a: {  	_ = 	snop  }
0x3b: {  	_ = 	snop  }
0x3c: {  	p2 =	seq.s32 s10, $0x1;
	s10 =	sld [smem:$0x3FA9]  }
0x3d: {  	_ =	shalt  }
0x3e: {  	_ =	shalt  }
0x3f: {  	_ =	shalt  }
0x40: {  	_ =	shalt  }
0x41: {  	_ =	shalt  }
0x42: {  	_ =	shalt  }
0x43: {  	_ =	shalt  }
0x44: {  	_ =	shalt  }
0x45: {  	_ =	shalt  }
0x46: {  	_ =	shalt  }
0x47: {  	_ =	shalt  }
0x48: {  	_ =	shalt  }
0x49: {  	_ =	shalt  }
0x4a: {  	_ =	shalt  }
0x4b: {  	_ =	shalt  }
0x4c: {  	_ =	shalt  }
0x4d: {  	_ =	shalt  }
0x4e: {  	_ =	shalt  }
0x4f: {  	_ =	shalt  }
0x50: {  	_ =	shalt  }
0x51: {  	_ =	shalt  }
0x52: {  	_ =	shalt  }
0x53: {  	_ =	shalt  }
0x54: {  	_ =	shalt  }
0x55: {  	_ =	shalt  }
0x56: {  	_ =	shalt  }
0x57: {  	_ =	shalt  }
0x58: {  	_ =	shalt  }
0x59: {  	_ =	shalt  }
0x5a: {  	_ =	shalt  }
0x5b: {  	_ =	shalt  }
0x5c: {  	_ =	shalt  }
0x5d: {  	_ =	shalt  }
0x5e: {  	_ =	shalt  }
0x5f: {  	_ =	shalt  }
0x60: {  	_ =	shalt  }
0x61: {  	_ =	shalt  }
0x62: {  	_ =	shalt  }
0x63: {  	_ =	shalt  }
0x64: {  	_ =	shalt  }
0x65: {  	_ =	shalt  }
0x66: {  	_ =	shalt  }
0x67: {  	_ =	shalt  }
0x68: {  	_ =	shalt  }
0x69: {  	_ =	shalt  }
0x6a: {  	_ =	shalt  }
0x6b: {  	_ =	shalt  }
0x6c: {  	_ =	shalt  }
0x6d: {  	_ =	shalt  }
0x6e: {  	_ =	shalt  }
0x6f: {  	_ =	shalt  }
0x70: {  	_ =	shalt  }
0x71: {  	_ =	shalt  }
0x72: {  	_ =	shalt  }
0x73: {  	_ =	shalt  }
0x74: {  	_ =	shalt  }
0x75: {  	_ =	shalt  }
0x76: {  	_ =	shalt  }
0x77: {  	_ =	shalt  }
0x78: {  	_ =	shalt  }
0x79: {  	_ =	shalt  }
0x7a: {  	_ =	shalt  }
0x7b: {  	_ =	shalt  }
0x7c: {  	_ =	shalt  }
0x7d: {  	_ =	shalt  }
0x7e: {  	_ =	shalt  }
0x7f: {  	_ =	shalt  }
0x80: {  	_ =	shalt  }
0x81: {  	_ =	shalt  }
0x82: {  	_ =	shalt  }
0x83: {  	_ =	shalt  }
0x84: {  	_ =	shalt  }
0x85: {  	_ =	shalt  }
0x86: {  	_ =	shalt  }
0x87: {  	_ =	shalt  }
.Lfunc_end0:
.L_simem_size_0:
called_computation_lowered:
.L_overlay_start_0:
0x88: {  	s2 =	sld [smem:$0x3FD9]  }
0x89: {  	s3 =	sld [smem:$0x3FFE];
	_ =	sdelay $0x1  }
0x8a: {  	s1 =	srdreg.scid  }
0x8b: {  	s0 =	sand.u32 $0x1, s1  }
0x8c: {  	s16 =	sshll.u32 s0, $0xA;
	s2 =	sadd.s32 s3, s2  }
0x8d: {  	s2 =	sadd.s32 s2, s16  }
0x8e: {  	[smem:$0x3FB5] =	sst s2  }
0x8f: {  	_ = 	snop  }
0x90: {  	(tm) =	ssettm $0x1  }
0x91: {  	s17 =	sld [smem:$0x3FFB];
	_ =	sdelay $0x3  }
0x92: {  	_ =	strace s17  }
0x93: {  	s2 =	sld [smem:$0x3FFC];
	_ =	sdelay $0x3  }
0x94: {  	_ =	strace s2  }
0x95: {  	s2 =	sld [smem:$0x3FFD];
	_ =	sdelay $0x3  }
0x96: {  	_ =	strace s2  }
0x97: {  	_ =	strace $0x8FFFFFFF  }
0x98: {  	s18 =	sld [smem:$0x3FDB];
	_ =	sdelay $0x1  }
0x99: {  	s19 =	simm.s32 $_scs_section_size  }
0x9a: {  	s4 =	simm.s32 $_size__tile_overlayer_lowered;
	s5 =	simm.s32 $_tile_overlayer_lowered  }
0x9b: {  	s22 =	simm.s32 $0x1BFF;
	s21 =	sshll.u32 s5, $0x1;
	s2 =	sadd.s32 s19, s18  }
0x9c: {  	s6 =	simm.s32 $0x0;
	s20 =	sshll.u32 s4, $0x1;
	s4 =	sadd.s32 s21, s2  }
0x9d: {  	[timem:s6], [sflag:s22] =	dma.local [hbm:s4], s20  }
0x9e: {  	_ =	swait.ge [sflag:s22], s20  }
0x9f: {  	s3 =	ssub.s32 $0x0, s20;
	[sflag:s22] =	ssyncset.done $0x0  }
0xa0: {  	[sflag:s22] =	ssyncadd.s32 s3;
	_ =	sdelay $0x1  }
0xa1: {  	s23 =	simm.s32 $0x1B8B  }
0xa2: {  	_ =	swait.ge [sflag:s23], $0x1  }
0xa3: {  	[sflag:s23] =	ssyncset.done $0x0  }
0xa4: {  	s25 =	simm.s32 $0x1B8E;
	s24 =	sld [smem:$0x3FFE];
	[sflag:s23] =	ssyncadd.s32 $0xFFFFFFFF  }
0xa5: {  	s26 =	simm.s32 $execute0_lowered;
	[smem:$0x3FD2] =	sst s25  }
0xa6: {  	s4 =	sshll.u32 s26, $0x1;
	_ =	strace $0x80000046;
	[dreg:$0x1] =	wrdreg $0xFFFFFFFF  }
0xa7: {  	s28 =	simm.s32 $_size_execute0_lowered;
	s2 =	sadd.s32 s2, s4;
	[dreg:$0x0] =	wrdreg $0x0  }
0xa8: {  	s4 =	sshll.u32 s28, $0x1;
	[dreg:$0x2] =	wrdreg s2  }
0xa9: {  	[dreg:$0x3] =	wrdreg s4  }
0xaa: {  	[dreg:$0x4] =	wrdreg $0xC0  }
0xab: {  	_ =	task [dreg:s6], $0x5FFFF  }
0xac: {  	[dreg:$0x1] =	wrdreg $0xFFFFFFFF  }
0xad: {  	[dreg:$0x0] =	wrdreg $0x60  }
0xae: {  	[dreg:$0x2] =	wrdreg s24  }
0xaf: {  	[dreg:$0x3] =	wrdreg $0x40800  }
0xb0: {  	[dreg:$0x4] =	wrdreg $0x9  }
0xb1: {  	_ =	task.clear_ibuf [dreg:s6], $0x5FFFF;
	_ =	strace $0x90000046  }
0xb2: {  	s29 =	simm.s32 $0x9;
	_ =	strace $0x80000048  }
0xb3: {  	_ =	swait.ge [sflag:s29], $0x1  }
0xb4: {  	[sflag:s29] =	ssyncadd.s32 $0xFFFFFFFF  }
0xb5: {  	_ =	strace $0x90000048  }
0xb6: {  	_ =	sfence  }
0xb7: {  	s30 =	sld [smem:$0x0];
	_ =	sdelay $0x2  }
0xb8: {  	s31 =	sshll.u32 s1, $0xD;
	s1 =	sshrl.u32 s1, $0x2  }
0xb9: {  	s3 =	sand.u32 $0x4000, s31;
	s1 =	sadd.s32 s1, s30  }
0xba: {  	s0 =	sor.u32 s3, s0;
	s1 =	sshll.u32 s1, $0x11  }
0xbb: {  	s0 =	sor.u32 s1, s0  }
0xbc: {  	s0 =	sadd.s32 $0x8F2B, s0  }
0xbd: {  	[sflag:s0] =	ssyncadd.remote.s32 $0x1  }
0xbe: {  	_ =	sfence.sel $0xFFFF  }
0xbf: {  	[dreg:$0x0] =	wrdreg $0xFFFFFFFF;
	(pc) =	sbr.abs _section_cstart, $3  }
0xc0: {  	[dreg:$0x1] =	wrdreg $0xFFFFFFFF  }
0xc1: {  	_ =	task.clear_ibuf [dreg:s6], $0x2FFFF;
	_ =	strace $0x9FFFFFFF  }
0xc2: {  	(tm) =	ssettm $0x7FFFFFFF  }
0xc3: {  	_ =	shalt  }
tec
execute0_lowered:
.L_overlay_start_1:
0x0: {  	(tag) =	ssettag $0x1  }
0x1: {  	s5 =	rddreg [dreg:$0x0];
	s1 =	stileid.u32  }
0x2: {  	s0 =	srdreg.scid;
	s7 =	smul.u32 $0x13C00, s1  }
0x3: {  	s2 =	rddreg [dreg:$0x1];
	s3 =	simm.s32 $0x0;
	s26 =	smul.u32 $0x4F000, s1  }
0x4: {  	s6 =	sand.u32 $0x1, s0;
	s0 =	rddreg [dreg:$0x2];
	s30 =	smul.u32 $0x500, s1  }
0x5: {  	s13 =	simm.s32 $0x0;
	[smem:$0x7FF] =	sst s3;
	s4 =	smul.u32 $0x5000, s6  }
0x6: {  	s31 =	sshll.u32 s1, $0x6;
	s8 =	smul.u32 $0x13C000, s6;
	s6 =	ssub.s32 $0x2, s6  }
0x7: {  	_ =	strace $0x80000047;
	s10 =	sshrl.u32 s7, $0x3;
	s28 =	sshrl.u32 s6, $0x1  }
0x8: {  	s29 =	sshrl.u32 s26, $0x2;
	s9 =	sadd.s32 s4, s5;
	s4 =	sadd.s32 $0xFE00, s5  }
0x9: {  	s7 =	sadd.s32 s7, s8;
	s10 =	sadd.s32 s10, s5;
	s11 =	ssub.s32 s6, s28  }
0xa: {  	s12 =	sadd.s32 s29, s2;
	s6 =	sor.u32 $0x1C01, s31;
	s7 =	sshrl.u32 s7, $0x3  }
0xb: {  	s9 =	sadd.s32 s30, s9;
	s8 =	smax.u32 s11, $0x1;
	s11 =	simm.s32 $0x1  }
0xc: {  	s7 =	sadd.s32 s7, s5;
	s5 =	sadd.s32 $0x10600, s10;
	s9 =	sadd.s32 $0x5E00, s9  }
0xd: {  	s10 =	sshrl.u32 s12, $0x3;
	s12 =	simm.s32 $0x80;
	s7 =	sadd.s32 $0x37E00, s7  }
.LBB2_1:
0xe: {  	[spmem:s10], [sflag:s6] =	dma.local [hbm:s5], $0x2780  }
0xf: {  	_ =	swait.ge [sflag:s11], $0x2780  }
0x10: {  	[sflag:s11] =	ssyncset.done $0x0  }
0x11: {  	[sflag:s11] =	ssyncadd.s32 $0xFFFFD880  }
0x12: {  	[tilespmem:s12], [sflag:$0x1] =	stream.linear.gather [hbm4b:s4+s3], $0x4000, $0x38;
	[tilespmem:$0x6800] =	vst v63  }
0x13: {  	_ =	swait.ge [sflag:s11], $0x4000  }
0x14: {  	[sflag:s11] =	ssyncset.done $0x0  }
0x15: {  	[sflag:s11] =	ssyncadd.s32 $0xFFFFC000  }
0x16: {  	s14 =	sadd.s32 $0x0, s9;
	[bflag:$0x0] =	sbarrier.arrive $0xFFFF  }
0x17: {  	[tilespmem:s3], [sflag:$0x1] =	stream.linear.gather [hbm4b:s14+s3], $0x80, $0x38;
	[tilespmem:$0x6800] =	vst v63  }
0x18: {  	_ =	swait.ge [sflag:s11], $0x80  }
0x19: {  	[sflag:s11] =	ssyncset.done $0x0  }
0x1a: {  	[sflag:s11] =	ssyncadd.s32 $0xFFFFFF80  }
0x1b: {  	[spmem:s2] =	stream.indirect.scatter.add.f32 [tilespmem:s12], [sflag:$0x1], $0x10, s3, s12, $0xb8;
	[tilespmem:$0x6800] =	vst v63  }
0x1c: {  	_ =	swait.ge [sflag:s11], $0x800  }
0x1d: {  	s15 =	simm.s32 $0x20;
	s14 =	simm.s32 $0x10;
	[sflag:s11] =	ssyncset.done $0x0  }
.LBB2_2:
0x1e: {  	s16 =	sadd.s32 s14, s9  }
0x1f: {  	[sflag:s11] =	ssyncadd.s32 $0xFFFFF800;
	s14 =	smov.u32 s15;
	s17 =	sadd.s32 $0x10, s15  }
0x20: {  	[tilespmem:s3], [sflag:$0x1] =	stream.linear.gather [hbm4b:s16+s3], $0x80, $0x38;
	[tilespmem:$0x6800] =	vst v63  }
0x21: {  	p0 =	sne.s32 s15, $0x4F0;
	_ =	swait.ge [sflag:s11], $0x80  }
.Ltmp0:
0x22: {  	[sflag:s11] =	ssyncset.done $0x0;
	(pc) =	sbr.rel @p0 .LBB2_2-.Ltmp0, $4  }
0x23: {  	[sflag:s11] =	ssyncadd.s32 $0xFFFFFF80  }
0x24: {  	[spmem:s2] =	stream.indirect.scatter.add.f32 [tilespmem:s12], [sflag:$0x1], $0x10, s3, s12, $0xb8;
	[tilespmem:$0x6800] =	vst v63  }
0x25: {  	_ =	swait.ge [sflag:s11], $0x800  }
0x26: {  	s15 =	smov.u32 s17;
	[sflag:s11] =	ssyncset.done $0x0  }
0x27: {  	s14 =	sadd.s32 s14, s9;
	[sflag:s11] =	ssyncadd.s32 $0xFFFFF800  }
0x28: {  	[tilespmem:s3], [sflag:$0x1] =	stream.linear.gather [hbm4b:s14+s3], $0x80, $0x38;
	[tilespmem:$0x6800] =	vst v63  }
0x29: {  	_ =	swait.ge [sflag:s11], $0x80  }
0x2a: {  	[sflag:s11] =	ssyncset.done $0x0  }
0x2b: {  	[sflag:s11] =	ssyncadd.s32 $0xFFFFFF80  }
0x2c: {  	[spmem:s2] =	stream.indirect.scatter.add.f32 [tilespmem:s12], [sflag:$0x1], $0x10, s3, s12, $0xb8;
	[tilespmem:$0x6800] =	vst v63  }
0x2d: {  	_ =	swait.ge [sflag:s11], $0x800  }
0x2e: {  	s13 =	sadd.s32 $0x1, s13;
	[sflag:s11] =	ssyncset.done $0x0  }
0x2f: {  	p0 =	sne.s32 s13, s8;
	[sflag:s11] =	ssyncadd.s32 $0xFFFFF800  }
.Ltmp1:
0x30: {  	[bflag:$0x0] =	sbarrier.arrive $0xFFFF;
	(pc) =	sbr.rel @p0 .LBB2_1-.Ltmp1, $4  }
0x31: {  	[hbm:s7], [sflag:s6] =	dma.local [spmem:s10], $0x2780  }
0x32: {  	_ =	swait.ge [sflag:s11], $0x2780  }
0x33: {  	[sflag:s11] =	ssyncset.done $0x0  }
0x34: {  	[sflag:s11] =	ssyncadd.s32 $0xFFFFD880  }
0x35: {  	_ =	sfence.sel $0x180000  }
0x36: {  	[bflag:$0x0] =	sbarrier.arrive $0xFFFF  }
0x37: {  	p0 =	sne.s32 s1, $0x0;
	_ =	strace $0x90000047  }
0x38: {  	s0 =	sadd.s32 @!p0 $0x100000, s0;
	[bflag:$0x2] =	sbarrier.arrive $0xFFFF  }
0x39: {  	[sflag:s0] =	ssyncadd.tile.s32 @!p0 $0x1;
	_ =	shalt  }
.Lfunc_end2:
_tile_overlayer_lowered:
.L_overlay_start_2:
0x3a: {  	(tag) =	ssettag $0x2  }
0x3b: {  	s0 =	rddreg [dreg:$0x0];
	s2 =	stileid.u32  }
0x3c: {  	s1 =	rddreg [dreg:$0x1];
	p0 =	sne.s32 s2, $0x0  }
0x3d: {  	s3 =	rddreg [dreg:$0x2];
	[bflag:$0x3] =	sbarrier.arrive $0xFFFF;
	s2 =	simm.s32 @!p0 $0x1C01  }
0x3e: {  	[timem:s3], [sflag:s2] =	dma.local @!p0 [hbm:s0], s1  }
0x3f: {  	s0 =	simm.s32 @!p0 $0x1  }
0x40: {  	_ =	swait.ge @!p0 [sflag:s0], s1  }
0x41: {  	s1 =	ssub.s32 @!p0 $0x0, s1;
	[sflag:s0] =	ssyncset.done @!p0 $0x0  }
0x42: {  	[sflag:s0] =	ssyncadd.s32 @!p0 s1  }
0x43: {  	[bflag:$0x3] =	sbarrier.arrive $0xFFFF  }
0x44: {  	_ =	shalt  }

// kernel: kernel.16.cloned.1.call-start
scs
__scs_entry_jumppad:
0x0: {  	(pc) =	sbr.rel $0x88, $3  }
0x1: {  	(tag) =	ssettag $0x0;
	lr =	simm.s32 $0x1  }
0x2: {  	[smem:$0x3F8E] =	sst lr;
	_ =	strace $0xD0000000  }
0x3: {  	_ = 	snop  }
0x4: {  	_ = 	snop  }
0x5: {  	_ = 	snop  }
0x6: {  	_ = 	snop  }
0x7: {  	_ = 	snop  }
__scs_overlays_trampoline_lowered:
0x8: {  	[smem:$0x3F9D] =	sst s0  }
0x9: {  	[smem:$0x3F9E] =	sst s1  }
0xa: {  	[smem:$0x3F9F] =	sst s2  }
0xb: {  	[smem:$0x3FA0] =	sst s3  }
0xc: {  	[smem:$0x3FA1] =	sst s4  }
0xd: {  	[smem:$0x3FA2] =	sst s5  }
0xe: {  	[smem:$0x3FA3] =	sst s6  }
0xf: {  	[smem:$0x3FA4] =	sst s7  }
0x10: {  	[smem:$0x3FA5] =	sst s8  }
0x11: {  	[smem:$0x3FA6] =	sst s9;
	s0 =	simm.s32 @!p0 $0x0  }
0x12: {  	s1 =	sld [smem:$0x3F8C];
	s0 =	simm.s32 @p0 $0x1  }
0x13: {  	[smem:$0x3FA7] =	sst s0;
	s0 =	simm.s32 @!p1 $0x0  }
0x14: {  	s2 =	sld [smem:$0x3F8B];
	s0 =	simm.s32 @p1 $0x1  }
0x15: {  	[smem:$0x3FA8] =	sst s0;
	s0 =	simm.s32 @!p2 $0x0  }
0x16: {  	s3 =	sld [smem:$0x3FDB];
	s0 =	simm.s32 @p2 $0x1  }
0x17: {  	s4 =	simm.s32 $0x1BF5;
	[smem:$0x3FAA] =	sst s0  }
0x18: {  	s0 =	sld [smem:$0x3F8D];
	_ =	swait.ge [sflag:s4], $0x0  }
0x19: {  	s7 =	sld [smem:$0x3F8E]  }
0x1a: {  	s8 =	sadd.s32 $0xFFFFE003, lr  }
0x1b: {  	s9 =	sadd.s32 $0xFFFFFEF7, lr;
	s5 =	simm.s32 $0xFFFFFFFF;
	p2 =	slt.u32 s8, $0xFFFFF086  }
0x1c: {  	p1 =	slt.u32 s9, $0xF7A;
	s5 =	simm.s32 @!p2 $0x0  }
0x1d: {  	s5 =	simm.s32 @p1 $0x1;
	p0 =	seq.s32 s7, s2  }
0x1e: {  	s7 =	smul.u32 @!p0 $0xF7A, s2;
	p2 =	seq.s32 @!p0 s5, $0x0  }
0x1f: {  	s9 =	smul.u32 $0xF7A, s1;
	s8 =	simm.s32 @!p0 $0x1BF5;
	p2 =	por !p2, p0  }
0x20: {  	[sflag:s8] =	ssyncset.s32 @!p0 $0xFFFFF086;
	s6 =	sadd.s32 @!p0 s3, s7;
	s7 =	simm.s32 @!p0 $0x108  }
0x21: {  	s3 =	sadd.s32 s3, s9;
	s6 =	sadd.s32 @!p0 $0x88, s6;
	s7 =	simm.s32 @p2 $0x1082  }
0x22: {  	[simem:s7], [sflag:s8] =	dma.local @!p0 [hbm:s6], $0xF7A  }
0x23: {  	s9 =	sor.u32 $0xD0000000, s2;
	s6 =	simm.s32 $0x108;
	_ =	swait.ge @!p0 [sflag:s8], $0x0  }
0x24: {  	s3 =	sadd.s32 $0x88, s3;
	s6 =	simm.s32 @!p1 $0x1082;
	[sflag:s4] =	ssyncset.s32 $0xFFFFF086  }
0x25: {  	[simem:s6], [sflag:s4] =	dma.local [hbm:s3], $0xF7A  }
0x26: {  	[smem:$0x3F8E] =	sst s1;
	(tag) =	ssettag s2;
	_ =	strace s9  }
0x27: {  	s1 =	sld [smem:$0x3F9E]  }
0x28: {  	s2 =	sld [smem:$0x3F9F]  }
0x29: {  	s4 =	sld [smem:$0x3FA1]  }
0x2a: {  	p0 =	seq.s32 s5, $0x0;
	s5 =	sld [smem:$0x3FA2]  }
0x2b: {  	s6 =	sld [smem:$0x3FA3]  }
0x2c: {  	s7 =	sld [smem:$0x3FA4]  }
0x2d: {  	s3 =	simm.s32 $0x108;
	s8 =	sld [smem:$0x3FA5]  }
0x2e: {  	s3 =	simm.s32 @!p0 $0x1082;
	s9 =	sld [smem:$0x3FA6]  }
0x2f: {  	lr =	sadd.s32 s0, s3;
	s0 =	sld [smem:$0x3F9D]  }
0x30: {  	s3 =	sld [smem:$0x3FA0]  }
0x31: {  	[smem:$0x3FA9] =	sst s10  }
0x32: {  	s10 =	sld [smem:$0x3FA7];
	_ =	sdelay $0x3  }
0x33: {  	p0 =	seq.s32 s10, $0x1;
	s10 =	sld [smem:$0x3FA9];
	_ =	sdelay $0x3  }
0x34: {  	[smem:$0x3FA9] =	sst s10  }
0x35: {  	s10 =	sld [smem:$0x3FA8];
	_ =	sdelay $0x3  }
0x36: {  	p1 =	seq.s32 s10, $0x1;
	s10 =	sld [smem:$0x3FA9];
	_ =	sdelay $0x3  }
0x37: {  	[smem:$0x3FA9] =	sst s10  }
0x38: {  	s10 =	sld [smem:$0x3FAA]  }
0x39: {  	_ = 	snop;
	(pc) =	sbr.ind lr, $3  }
0x3a: {  	_ = 	snop  }
0x3b: {  	_ = 	snop  }
0x3c: {  	p2 =	seq.s32 s10, $0x1;
	s10 =	sld [smem:$0x3FA9]  }
0x3d: {  	_ =	shalt  }
0x3e: {  	_ =	shalt  }
0x3f: {  	_ =	shalt  }
0x40: {  	_ =	shalt  }
0x41: {  	_ =	shalt  }
0x42: {  	_ =	shalt  }
0x43: {  	_ =	shalt  }
0x44: {  	_ =	shalt  }
0x45: {  	_ =	shalt  }
0x46: {  	_ =	shalt  }
0x47: {  	_ =	shalt  }
0x48: {  	_ =	shalt  }
0x49: {  	_ =	shalt  }
0x4a: {  	_ =	shalt  }
0x4b: {  	_ =	shalt  }
0x4c: {  	_ =	shalt  }
0x4d: {  	_ =	shalt  }
0x4e: {  	_ =	shalt  }
0x4f: {  	_ =	shalt  }
0x50: {  	_ =	shalt  }
0x51: {  	_ =	shalt  }
0x52: {  	_ =	shalt  }
0x53: {  	_ =	shalt  }
0x54: {  	_ =	shalt  }
0x55: {  	_ =	shalt  }
0x56: {  	_ =	shalt  }
0x57: {  	_ =	shalt  }
0x58: {  	_ =	shalt  }
0x59: {  	_ =	shalt  }
0x5a: {  	_ =	shalt  }
0x5b: {  	_ =	shalt  }
0x5c: {  	_ =	shalt  }
0x5d: {  	_ =	shalt  }
0x5e: {  	_ =	shalt  }
0x5f: {  	_ =	shalt  }
0x60: {  	_ =	shalt  }
0x61: {  	_ =	shalt  }
0x62: {  	_ =	shalt  }
0x63: {  	_ =	shalt  }
0x64: {  	_ =	shalt  }
0x65: {  	_ =	shalt  }
0x66: {  	_ =	shalt  }
0x67: {  	_ =	shalt  }
0x68: {  	_ =	shalt  }
0x69: {  	_ =	shalt  }
0x6a: {  	_ =	shalt  }
0x6b: {  	_ =	shalt  }
0x6c: {  	_ =	shalt  }
0x6d: {  	_ =	shalt  }
0x6e: {  	_ =	shalt  }
0x6f: {  	_ =	shalt  }
0x70: {  	_ =	shalt  }
0x71: {  	_ =	shalt  }
0x72: {  	_ =	shalt  }
0x73: {  	_ =	shalt  }
0x74: {  	_ =	shalt  }
0x75: {  	_ =	shalt  }
0x76: {  	_ =	shalt  }
0x77: {  	_ =	shalt  }
0x78: {  	_ =	shalt  }
0x79: {  	_ =	shalt  }
0x7a: {  	_ =	shalt  }
0x7b: {  	_ =	shalt  }
0x7c: {  	_ =	shalt  }
0x7d: {  	_ =	shalt  }
0x7e: {  	_ =	shalt  }
0x7f: {  	_ =	shalt  }
0x80: {  	_ =	shalt  }
0x81: {  	_ =	shalt  }
0x82: {  	_ =	shalt  }
0x83: {  	_ =	shalt  }
0x84: {  	_ =	shalt  }
0x85: {  	_ =	shalt  }
0x86: {  	_ =	shalt  }
0x87: {  	_ =	shalt  }
.Lfunc_end0:
.L_simem_size_0:
called_computation.1_lowered:
.L_overlay_start_0:
0x88: {  	s2 =	sld [smem:$0x3FD9]  }
0x89: {  	s3 =	sld [smem:$0x3FFE];
	_ =	sdelay $0x1  }
0x8a: {  	s1 =	srdreg.scid  }
0x8b: {  	s0 =	sand.u32 $0x1, s1  }
0x8c: {  	s16 =	sshll.u32 s0, $0xA;
	s2 =	sadd.s32 s3, s2  }
0x8d: {  	s2 =	sadd.s32 s2, s16  }
0x8e: {  	[smem:$0x3FB5] =	sst s2  }
0x8f: {  	_ = 	snop  }
0x90: {  	(tm) =	ssettm $0x1  }
0x91: {  	s17 =	sld [smem:$0x3FFB];
	_ =	sdelay $0x3  }
0x92: {  	_ =	strace s17  }
0x93: {  	s2 =	sld [smem:$0x3FFC];
	_ =	sdelay $0x3  }
0x94: {  	_ =	strace s2  }
0x95: {  	s2 =	sld [smem:$0x3FFD];
	_ =	sdelay $0x3  }
0x96: {  	_ =	strace s2  }
0x97: {  	_ =	strace $0x8FFFFFFF  }
0x98: {  	s18 =	sld [smem:$0x3FDB];
	_ =	sdelay $0x1  }
0x99: {  	s19 =	simm.s32 $_scs_section_size  }
0x9a: {  	s4 =	simm.s32 $_size__tile_overlayer_lowered;
	s5 =	simm.s32 $_tile_overlayer_lowered  }
0x9b: {  	s22 =	simm.s32 $0x1BFF;
	s21 =	sshll.u32 s5, $0x1;
	s2 =	sadd.s32 s19, s18  }
0x9c: {  	s6 =	simm.s32 $0x0;
	s20 =	sshll.u32 s4, $0x1;
	s4 =	sadd.s32 s21, s2  }
0x9d: {  	[timem:s6], [sflag:s22] =	dma.local [hbm:s4], s20  }
0x9e: {  	_ =	swait.ge [sflag:s22], s20  }
0x9f: {  	s3 =	ssub.s32 $0x0, s20;
	[sflag:s22] =	ssyncset.done $0x0  }
0xa0: {  	[sflag:s22] =	ssyncadd.s32 s3;
	_ =	sdelay $0x1  }
0xa1: {  	s23 =	simm.s32 $0x1B8B  }
0xa2: {  	_ =	swait.ge [sflag:s23], $0x1  }
0xa3: {  	[sflag:s23] =	ssyncset.done $0x0  }
0xa4: {  	s25 =	simm.s32 $0x1B8E;
	s24 =	sld [smem:$0x3FFE];
	[sflag:s23] =	ssyncadd.s32 $0xFFFFFFFF  }
0xa5: {  	s26 =	simm.s32 $execute0_lowered;
	[smem:$0x3FD2] =	sst s25  }
0xa6: {  	s4 =	sshll.u32 s26, $0x1;
	_ =	strace $0x80000049;
	[dreg:$0x1] =	wrdreg $0xFFFFFFFF  }
0xa7: {  	s28 =	simm.s32 $_size_execute0_lowered;
	s2 =	sadd.s32 s2, s4;
	[dreg:$0x0] =	wrdreg $0x0  }
0xa8: {  	s4 =	sshll.u32 s28, $0x1;
	[dreg:$0x2] =	wrdreg s2  }
0xa9: {  	[dreg:$0x3] =	wrdreg s4  }
0xaa: {  	[dreg:$0x4] =	wrdreg $0xC0  }
0xab: {  	_ =	task [dreg:s6], $0x5FFFF  }
0xac: {  	[dreg:$0x1] =	wrdreg $0xFFFFFFFF  }
0xad: {  	[dreg:$0x0] =	wrdreg $0x60  }
0xae: {  	[dreg:$0x2] =	wrdreg s24  }
0xaf: {  	[dreg:$0x3] =	wrdreg $0x82000  }
0xb0: {  	[dreg:$0x4] =	wrdreg $0x9  }
0xb1: {  	_ =	task.clear_ibuf [dreg:s6], $0x5FFFF;
	_ =	strace $0x90000049  }
0xb2: {  	s29 =	simm.s32 $0x9;
	_ =	strace $0x8000004B  }
0xb3: {  	_ =	swait.ge [sflag:s29], $0x1  }
0xb4: {  	[sflag:s29] =	ssyncadd.s32 $0xFFFFFFFF  }
0xb5: {  	_ =	strace $0x9000004B  }
0xb6: {  	_ =	sfence  }
0xb7: {  	s30 =	sld [smem:$0x0];
	_ =	sdelay $0x2  }
0xb8: {  	s31 =	sshll.u32 s1, $0xD;
	s1 =	sshrl.u32 s1, $0x2  }
0xb9: {  	s3 =	sand.u32 $0x4000, s31;
	s1 =	sadd.s32 s1, s30  }
0xba: {  	s0 =	sor.u32 s3, s0;
	s1 =	sshll.u32 s1, $0x11  }
0xbb: {  	s0 =	sor.u32 s1, s0  }
0xbc: {  	s0 =	sadd.s32 $0x8F2B, s0  }
0xbd: {  	[sflag:s0] =	ssyncadd.remote.s32 $0x1  }
0xbe: {  	_ =	sfence.sel $0xFFFF  }
0xbf: {  	[dreg:$0x0] =	wrdreg $0xFFFFFFFF;
	(pc) =	sbr.abs _section_cstart, $3  }
0xc0: {  	[dreg:$0x1] =	wrdreg $0xFFFFFFFF  }
0xc1: {  	_ =	task.clear_ibuf [dreg:s6], $0x2FFFF;
	_ =	strace $0x9FFFFFFF  }
0xc2: {  	(tm) =	ssettm $0x7FFFFFFF  }
0xc3: {  	_ =	shalt  }
tec
execute0_lowered:
.L_overlay_start_1:
0x0: {  	(tag) =	ssettag $0x1  }
0x1: {  	s7 =	rddreg [dreg:$0x0]  }
0x2: {  	s2 =	rddreg [dreg:$0x1];
	s3 =	simm.s32 $0x0  }
0x3: {  	s1 =	stileid.u32;
	s4 =	srdreg.scid;
	s18 =	simm.s32 $0x80  }
0x4: {  	s19 =	simm.s32 $0x100;
	s20 =	simm.s32 $0x200;
	s21 =	simm.s32 $0x180  }
0x5: {  	s22 =	simm.s32 $0x1;
	s23 =	simm.s32 $0x4200;
	s24 =	simm.s32 $0x0  }
0x6: {  	[smem:$0x7FF] =	sst s3;
	s8 =	smul.u32 $0x13C00, s1;
	s9 =	sand.u32 $0x1, s4  }
0x7: {  	s4 =	sadd.s32 $0xFE00, s7;
	s5 =	sadd.s32 $0x86E00, s7;
	s6 =	sadd.s32 $0x5E00, s7  }
0x8: {  	s12 =	smul.u32 $0x4F000, s1;
	s30 =	sshll.u32 s1, $0x6;
	s31 =	sshll.u32 s1, $0xC  }
0x9: {  	_ =	strace $0x8000004A;
	s10 =	smul.u32 $0x13C000, s9;
	s29 =	ssub.s32 $0x2, s9  }
0xa: {  	p0 =	seq.s32 s9, $0x0;
	s9 =	sor.u32 $0x1C03, s30;
	s11 =	sshrl.u32 s8, $0x3  }
0xb: {  	s13 =	sshrl.u32 s29, $0x1;
	s12 =	sshrl.u32 s12, $0x2;
	s18 =	simm.s32 @!p0 $0x20  }
0xc: {  	s11 =	sadd.s32 s11, s7;
	s8 =	sadd.s32 s8, s10;
	s16 =	ssub.s32 s29, s13  }
0xd: {  	s17 =	sadd.s32 s12, s2;
	s10 =	simm.s32 $0x80;
	s8 =	sshrl.u32 s8, $0x3  }
0xe: {  	s14 =	sshrl.u32 s18, $0x1;
	s18 =	sadd.s32 $0xFFFFFFFE, s18;
	s15 =	sadd.s32 s8, s7  }
0xf: {  	s7 =	sadd.s32 $0x5E200, s11;
	s11 =	sshll.u32 s1, $0xE;
	s8 =	sor.u32 $0x40000, s31  }
0x10: {  	s16 =	smax.u32 s16, $0x1;
	[dreg:$0x3] =	wrdreg s18;
	s8 =	smov.u32 @p0 s11  }
0x11: {  	s17 =	sshrl.u32 s17, $0x3;
	s18 =	simm.s32 $0x3;
	s11 =	sshrl.u32 s8, $0x3  }
0x12: {  	s15 =	sadd.s32 $0x90E00, s15;
	s12 =	sadd.s32 s5, s11;
	s13 =	sadd.s32 s6, s11  }
.LBB2_1:
0x13: {  	[spmem:s17], [sflag:s9] =	dma.local [hbm:s7], $0x2780  }
0x14: {  	_ =	swait.ge [sflag:s18], $0x2780  }
0x15: {  	[sflag:s18] =	ssyncset.done $0x0  }
0x16: {  	[sflag:s18] =	ssyncadd.s32 $0xFFFFD880  }
0x17: {  	[bflag:$0x0] =	sbarrier.arrive $0xFFFF  }
0x18: {  	[tilespmem:s3], [sflag:$0x3] =	stream.linear.gather [hbm4b:s12+s3], $0x80, $0x38;
	[tilespmem:$0x1BE00] =	vst v63  }
0x19: {  	_ =	swait.ge [sflag:s18], $0x80  }
0x1a: {  	s28 =	sadd.s32 $0xFFFFFFFF, s14;
	[sflag:s18] =	ssyncset.done $0x0  }
0x1b: {  	p1 =	sne.s32 s28, $0x0;
	[sflag:s18] =	ssyncadd.s32 $0xFFFFFF80  }
0x1c: {  	[tilespmem:s19], [sflag:$0x3] =	stream.linear.gather [hbm4b:s13+s3], $0x80, $0x38;
	[tilespmem:$0x1BE00] =	vst v63  }
.Ltmp0:
0x1d: {  	_ = 	snop;
	(pc) =	sbr.rel @!p1 .LBB2_4-.Ltmp0, $4  }
0x1e: {  	_ =	swait.ge [sflag:s18], $0x80  }
0x1f: {  	p0 =	por $0x0, $0x0;
	s29 =	smov.u32 s11;
	[sflag:s18] =	ssyncset.done $0x0  }
0x20: {  	s26 =	simm.s32 $0x0;
	s25 =	smov.u32 s8;
	[sflag:s18] =	ssyncadd.s32 $0xFFFFFF80  }
0x21: {  	[tilespmem:s20], [sflag:$0x1] =	stream.indirect.gather [hbm4b:s4+s10], $0x80, s3, s10, $0xb8;
	[tilespmem:$0x1BE00] =	vst v63  }
0x22: {  	s25 =	sor.u32 $0x10, s11  }
0x23: {  	s26 =	sadd.s32 s5, s25  }
0x24: {  	[tilespmem:s10], [sflag:$0x3] =	stream.linear.gather [hbm4b:s26+s3], $0x80, $0x38;
	[tilespmem:$0x1BE00] =	vst v63  }
0x25: {  	_ =	swait.ge [sflag:s18], $0x80  }
0x26: {  	[sflag:s18] =	ssyncset.done $0x0  }
0x27: {  	s25 =	sadd.s32 s6, s25;
	[sflag:s18] =	ssyncadd.s32 $0xFFFFFF80  }
0x28: {  	[tilespmem:s21], [sflag:$0x3] =	stream.linear.gather [hbm4b:s25+s3], $0x80, $0x38;
	[tilespmem:$0x1BE00] =	vst v63  }
0x29: {  	_ =	swait.ge [sflag:s18], $0x80  }
0x2a: {  	[sflag:s18] =	ssyncset.done $0x0  }
0x2b: {  	[sflag:s18] =	ssyncadd.s32 $0xFFFFFF80  }
0x2c: {  	_ =	swait.ge [sflag:s22], $0x4000  }
0x2d: {  	[sflag:s22] =	ssyncset.done $0x0  }
0x2e: {  	[sflag:s22] =	ssyncadd.s32 $0xFFFFC000  }
0x2f: {  	[tilespmem:s23], [sflag:$0x2] =	stream.indirect.gather [hbm4b:s4+s10], $0x80, s10, s10, $0xb8;
	[tilespmem:$0x1BE00] =	vst v63  }
0x30: {  	_ = 	snop  }
0x31: {  	[spmem:s2] =	stream.indirect.scatter.add.f32 [tilespmem:s20], [sflag:$0x3], $0x80, s19, s10, $0xb8;
	[tilespmem:$0x1BE00] =	vst v63  }
0x32: {  	_ =	swait.ge [sflag:s18], $0x4000  }
0x33: {  	s31 =	rddreg [dreg:$0x3]  }
0x34: {  	[sflag:s18] =	ssyncset.done $0x0;
	p0 =	sle.u32 s31, $0x0  }
0x35: {  	[sflag:s18] =	ssyncadd.s32 $0xFFFFC000;
	s25 =	simm.s32 @p0 $0x2  }
0x36: {  	s26 =	sadd.s32 @!p0 $0x100, s8;
	_ =	swait.ge @p0 [sflag:s25], $0x4000  }
0x37: {  	s30 =	simm.s32 @!p0 $0x3;
	s26 =	sshrl.u32 @!p0 s26, $0x3;
	[sflag:s25] =	ssyncset.done @p0 $0x0  }
0x38: {  	s29 =	sadd.s32 @!p0 s5, s26;
	[sflag:s25] =	ssyncadd.s32 @p0 $0xFFFFC000;
	s25 =	simm.s32 @!p0 $0x0  }
0x39: {  	[tilespmem:s25], [sflag:$0x3] =	stream.linear.gather @!p0 [hbm4b:s29+s25], $0x80, $0x38;
	[tilespmem:$0x1BE00] =	vst v63  }
0x3a: {  	_ =	swait.ge @!p0 [sflag:s30], $0x80  }
0x3b: {  	[sflag:s30] =	ssyncset.done @!p0 $0x0  }
0x3c: {  	s26 =	sadd.s32 @!p0 s6, s26;
	s29 =	simm.s32 @!p0 $0x100;
	[sflag:s30] =	ssyncadd.s32 @!p0 $0xFFFFFF80  }
0x3d: {  	[tilespmem:s29], [sflag:$0x3] =	stream.linear.gather @!p0 [hbm4b:s26+s25], $0x80, $0x38;
	[tilespmem:$0x1BE00] =	vst v63  }
0x3e: {  	_ =	swait.ge @!p0 [sflag:s30], $0x80  }
0x3f: {  	[sflag:s30] =	ssyncset.done @!p0 $0x0  }
0x40: {  	s26 =	simm.s32 @!p0 $0x2;
	[sflag:s30] =	ssyncadd.s32 @!p0 $0xFFFFFF80  }
0x41: {  	s28 =	sadd.s32 $0xFFFFFFFF, s28;
	_ =	swait.ge @!p0 [sflag:s26], $0x4000  }
0x42: {  	p1 =	sne.s32 s28, $0x0;
	[sflag:s26] =	ssyncset.done @!p0 $0x0  }
0x43: {  	s29 =	simm.s32 @!p0 $0x200;
	[sflag:s26] =	ssyncadd.s32 @!p0 $0xFFFFC000;
	s26 =	simm.s32 @!p0 $0x80  }
0x44: {  	[tilespmem:s29], [sflag:$0x1] =	stream.indirect.gather @!p0 [hbm4b:s4+s26], $0x80, s25, s26, $0xb8;
	[tilespmem:$0x1BE00] =	vst v63  }
.Ltmp1:
0x45: {  	_ = 	snop;
	(pc) =	sbr.rel @!p1 .LBB2_4-.Ltmp1, $4  }
0x46: {  	_ = 	snop  }
0x47: {  	[spmem:s2] =	stream.indirect.scatter.add.f32 [tilespmem:s23], [sflag:$0x3], $0x80, s21, s10, $0xb8;
	[tilespmem:$0x1BE00] =	vst v63  }
0x48: {  	s25 =	sadd.s32 $0x100, s8;
	s26 =	simm.s32 $0x2;
	_ =	swait.ge [sflag:s18], $0x4000  }
0x49: {  	p0 =	por $0x1, $0x1;
	s29 =	sshrl.u32 s25, $0x3;
	[sflag:s18] =	ssyncset.done $0x0  }
.LBB2_3:
0x4a: {  	s29 =	sor.u32 $0x10, s29  }
0x4b: {  	[sflag:s18] =	ssyncadd.s32 $0xFFFFC000;
	s30 =	sadd.s32 s5, s29  }
0x4c: {  	[tilespmem:s10], [sflag:$0x3] =	stream.linear.gather [hbm4b:s30+s3], $0x80, $0x38;
	[tilespmem:$0x1BE00] =	vst v63  }
0x4d: {  	_ =	swait.ge [sflag:s18], $0x80  }
0x4e: {  	[sflag:s18] =	ssyncset.done $0x0  }
0x4f: {  	s29 =	sadd.s32 s6, s29;
	[sflag:s18] =	ssyncadd.s32 $0xFFFFFF80  }
0x50: {  	[tilespmem:s21], [sflag:$0x3] =	stream.linear.gather [hbm4b:s29+s3], $0x80, $0x38;
	[tilespmem:$0x1BE00] =	vst v63  }
0x51: {  	_ =	swait.ge [sflag:s18], $0x80  }
0x52: {  	[sflag:s18] =	ssyncset.done $0x0  }
0x53: {  	[sflag:s18] =	ssyncadd.s32 $0xFFFFFF80  }
0x54: {  	_ =	swait.ge [sflag:s22], $0x4000  }
0x55: {  	[sflag:s22] =	ssyncset.done $0x0  }
0x56: {  	[sflag:s22] =	ssyncadd.s32 $0xFFFFC000  }
0x57: {  	[tilespmem:s23], [sflag:$0x2] =	stream.indirect.gather [hbm4b:s4+s10], $0x80, s10, s10, $0xb8;
	[tilespmem:$0x1BE00] =	vst v63  }
0x58: {  	_ = 	snop  }
0x59: {  	[spmem:s2] =	stream.indirect.scatter.add.f32 [tilespmem:s20], [sflag:$0x3], $0x80, s19, s10, $0xb8;
	[tilespmem:$0x1BE00] =	vst v63  }
0x5a: {  	_ =	swait.ge [sflag:s18], $0x4000  }
0x5b: {  	s29 =	rddreg [dreg:$0x3]  }
0x5c: {  	[sflag:s18] =	ssyncset.done $0x0;
	p2 =	sge.u32 s26, s29  }
0x5d: {  	[sflag:s18] =	ssyncadd.s32 $0xFFFFC000;
	s29 =	simm.s32 @p2 $0x2  }
0x5e: {  	s30 =	sadd.s32 @!p2 $0x100, s25;
	_ =	swait.ge @p2 [sflag:s29], $0x4000  }
0x5f: {  	s0 =	simm.s32 @!p2 $0x3;
	s30 =	sshrl.u32 @!p2 s30, $0x3;
	[sflag:s29] =	ssyncset.done @p2 $0x0  }
0x60: {  	s31 =	sadd.s32 @!p2 s5, s30;
	[sflag:s29] =	ssyncadd.s32 @p2 $0xFFFFC000;
	s29 =	simm.s32 @!p2 $0x0  }
0x61: {  	[tilespmem:s29], [sflag:$0x3] =	stream.linear.gather @!p2 [hbm4b:s31+s29], $0x80, $0x38;
	[tilespmem:$0x1BE00] =	vst v63  }
0x62: {  	_ =	swait.ge @!p2 [sflag:s0], $0x80  }
0x63: {  	[sflag:s0] =	ssyncset.done @!p2 $0x0  }
0x64: {  	s30 =	sadd.s32 @!p2 s6, s30;
	s31 =	simm.s32 @!p2 $0x100;
	[sflag:s0] =	ssyncadd.s32 @!p2 $0xFFFFFF80  }
0x65: {  	[tilespmem:s31], [sflag:$0x3] =	stream.linear.gather @!p2 [hbm4b:s30+s29], $0x80, $0x38;
	[tilespmem:$0x1BE00] =	vst v63  }
0x66: {  	_ =	swait.ge @!p2 [sflag:s0], $0x80  }
0x67: {  	[sflag:s0] =	ssyncset.done @!p2 $0x0  }
0x68: {  	[sflag:s0] =	ssyncadd.s32 @!p2 $0xFFFFFF80;
	s0 =	simm.s32 @!p2 $0x2  }
0x69: {  	s28 =	sadd.s32 $0xFFFFFFFF, s28;
	_ =	swait.ge @!p2 [sflag:s0], $0x4000  }
0x6a: {  	p1 =	sne.s32 s28, $0x0;
	[sflag:s0] =	ssyncset.done @!p2 $0x0  }
0x6b: {  	s30 =	simm.s32 @!p2 $0x200;
	[sflag:s0] =	ssyncadd.s32 @!p2 $0xFFFFC000;
	s0 =	simm.s32 @!p2 $0x80  }
0x6c: {  	[tilespmem:s30], [sflag:$0x1] =	stream.indirect.gather @!p2 [hbm4b:s4+s0], $0x80, s29, s0, $0xb8;
	[tilespmem:$0x1BE00] =	vst v63  }
.Ltmp2:
0x6d: {  	_ = 	snop;
	(pc) =	sbr.rel @p1 .LBB2_3-.Ltmp2, $4  }
0x6e: {  	_ = 	snop  }
0x6f: {  	[spmem:s2] =	stream.indirect.scatter.add.f32 [tilespmem:s23], [sflag:$0x3], $0x80, s21, s10, $0xb8;
	[tilespmem:$0x1BE00] =	vst v63  }
0x70: {  	s25 =	sadd.s32 $0x100, s25;
	_ =	swait.ge [sflag:s18], $0x4000  }
0x71: {  	s26 =	sadd.s32 $0x2, s26;
	s29 =	sshrl.u32 s25, $0x3;
	[sflag:s18] =	ssyncset.done $0x0  }
.LBB2_4:
0x72: {  	s0 =	sor.u32 $0x10, s29  }
0x73: {  	[sflag:s18] =	ssyncadd.s32 @p0 $0xFFFFC000;
	s28 =	sadd.s32 s5, s0  }
0x74: {  	[tilespmem:s10], [sflag:$0x3] =	stream.linear.gather [hbm4b:s28+s3], $0x80, $0x38;
	[tilespmem:$0x1BE00] =	vst v63  }
0x75: {  	_ =	swait.ge [sflag:s18], $0x80  }
0x76: {  	[sflag:s18] =	ssyncset.done $0x0  }
0x77: {  	s0 =	sadd.s32 s6, s0;
	[sflag:s18] =	ssyncadd.s32 $0xFFFFFF80  }
0x78: {  	[tilespmem:s21], [sflag:$0x3] =	stream.linear.gather [hbm4b:s0+s3], $0x80, $0x38;
	[tilespmem:$0x1BE00] =	vst v63  }
0x79: {  	_ =	swait.ge [sflag:s18], $0x80  }
0x7a: {  	[sflag:s18] =	ssyncset.done $0x0  }
0x7b: {  	[sflag:s18] =	ssyncadd.s32 $0xFFFFFF80  }
0x7c: {  	_ =	swait.ge [sflag:s22], $0x4000  }
0x7d: {  	[sflag:s22] =	ssyncset.done $0x0  }
0x7e: {  	[sflag:s22] =	ssyncadd.s32 $0xFFFFC000  }
0x7f: {  	[tilespmem:s23], [sflag:$0x2] =	stream.indirect.gather [hbm4b:s4+s10], $0x80, s10, s10, $0xb8;
	[tilespmem:$0x1BE00] =	vst v63  }
0x80: {  	_ = 	snop  }
0x81: {  	[spmem:s2] =	stream.indirect.scatter.add.f32 [tilespmem:s20], [sflag:$0x3], $0x80, s19, s10, $0xb8;
	[tilespmem:$0x1BE00] =	vst v63  }
0x82: {  	_ =	swait.ge [sflag:s18], $0x4000  }
0x83: {  	s31 =	rddreg [dreg:$0x3]  }
0x84: {  	[sflag:s18] =	ssyncset.done $0x0;
	p0 =	sge.u32 s26, s31  }
0x85: {  	[sflag:s18] =	ssyncadd.s32 $0xFFFFC000;
	s0 =	simm.s32 @p0 $0x2  }
0x86: {  	s25 =	sadd.s32 @!p0 $0x100, s25;
	_ =	swait.ge @p0 [sflag:s0], $0x4000  }
0x87: {  	s28 =	simm.s32 @!p0 $0x3;
	s25 =	sshrl.u32 @!p0 s25, $0x3;
	[sflag:s0] =	ssyncset.done @p0 $0x0  }
0x88: {  	s26 =	sadd.s32 @!p0 s5, s25;
	[sflag:s0] =	ssyncadd.s32 @p0 $0xFFFFC000;
	s0 =	simm.s32 @!p0 $0x0  }
0x89: {  	[tilespmem:s0], [sflag:$0x3] =	stream.linear.gather @!p0 [hbm4b:s26+s0], $0x80, $0x38;
	[tilespmem:$0x1BE00] =	vst v63  }
0x8a: {  	_ =	swait.ge @!p0 [sflag:s28], $0x80  }
0x8b: {  	[sflag:s28] =	ssyncset.done @!p0 $0x0  }
0x8c: {  	s25 =	sadd.s32 @!p0 s6, s25;
	s26 =	simm.s32 @!p0 $0x100;
	[sflag:s28] =	ssyncadd.s32 @!p0 $0xFFFFFF80  }
0x8d: {  	[tilespmem:s26], [sflag:$0x3] =	stream.linear.gather @!p0 [hbm4b:s25+s0], $0x80, $0x38;
	[tilespmem:$0x1BE00] =	vst v63  }
0x8e: {  	_ =	swait.ge @!p0 [sflag:s28], $0x80  }
0x8f: {  	[sflag:s28] =	ssyncset.done @!p0 $0x0  }
0x90: {  	s25 =	simm.s32 @!p0 $0x2;
	[sflag:s28] =	ssyncadd.s32 @!p0 $0xFFFFFF80  }
0x91: {  	_ =	swait.ge @!p0 [sflag:s25], $0x4000  }
0x92: {  	[sflag:s25] =	ssyncset.done @!p0 $0x0  }
0x93: {  	s26 =	simm.s32 @!p0 $0x200;
	[sflag:s25] =	ssyncadd.s32 @!p0 $0xFFFFC000;
	s25 =	simm.s32 @!p0 $0x80  }
0x94: {  	[tilespmem:s26], [sflag:$0x1] =	stream.indirect.gather @!p0 [hbm4b:s4+s25], $0x80, s0, s25, $0xb8;
	[tilespmem:$0x1BE00] =	vst v63  }
0x95: {  	_ = 	snop  }
0x96: {  	[spmem:s2] =	stream.indirect.scatter.add.f32 [tilespmem:s23], [sflag:$0x3], $0x80, s21, s10, $0xb8;
	[tilespmem:$0x1BE00] =	vst v63  }
0x97: {  	_ =	swait.ge [sflag:s18], $0x4000  }
0x98: {  	s24 =	sadd.s32 $0x1, s24;
	[sflag:s18] =	ssyncset.done $0x0  }
0x99: {  	p0 =	sne.s32 s24, s16;
	[sflag:s18] =	ssyncadd.s32 $0xFFFFC000  }
.Ltmp3:
0x9a: {  	[bflag:$0x0] =	sbarrier.arrive $0xFFFF;
	(pc) =	sbr.rel @p0 .LBB2_1-.Ltmp3, $4  }
0x9b: {  	[hbm:s15], [sflag:s9] =	dma.local [spmem:s17], $0x2780  }
0x9c: {  	_ =	swait.ge [sflag:s18], $0x2780  }
0x9d: {  	[sflag:s18] =	ssyncset.done $0x0  }
0x9e: {  	[sflag:s18] =	ssyncadd.s32 $0xFFFFD880  }
0x9f: {  	_ =	sfence.sel $0x180000  }
0xa0: {  	[bflag:$0x0] =	sbarrier.arrive $0xFFFF  }
0xa1: {  	_ =	strace $0x9000004A  }
0xa2: {  	[bflag:$0x2] =	sbarrier.arrive $0xFFFF  }
0xa3: {  	p0 =	sne.s32 s1, $0x0;
	s0 =	rddreg [dreg:$0x2]  }
0xa4: {  	s0 =	sadd.s32 @!p0 $0x100000, s0  }
0xa5: {  	[sflag:s0] =	ssyncadd.tile.s32 @!p0 $0x1;
	_ =	shalt  }
.Lfunc_end2:
_tile_overlayer_lowered:
.L_overlay_start_2:
0xa6: {  	(tag) =	ssettag $0x2  }
0xa7: {  	s0 =	rddreg [dreg:$0x0];
	s2 =	stileid.u32  }
0xa8: {  	s1 =	rddreg [dreg:$0x1];
	p0 =	sne.s32 s2, $0x0  }
0xa9: {  	s3 =	rddreg [dreg:$0x2];
	[bflag:$0x3] =	sbarrier.arrive $0xFFFF;
	s2 =	simm.s32 @!p0 $0x1C03  }
0xaa: {  	[timem:s3], [sflag:s2] =	dma.local @!p0 [hbm:s0], s1  }
0xab: {  	s0 =	simm.s32 @!p0 $0x3  }
0xac: {  	_ =	swait.ge @!p0 [sflag:s0], s1  }
0xad: {  	s1 =	ssub.s32 @!p0 $0x0, s1;
	[sflag:s0] =	ssyncset.done @!p0 $0x0  }
0xae: {  	[sflag:s0] =	ssyncadd.s32 @!p0 s1  }
0xaf: {  	[bflag:$0x3] =	sbarrier.arrive $0xFFFF  }
0xb0: {  	_ =	shalt  }

// kernel: kernel.19.cloned.1.call-start
scs
__scs_entry_jumppad:
0x0: {  	(pc) =	sbr.rel $0x88, $3  }
0x1: {  	(tag) =	ssettag $0x0;
	lr =	simm.s32 $0x1  }
0x2: {  	[smem:$0x3F8E] =	sst lr;
	_ =	strace $0xD0000000  }
0x3: {  	_ = 	snop  }
0x4: {  	_ = 	snop  }
0x5: {  	_ = 	snop  }
0x6: {  	_ = 	snop  }
0x7: {  	_ = 	snop  }
__scs_overlays_trampoline_lowered:
0x8: {  	[smem:$0x3F9D] =	sst s0  }
0x9: {  	[smem:$0x3F9E] =	sst s1  }
0xa: {  	[smem:$0x3F9F] =	sst s2  }
0xb: {  	[smem:$0x3FA0] =	sst s3  }
0xc: {  	[smem:$0x3FA1] =	sst s4  }
0xd: {  	[smem:$0x3FA2] =	sst s5  }
0xe: {  	[smem:$0x3FA3] =	sst s6  }
0xf: {  	[smem:$0x3FA4] =	sst s7  }
0x10: {  	[smem:$0x3FA5] =	sst s8  }
0x11: {  	[smem:$0x3FA6] =	sst s9;
	s0 =	simm.s32 @!p0 $0x0  }
0x12: {  	s1 =	sld [smem:$0x3F8C];
	s0 =	simm.s32 @p0 $0x1  }
0x13: {  	[smem:$0x3FA7] =	sst s0;
	s0 =	simm.s32 @!p1 $0x0  }
0x14: {  	s2 =	sld [smem:$0x3F8B];
	s0 =	simm.s32 @p1 $0x1  }
0x15: {  	[smem:$0x3FA8] =	sst s0;
	s0 =	simm.s32 @!p2 $0x0  }
0x16: {  	s3 =	sld [smem:$0x3FDB];
	s0 =	simm.s32 @p2 $0x1  }
0x17: {  	s4 =	simm.s32 $0x1BF5;
	[smem:$0x3FAA] =	sst s0  }
0x18: {  	s0 =	sld [smem:$0x3F8D];
	_ =	swait.ge [sflag:s4], $0x0  }
0x19: {  	s7 =	sld [smem:$0x3F8E]  }
0x1a: {  	s8 =	sadd.s32 $0xFFFFE003, lr  }
0x1b: {  	s9 =	sadd.s32 $0xFFFFFEF7, lr;
	s5 =	simm.s32 $0xFFFFFFFF;
	p2 =	slt.u32 s8, $0xFFFFF086  }
0x1c: {  	p1 =	slt.u32 s9, $0xF7A;
	s5 =	simm.s32 @!p2 $0x0  }
0x1d: {  	s5 =	simm.s32 @p1 $0x1;
	p0 =	seq.s32 s7, s2  }
0x1e: {  	s7 =	smul.u32 @!p0 $0xF7A, s2;
	p2 =	seq.s32 @!p0 s5, $0x0  }
0x1f: {  	s9 =	smul.u32 $0xF7A, s1;
	s8 =	simm.s32 @!p0 $0x1BF5;
	p2 =	por !p2, p0  }
0x20: {  	[sflag:s8] =	ssyncset.s32 @!p0 $0xFFFFF086;
	s6 =	sadd.s32 @!p0 s3, s7;
	s7 =	simm.s32 @!p0 $0x108  }
0x21: {  	s3 =	sadd.s32 s3, s9;
	s6 =	sadd.s32 @!p0 $0x88, s6;
	s7 =	simm.s32 @p2 $0x1082  }
0x22: {  	[simem:s7], [sflag:s8] =	dma.local @!p0 [hbm:s6], $0xF7A  }
0x23: {  	s9 =	sor.u32 $0xD0000000, s2;
	s6 =	simm.s32 $0x108;
	_ =	swait.ge @!p0 [sflag:s8], $0x0  }
0x24: {  	s3 =	sadd.s32 $0x88, s3;
	s6 =	simm.s32 @!p1 $0x1082;
	[sflag:s4] =	ssyncset.s32 $0xFFFFF086  }
0x25: {  	[simem:s6], [sflag:s4] =	dma.local [hbm:s3], $0xF7A  }
0x26: {  	[smem:$0x3F8E] =	sst s1;
	(tag) =	ssettag s2;
	_ =	strace s9  }
0x27: {  	s1 =	sld [smem:$0x3F9E]  }
0x28: {  	s2 =	sld [smem:$0x3F9F]  }
0x29: {  	s4 =	sld [smem:$0x3FA1]  }
0x2a: {  	p0 =	seq.s32 s5, $0x0;
	s5 =	sld [smem:$0x3FA2]  }
0x2b: {  	s6 =	sld [smem:$0x3FA3]  }
0x2c: {  	s7 =	sld [smem:$0x3FA4]  }
0x2d: {  	s3 =	simm.s32 $0x108;
	s8 =	sld [smem:$0x3FA5]  }
0x2e: {  	s3 =	simm.s32 @!p0 $0x1082;
	s9 =	sld [smem:$0x3FA6]  }
0x2f: {  	lr =	sadd.s32 s0, s3;
	s0 =	sld [smem:$0x3F9D]  }
0x30: {  	s3 =	sld [smem:$0x3FA0]  }
0x31: {  	[smem:$0x3FA9] =	sst s10  }
0x32: {  	s10 =	sld [smem:$0x3FA7];
	_ =	sdelay $0x3  }
0x33: {  	p0 =	seq.s32 s10, $0x1;
	s10 =	sld [smem:$0x3FA9];
	_ =	sdelay $0x3  }
0x34: {  	[smem:$0x3FA9] =	sst s10  }
0x35: {  	s10 =	sld [smem:$0x3FA8];
	_ =	sdelay $0x3  }
0x36: {  	p1 =	seq.s32 s10, $0x1;
	s10 =	sld [smem:$0x3FA9];
	_ =	sdelay $0x3  }
0x37: {  	[smem:$0x3FA9] =	sst s10  }
0x38: {  	s10 =	sld [smem:$0x3FAA]  }
0x39: {  	_ = 	snop;
	(pc) =	sbr.ind lr, $3  }
0x3a: {  	_ = 	snop  }
0x3b: {  	_ = 	snop  }
0x3c: {  	p2 =	seq.s32 s10, $0x1;
	s10 =	sld [smem:$0x3FA9]  }
0x3d: {  	_ =	shalt  }
0x3e: {  	_ =	shalt  }
0x3f: {  	_ =	shalt  }
0x40: {  	_ =	shalt  }
0x41: {  	_ =	shalt  }
0x42: {  	_ =	shalt  }
0x43: {  	_ =	shalt  }
0x44: {  	_ =	shalt  }
0x45: {  	_ =	shalt  }
0x46: {  	_ =	shalt  }
0x47: {  	_ =	shalt  }
0x48: {  	_ =	shalt  }
0x49: {  	_ =	shalt  }
0x4a: {  	_ =	shalt  }
0x4b: {  	_ =	shalt  }
0x4c: {  	_ =	shalt  }
0x4d: {  	_ =	shalt  }
0x4e: {  	_ =	shalt  }
0x4f: {  	_ =	shalt  }
0x50: {  	_ =	shalt  }
0x51: {  	_ =	shalt  }
0x52: {  	_ =	shalt  }
0x53: {  	_ =	shalt  }
0x54: {  	_ =	shalt  }
0x55: {  	_ =	shalt  }
0x56: {  	_ =	shalt  }
0x57: {  	_ =	shalt  }
0x58: {  	_ =	shalt  }
0x59: {  	_ =	shalt  }
0x5a: {  	_ =	shalt  }
0x5b: {  	_ =	shalt  }
0x5c: {  	_ =	shalt  }
0x5d: {  	_ =	shalt  }
0x5e: {  	_ =	shalt  }
0x5f: {  	_ =	shalt  }
0x60: {  	_ =	shalt  }
0x61: {  	_ =	shalt  }
0x62: {  	_ =	shalt  }
0x63: {  	_ =	shalt  }
0x64: {  	_ =	shalt  }
0x65: {  	_ =	shalt  }
0x66: {  	_ =	shalt  }
0x67: {  	_ =	shalt  }
0x68: {  	_ =	shalt  }
0x69: {  	_ =	shalt  }
0x6a: {  	_ =	shalt  }
0x6b: {  	_ =	shalt  }
0x6c: {  	_ =	shalt  }
0x6d: {  	_ =	shalt  }
0x6e: {  	_ =	shalt  }
0x6f: {  	_ =	shalt  }
0x70: {  	_ =	shalt  }
0x71: {  	_ =	shalt  }
0x72: {  	_ =	shalt  }
0x73: {  	_ =	shalt  }
0x74: {  	_ =	shalt  }
0x75: {  	_ =	shalt  }
0x76: {  	_ =	shalt  }
0x77: {  	_ =	shalt  }
0x78: {  	_ =	shalt  }
0x79: {  	_ =	shalt  }
0x7a: {  	_ =	shalt  }
0x7b: {  	_ =	shalt  }
0x7c: {  	_ =	shalt  }
0x7d: {  	_ =	shalt  }
0x7e: {  	_ =	shalt  }
0x7f: {  	_ =	shalt  }
0x80: {  	_ =	shalt  }
0x81: {  	_ =	shalt  }
0x82: {  	_ =	shalt  }
0x83: {  	_ =	shalt  }
0x84: {  	_ =	shalt  }
0x85: {  	_ =	shalt  }
0x86: {  	_ =	shalt  }
0x87: {  	_ =	shalt  }
.Lfunc_end0:
.L_simem_size_0:
called_computation.2_lowered:
.L_overlay_start_0:
0x88: {  	s2 =	sld [smem:$0x3FD9]  }
0x89: {  	s3 =	sld [smem:$0x3FFE];
	_ =	sdelay $0x1  }
0x8a: {  	s1 =	srdreg.scid  }
0x8b: {  	s0 =	sand.u32 $0x1, s1  }
0x8c: {  	s16 =	sshll.u32 s0, $0xA;
	s2 =	sadd.s32 s3, s2  }
0x8d: {  	s2 =	sadd.s32 s2, s16  }
0x8e: {  	[smem:$0x3FB5] =	sst s2  }
0x8f: {  	_ = 	snop  }
0x90: {  	(tm) =	ssettm $0x1  }
0x91: {  	s17 =	sld [smem:$0x3FFB];
	_ =	sdelay $0x3  }
0x92: {  	_ =	strace s17  }
0x93: {  	s2 =	sld [smem:$0x3FFC];
	_ =	sdelay $0x3  }
0x94: {  	_ =	strace s2  }
0x95: {  	s2 =	sld [smem:$0x3FFD];
	_ =	sdelay $0x3  }
0x96: {  	_ =	strace s2  }
0x97: {  	_ =	strace $0x8FFFFFFF  }
0x98: {  	s18 =	sld [smem:$0x3FDB];
	_ =	sdelay $0x1  }
0x99: {  	s19 =	simm.s32 $_scs_section_size  }
0x9a: {  	s4 =	simm.s32 $_size__tile_overlayer_lowered;
	s5 =	simm.s32 $_tile_overlayer_lowered  }
0x9b: {  	s22 =	simm.s32 $0x1BFF;
	s21 =	sshll.u32 s5, $0x1;
	s2 =	sadd.s32 s19, s18  }
0x9c: {  	s6 =	simm.s32 $0x0;
	s20 =	sshll.u32 s4, $0x1;
	s4 =	sadd.s32 s21, s2  }
0x9d: {  	[timem:s6], [sflag:s22] =	dma.local [hbm:s4], s20  }
0x9e: {  	_ =	swait.ge [sflag:s22], s20  }
0x9f: {  	s3 =	ssub.s32 $0x0, s20;
	[sflag:s22] =	ssyncset.done $0x0  }
0xa0: {  	[sflag:s22] =	ssyncadd.s32 s3;
	_ =	sdelay $0x1  }
0xa1: {  	s23 =	simm.s32 $0x1B8B  }
0xa2: {  	_ =	swait.ge [sflag:s23], $0x1  }
0xa3: {  	[sflag:s23] =	ssyncset.done $0x0  }
0xa4: {  	s25 =	simm.s32 $0x1B8E;
	s24 =	sld [smem:$0x3FFE];
	[sflag:s23] =	ssyncadd.s32 $0xFFFFFFFF  }
0xa5: {  	s26 =	simm.s32 $execute0_lowered;
	[smem:$0x3FD2] =	sst s25  }
0xa6: {  	s4 =	sshll.u32 s26, $0x1;
	_ =	strace $0x8000004C;
	[dreg:$0x1] =	wrdreg $0xFFFFFFFF  }
0xa7: {  	s28 =	simm.s32 $_size_execute0_lowered;
	s2 =	sadd.s32 s2, s4;
	[dreg:$0x0] =	wrdreg $0x0  }
0xa8: {  	s4 =	sshll.u32 s28, $0x1;
	[dreg:$0x2] =	wrdreg s2  }
0xa9: {  	[dreg:$0x3] =	wrdreg s4  }
0xaa: {  	[dreg:$0x4] =	wrdreg $0xC0  }
0xab: {  	_ =	task [dreg:s6], $0x5FFFF  }
0xac: {  	[dreg:$0x1] =	wrdreg $0xFFFFFFFF  }
0xad: {  	[dreg:$0x0] =	wrdreg $0x60  }
0xae: {  	[dreg:$0x2] =	wrdreg s24  }
0xaf: {  	[dreg:$0x3] =	wrdreg $0x82000  }
0xb0: {  	[dreg:$0x4] =	wrdreg $0x9  }
0xb1: {  	_ =	task.clear_ibuf [dreg:s6], $0x5FFFF;
	_ =	strace $0x9000004C  }
0xb2: {  	s29 =	simm.s32 $0x9;
	_ =	strace $0x8000004E  }
0xb3: {  	_ =	swait.ge [sflag:s29], $0x1  }
0xb4: {  	[sflag:s29] =	ssyncadd.s32 $0xFFFFFFFF  }
0xb5: {  	_ =	strace $0x9000004E  }
0xb6: {  	_ =	sfence  }
0xb7: {  	s30 =	sld [smem:$0x0];
	_ =	sdelay $0x2  }
0xb8: {  	s31 =	sshll.u32 s1, $0xD;
	s1 =	sshrl.u32 s1, $0x2  }
0xb9: {  	s3 =	sand.u32 $0x4000, s31;
	s1 =	sadd.s32 s1, s30  }
0xba: {  	s0 =	sor.u32 s3, s0;
	s1 =	sshll.u32 s1, $0x11  }
0xbb: {  	s0 =	sor.u32 s1, s0  }
0xbc: {  	s0 =	sadd.s32 $0x8F2B, s0  }
0xbd: {  	[sflag:s0] =	ssyncadd.remote.s32 $0x1  }
0xbe: {  	_ =	sfence.sel $0xFFFF  }
0xbf: {  	[dreg:$0x0] =	wrdreg $0xFFFFFFFF;
	(pc) =	sbr.abs _section_cstart, $3  }
0xc0: {  	[dreg:$0x1] =	wrdreg $0xFFFFFFFF  }
0xc1: {  	_ =	task.clear_ibuf [dreg:s6], $0x2FFFF;
	_ =	strace $0x9FFFFFFF  }
0xc2: {  	(tm) =	ssettm $0x7FFFFFFF  }
0xc3: {  	_ =	shalt  }
tec
execute0_lowered:
.L_overlay_start_1:
0x0: {  	(tag) =	ssettag $0x1  }
0x1: {  	s7 =	rddreg [dreg:$0x0]  }
0x2: {  	s2 =	rddreg [dreg:$0x1];
	s3 =	simm.s32 $0x0  }
0x3: {  	s1 =	stileid.u32;
	s4 =	srdreg.scid;
	s18 =	simm.s32 $0x80  }
0x4: {  	s19 =	simm.s32 $0x100;
	s20 =	simm.s32 $0x200;
	s21 =	simm.s32 $0x180  }
0x5: {  	s22 =	simm.s32 $0x1;
	s23 =	simm.s32 $0x4200;
	s24 =	simm.s32 $0x0  }
0x6: {  	[smem:$0x7FF] =	sst s3;
	s8 =	smul.u32 $0x13C00, s1;
	s9 =	sand.u32 $0x1, s4  }
0x7: {  	s4 =	sadd.s32 $0xFE00, s7;
	s5 =	sadd.s32 $0x86E00, s7;
	s6 =	sadd.s32 $0x5E00, s7  }
0x8: {  	s12 =	smul.u32 $0x4F000, s1;
	s30 =	sshll.u32 s1, $0x6;
	s31 =	sshll.u32 s1, $0xC  }
0x9: {  	_ =	strace $0x8000004D;
	s10 =	smul.u32 $0x13C000, s9;
	s29 =	ssub.s32 $0x2, s9  }
0xa: {  	p0 =	seq.s32 s9, $0x0;
	s9 =	sor.u32 $0x1C03, s30;
	s11 =	sshrl.u32 s8, $0x3  }
0xb: {  	s13 =	sshrl.u32 s29, $0x1;
	s12 =	sshrl.u32 s12, $0x2;
	s18 =	simm.s32 @!p0 $0x20  }
0xc: {  	s11 =	sadd.s32 s11, s7;
	s8 =	sadd.s32 s8, s10;
	s16 =	ssub.s32 s29, s13  }
0xd: {  	s17 =	sadd.s32 s12, s2;
	s10 =	simm.s32 $0x80;
	s8 =	sshrl.u32 s8, $0x3  }
0xe: {  	s14 =	sshrl.u32 s18, $0x1;
	s18 =	sadd.s32 $0xFFFFFFFE, s18;
	s15 =	sadd.s32 s8, s7  }
0xf: {  	s7 =	sadd.s32 $0x5E200, s11;
	s11 =	sshll.u32 s1, $0xE;
	s8 =	sor.u32 $0x40000, s31  }
0x10: {  	s16 =	smax.u32 s16, $0x1;
	[dreg:$0x3] =	wrdreg s18;
	s8 =	smov.u32 @p0 s11  }
0x11: {  	s17 =	sshrl.u32 s17, $0x3;
	s18 =	simm.s32 $0x3;
	s11 =	sshrl.u32 s8, $0x3  }
0x12: {  	s15 =	sadd.s32 $0x90E00, s15;
	s12 =	sadd.s32 s5, s11;
	s13 =	sadd.s32 s6, s11  }
.LBB2_1:
0x13: {  	[spmem:s17], [sflag:s9] =	dma.local [hbm:s7], $0x2780  }
0x14: {  	_ =	swait.ge [sflag:s18], $0x2780  }
0x15: {  	[sflag:s18] =	ssyncset.done $0x0  }
0x16: {  	[sflag:s18] =	ssyncadd.s32 $0xFFFFD880  }
0x17: {  	[bflag:$0x0] =	sbarrier.arrive $0xFFFF  }
0x18: {  	[tilespmem:s3], [sflag:$0x3] =	stream.linear.gather [hbm4b:s12+s3], $0x80, $0x38;
	[tilespmem:$0x1BE00] =	vst v63  }
0x19: {  	_ =	swait.ge [sflag:s18], $0x80  }
0x1a: {  	s28 =	sadd.s32 $0xFFFFFFFF, s14;
	[sflag:s18] =	ssyncset.done $0x0  }
0x1b: {  	p1 =	sne.s32 s28, $0x0;
	[sflag:s18] =	ssyncadd.s32 $0xFFFFFF80  }
0x1c: {  	[tilespmem:s19], [sflag:$0x3] =	stream.linear.gather [hbm4b:s13+s3], $0x80, $0x38;
	[tilespmem:$0x1BE00] =	vst v63  }
.Ltmp0:
0x1d: {  	_ = 	snop;
	(pc) =	sbr.rel @!p1 .LBB2_4-.Ltmp0, $4  }
0x1e: {  	_ =	swait.ge [sflag:s18], $0x80  }
0x1f: {  	p0 =	por $0x0, $0x0;
	s29 =	smov.u32 s11;
	[sflag:s18] =	ssyncset.done $0x0  }
0x20: {  	s26 =	simm.s32 $0x0;
	s25 =	smov.u32 s8;
	[sflag:s18] =	ssyncadd.s32 $0xFFFFFF80  }
0x21: {  	[tilespmem:s20], [sflag:$0x1] =	stream.indirect.gather [hbm4b:s4+s10], $0x80, s3, s10, $0xb8;
	[tilespmem:$0x1BE00] =	vst v63  }
0x22: {  	s25 =	sor.u32 $0x10, s11  }
0x23: {  	s26 =	sadd.s32 s5, s25  }
0x24: {  	[tilespmem:s10], [sflag:$0x3] =	stream.linear.gather [hbm4b:s26+s3], $0x80, $0x38;
	[tilespmem:$0x1BE00] =	vst v63  }
0x25: {  	_ =	swait.ge [sflag:s18], $0x80  }
0x26: {  	[sflag:s18] =	ssyncset.done $0x0  }
0x27: {  	s25 =	sadd.s32 s6, s25;
	[sflag:s18] =	ssyncadd.s32 $0xFFFFFF80  }
0x28: {  	[tilespmem:s21], [sflag:$0x3] =	stream.linear.gather [hbm4b:s25+s3], $0x80, $0x38;
	[tilespmem:$0x1BE00] =	vst v63  }
0x29: {  	_ =	swait.ge [sflag:s18], $0x80  }
0x2a: {  	[sflag:s18] =	ssyncset.done $0x0  }
0x2b: {  	[sflag:s18] =	ssyncadd.s32 $0xFFFFFF80  }
0x2c: {  	_ =	swait.ge [sflag:s22], $0x4000  }
0x2d: {  	[sflag:s22] =	ssyncset.done $0x0  }
0x2e: {  	[sflag:s22] =	ssyncadd.s32 $0xFFFFC000  }
0x2f: {  	[tilespmem:s23], [sflag:$0x2] =	stream.indirect.gather [hbm4b:s4+s10], $0x80, s10, s10, $0xb8;
	[tilespmem:$0x1BE00] =	vst v63  }
0x30: {  	_ = 	snop  }
0x31: {  	[spmem:s2] =	stream.indirect.scatter.add.f32 [tilespmem:s20], [sflag:$0x3], $0x80, s19, s10, $0xb8;
	[tilespmem:$0x1BE00] =	vst v63  }
0x32: {  	_ =	swait.ge [sflag:s18], $0x4000  }
0x33: {  	s31 =	rddreg [dreg:$0x3]  }
0x34: {  	[sflag:s18] =	ssyncset.done $0x0;
	p0 =	sle.u32 s31, $0x0  }
0x35: {  	[sflag:s18] =	ssyncadd.s32 $0xFFFFC000;
	s25 =	simm.s32 @p0 $0x2  }
0x36: {  	s26 =	sadd.s32 @!p0 $0x100, s8;
	_ =	swait.ge @p0 [sflag:s25], $0x4000  }
0x37: {  	s30 =	simm.s32 @!p0 $0x3;
	s26 =	sshrl.u32 @!p0 s26, $0x3;
	[sflag:s25] =	ssyncset.done @p0 $0x0  }
0x38: {  	s29 =	sadd.s32 @!p0 s5, s26;
	[sflag:s25] =	ssyncadd.s32 @p0 $0xFFFFC000;
	s25 =	simm.s32 @!p0 $0x0  }
0x39: {  	[tilespmem:s25], [sflag:$0x3] =	stream.linear.gather @!p0 [hbm4b:s29+s25], $0x80, $0x38;
	[tilespmem:$0x1BE00] =	vst v63  }
0x3a: {  	_ =	swait.ge @!p0 [sflag:s30], $0x80  }
0x3b: {  	[sflag:s30] =	ssyncset.done @!p0 $0x0  }
0x3c: {  	s26 =	sadd.s32 @!p0 s6, s26;
	s29 =	simm.s32 @!p0 $0x100;
	[sflag:s30] =	ssyncadd.s32 @!p0 $0xFFFFFF80  }
0x3d: {  	[tilespmem:s29], [sflag:$0x3] =	stream.linear.gather @!p0 [hbm4b:s26+s25], $0x80, $0x38;
	[tilespmem:$0x1BE00] =	vst v63  }
0x3e: {  	_ =	swait.ge @!p0 [sflag:s30], $0x80  }
0x3f: {  	[sflag:s30] =	ssyncset.done @!p0 $0x0  }
0x40: {  	s26 =	simm.s32 @!p0 $0x2;
	[sflag:s30] =	ssyncadd.s32 @!p0 $0xFFFFFF80  }
0x41: {  	s28 =	sadd.s32 $0xFFFFFFFF, s28;
	_ =	swait.ge @!p0 [sflag:s26], $0x4000  }
0x42: {  	p1 =	sne.s32 s28, $0x0;
	[sflag:s26] =	ssyncset.done @!p0 $0x0  }
0x43: {  	s29 =	simm.s32 @!p0 $0x200;
	[sflag:s26] =	ssyncadd.s32 @!p0 $0xFFFFC000;
	s26 =	simm.s32 @!p0 $0x80  }
0x44: {  	[tilespmem:s29], [sflag:$0x1] =	stream.indirect.gather @!p0 [hbm4b:s4+s26], $0x80, s25, s26, $0xb8;
	[tilespmem:$0x1BE00] =	vst v63  }
.Ltmp1:
0x45: {  	_ = 	snop;
	(pc) =	sbr.rel @!p1 .LBB2_4-.Ltmp1, $4  }
0x46: {  	_ = 	snop  }
0x47: {  	[spmem:s2] =	stream.indirect.scatter.add.f32 [tilespmem:s23], [sflag:$0x3], $0x80, s21, s10, $0xb8;
	[tilespmem:$0x1BE00] =	vst v63  }
0x48: {  	s25 =	sadd.s32 $0x100, s8;
	s26 =	simm.s32 $0x2;
	_ =	swait.ge [sflag:s18], $0x4000  }
0x49: {  	p0 =	por $0x1, $0x1;
	s29 =	sshrl.u32 s25, $0x3;
	[sflag:s18] =	ssyncset.done $0x0  }
.LBB2_3:
0x4a: {  	s29 =	sor.u32 $0x10, s29  }
0x4b: {  	[sflag:s18] =	ssyncadd.s32 $0xFFFFC000;
	s30 =	sadd.s32 s5, s29  }
0x4c: {  	[tilespmem:s10], [sflag:$0x3] =	stream.linear.gather [hbm4b:s30+s3], $0x80, $0x38;
	[tilespmem:$0x1BE00] =	vst v63  }
0x4d: {  	_ =	swait.ge [sflag:s18], $0x80  }
0x4e: {  	[sflag:s18] =	ssyncset.done $0x0  }
0x4f: {  	s29 =	sadd.s32 s6, s29;
	[sflag:s18] =	ssyncadd.s32 $0xFFFFFF80  }
0x50: {  	[tilespmem:s21], [sflag:$0x3] =	stream.linear.gather [hbm4b:s29+s3], $0x80, $0x38;
	[tilespmem:$0x1BE00] =	vst v63  }
0x51: {  	_ =	swait.ge [sflag:s18], $0x80  }
0x52: {  	[sflag:s18] =	ssyncset.done $0x0  }
0x53: {  	[sflag:s18] =	ssyncadd.s32 $0xFFFFFF80  }
0x54: {  	_ =	swait.ge [sflag:s22], $0x4000  }
0x55: {  	[sflag:s22] =	ssyncset.done $0x0  }
0x56: {  	[sflag:s22] =	ssyncadd.s32 $0xFFFFC000  }
0x57: {  	[tilespmem:s23], [sflag:$0x2] =	stream.indirect.gather [hbm4b:s4+s10], $0x80, s10, s10, $0xb8;
	[tilespmem:$0x1BE00] =	vst v63  }
0x58: {  	_ = 	snop  }
0x59: {  	[spmem:s2] =	stream.indirect.scatter.add.f32 [tilespmem:s20], [sflag:$0x3], $0x80, s19, s10, $0xb8;
	[tilespmem:$0x1BE00] =	vst v63  }
0x5a: {  	_ =	swait.ge [sflag:s18], $0x4000  }
0x5b: {  	s29 =	rddreg [dreg:$0x3]  }
0x5c: {  	[sflag:s18] =	ssyncset.done $0x0;
	p2 =	sge.u32 s26, s29  }
0x5d: {  	[sflag:s18] =	ssyncadd.s32 $0xFFFFC000;
	s29 =	simm.s32 @p2 $0x2  }
0x5e: {  	s30 =	sadd.s32 @!p2 $0x100, s25;
	_ =	swait.ge @p2 [sflag:s29], $0x4000  }
0x5f: {  	s0 =	simm.s32 @!p2 $0x3;
	s30 =	sshrl.u32 @!p2 s30, $0x3;
	[sflag:s29] =	ssyncset.done @p2 $0x0  }
0x60: {  	s31 =	sadd.s32 @!p2 s5, s30;
	[sflag:s29] =	ssyncadd.s32 @p2 $0xFFFFC000;
	s29 =	simm.s32 @!p2 $0x0  }
0x61: {  	[tilespmem:s29], [sflag:$0x3] =	stream.linear.gather @!p2 [hbm4b:s31+s29], $0x80, $0x38;
	[tilespmem:$0x1BE00] =	vst v63  }
0x62: {  	_ =	swait.ge @!p2 [sflag:s0], $0x80  }
0x63: {  	[sflag:s0] =	ssyncset.done @!p2 $0x0  }
0x64: {  	s30 =	sadd.s32 @!p2 s6, s30;
	s31 =	simm.s32 @!p2 $0x100;
	[sflag:s0] =	ssyncadd.s32 @!p2 $0xFFFFFF80  }
0x65: {  	[tilespmem:s31], [sflag:$0x3] =	stream.linear.gather @!p2 [hbm4b:s30+s29], $0x80, $0x38;
	[tilespmem:$0x1BE00] =	vst v63  }
0x66: {  	_ =	swait.ge @!p2 [sflag:s0], $0x80  }
0x67: {  	[sflag:s0] =	ssyncset.done @!p2 $0x0  }
0x68: {  	[sflag:s0] =	ssyncadd.s32 @!p2 $0xFFFFFF80;
	s0 =	simm.s32 @!p2 $0x2  }
0x69: {  	s28 =	sadd.s32 $0xFFFFFFFF, s28;
	_ =	swait.ge @!p2 [sflag:s0], $0x4000  }
0x6a: {  	p1 =	sne.s32 s28, $0x0;
	[sflag:s0] =	ssyncset.done @!p2 $0x0  }
0x6b: {  	s30 =	simm.s32 @!p2 $0x200;
	[sflag:s0] =	ssyncadd.s32 @!p2 $0xFFFFC000;
	s0 =	simm.s32 @!p2 $0x80  }
0x6c: {  	[tilespmem:s30], [sflag:$0x1] =	stream.indirect.gather @!p2 [hbm4b:s4+s0], $0x80, s29, s0, $0xb8;
	[tilespmem:$0x1BE00] =	vst v63  }
.Ltmp2:
0x6d: {  	_ = 	snop;
	(pc) =	sbr.rel @p1 .LBB2_3-.Ltmp2, $4  }
0x6e: {  	_ = 	snop  }
0x6f: {  	[spmem:s2] =	stream.indirect.scatter.add.f32 [tilespmem:s23], [sflag:$0x3], $0x80, s21, s10, $0xb8;
	[tilespmem:$0x1BE00] =	vst v63  }
0x70: {  	s25 =	sadd.s32 $0x100, s25;
	_ =	swait.ge [sflag:s18], $0x4000  }
0x71: {  	s26 =	sadd.s32 $0x2, s26;
	s29 =	sshrl.u32 s25, $0x3;
	[sflag:s18] =	ssyncset.done $0x0  }
.LBB2_4:
0x72: {  	s0 =	sor.u32 $0x10, s29  }
0x73: {  	[sflag:s18] =	ssyncadd.s32 @p0 $0xFFFFC000;
	s28 =	sadd.s32 s5, s0  }
0x74: {  	[tilespmem:s10], [sflag:$0x3] =	stream.linear.gather [hbm4b:s28+s3], $0x80, $0x38;
	[tilespmem:$0x1BE00] =	vst v63  }
0x75: {  	_ =	swait.ge [sflag:s18], $0x80  }
0x76: {  	[sflag:s18] =	ssyncset.done $0x0  }
0x77: {  	s0 =	sadd.s32 s6, s0;
	[sflag:s18] =	ssyncadd.s32 $0xFFFFFF80  }
0x78: {  	[tilespmem:s21], [sflag:$0x3] =	stream.linear.gather [hbm4b:s0+s3], $0x80, $0x38;
	[tilespmem:$0x1BE00] =	vst v63  }
0x79: {  	_ =	swait.ge [sflag:s18], $0x80  }
0x7a: {  	[sflag:s18] =	ssyncset.done $0x0  }
0x7b: {  	[sflag:s18] =	ssyncadd.s32 $0xFFFFFF80  }
0x7c: {  	_ =	swait.ge [sflag:s22], $0x4000  }
0x7d: {  	[sflag:s22] =	ssyncset.done $0x0  }
0x7e: {  	[sflag:s22] =	ssyncadd.s32 $0xFFFFC000  }
0x7f: {  	[tilespmem:s23], [sflag:$0x2] =	stream.indirect.gather [hbm4b:s4+s10], $0x80, s10, s10, $0xb8;
	[tilespmem:$0x1BE00] =	vst v63  }
0x80: {  	_ = 	snop  }
0x81: {  	[spmem:s2] =	stream.indirect.scatter.add.f32 [tilespmem:s20], [sflag:$0x3], $0x80, s19, s10, $0xb8;
	[tilespmem:$0x1BE00] =	vst v63  }
0x82: {  	_ =	swait.ge [sflag:s18], $0x4000  }
0x83: {  	s31 =	rddreg [dreg:$0x3]  }
0x84: {  	[sflag:s18] =	ssyncset.done $0x0;
	p0 =	sge.u32 s26, s31  }
0x85: {  	[sflag:s18] =	ssyncadd.s32 $0xFFFFC000;
	s0 =	simm.s32 @p0 $0x2  }
0x86: {  	s25 =	sadd.s32 @!p0 $0x100, s25;
	_ =	swait.ge @p0 [sflag:s0], $0x4000  }
0x87: {  	s28 =	simm.s32 @!p0 $0x3;
	s25 =	sshrl.u32 @!p0 s25, $0x3;
	[sflag:s0] =	ssyncset.done @p0 $0x0  }
0x88: {  	s26 =	sadd.s32 @!p0 s5, s25;
	[sflag:s0] =	ssyncadd.s32 @p0 $0xFFFFC000;
	s0 =	simm.s32 @!p0 $0x0  }
0x89: {  	[tilespmem:s0], [sflag:$0x3] =	stream.linear.gather @!p0 [hbm4b:s26+s0], $0x80, $0x38;
	[tilespmem:$0x1BE00] =	vst v63  }
0x8a: {  	_ =	swait.ge @!p0 [sflag:s28], $0x80  }
0x8b: {  	[sflag:s28] =	ssyncset.done @!p0 $0x0  }
0x8c: {  	s25 =	sadd.s32 @!p0 s6, s25;
	s26 =	simm.s32 @!p0 $0x100;
	[sflag:s28] =	ssyncadd.s32 @!p0 $0xFFFFFF80  }
0x8d: {  	[tilespmem:s26], [sflag:$0x3] =	stream.linear.gather @!p0 [hbm4b:s25+s0], $0x80, $0x38;
	[tilespmem:$0x1BE00] =	vst v63  }
0x8e: {  	_ =	swait.ge @!p0 [sflag:s28], $0x80  }
0x8f: {  	[sflag:s28] =	ssyncset.done @!p0 $0x0  }
0x90: {  	s25 =	simm.s32 @!p0 $0x2;
	[sflag:s28] =	ssyncadd.s32 @!p0 $0xFFFFFF80  }
0x91: {  	_ =	swait.ge @!p0 [sflag:s25], $0x4000  }
0x92: {  	[sflag:s25] =	ssyncset.done @!p0 $0x0  }
0x93: {  	s26 =	simm.s32 @!p0 $0x200;
	[sflag:s25] =	ssyncadd.s32 @!p0 $0xFFFFC000;
	s25 =	simm.s32 @!p0 $0x80  }
0x94: {  	[tilespmem:s26], [sflag:$0x1] =	stream.indirect.gather @!p0 [hbm4b:s4+s25], $0x80, s0, s25, $0xb8;
	[tilespmem:$0x1BE00] =	vst v63  }
0x95: {  	_ = 	snop  }
0x96: {  	[spmem:s2] =	stream.indirect.scatter.add.f32 [tilespmem:s23], [sflag:$0x3], $0x80, s21, s10, $0xb8;
	[tilespmem:$0x1BE00] =	vst v63  }
0x97: {  	_ =	swait.ge [sflag:s18], $0x4000  }
0x98: {  	s24 =	sadd.s32 $0x1, s24;
	[sflag:s18] =	ssyncset.done $0x0  }
0x99: {  	p0 =	sne.s32 s24, s16;
	[sflag:s18] =	ssyncadd.s32 $0xFFFFC000  }
.Ltmp3:
0x9a: {  	[bflag:$0x0] =	sbarrier.arrive $0xFFFF;
	(pc) =	sbr.rel @p0 .LBB2_1-.Ltmp3, $4  }
0x9b: {  	[hbm:s15], [sflag:s9] =	dma.local [spmem:s17], $0x2780  }
0x9c: {  	_ =	swait.ge [sflag:s18], $0x2780  }
0x9d: {  	[sflag:s18] =	ssyncset.done $0x0  }
0x9e: {  	[sflag:s18] =	ssyncadd.s32 $0xFFFFD880  }
0x9f: {  	_ =	sfence.sel $0x180000  }
0xa0: {  	[bflag:$0x0] =	sbarrier.arrive $0xFFFF  }
0xa1: {  	_ =	strace $0x9000004D  }
0xa2: {  	[bflag:$0x2] =	sbarrier.arrive $0xFFFF  }
0xa3: {  	p0 =	sne.s32 s1, $0x0;
	s0 =	rddreg [dreg:$0x2]  }
0xa4: {  	s0 =	sadd.s32 @!p0 $0x100000, s0  }
0xa5: {  	[sflag:s0] =	ssyncadd.tile.s32 @!p0 $0x1;
	_ =	shalt  }
.Lfunc_end2:
_tile_overlayer_lowered:
.L_overlay_start_2:
0xa6: {  	(tag) =	ssettag $0x2  }
0xa7: {  	s0 =	rddreg [dreg:$0x0];
	s2 =	stileid.u32  }
0xa8: {  	s1 =	rddreg [dreg:$0x1];
	p0 =	sne.s32 s2, $0x0  }
0xa9: {  	s3 =	rddreg [dreg:$0x2];
	[bflag:$0x3] =	sbarrier.arrive $0xFFFF;
	s2 =	simm.s32 @!p0 $0x1C03  }
0xaa: {  	[timem:s3], [sflag:s2] =	dma.local @!p0 [hbm:s0], s1  }
0xab: {  	s0 =	simm.s32 @!p0 $0x3  }
0xac: {  	_ =	swait.ge @!p0 [sflag:s0], s1  }
0xad: {  	s1 =	ssub.s32 @!p0 $0x0, s1;
	[sflag:s0] =	ssyncset.done @!p0 $0x0  }
0xae: {  	[sflag:s0] =	ssyncadd.s32 @!p0 s1  }
0xaf: {  	[bflag:$0x3] =	sbarrier.arrive $0xFFFF  }
0xb0: {  	_ =	shalt  }

// kernel: kernel.22.cloned.1.call-start
scs
__scs_entry_jumppad:
0x0: {  	(pc) =	sbr.rel $0x88, $3  }
0x1: {  	(tag) =	ssettag $0x0;
	lr =	simm.s32 $0x1  }
0x2: {  	[smem:$0x3F8E] =	sst lr;
	_ =	strace $0xD0000000  }
0x3: {  	_ = 	snop  }
0x4: {  	_ = 	snop  }
0x5: {  	_ = 	snop  }
0x6: {  	_ = 	snop  }
0x7: {  	_ = 	snop  }
__scs_overlays_trampoline_lowered:
0x8: {  	[smem:$0x3F9D] =	sst s0  }
0x9: {  	[smem:$0x3F9E] =	sst s1  }
0xa: {  	[smem:$0x3F9F] =	sst s2  }
0xb: {  	[smem:$0x3FA0] =	sst s3  }
0xc: {  	[smem:$0x3FA1] =	sst s4  }
0xd: {  	[smem:$0x3FA2] =	sst s5  }
0xe: {  	[smem:$0x3FA3] =	sst s6  }
0xf: {  	[smem:$0x3FA4] =	sst s7  }
0x10: {  	[smem:$0x3FA5] =	sst s8  }
0x11: {  	[smem:$0x3FA6] =	sst s9;
	s0 =	simm.s32 @!p0 $0x0  }
0x12: {  	s1 =	sld [smem:$0x3F8C];
	s0 =	simm.s32 @p0 $0x1  }
0x13: {  	[smem:$0x3FA7] =	sst s0;
	s0 =	simm.s32 @!p1 $0x0  }
0x14: {  	s2 =	sld [smem:$0x3F8B];
	s0 =	simm.s32 @p1 $0x1  }
0x15: {  	[smem:$0x3FA8] =	sst s0;
	s0 =	simm.s32 @!p2 $0x0  }
0x16: {  	s3 =	sld [smem:$0x3FDB];
	s0 =	simm.s32 @p2 $0x1  }
0x17: {  	s4 =	simm.s32 $0x1BF5;
	[smem:$0x3FAA] =	sst s0  }
0x18: {  	s0 =	sld [smem:$0x3F8D];
	_ =	swait.ge [sflag:s4], $0x0  }
0x19: {  	s7 =	sld [smem:$0x3F8E]  }
0x1a: {  	s8 =	sadd.s32 $0xFFFFE003, lr  }
0x1b: {  	s9 =	sadd.s32 $0xFFFFFEF7, lr;
	s5 =	simm.s32 $0xFFFFFFFF;
	p2 =	slt.u32 s8, $0xFFFFF086  }
0x1c: {  	p1 =	slt.u32 s9, $0xF7A;
	s5 =	simm.s32 @!p2 $0x0  }
0x1d: {  	s5 =	simm.s32 @p1 $0x1;
	p0 =	seq.s32 s7, s2  }
0x1e: {  	s7 =	smul.u32 @!p0 $0xF7A, s2;
	p2 =	seq.s32 @!p0 s5, $0x0  }
0x1f: {  	s9 =	smul.u32 $0xF7A, s1;
	s8 =	simm.s32 @!p0 $0x1BF5;
	p2 =	por !p2, p0  }
0x20: {  	[sflag:s8] =	ssyncset.s32 @!p0 $0xFFFFF086;
	s6 =	sadd.s32 @!p0 s3, s7;
	s7 =	simm.s32 @!p0 $0x108  }
0x21: {  	s3 =	sadd.s32 s3, s9;
	s6 =	sadd.s32 @!p0 $0x88, s6;
	s7 =	simm.s32 @p2 $0x1082  }
0x22: {  	[simem:s7], [sflag:s8] =	dma.local @!p0 [hbm:s6], $0xF7A  }
0x23: {  	s9 =	sor.u32 $0xD0000000, s2;
	s6 =	simm.s32 $0x108;
	_ =	swait.ge @!p0 [sflag:s8], $0x0  }
0x24: {  	s3 =	sadd.s32 $0x88, s3;
	s6 =	simm.s32 @!p1 $0x1082;
	[sflag:s4] =	ssyncset.s32 $0xFFFFF086  }
0x25: {  	[simem:s6], [sflag:s4] =	dma.local [hbm:s3], $0xF7A  }
0x26: {  	[smem:$0x3F8E] =	sst s1;
	(tag) =	ssettag s2;
	_ =	strace s9  }
0x27: {  	s1 =	sld [smem:$0x3F9E]  }
0x28: {  	s2 =	sld [smem:$0x3F9F]  }
0x29: {  	s4 =	sld [smem:$0x3FA1]  }
0x2a: {  	p0 =	seq.s32 s5, $0x0;
	s5 =	sld [smem:$0x3FA2]  }
0x2b: {  	s6 =	sld [smem:$0x3FA3]  }
0x2c: {  	s7 =	sld [smem:$0x3FA4]  }
0x2d: {  	s3 =	simm.s32 $0x108;
	s8 =	sld [smem:$0x3FA5]  }
0x2e: {  	s3 =	simm.s32 @!p0 $0x1082;
	s9 =	sld [smem:$0x3FA6]  }
0x2f: {  	lr =	sadd.s32 s0, s3;
	s0 =	sld [smem:$0x3F9D]  }
0x30: {  	s3 =	sld [smem:$0x3FA0]  }
0x31: {  	[smem:$0x3FA9] =	sst s10  }
0x32: {  	s10 =	sld [smem:$0x3FA7];
	_ =	sdelay $0x3  }
0x33: {  	p0 =	seq.s32 s10, $0x1;
	s10 =	sld [smem:$0x3FA9];
	_ =	sdelay $0x3  }
0x34: {  	[smem:$0x3FA9] =	sst s10  }
0x35: {  	s10 =	sld [smem:$0x3FA8];
	_ =	sdelay $0x3  }
0x36: {  	p1 =	seq.s32 s10, $0x1;
	s10 =	sld [smem:$0x3FA9];
	_ =	sdelay $0x3  }
0x37: {  	[smem:$0x3FA9] =	sst s10  }
0x38: {  	s10 =	sld [smem:$0x3FAA]  }
0x39: {  	_ = 	snop;
	(pc) =	sbr.ind lr, $3  }
0x3a: {  	_ = 	snop  }
0x3b: {  	_ = 	snop  }
0x3c: {  	p2 =	seq.s32 s10, $0x1;
	s10 =	sld [smem:$0x3FA9]  }
0x3d: {  	_ =	shalt  }
0x3e: {  	_ =	shalt  }
0x3f: {  	_ =	shalt  }
0x40: {  	_ =	shalt  }
0x41: {  	_ =	shalt  }
0x42: {  	_ =	shalt  }
0x43: {  	_ =	shalt  }
0x44: {  	_ =	shalt  }
0x45: {  	_ =	shalt  }
0x46: {  	_ =	shalt  }
0x47: {  	_ =	shalt  }
0x48: {  	_ =	shalt  }
0x49: {  	_ =	shalt  }
0x4a: {  	_ =	shalt  }
0x4b: {  	_ =	shalt  }
0x4c: {  	_ =	shalt  }
0x4d: {  	_ =	shalt  }
0x4e: {  	_ =	shalt  }
0x4f: {  	_ =	shalt  }
0x50: {  	_ =	shalt  }
0x51: {  	_ =	shalt  }
0x52: {  	_ =	shalt  }
0x53: {  	_ =	shalt  }
0x54: {  	_ =	shalt  }
0x55: {  	_ =	shalt  }
0x56: {  	_ =	shalt  }
0x57: {  	_ =	shalt  }
0x58: {  	_ =	shalt  }
0x59: {  	_ =	shalt  }
0x5a: {  	_ =	shalt  }
0x5b: {  	_ =	shalt  }
0x5c: {  	_ =	shalt  }
0x5d: {  	_ =	shalt  }
0x5e: {  	_ =	shalt  }
0x5f: {  	_ =	shalt  }
0x60: {  	_ =	shalt  }
0x61: {  	_ =	shalt  }
0x62: {  	_ =	shalt  }
0x63: {  	_ =	shalt  }
0x64: {  	_ =	shalt  }
0x65: {  	_ =	shalt  }
0x66: {  	_ =	shalt  }
0x67: {  	_ =	shalt  }
0x68: {  	_ =	shalt  }
0x69: {  	_ =	shalt  }
0x6a: {  	_ =	shalt  }
0x6b: {  	_ =	shalt  }
0x6c: {  	_ =	shalt  }
0x6d: {  	_ =	shalt  }
0x6e: {  	_ =	shalt  }
0x6f: {  	_ =	shalt  }
0x70: {  	_ =	shalt  }
0x71: {  	_ =	shalt  }
0x72: {  	_ =	shalt  }
0x73: {  	_ =	shalt  }
0x74: {  	_ =	shalt  }
0x75: {  	_ =	shalt  }
0x76: {  	_ =	shalt  }
0x77: {  	_ =	shalt  }
0x78: {  	_ =	shalt  }
0x79: {  	_ =	shalt  }
0x7a: {  	_ =	shalt  }
0x7b: {  	_ =	shalt  }
0x7c: {  	_ =	shalt  }
0x7d: {  	_ =	shalt  }
0x7e: {  	_ =	shalt  }
0x7f: {  	_ =	shalt  }
0x80: {  	_ =	shalt  }
0x81: {  	_ =	shalt  }
0x82: {  	_ =	shalt  }
0x83: {  	_ =	shalt  }
0x84: {  	_ =	shalt  }
0x85: {  	_ =	shalt  }
0x86: {  	_ =	shalt  }
0x87: {  	_ =	shalt  }
.Lfunc_end0:
.L_simem_size_0:
called_computation.3_lowered:
.L_overlay_start_0:
0x88: {  	s2 =	sld [smem:$0x3FD9]  }
0x89: {  	s3 =	sld [smem:$0x3FFE];
	_ =	sdelay $0x1  }
0x8a: {  	s1 =	srdreg.scid  }
0x8b: {  	s0 =	sand.u32 $0x1, s1  }
0x8c: {  	s16 =	sshll.u32 s0, $0xA;
	s2 =	sadd.s32 s3, s2  }
0x8d: {  	s2 =	sadd.s32 s2, s16  }
0x8e: {  	[smem:$0x3FB5] =	sst s2  }
0x8f: {  	_ = 	snop  }
0x90: {  	(tm) =	ssettm $0x1  }
0x91: {  	s17 =	sld [smem:$0x3FFB];
	_ =	sdelay $0x3  }
0x92: {  	_ =	strace s17  }
0x93: {  	s2 =	sld [smem:$0x3FFC];
	_ =	sdelay $0x3  }
0x94: {  	_ =	strace s2  }
0x95: {  	s2 =	sld [smem:$0x3FFD];
	_ =	sdelay $0x3  }
0x96: {  	_ =	strace s2  }
0x97: {  	_ =	strace $0x8FFFFFFF  }
0x98: {  	s18 =	sld [smem:$0x3FDB];
	_ =	sdelay $0x1  }
0x99: {  	s19 =	simm.s32 $_scs_section_size  }
0x9a: {  	s4 =	simm.s32 $_size__tile_overlayer_lowered;
	s5 =	simm.s32 $_tile_overlayer_lowered  }
0x9b: {  	s22 =	simm.s32 $0x1BFF;
	s21 =	sshll.u32 s5, $0x1;
	s2 =	sadd.s32 s19, s18  }
0x9c: {  	s6 =	simm.s32 $0x0;
	s20 =	sshll.u32 s4, $0x1;
	s4 =	sadd.s32 s21, s2  }
0x9d: {  	[timem:s6], [sflag:s22] =	dma.local [hbm:s4], s20  }
0x9e: {  	_ =	swait.ge [sflag:s22], s20  }
0x9f: {  	s3 =	ssub.s32 $0x0, s20;
	[sflag:s22] =	ssyncset.done $0x0  }
0xa0: {  	[sflag:s22] =	ssyncadd.s32 s3;
	_ =	sdelay $0x1  }
0xa1: {  	s23 =	simm.s32 $0x1B8B  }
0xa2: {  	_ =	swait.ge [sflag:s23], $0x1  }
0xa3: {  	[sflag:s23] =	ssyncset.done $0x0  }
0xa4: {  	s25 =	simm.s32 $0x1B8E;
	s24 =	sld [smem:$0x3FFE];
	[sflag:s23] =	ssyncadd.s32 $0xFFFFFFFF  }
0xa5: {  	s26 =	simm.s32 $execute0_lowered;
	[smem:$0x3FD2] =	sst s25  }
0xa6: {  	s4 =	sshll.u32 s26, $0x1;
	_ =	strace $0x8000004F;
	[dreg:$0x1] =	wrdreg $0xFFFFFFFF  }
0xa7: {  	s28 =	simm.s32 $_size_execute0_lowered;
	s2 =	sadd.s32 s2, s4;
	[dreg:$0x0] =	wrdreg $0x0  }
0xa8: {  	s4 =	sshll.u32 s28, $0x1;
	[dreg:$0x2] =	wrdreg s2  }
0xa9: {  	[dreg:$0x3] =	wrdreg s4  }
0xaa: {  	[dreg:$0x4] =	wrdreg $0xC0  }
0xab: {  	_ =	task [dreg:s6], $0x5FFFF  }
0xac: {  	[dreg:$0x1] =	wrdreg $0xFFFFFFFF  }
0xad: {  	[dreg:$0x0] =	wrdreg $0x60  }
0xae: {  	[dreg:$0x2] =	wrdreg s24  }
0xaf: {  	[dreg:$0x3] =	wrdreg $0x82000  }
0xb0: {  	[dreg:$0x4] =	wrdreg $0x9  }
0xb1: {  	_ =	task.clear_ibuf [dreg:s6], $0x5FFFF;
	_ =	strace $0x9000004F  }
0xb2: {  	s29 =	simm.s32 $0x9;
	_ =	strace $0x80000051  }
0xb3: {  	_ =	swait.ge [sflag:s29], $0x1  }
0xb4: {  	[sflag:s29] =	ssyncadd.s32 $0xFFFFFFFF  }
0xb5: {  	_ =	strace $0x90000051  }
0xb6: {  	_ =	sfence  }
0xb7: {  	s30 =	sld [smem:$0x0];
	_ =	sdelay $0x2  }
0xb8: {  	s31 =	sshll.u32 s1, $0xD;
	s1 =	sshrl.u32 s1, $0x2  }
0xb9: {  	s3 =	sand.u32 $0x4000, s31;
	s1 =	sadd.s32 s1, s30  }
0xba: {  	s0 =	sor.u32 s3, s0;
	s1 =	sshll.u32 s1, $0x11  }
0xbb: {  	s0 =	sor.u32 s1, s0  }
0xbc: {  	s0 =	sadd.s32 $0x8F2B, s0  }
0xbd: {  	[sflag:s0] =	ssyncadd.remote.s32 $0x1  }
0xbe: {  	_ =	sfence.sel $0xFFFF  }
0xbf: {  	[dreg:$0x0] =	wrdreg $0xFFFFFFFF;
	(pc) =	sbr.abs _section_cstart, $3  }
0xc0: {  	[dreg:$0x1] =	wrdreg $0xFFFFFFFF  }
0xc1: {  	_ =	task.clear_ibuf [dreg:s6], $0x2FFFF;
	_ =	strace $0x9FFFFFFF  }
0xc2: {  	(tm) =	ssettm $0x7FFFFFFF  }
0xc3: {  	_ =	shalt  }
tec
execute0_lowered:
.L_overlay_start_1:
0x0: {  	(tag) =	ssettag $0x1  }
0x1: {  	s7 =	rddreg [dreg:$0x0]  }
0x2: {  	s2 =	rddreg [dreg:$0x1];
	s3 =	simm.s32 $0x0  }
0x3: {  	s1 =	stileid.u32;
	s4 =	srdreg.scid;
	s18 =	simm.s32 $0x80  }
0x4: {  	s19 =	simm.s32 $0x100;
	s20 =	simm.s32 $0x200;
	s21 =	simm.s32 $0x180  }
0x5: {  	s22 =	simm.s32 $0x1;
	s23 =	simm.s32 $0x4200;
	s24 =	simm.s32 $0x0  }
0x6: {  	[smem:$0x7FF] =	sst s3;
	s8 =	smul.u32 $0x13C00, s1;
	s9 =	sand.u32 $0x1, s4  }
0x7: {  	s4 =	sadd.s32 $0xFE00, s7;
	s5 =	sadd.s32 $0x86E00, s7;
	s6 =	sadd.s32 $0x5E00, s7  }
0x8: {  	s12 =	smul.u32 $0x4F000, s1;
	s30 =	sshll.u32 s1, $0x6;
	s31 =	sshll.u32 s1, $0xC  }
0x9: {  	_ =	strace $0x80000050;
	s10 =	smul.u32 $0x13C000, s9;
	s29 =	ssub.s32 $0x2, s9  }
0xa: {  	p0 =	seq.s32 s9, $0x0;
	s9 =	sor.u32 $0x1C03, s30;
	s11 =	sshrl.u32 s8, $0x3  }
0xb: {  	s13 =	sshrl.u32 s29, $0x1;
	s12 =	sshrl.u32 s12, $0x2;
	s18 =	simm.s32 @!p0 $0x20  }
0xc: {  	s11 =	sadd.s32 s11, s7;
	s8 =	sadd.s32 s8, s10;
	s16 =	ssub.s32 s29, s13  }
0xd: {  	s17 =	sadd.s32 s12, s2;
	s10 =	simm.s32 $0x80;
	s8 =	sshrl.u32 s8, $0x3  }
0xe: {  	s14 =	sshrl.u32 s18, $0x1;
	s18 =	sadd.s32 $0xFFFFFFFE, s18;
	s15 =	sadd.s32 s8, s7  }
0xf: {  	s7 =	sadd.s32 $0x5E200, s11;
	s11 =	sshll.u32 s1, $0xE;
	s8 =	sor.u32 $0x40000, s31  }
0x10: {  	s16 =	smax.u32 s16, $0x1;
	[dreg:$0x3] =	wrdreg s18;
	s8 =	smov.u32 @p0 s11  }
0x11: {  	s17 =	sshrl.u32 s17, $0x3;
	s18 =	simm.s32 $0x3;
	s11 =	sshrl.u32 s8, $0x3  }
0x12: {  	s15 =	sadd.s32 $0xB8000, s15;
	s12 =	sadd.s32 s5, s11;
	s13 =	sadd.s32 s6, s11  }
.LBB2_1:
0x13: {  	[spmem:s17], [sflag:s9] =	dma.local [hbm:s7], $0x2780  }
0x14: {  	_ =	swait.ge [sflag:s18], $0x2780  }
0x15: {  	[sflag:s18] =	ssyncset.done $0x0  }
0x16: {  	[sflag:s18] =	ssyncadd.s32 $0xFFFFD880  }
0x17: {  	[bflag:$0x0] =	sbarrier.arrive $0xFFFF  }
0x18: {  	[tilespmem:s3], [sflag:$0x3] =	stream.linear.gather [hbm4b:s12+s3], $0x80, $0x38;
	[tilespmem:$0x1BE00] =	vst v63  }
0x19: {  	_ =	swait.ge [sflag:s18], $0x80  }
0x1a: {  	s28 =	sadd.s32 $0xFFFFFFFF, s14;
	[sflag:s18] =	ssyncset.done $0x0  }
0x1b: {  	p1 =	sne.s32 s28, $0x0;
	[sflag:s18] =	ssyncadd.s32 $0xFFFFFF80  }
0x1c: {  	[tilespmem:s19], [sflag:$0x3] =	stream.linear.gather [hbm4b:s13+s3], $0x80, $0x38;
	[tilespmem:$0x1BE00] =	vst v63  }
.Ltmp0:
0x1d: {  	_ = 	snop;
	(pc) =	sbr.rel @!p1 .LBB2_4-.Ltmp0, $4  }
0x1e: {  	_ =	swait.ge [sflag:s18], $0x80  }
0x1f: {  	p0 =	por $0x0, $0x0;
	s29 =	smov.u32 s11;
	[sflag:s18] =	ssyncset.done $0x0  }
0x20: {  	s26 =	simm.s32 $0x0;
	s25 =	smov.u32 s8;
	[sflag:s18] =	ssyncadd.s32 $0xFFFFFF80  }
0x21: {  	[tilespmem:s20], [sflag:$0x1] =	stream.indirect.gather [hbm4b:s4+s10], $0x80, s3, s10, $0xb8;
	[tilespmem:$0x1BE00] =	vst v63  }
0x22: {  	s25 =	sor.u32 $0x10, s11  }
0x23: {  	s26 =	sadd.s32 s5, s25  }
0x24: {  	[tilespmem:s10], [sflag:$0x3] =	stream.linear.gather [hbm4b:s26+s3], $0x80, $0x38;
	[tilespmem:$0x1BE00] =	vst v63  }
0x25: {  	_ =	swait.ge [sflag:s18], $0x80  }
0x26: {  	[sflag:s18] =	ssyncset.done $0x0  }
0x27: {  	s25 =	sadd.s32 s6, s25;
	[sflag:s18] =	ssyncadd.s32 $0xFFFFFF80  }
0x28: {  	[tilespmem:s21], [sflag:$0x3] =	stream.linear.gather [hbm4b:s25+s3], $0x80, $0x38;
	[tilespmem:$0x1BE00] =	vst v63  }
0x29: {  	_ =	swait.ge [sflag:s18], $0x80  }
0x2a: {  	[sflag:s18] =	ssyncset.done $0x0  }
0x2b: {  	[sflag:s18] =	ssyncadd.s32 $0xFFFFFF80  }
0x2c: {  	_ =	swait.ge [sflag:s22], $0x4000  }
0x2d: {  	[sflag:s22] =	ssyncset.done $0x0  }
0x2e: {  	[sflag:s22] =	ssyncadd.s32 $0xFFFFC000  }
0x2f: {  	[tilespmem:s23], [sflag:$0x2] =	stream.indirect.gather [hbm4b:s4+s10], $0x80, s10, s10, $0xb8;
	[tilespmem:$0x1BE00] =	vst v63  }
0x30: {  	_ = 	snop  }
0x31: {  	[spmem:s2] =	stream.indirect.scatter.add.f32 [tilespmem:s20], [sflag:$0x3], $0x80, s19, s10, $0xb8;
	[tilespmem:$0x1BE00] =	vst v63  }
0x32: {  	_ =	swait.ge [sflag:s18], $0x4000  }
0x33: {  	s31 =	rddreg [dreg:$0x3]  }
0x34: {  	[sflag:s18] =	ssyncset.done $0x0;
	p0 =	sle.u32 s31, $0x0  }
0x35: {  	[sflag:s18] =	ssyncadd.s32 $0xFFFFC000;
	s25 =	simm.s32 @p0 $0x2  }
0x36: {  	s26 =	sadd.s32 @!p0 $0x100, s8;
	_ =	swait.ge @p0 [sflag:s25], $0x4000  }
0x37: {  	s30 =	simm.s32 @!p0 $0x3;
	s26 =	sshrl.u32 @!p0 s26, $0x3;
	[sflag:s25] =	ssyncset.done @p0 $0x0  }
0x38: {  	s29 =	sadd.s32 @!p0 s5, s26;
	[sflag:s25] =	ssyncadd.s32 @p0 $0xFFFFC000;
	s25 =	simm.s32 @!p0 $0x0  }
0x39: {  	[tilespmem:s25], [sflag:$0x3] =	stream.linear.gather @!p0 [hbm4b:s29+s25], $0x80, $0x38;
	[tilespmem:$0x1BE00] =	vst v63  }
0x3a: {  	_ =	swait.ge @!p0 [sflag:s30], $0x80  }
0x3b: {  	[sflag:s30] =	ssyncset.done @!p0 $0x0  }
0x3c: {  	s26 =	sadd.s32 @!p0 s6, s26;
	s29 =	simm.s32 @!p0 $0x100;
	[sflag:s30] =	ssyncadd.s32 @!p0 $0xFFFFFF80  }
0x3d: {  	[tilespmem:s29], [sflag:$0x3] =	stream.linear.gather @!p0 [hbm4b:s26+s25], $0x80, $0x38;
	[tilespmem:$0x1BE00] =	vst v63  }
0x3e: {  	_ =	swait.ge @!p0 [sflag:s30], $0x80  }
0x3f: {  	[sflag:s30] =	ssyncset.done @!p0 $0x0  }
0x40: {  	s26 =	simm.s32 @!p0 $0x2;
	[sflag:s30] =	ssyncadd.s32 @!p0 $0xFFFFFF80  }
0x41: {  	s28 =	sadd.s32 $0xFFFFFFFF, s28;
	_ =	swait.ge @!p0 [sflag:s26], $0x4000  }
0x42: {  	p1 =	sne.s32 s28, $0x0;
	[sflag:s26] =	ssyncset.done @!p0 $0x0  }
0x43: {  	s29 =	simm.s32 @!p0 $0x200;
	[sflag:s26] =	ssyncadd.s32 @!p0 $0xFFFFC000;
	s26 =	simm.s32 @!p0 $0x80  }
0x44: {  	[tilespmem:s29], [sflag:$0x1] =	stream.indirect.gather @!p0 [hbm4b:s4+s26], $0x80, s25, s26, $0xb8;
	[tilespmem:$0x1BE00] =	vst v63  }
.Ltmp1:
0x45: {  	_ = 	snop;
	(pc) =	sbr.rel @!p1 .LBB2_4-.Ltmp1, $4  }
0x46: {  	_ = 	snop  }
0x47: {  	[spmem:s2] =	stream.indirect.scatter.add.f32 [tilespmem:s23], [sflag:$0x3], $0x80, s21, s10, $0xb8;
	[tilespmem:$0x1BE00] =	vst v63  }
0x48: {  	s25 =	sadd.s32 $0x100, s8;
	s26 =	simm.s32 $0x2;
	_ =	swait.ge [sflag:s18], $0x4000  }
0x49: {  	p0 =	por $0x1, $0x1;
	s29 =	sshrl.u32 s25, $0x3;
	[sflag:s18] =	ssyncset.done $0x0  }
.LBB2_3:
0x4a: {  	s29 =	sor.u32 $0x10, s29  }
0x4b: {  	[sflag:s18] =	ssyncadd.s32 $0xFFFFC000;
	s30 =	sadd.s32 s5, s29  }
0x4c: {  	[tilespmem:s10], [sflag:$0x3] =	stream.linear.gather [hbm4b:s30+s3], $0x80, $0x38;
	[tilespmem:$0x1BE00] =	vst v63  }
0x4d: {  	_ =	swait.ge [sflag:s18], $0x80  }
0x4e: {  	[sflag:s18] =	ssyncset.done $0x0  }
0x4f: {  	s29 =	sadd.s32 s6, s29;
	[sflag:s18] =	ssyncadd.s32 $0xFFFFFF80  }
0x50: {  	[tilespmem:s21], [sflag:$0x3] =	stream.linear.gather [hbm4b:s29+s3], $0x80, $0x38;
	[tilespmem:$0x1BE00] =	vst v63  }
0x51: {  	_ =	swait.ge [sflag:s18], $0x80  }
0x52: {  	[sflag:s18] =	ssyncset.done $0x0  }
0x53: {  	[sflag:s18] =	ssyncadd.s32 $0xFFFFFF80  }
0x54: {  	_ =	swait.ge [sflag:s22], $0x4000  }
0x55: {  	[sflag:s22] =	ssyncset.done $0x0  }
0x56: {  	[sflag:s22] =	ssyncadd.s32 $0xFFFFC000  }
0x57: {  	[tilespmem:s23], [sflag:$0x2] =	stream.indirect.gather [hbm4b:s4+s10], $0x80, s10, s10, $0xb8;
	[tilespmem:$0x1BE00] =	vst v63  }
0x58: {  	_ = 	snop  }
0x59: {  	[spmem:s2] =	stream.indirect.scatter.add.f32 [tilespmem:s20], [sflag:$0x3], $0x80, s19, s10, $0xb8;
	[tilespmem:$0x1BE00] =	vst v63  }
0x5a: {  	_ =	swait.ge [sflag:s18], $0x4000  }
0x5b: {  	s29 =	rddreg [dreg:$0x3]  }
0x5c: {  	[sflag:s18] =	ssyncset.done $0x0;
	p2 =	sge.u32 s26, s29  }
0x5d: {  	[sflag:s18] =	ssyncadd.s32 $0xFFFFC000;
	s29 =	simm.s32 @p2 $0x2  }
0x5e: {  	s30 =	sadd.s32 @!p2 $0x100, s25;
	_ =	swait.ge @p2 [sflag:s29], $0x4000  }
0x5f: {  	s0 =	simm.s32 @!p2 $0x3;
	s30 =	sshrl.u32 @!p2 s30, $0x3;
	[sflag:s29] =	ssyncset.done @p2 $0x0  }
0x60: {  	s31 =	sadd.s32 @!p2 s5, s30;
	[sflag:s29] =	ssyncadd.s32 @p2 $0xFFFFC000;
	s29 =	simm.s32 @!p2 $0x0  }
0x61: {  	[tilespmem:s29], [sflag:$0x3] =	stream.linear.gather @!p2 [hbm4b:s31+s29], $0x80, $0x38;
	[tilespmem:$0x1BE00] =	vst v63  }
0x62: {  	_ =	swait.ge @!p2 [sflag:s0], $0x80  }
0x63: {  	[sflag:s0] =	ssyncset.done @!p2 $0x0  }
0x64: {  	s30 =	sadd.s32 @!p2 s6, s30;
	s31 =	simm.s32 @!p2 $0x100;
	[sflag:s0] =	ssyncadd.s32 @!p2 $0xFFFFFF80  }
0x65: {  	[tilespmem:s31], [sflag:$0x3] =	stream.linear.gather @!p2 [hbm4b:s30+s29], $0x80, $0x38;
	[tilespmem:$0x1BE00] =	vst v63  }
0x66: {  	_ =	swait.ge @!p2 [sflag:s0], $0x80  }
0x67: {  	[sflag:s0] =	ssyncset.done @!p2 $0x0  }
0x68: {  	[sflag:s0] =	ssyncadd.s32 @!p2 $0xFFFFFF80;
	s0 =	simm.s32 @!p2 $0x2  }
0x69: {  	s28 =	sadd.s32 $0xFFFFFFFF, s28;
	_ =	swait.ge @!p2 [sflag:s0], $0x4000  }
0x6a: {  	p1 =	sne.s32 s28, $0x0;
	[sflag:s0] =	ssyncset.done @!p2 $0x0  }
0x6b: {  	s30 =	simm.s32 @!p2 $0x200;
	[sflag:s0] =	ssyncadd.s32 @!p2 $0xFFFFC000;
	s0 =	simm.s32 @!p2 $0x80  }
0x6c: {  	[tilespmem:s30], [sflag:$0x1] =	stream.indirect.gather @!p2 [hbm4b:s4+s0], $0x80, s29, s0, $0xb8;
	[tilespmem:$0x1BE00] =	vst v63  }
.Ltmp2:
0x6d: {  	_ = 	snop;
	(pc) =	sbr.rel @p1 .LBB2_3-.Ltmp2, $4  }
0x6e: {  	_ = 	snop  }
0x6f: {  	[spmem:s2] =	stream.indirect.scatter.add.f32 [tilespmem:s23], [sflag:$0x3], $0x80, s21, s10, $0xb8;
	[tilespmem:$0x1BE00] =	vst v63  }
0x70: {  	s25 =	sadd.s32 $0x100, s25;
	_ =	swait.ge [sflag:s18], $0x4000  }
0x71: {  	s26 =	sadd.s32 $0x2, s26;
	s29 =	sshrl.u32 s25, $0x3;
	[sflag:s18] =	ssyncset.done $0x0  }
.LBB2_4:
0x72: {  	s0 =	sor.u32 $0x10, s29  }
0x73: {  	[sflag:s18] =	ssyncadd.s32 @p0 $0xFFFFC000;
	s28 =	sadd.s32 s5, s0  }
0x74: {  	[tilespmem:s10], [sflag:$0x3] =	stream.linear.gather [hbm4b:s28+s3], $0x80, $0x38;
	[tilespmem:$0x1BE00] =	vst v63  }
0x75: {  	_ =	swait.ge [sflag:s18], $0x80  }
0x76: {  	[sflag:s18] =	ssyncset.done $0x0  }
0x77: {  	s0 =	sadd.s32 s6, s0;
	[sflag:s18] =	ssyncadd.s32 $0xFFFFFF80  }
0x78: {  	[tilespmem:s21], [sflag:$0x3] =	stream.linear.gather [hbm4b:s0+s3], $0x80, $0x38;
	[tilespmem:$0x1BE00] =	vst v63  }
0x79: {  	_ =	swait.ge [sflag:s18], $0x80  }
0x7a: {  	[sflag:s18] =	ssyncset.done $0x0  }
0x7b: {  	[sflag:s18] =	ssyncadd.s32 $0xFFFFFF80  }
0x7c: {  	_ =	swait.ge [sflag:s22], $0x4000  }
0x7d: {  	[sflag:s22] =	ssyncset.done $0x0  }
0x7e: {  	[sflag:s22] =	ssyncadd.s32 $0xFFFFC000  }
0x7f: {  	[tilespmem:s23], [sflag:$0x2] =	stream.indirect.gather [hbm4b:s4+s10], $0x80, s10, s10, $0xb8;
	[tilespmem:$0x1BE00] =	vst v63  }
0x80: {  	_ = 	snop  }
0x81: {  	[spmem:s2] =	stream.indirect.scatter.add.f32 [tilespmem:s20], [sflag:$0x3], $0x80, s19, s10, $0xb8;
	[tilespmem:$0x1BE00] =	vst v63  }
0x82: {  	_ =	swait.ge [sflag:s18], $0x4000  }
0x83: {  	s31 =	rddreg [dreg:$0x3]  }
0x84: {  	[sflag:s18] =	ssyncset.done $0x0;
	p0 =	sge.u32 s26, s31  }
0x85: {  	[sflag:s18] =	ssyncadd.s32 $0xFFFFC000;
	s0 =	simm.s32 @p0 $0x2  }
0x86: {  	s25 =	sadd.s32 @!p0 $0x100, s25;
	_ =	swait.ge @p0 [sflag:s0], $0x4000  }
0x87: {  	s28 =	simm.s32 @!p0 $0x3;
	s25 =	sshrl.u32 @!p0 s25, $0x3;
	[sflag:s0] =	ssyncset.done @p0 $0x0  }
0x88: {  	s26 =	sadd.s32 @!p0 s5, s25;
	[sflag:s0] =	ssyncadd.s32 @p0 $0xFFFFC000;
	s0 =	simm.s32 @!p0 $0x0  }
0x89: {  	[tilespmem:s0], [sflag:$0x3] =	stream.linear.gather @!p0 [hbm4b:s26+s0], $0x80, $0x38;
	[tilespmem:$0x1BE00] =	vst v63  }
0x8a: {  	_ =	swait.ge @!p0 [sflag:s28], $0x80  }
0x8b: {  	[sflag:s28] =	ssyncset.done @!p0 $0x0  }
0x8c: {  	s25 =	sadd.s32 @!p0 s6, s25;
	s26 =	simm.s32 @!p0 $0x100;
	[sflag:s28] =	ssyncadd.s32 @!p0 $0xFFFFFF80  }
0x8d: {  	[tilespmem:s26], [sflag:$0x3] =	stream.linear.gather @!p0 [hbm4b:s25+s0], $0x80, $0x38;
	[tilespmem:$0x1BE00] =	vst v63  }
0x8e: {  	_ =	swait.ge @!p0 [sflag:s28], $0x80  }
0x8f: {  	[sflag:s28] =	ssyncset.done @!p0 $0x0  }
0x90: {  	s25 =	simm.s32 @!p0 $0x2;
	[sflag:s28] =	ssyncadd.s32 @!p0 $0xFFFFFF80  }
0x91: {  	_ =	swait.ge @!p0 [sflag:s25], $0x4000  }
0x92: {  	[sflag:s25] =	ssyncset.done @!p0 $0x0  }
0x93: {  	s26 =	simm.s32 @!p0 $0x200;
	[sflag:s25] =	ssyncadd.s32 @!p0 $0xFFFFC000;
	s25 =	simm.s32 @!p0 $0x80  }
0x94: {  	[tilespmem:s26], [sflag:$0x1] =	stream.indirect.gather @!p0 [hbm4b:s4+s25], $0x80, s0, s25, $0xb8;
	[tilespmem:$0x1BE00] =	vst v63  }
0x95: {  	_ = 	snop  }
0x96: {  	[spmem:s2] =	stream.indirect.scatter.add.f32 [tilespmem:s23], [sflag:$0x3], $0x80, s21, s10, $0xb8;
	[tilespmem:$0x1BE00] =	vst v63  }
0x97: {  	_ =	swait.ge [sflag:s18], $0x4000  }
0x98: {  	s24 =	sadd.s32 $0x1, s24;
	[sflag:s18] =	ssyncset.done $0x0  }
0x99: {  	p0 =	sne.s32 s24, s16;
	[sflag:s18] =	ssyncadd.s32 $0xFFFFC000  }
.Ltmp3:
0x9a: {  	[bflag:$0x0] =	sbarrier.arrive $0xFFFF;
	(pc) =	sbr.rel @p0 .LBB2_1-.Ltmp3, $4  }
0x9b: {  	[hbm:s15], [sflag:s9] =	dma.local [spmem:s17], $0x2780  }
0x9c: {  	_ =	swait.ge [sflag:s18], $0x2780  }
0x9d: {  	[sflag:s18] =	ssyncset.done $0x0  }
0x9e: {  	[sflag:s18] =	ssyncadd.s32 $0xFFFFD880  }
0x9f: {  	_ =	sfence.sel $0x180000  }
0xa0: {  	[bflag:$0x0] =	sbarrier.arrive $0xFFFF  }
0xa1: {  	_ =	strace $0x90000050  }
0xa2: {  	[bflag:$0x2] =	sbarrier.arrive $0xFFFF  }
0xa3: {  	p0 =	sne.s32 s1, $0x0;
	s0 =	rddreg [dreg:$0x2]  }
0xa4: {  	s0 =	sadd.s32 @!p0 $0x100000, s0  }
0xa5: {  	[sflag:s0] =	ssyncadd.tile.s32 @!p0 $0x1;
	_ =	shalt  }
.Lfunc_end2:
_tile_overlayer_lowered:
.L_overlay_start_2:
0xa6: {  	(tag) =	ssettag $0x2  }
0xa7: {  	s0 =	rddreg [dreg:$0x0];
	s2 =	stileid.u32  }
0xa8: {  	s1 =	rddreg [dreg:$0x1];
	p0 =	sne.s32 s2, $0x0  }
0xa9: {  	s3 =	rddreg [dreg:$0x2];
	[bflag:$0x3] =	sbarrier.arrive $0xFFFF;
	s2 =	simm.s32 @!p0 $0x1C03  }
0xaa: {  	[timem:s3], [sflag:s2] =	dma.local @!p0 [hbm:s0], s1  }
0xab: {  	s0 =	simm.s32 @!p0 $0x3  }
0xac: {  	_ =	swait.ge @!p0 [sflag:s0], s1  }
0xad: {  	s1 =	ssub.s32 @!p0 $0x0, s1;
	[sflag:s0] =	ssyncset.done @!p0 $0x0  }
0xae: {  	[sflag:s0] =	ssyncadd.s32 @!p0 s1  }
0xaf: {  	[bflag:$0x3] =	sbarrier.arrive $0xFFFF  }
0xb0: {  	_ =	shalt  }

// kernel: kernel.25.cloned.1.call-start
scs
__scs_entry_jumppad:
0x0: {  	(pc) =	sbr.rel $0x88, $3  }
0x1: {  	(tag) =	ssettag $0x0;
	lr =	simm.s32 $0x1  }
0x2: {  	[smem:$0x3F8E] =	sst lr;
	_ =	strace $0xD0000000  }
0x3: {  	_ = 	snop  }
0x4: {  	_ = 	snop  }
0x5: {  	_ = 	snop  }
0x6: {  	_ = 	snop  }
0x7: {  	_ = 	snop  }
__scs_overlays_trampoline_lowered:
0x8: {  	[smem:$0x3F9D] =	sst s0  }
0x9: {  	[smem:$0x3F9E] =	sst s1  }
0xa: {  	[smem:$0x3F9F] =	sst s2  }
0xb: {  	[smem:$0x3FA0] =	sst s3  }
0xc: {  	[smem:$0x3FA1] =	sst s4  }
0xd: {  	[smem:$0x3FA2] =	sst s5  }
0xe: {  	[smem:$0x3FA3] =	sst s6  }
0xf: {  	[smem:$0x3FA4] =	sst s7  }
0x10: {  	[smem:$0x3FA5] =	sst s8  }
0x11: {  	[smem:$0x3FA6] =	sst s9;
	s0 =	simm.s32 @!p0 $0x0  }
0x12: {  	s1 =	sld [smem:$0x3F8C];
	s0 =	simm.s32 @p0 $0x1  }
0x13: {  	[smem:$0x3FA7] =	sst s0;
	s0 =	simm.s32 @!p1 $0x0  }
0x14: {  	s2 =	sld [smem:$0x3F8B];
	s0 =	simm.s32 @p1 $0x1  }
0x15: {  	[smem:$0x3FA8] =	sst s0;
	s0 =	simm.s32 @!p2 $0x0  }
0x16: {  	s3 =	sld [smem:$0x3FDB];
	s0 =	simm.s32 @p2 $0x1  }
0x17: {  	s4 =	simm.s32 $0x1BF5;
	[smem:$0x3FAA] =	sst s0  }
0x18: {  	s0 =	sld [smem:$0x3F8D];
	_ =	swait.ge [sflag:s4], $0x0  }
0x19: {  	s7 =	sld [smem:$0x3F8E]  }
0x1a: {  	s8 =	sadd.s32 $0xFFFFE003, lr  }
0x1b: {  	s9 =	sadd.s32 $0xFFFFFEF7, lr;
	s5 =	simm.s32 $0xFFFFFFFF;
	p2 =	slt.u32 s8, $0xFFFFF086  }
0x1c: {  	p1 =	slt.u32 s9, $0xF7A;
	s5 =	simm.s32 @!p2 $0x0  }
0x1d: {  	s5 =	simm.s32 @p1 $0x1;
	p0 =	seq.s32 s7, s2  }
0x1e: {  	s7 =	smul.u32 @!p0 $0xF7A, s2;
	p2 =	seq.s32 @!p0 s5, $0x0  }
0x1f: {  	s9 =	smul.u32 $0xF7A, s1;
	s8 =	simm.s32 @!p0 $0x1BF5;
	p2 =	por !p2, p0  }
0x20: {  	[sflag:s8] =	ssyncset.s32 @!p0 $0xFFFFF086;
	s6 =	sadd.s32 @!p0 s3, s7;
	s7 =	simm.s32 @!p0 $0x108  }
0x21: {  	s3 =	sadd.s32 s3, s9;
	s6 =	sadd.s32 @!p0 $0x88, s6;
	s7 =	simm.s32 @p2 $0x1082  }
0x22: {  	[simem:s7], [sflag:s8] =	dma.local @!p0 [hbm:s6], $0xF7A  }
0x23: {  	s9 =	sor.u32 $0xD0000000, s2;
	s6 =	simm.s32 $0x108;
	_ =	swait.ge @!p0 [sflag:s8], $0x0  }
0x24: {  	s3 =	sadd.s32 $0x88, s3;
	s6 =	simm.s32 @!p1 $0x1082;
	[sflag:s4] =	ssyncset.s32 $0xFFFFF086  }
0x25: {  	[simem:s6], [sflag:s4] =	dma.local [hbm:s3], $0xF7A  }
0x26: {  	[smem:$0x3F8E] =	sst s1;
	(tag) =	ssettag s2;
	_ =	strace s9  }
0x27: {  	s1 =	sld [smem:$0x3F9E]  }
0x28: {  	s2 =	sld [smem:$0x3F9F]  }
0x29: {  	s4 =	sld [smem:$0x3FA1]  }
0x2a: {  	p0 =	seq.s32 s5, $0x0;
	s5 =	sld [smem:$0x3FA2]  }
0x2b: {  	s6 =	sld [smem:$0x3FA3]  }
0x2c: {  	s7 =	sld [smem:$0x3FA4]  }
0x2d: {  	s3 =	simm.s32 $0x108;
	s8 =	sld [smem:$0x3FA5]  }
0x2e: {  	s3 =	simm.s32 @!p0 $0x1082;
	s9 =	sld [smem:$0x3FA6]  }
0x2f: {  	lr =	sadd.s32 s0, s3;
	s0 =	sld [smem:$0x3F9D]  }
0x30: {  	s3 =	sld [smem:$0x3FA0]  }
0x31: {  	[smem:$0x3FA9] =	sst s10  }
0x32: {  	s10 =	sld [smem:$0x3FA7];
	_ =	sdelay $0x3  }
0x33: {  	p0 =	seq.s32 s10, $0x1;
	s10 =	sld [smem:$0x3FA9];
	_ =	sdelay $0x3  }
0x34: {  	[smem:$0x3FA9] =	sst s10  }
0x35: {  	s10 =	sld [smem:$0x3FA8];
	_ =	sdelay $0x3  }
0x36: {  	p1 =	seq.s32 s10, $0x1;
	s10 =	sld [smem:$0x3FA9];
	_ =	sdelay $0x3  }
0x37: {  	[smem:$0x3FA9] =	sst s10  }
0x38: {  	s10 =	sld [smem:$0x3FAA]  }
0x39: {  	_ = 	snop;
	(pc) =	sbr.ind lr, $3  }
0x3a: {  	_ = 	snop  }
0x3b: {  	_ = 	snop  }
0x3c: {  	p2 =	seq.s32 s10, $0x1;
	s10 =	sld [smem:$0x3FA9]  }
0x3d: {  	_ =	shalt  }
0x3e: {  	_ =	shalt  }
0x3f: {  	_ =	shalt  }
0x40: {  	_ =	shalt  }
0x41: {  	_ =	shalt  }
0x42: {  	_ =	shalt  }
0x43: {  	_ =	shalt  }
0x44: {  	_ =	shalt  }
0x45: {  	_ =	shalt  }
0x46: {  	_ =	shalt  }
0x47: {  	_ =	shalt  }
0x48: {  	_ =	shalt  }
0x49: {  	_ =	shalt  }
0x4a: {  	_ =	shalt  }
0x4b: {  	_ =	shalt  }
0x4c: {  	_ =	shalt  }
0x4d: {  	_ =	shalt  }
0x4e: {  	_ =	shalt  }
0x4f: {  	_ =	shalt  }
0x50: {  	_ =	shalt  }
0x51: {  	_ =	shalt  }
0x52: {  	_ =	shalt  }
0x53: {  	_ =	shalt  }
0x54: {  	_ =	shalt  }
0x55: {  	_ =	shalt  }
0x56: {  	_ =	shalt  }
0x57: {  	_ =	shalt  }
0x58: {  	_ =	shalt  }
0x59: {  	_ =	shalt  }
0x5a: {  	_ =	shalt  }
0x5b: {  	_ =	shalt  }
0x5c: {  	_ =	shalt  }
0x5d: {  	_ =	shalt  }
0x5e: {  	_ =	shalt  }
0x5f: {  	_ =	shalt  }
0x60: {  	_ =	shalt  }
0x61: {  	_ =	shalt  }
0x62: {  	_ =	shalt  }
0x63: {  	_ =	shalt  }
0x64: {  	_ =	shalt  }
0x65: {  	_ =	shalt  }
0x66: {  	_ =	shalt  }
0x67: {  	_ =	shalt  }
0x68: {  	_ =	shalt  }
0x69: {  	_ =	shalt  }
0x6a: {  	_ =	shalt  }
0x6b: {  	_ =	shalt  }
0x6c: {  	_ =	shalt  }
0x6d: {  	_ =	shalt  }
0x6e: {  	_ =	shalt  }
0x6f: {  	_ =	shalt  }
0x70: {  	_ =	shalt  }
0x71: {  	_ =	shalt  }
0x72: {  	_ =	shalt  }
0x73: {  	_ =	shalt  }
0x74: {  	_ =	shalt  }
0x75: {  	_ =	shalt  }
0x76: {  	_ =	shalt  }
0x77: {  	_ =	shalt  }
0x78: {  	_ =	shalt  }
0x79: {  	_ =	shalt  }
0x7a: {  	_ =	shalt  }
0x7b: {  	_ =	shalt  }
0x7c: {  	_ =	shalt  }
0x7d: {  	_ =	shalt  }
0x7e: {  	_ =	shalt  }
0x7f: {  	_ =	shalt  }
0x80: {  	_ =	shalt  }
0x81: {  	_ =	shalt  }
0x82: {  	_ =	shalt  }
0x83: {  	_ =	shalt  }
0x84: {  	_ =	shalt  }
0x85: {  	_ =	shalt  }
0x86: {  	_ =	shalt  }
0x87: {  	_ =	shalt  }
.Lfunc_end0:
.L_simem_size_0:
called_computation.4_lowered:
.L_overlay_start_0:
0x88: {  	s2 =	sld [smem:$0x3FD9]  }
0x89: {  	s3 =	sld [smem:$0x3FFE];
	_ =	sdelay $0x1  }
0x8a: {  	s1 =	srdreg.scid  }
0x8b: {  	s0 =	sand.u32 $0x1, s1  }
0x8c: {  	s17 =	sshll.u32 s0, $0xA;
	s2 =	sadd.s32 s3, s2  }
0x8d: {  	s2 =	sadd.s32 s2, s17  }
0x8e: {  	[smem:$0x3FB5] =	sst s2  }
0x8f: {  	_ = 	snop  }
0x90: {  	s2 =	sld [smem:$0x3FD0];
	(tm) =	ssettm $0x1  }
0x91: {  	s18 =	sld [smem:$0x3FFB];
	_ =	sdelay $0x3  }
0x92: {  	_ =	strace s18  }
0x93: {  	s3 =	sld [smem:$0x3FFC];
	_ =	sdelay $0x3  }
0x94: {  	_ =	strace s3  }
0x95: {  	s3 =	sld [smem:$0x3FFD];
	_ =	sdelay $0x3  }
0x96: {  	_ =	strace s3  }
0x97: {  	_ =	strace $0x8FFFFFFF  }
0x98: {  	s19 =	sld [smem:$0x3FDB];
	_ =	sdelay $0x1  }
0x99: {  	s4 =	simm.s32 $_scs_section_size  }
0x9a: {  	s5 =	simm.s32 $_size__tile_overlayer_lowered;
	s6 =	simm.s32 $_tile_overlayer_lowered  }
0x9b: {  	s22 =	simm.s32 $0x1BFF;
	s21 =	sshll.u32 s6, $0x1;
	s3 =	sadd.s32 s4, s19  }
0x9c: {  	s7 =	simm.s32 $0x0;
	s20 =	sshll.u32 s5, $0x1;
	s5 =	sadd.s32 s21, s3  }
0x9d: {  	[timem:s7], [sflag:s22] =	dma.local [hbm:s5], s20  }
0x9e: {  	_ =	swait.ge [sflag:s22], s20  }
0x9f: {  	s4 =	ssub.s32 $0x0, s20;
	[sflag:s22] =	ssyncset.done $0x0  }
0xa0: {  	[sflag:s22] =	ssyncadd.s32 s4;
	_ =	sdelay $0x1  }
0xa1: {  	s23 =	simm.s32 $0x1B8B  }
0xa2: {  	_ =	swait.ge [sflag:s23], $0x1  }
0xa3: {  	[sflag:s23] =	ssyncset.done $0x0  }
0xa4: {  	s25 =	simm.s32 $0x1B8E;
	s24 =	sld [smem:$0x3FFE];
	[sflag:s23] =	ssyncadd.s32 $0xFFFFFFFF  }
0xa5: {  	s26 =	simm.s32 $execute0_lowered;
	[smem:$0x3FD2] =	sst s25  }
0xa6: {  	s5 =	sshll.u32 s26, $0x1;
	_ =	strace $0x80000052;
	[dreg:$0x1] =	wrdreg $0xFFFFFFFF  }
0xa7: {  	s28 =	simm.s32 $_size_execute0_lowered;
	s3 =	sadd.s32 s3, s5;
	[dreg:$0x0] =	wrdreg $0x0  }
0xa8: {  	s5 =	sshll.u32 s28, $0x1;
	[dreg:$0x2] =	wrdreg s3  }
0xa9: {  	[dreg:$0x3] =	wrdreg s5  }
0xaa: {  	[dreg:$0x4] =	wrdreg $0xC0  }
0xab: {  	_ =	task [dreg:s7], $0x5FFFF  }
0xac: {  	[dreg:$0x1] =	wrdreg $0xFFFFFFFF  }
0xad: {  	[dreg:$0x0] =	wrdreg $0x60  }
0xae: {  	[dreg:$0x2] =	wrdreg s24  }
0xaf: {  	[dreg:$0x3] =	wrdreg s2  }
0xb0: {  	[dreg:$0x4] =	wrdreg $0x2A100  }
0xb1: {  	[dreg:$0x5] =	wrdreg $0x9  }
0xb2: {  	_ =	task.clear_ibuf [dreg:s7], $0x6FFFF;
	_ =	strace $0x90000052  }
0xb3: {  	s29 =	simm.s32 $0x9;
	_ =	strace $0x80000054  }
0xb4: {  	_ =	swait.ge [sflag:s29], $0x1  }
0xb5: {  	[sflag:s29] =	ssyncadd.s32 $0xFFFFFFFF  }
0xb6: {  	_ =	strace $0x90000054  }
0xb7: {  	_ =	sfence  }
0xb8: {  	s30 =	sld [smem:$0x0];
	_ =	sdelay $0x2  }
0xb9: {  	s31 =	sshll.u32 s1, $0xD;
	s1 =	sshrl.u32 s1, $0x2  }
0xba: {  	s3 =	sand.u32 $0x4000, s31;
	s1 =	sadd.s32 s1, s30  }
0xbb: {  	s0 =	sor.u32 s3, s0;
	s1 =	sshll.u32 s1, $0x11  }
0xbc: {  	s0 =	sor.u32 s1, s0  }
0xbd: {  	s0 =	sadd.s32 $0x8F2B, s0  }
0xbe: {  	[sflag:s0] =	ssyncadd.remote.s32 $0x1  }
0xbf: {  	_ =	sfence.sel $0xFFFF  }
0xc0: {  	[dreg:$0x0] =	wrdreg $0xFFFFFFFF;
	(pc) =	sbr.abs _section_cstart, $3  }
0xc1: {  	[dreg:$0x1] =	wrdreg $0xFFFFFFFF  }
0xc2: {  	_ =	task.clear_ibuf [dreg:s7], $0x2FFFF;
	_ =	strace $0x9FFFFFFF  }
0xc3: {  	(tm) =	ssettm $0x7FFFFFFF  }
tec
execute0_lowered:
.L_overlay_start_1:
0x0: {  	(tag) =	ssettag $0x1  }
0x1: {  	s0 =	rddreg [dreg:$0x0]  }
0x2: {  	s2 =	rddreg [dreg:$0x2];
	s4 =	simm.s32 $0x0;
	s15 =	stileid.u32  }
0x3: {  	s3 =	srdreg.scid;
	s18 =	simm.s32 $0x3;
	s20 =	simm.s32 $0x100  }
0x4: {  	s21 =	simm.s32 $0x80;
	s23 =	simm.s32 $0x1200;
	s24 =	simm.s32 $0x180  }
0x5: {  	s25 =	simm.s32 $0x1;
	s28 =	simm.s32 $0x1A00;
	s29 =	simm.s32 $0x2200  }
0x6: {  	s30 =	simm.s32 $0x0;
	[smem:$0x7FF] =	sst s4;
	s5 =	sadd.s32 $0x37000, s0  }
0x7: {  	s1 =	smul.u32 $0x2780, s15;
	s6 =	sadd.s32 $0x3C000, s0;
	s7 =	sadd.s32 $0x86E00, s0  }
0x8: {  	s3 =	sand.u32 $0x1, s3;
	s8 =	sadd.s32 $0x5E00, s0;
	s26 =	sshll.u32 s15, $0x6  }
0x9: {  	_ =	strace $0x80000053;
	s10 =	smul.u32 $0x27800, s3;
	s12 =	sshll.u32 s3, $0x4  }
0xa: {  	s3 =	ssub.s32 $0x2, s3;
	s9 =	sshrl.u32 s1, $0x3;
	s12 =	sor.u32 s15, s12  }
0xb: {  	s14 =	sshrl.u32 s3, $0x1;
	s11 =	sadd.s32 s9, s0;
	s9 =	sadd.s32 $0x90E00, s0  }
0xc: {  	s10 =	sadd.s32 s1, s10;
	s3 =	ssub.s32 s3, s14;
	s1 =	sadd.s32 s1, s2  }
0xd: {  	s13 =	sshrl.u32 s10, $0x3;
	s10 =	smul.u32 $0x2800, s12;
	s11 =	sadd.s32 $0x41000, s11  }
0xe: {  	s12 =	sor.u32 $0x1C03, s26;
	s16 =	smax.u32 s3, $0x1;
	s17 =	sshrl.u32 s1, $0x3  }
0xf: {  	s26 =	simm.s32 $0xA00;
	s0 =	sadd.s32 s13, s0;
	s31 =	sshrl.u32 s10, $0x3  }
0x10: {  	s15 =	sadd.s32 $0x46000, s0;
	s13 =	sadd.s32 s7, s31;
	s14 =	sadd.s32 s8, s31  }
.LBB2_1:
0x11: {  	[spmem:s17], [sflag:s12] =	dma.local [hbm:s11], $0x4F0  }
0x12: {  	_ =	swait.ge [sflag:s18], $0x4F0  }
0x13: {  	[sflag:s18] =	ssyncset.done $0x0  }
0x14: {  	[sflag:s18] =	ssyncadd.s32 $0xFFFFFB10  }
0x15: {  	s1 =	simm.s32 $0x2A00;
	s0 =	rddreg [dreg:$0x1]  }
0x16: {  	[tilespmem:s1], [sflag:$0x3] =	stream.linear.gather [hbm4b:s0+s4], $0x10, $0x38;
	[tilespmem:$0x5190] =	vst v63  }
0x17: {  	_ =	swait.ge [sflag:s18], $0x10  }
0x18: {  	[sflag:s18] =	ssyncset.done $0x0  }
0x19: {  	[sflag:s18] =	ssyncadd.s32 $0xFFFFFFF0  }
0x1a: {  	[bflag:$0x0] =	sbarrier.arrive $0xFFFF  }
0x1b: {  	[tilespmem:s4], [sflag:$0x3] =	stream.linear.gather [hbm4b:s13+s4], $0x80, $0x38;
	[tilespmem:$0x5190] =	vst v63  }
0x1c: {  	_ =	swait.ge [sflag:s18], $0x80  }
0x1d: {  	[sflag:s18] =	ssyncset.done $0x0  }
0x1e: {  	[sflag:s18] =	ssyncadd.s32 $0xFFFFFF80  }
0x1f: {  	[tilespmem:s20], [sflag:$0x3] =	stream.linear.gather [hbm4b:s14+s4], $0x80, $0x38;
	[tilespmem:$0x5190] =	vst v63  }
0x20: {  	_ =	swait.ge [sflag:s18], $0x80  }
0x21: {  	[sflag:s18] =	ssyncset.done $0x0  }
0x22: {  	s22 =	simm.s32 $0x200;
	[sflag:s18] =	ssyncadd.s32 $0xFFFFFF80  }
0x23: {  	[tilespmem:s22], [sflag:$0x1] =	stream.indirect.gather [hbm4b:s5+s21], $0x10, s4, s21, $0xb8;
	[tilespmem:$0x5190] =	vst v63  }
0x24: {  	s31 =	simm.s32 $0x0  }
0x25: {  	[tilespmem:s23], [sflag:$0x1] =	stream.indirect.gather [hbm4b:s6+s21], $0x10, s20, s21, $0xb8;
	[tilespmem:$0x5190] =	vst v63  }
.LBB2_2:
0x26: {  	s0 =	sshll.u32 s31, $0x8  }
0x27: {  	s3 =	sadd.s32 s10, s0  }
0x28: {  	s0 =	sor.u32 $0x80, s3  }
0x29: {  	s1 =	sshrl.u32 s0, $0x3  }
0x2a: {  	s22 =	simm.s32 $0x0;
	s19 =	sadd.s32 s7, s1  }
0x2b: {  	[tilespmem:s21], [sflag:$0x3] =	stream.linear.gather [hbm4b:s19+s22], $0x80, $0x38;
	[tilespmem:$0x5190] =	vst v63  }
0x2c: {  	_ =	swait.ge [sflag:s18], $0x80  }
0x2d: {  	[sflag:s18] =	ssyncset.done $0x0  }
0x2e: {  	s1 =	sadd.s32 s8, s1;
	[sflag:s18] =	ssyncadd.s32 $0xFFFFFF80  }
0x2f: {  	[tilespmem:s24], [sflag:$0x3] =	stream.linear.gather [hbm4b:s1+s22], $0x80, $0x38;
	[tilespmem:$0x5190] =	vst v63  }
0x30: {  	_ =	swait.ge [sflag:s18], $0x80  }
0x31: {  	[sflag:s18] =	ssyncset.done $0x0  }
0x32: {  	[sflag:s18] =	ssyncadd.s32 $0xFFFFFF80  }
0x33: {  	_ =	swait.ge [sflag:s25], $0x800  }
0x34: {  	[sflag:s25] =	ssyncset.done $0x0  }
0x35: {  	[sflag:s25] =	ssyncadd.s32 $0xFFFFF800  }
0x36: {  	_ =	swait.ge [sflag:s25], $0x800  }
0x37: {  	[sflag:s25] =	ssyncset.done $0x0  }
0x38: {  	[sflag:s25] =	ssyncadd.s32 $0xFFFFF800  }
0x39: {  	[tilespmem:s26], [sflag:$0x2] =	stream.indirect.gather [hbm4b:s5+s21], $0x10, s21, s21, $0xb8;
	[tilespmem:$0x5190] =	vst v63  }
0x3a: {  	s1 =	simm.s32 $0x0  }
0x3b: {  	[tilespmem:s28], [sflag:$0x2] =	stream.indirect.gather [hbm4b:s6+s21], $0x10, s24, s21, $0xb8;
	[tilespmem:$0x5190] =	vst v63  }
0x3c: {  	v0 =	vld [tilespmem:s1+$0x200]  }
0x3d: {  	v1 =	vld [tilespmem:s1+$0x1200];
	_ =	sdelay $0x4  }
0x3e: {  	v2 =	vld [tilespmem:$0x2A00];
	v0 =	vadd.f32 v1, v0;
	_ =	sdelay $0x1  }
0x3f: {  	v1 =	vmul.f32 $2.000000030e-01, v0;
	_ =	sdelay $0x1  }
0x40: {  	v0 =	vmax.f32 v0, v1  }
0x41: {  	v0 =	vsub.f32 v0, v2;
	_ =	sdelay $0x1  }
0x42: {  	v0 =	vmul.f32 $1.442695020e+00, v0;
	_ =	sdelay $0x1  }
0x43: {  	(erf) = vpow2.f32 v0;
	_ =	sdelay $0x3  }
0x44: {  	s22 =	simm.s32 $0x10  }
0x45: {  	s19 =	simm.s32 $0x80;
	v0 =	vld [tilespmem:s22+$0x200]  }
.LBB2_3:
0x46: {  	p0 =	sne.s32 s19, $0x1FC0;
	v1 =	vld [tilespmem:s22+$0x1200];
	_ =	sdelay $0x2  }
0x47: {  	v2 =	vpop (erf)  }
0x48: {  	[tilespmem:s1+$0x2200] =	vst v2;
	s1 =	smov.u32 s22  }
0x49: {  	v2 =	vld [tilespmem:$0x2A00];
	v0 =	vadd.f32 v1, v0;
	_ =	sdelay $0x1  }
0x4a: {  	v1 =	vmul.f32 $2.000000030e-01, v0;
	_ =	sdelay $0x1  }
0x4b: {  	v0 =	vmax.f32 v0, v1  }
0x4c: {  	v0 =	vsub.f32 v0, v2;
	_ =	sdelay $0x1  }
0x4d: {  	v0 =	vmul.f32 $1.442695020e+00, v0;
	_ =	sdelay $0x1  }
0x4e: {  	(erf) = vpow2.f32 v0  }
.Ltmp0:
0x4f: {  	(pc) =	sbr.rel @p0 .LBB2_3-.Ltmp0, $3  }
0x50: {  	_ =	sdelay $0x1  }
0x51: {  	s22 =	sshra.s32 s19, $0x2  }
0x52: {  	s19 =	sadd.s32 $0x40, s19;
	v0 =	vld [tilespmem:s22+$0x200]  }
0x53: {  	v1 =	vld [tilespmem:s22+$0x1200];
	_ =	sdelay $0x2  }
0x54: {  	v2 =	vpop (erf)  }
0x55: {  	[tilespmem:s1+$0x2200] =	vst v2  }
0x56: {  	v2 =	vld [tilespmem:$0x2A00];
	v0 =	vadd.f32 v1, v0;
	_ =	sdelay $0x1  }
0x57: {  	v1 =	vmul.f32 $2.000000030e-01, v0;
	_ =	sdelay $0x1  }
0x58: {  	v0 =	vmax.f32 v0, v1  }
0x59: {  	v0 =	vsub.f32 v0, v2;
	_ =	sdelay $0x1  }
0x5a: {  	v0 =	vmul.f32 $1.442695020e+00, v0;
	_ =	sdelay $0x1  }
0x5b: {  	(erf) = vpow2.f32 v0;
	_ =	sdelay $0x8  }
0x5c: {  	s19 =	sshll.u32 s3, $0x1;
	v0 =	vpop (erf)  }
0x5d: {  	s1 =	sadd.s32 s9, s19;
	[tilespmem:s22+$0x2200] =	vst v0  }
0x5e: {  	[hbm4b:s1+s4] =	stream.linear.scatter [tilespmem:s29], [sflag:$0x3], $0x800, $0x38;
	[tilespmem:$0x5190] =	vst v63  }
0x5f: {  	_ =	swait.ge [sflag:s18], $0x800  }
0x60: {  	[sflag:s18] =	ssyncset.done $0x0  }
0x61: {  	[sflag:s18] =	ssyncadd.s32 $0xFFFFF800  }
0x62: {  	[spmem:s2] =	stream.indirect.scatter.add.f32 [tilespmem:s29], [sflag:$0x3], $0x10, s20, s21, $0xb8;
	[tilespmem:$0x5190] =	vst v63  }
0x63: {  	_ =	swait.ge [sflag:s18], $0x800  }
0x64: {  	p0 =	seq.s32 s31, $0x27;
	[sflag:s18] =	ssyncset.done $0x0  }
0x65: {  	s1 =	simm.s32 @p0 $0x2;
	[sflag:s18] =	ssyncadd.s32 $0xFFFFF800  }
0x66: {  	_ =	swait.ge @p0 [sflag:s1], $0x800  }
0x67: {  	[sflag:s1] =	ssyncset.done @p0 $0x0  }
0x68: {  	[sflag:s1] =	ssyncadd.s32 @p0 $0xFFFFF800  }
0x69: {  	s3 =	sshrl.u32 @!p0 s3, $0x3;
	_ =	swait.ge @p0 [sflag:s1], $0x800  }
0x6a: {  	s3 =	sadd.s32 @!p0 $0x20, s3;
	[sflag:s1] =	ssyncset.done @p0 $0x0  }
0x6b: {  	s19 =	simm.s32 @!p0 $0x0;
	[sflag:s1] =	ssyncadd.s32 @p0 $0xFFFFF800;
	s1 =	sadd.s32 @!p0 s7, s3  }
0x6c: {  	[tilespmem:s19], [sflag:$0x3] =	stream.linear.gather @!p0 [hbm4b:s1+s19], $0x80, $0x38;
	[tilespmem:$0x5190] =	vst v63  }
0x6d: {  	s1 =	simm.s32 @!p0 $0x3  }
0x6e: {  	_ =	swait.ge @!p0 [sflag:s1], $0x80  }
0x6f: {  	[sflag:s1] =	ssyncset.done @!p0 $0x0  }
0x70: {  	s22 =	simm.s32 @!p0 $0x100;
	s3 =	sadd.s32 @!p0 s8, s3;
	[sflag:s1] =	ssyncadd.s32 @!p0 $0xFFFFFF80  }
0x71: {  	[tilespmem:s22], [sflag:$0x3] =	stream.linear.gather @!p0 [hbm4b:s3+s19], $0x80, $0x38;
	[tilespmem:$0x5190] =	vst v63  }
0x72: {  	_ =	swait.ge @!p0 [sflag:s1], $0x80  }
0x73: {  	[sflag:s1] =	ssyncset.done @!p0 $0x0  }
0x74: {  	[sflag:s1] =	ssyncadd.s32 @!p0 $0xFFFFFF80;
	s1 =	simm.s32 @!p0 $0x2  }
0x75: {  	_ =	swait.ge @!p0 [sflag:s1], $0x800  }
0x76: {  	[sflag:s1] =	ssyncset.done @!p0 $0x0  }
0x77: {  	[sflag:s1] =	ssyncadd.s32 @!p0 $0xFFFFF800  }
0x78: {  	_ =	swait.ge @!p0 [sflag:s1], $0x800  }
0x79: {  	[sflag:s1] =	ssyncset.done @!p0 $0x0  }
0x7a: {  	s3 =	simm.s32 @!p0 $0x200;
	[sflag:s1] =	ssyncadd.s32 @!p0 $0xFFFFF800;
	s1 =	simm.s32 @!p0 $0x80  }
0x7b: {  	[tilespmem:s3], [sflag:$0x1] =	stream.indirect.gather @!p0 [hbm4b:s5+s1], $0x10, s19, s1, $0xb8;
	[tilespmem:$0x5190] =	vst v63  }
0x7c: {  	s3 =	simm.s32 @!p0 $0x1200  }
0x7d: {  	[tilespmem:s3], [sflag:$0x1] =	stream.indirect.gather @!p0 [hbm4b:s6+s1], $0x10, s22, s1, $0xb8;
	[tilespmem:$0x5190] =	vst v63  }
0x7e: {  	s1 =	simm.s32 $0x0  }
0x7f: {  	v0 =	vld [tilespmem:s1+$0xA00]  }
0x80: {  	v1 =	vld [tilespmem:s1+$0x1A00];
	_ =	sdelay $0x4  }
0x81: {  	v2 =	vld [tilespmem:$0x2A00];
	v0 =	vadd.f32 v1, v0;
	_ =	sdelay $0x1  }
0x82: {  	v1 =	vmul.f32 $2.000000030e-01, v0;
	_ =	sdelay $0x1  }
0x83: {  	v0 =	vmax.f32 v0, v1  }
0x84: {  	v0 =	vsub.f32 v0, v2;
	_ =	sdelay $0x1  }
0x85: {  	v0 =	vmul.f32 $1.442695020e+00, v0;
	_ =	sdelay $0x1  }
0x86: {  	(erf) = vpow2.f32 v0;
	_ =	sdelay $0x3  }
0x87: {  	s19 =	simm.s32 $0x10  }
0x88: {  	s3 =	simm.s32 $0x80;
	v0 =	vld [tilespmem:s19+$0xA00]  }
.LBB2_5:
0x89: {  	p0 =	sne.s32 s3, $0x1FC0;
	v1 =	vld [tilespmem:s19+$0x1A00];
	_ =	sdelay $0x2  }
0x8a: {  	v2 =	vpop (erf)  }
0x8b: {  	[tilespmem:s1+$0x2200] =	vst v2;
	s1 =	smov.u32 s19  }
0x8c: {  	v2 =	vld [tilespmem:$0x2A00];
	v0 =	vadd.f32 v1, v0;
	_ =	sdelay $0x1  }
0x8d: {  	v1 =	vmul.f32 $2.000000030e-01, v0;
	_ =	sdelay $0x1  }
0x8e: {  	v0 =	vmax.f32 v0, v1  }
0x8f: {  	v0 =	vsub.f32 v0, v2;
	_ =	sdelay $0x1  }
0x90: {  	v0 =	vmul.f32 $1.442695020e+00, v0;
	_ =	sdelay $0x1  }
0x91: {  	(erf) = vpow2.f32 v0  }
.Ltmp1:
0x92: {  	(pc) =	sbr.rel @p0 .LBB2_5-.Ltmp1, $3  }
0x93: {  	_ =	sdelay $0x1  }
0x94: {  	s19 =	sshra.s32 s3, $0x2  }
0x95: {  	s3 =	sadd.s32 $0x40, s3;
	v0 =	vld [tilespmem:s19+$0xA00]  }
0x96: {  	v1 =	vld [tilespmem:s19+$0x1A00];
	_ =	sdelay $0x2  }
0x97: {  	v2 =	vpop (erf)  }
0x98: {  	[tilespmem:s1+$0x2200] =	vst v2  }
0x99: {  	v2 =	vld [tilespmem:$0x2A00];
	v0 =	vadd.f32 v1, v0;
	_ =	sdelay $0x1  }
0x9a: {  	v1 =	vmul.f32 $2.000000030e-01, v0;
	_ =	sdelay $0x1  }
0x9b: {  	v0 =	vmax.f32 v0, v1  }
0x9c: {  	v0 =	vsub.f32 v0, v2;
	_ =	sdelay $0x1  }
0x9d: {  	v0 =	vmul.f32 $1.442695020e+00, v0;
	_ =	sdelay $0x1  }
0x9e: {  	(erf) = vpow2.f32 v0;
	_ =	sdelay $0x7  }
0x9f: {  	s0 =	sshll.u32 s0, $0x1  }
0xa0: {  	s0 =	sand.u32 $0x1FFFFF00, s0;
	v0 =	vpop (erf)  }
0xa1: {  	s0 =	sadd.s32 s9, s0;
	[tilespmem:s19+$0x2200] =	vst v0  }
0xa2: {  	[hbm4b:s0+s4] =	stream.linear.scatter [tilespmem:s29], [sflag:$0x3], $0x800, $0x38;
	[tilespmem:$0x5190] =	vst v63  }
0xa3: {  	s31 =	sadd.s32 $0x1, s31;
	_ =	swait.ge [sflag:s18], $0x800  }
0xa4: {  	p0 =	sne.s32 s31, $0x28;
	[sflag:s18] =	ssyncset.done $0x0  }
.Ltmp2:
0xa5: {  	[sflag:s18] =	ssyncadd.s32 $0xFFFFF800;
	(pc) =	sbr.rel @p0 .LBB2_2-.Ltmp2, $4  }
0xa6: {  	[spmem:s2] =	stream.indirect.scatter.add.f32 [tilespmem:s29], [sflag:$0x3], $0x10, s24, s21, $0xb8;
	[tilespmem:$0x5190] =	vst v63  }
0xa7: {  	_ =	swait.ge [sflag:s18], $0x800  }
0xa8: {  	[sflag:s18] =	ssyncset.done $0x0  }
0xa9: {  	[sflag:s18] =	ssyncadd.s32 $0xFFFFF800  }
0xaa: {  	s30 =	sadd.s32 $0x1, s30  }
0xab: {  	p0 =	sne.s32 s30, s16  }
.Ltmp3:
0xac: {  	[bflag:$0x0] =	sbarrier.arrive $0xFFFF;
	(pc) =	sbr.rel @p0 .LBB2_1-.Ltmp3, $4  }
0xad: {  	[hbm:s15], [sflag:s12] =	dma.local [spmem:s17], $0x4F0  }
0xae: {  	_ =	swait.ge [sflag:s18], $0x4F0  }
0xaf: {  	[sflag:s18] =	ssyncset.done $0x0  }
0xb0: {  	[sflag:s18] =	ssyncadd.s32 $0xFFFFFB10  }
0xb1: {  	_ =	sfence.sel $0x180000  }
0xb2: {  	[bflag:$0x0] =	sbarrier.arrive $0xFFFF  }
0xb3: {  	_ =	strace $0x90000053  }
0xb4: {  	s0 =	stileid.u32;
	[bflag:$0x2] =	sbarrier.arrive $0xFFFF  }
0xb5: {  	p0 =	sne.s32 s0, $0x0;
	s0 =	rddreg [dreg:$0x3]  }
0xb6: {  	s0 =	sadd.s32 @!p0 $0x100000, s0  }
0xb7: {  	[sflag:s0] =	ssyncadd.tile.s32 @!p0 $0x1;
	_ =	shalt  }
.Lfunc_end2:
_tile_overlayer_lowered:
.L_overlay_start_2:
0xb8: {  	(tag) =	ssettag $0x2  }
0xb9: {  	s0 =	rddreg [dreg:$0x0];
	s2 =	stileid.u32  }
0xba: {  	s1 =	rddreg [dreg:$0x1];
	p0 =	sne.s32 s2, $0x0  }
0xbb: {  	s3 =	rddreg [dreg:$0x2];
	[bflag:$0x3] =	sbarrier.arrive $0xFFFF;
	s2 =	simm.s32 @!p0 $0x1C03  }
0xbc: {  	[timem:s3], [sflag:s2] =	dma.local @!p0 [hbm:s0], s1  }
0xbd: {  	s0 =	simm.s32 @!p0 $0x3  }
0xbe: {  	_ =	swait.ge @!p0 [sflag:s0], s1  }
0xbf: {  	s1 =	ssub.s32 @!p0 $0x0, s1;
	[sflag:s0] =	ssyncset.done @!p0 $0x0  }
0xc0: {  	[sflag:s0] =	ssyncadd.s32 @!p0 s1  }
0xc1: {  	[bflag:$0x3] =	sbarrier.arrive $0xFFFF  }
0xc2: {  	_ =	shalt  }

// kernel: kernel.28.cloned.1.call-start
scs
__scs_entry_jumppad:
0x0: {  	(pc) =	sbr.rel $0x88, $3  }
0x1: {  	(tag) =	ssettag $0x0;
	lr =	simm.s32 $0x1  }
0x2: {  	[smem:$0x3F8E] =	sst lr;
	_ =	strace $0xD0000000  }
0x3: {  	_ = 	snop  }
0x4: {  	_ = 	snop  }
0x5: {  	_ = 	snop  }
0x6: {  	_ = 	snop  }
0x7: {  	_ = 	snop  }
__scs_overlays_trampoline_lowered:
0x8: {  	[smem:$0x3F9D] =	sst s0  }
0x9: {  	[smem:$0x3F9E] =	sst s1  }
0xa: {  	[smem:$0x3F9F] =	sst s2  }
0xb: {  	[smem:$0x3FA0] =	sst s3  }
0xc: {  	[smem:$0x3FA1] =	sst s4  }
0xd: {  	[smem:$0x3FA2] =	sst s5  }
0xe: {  	[smem:$0x3FA3] =	sst s6  }
0xf: {  	[smem:$0x3FA4] =	sst s7  }
0x10: {  	[smem:$0x3FA5] =	sst s8  }
0x11: {  	[smem:$0x3FA6] =	sst s9;
	s0 =	simm.s32 @!p0 $0x0  }
0x12: {  	s1 =	sld [smem:$0x3F8C];
	s0 =	simm.s32 @p0 $0x1  }
0x13: {  	[smem:$0x3FA7] =	sst s0;
	s0 =	simm.s32 @!p1 $0x0  }
0x14: {  	s2 =	sld [smem:$0x3F8B];
	s0 =	simm.s32 @p1 $0x1  }
0x15: {  	[smem:$0x3FA8] =	sst s0;
	s0 =	simm.s32 @!p2 $0x0  }
0x16: {  	s3 =	sld [smem:$0x3FDB];
	s0 =	simm.s32 @p2 $0x1  }
0x17: {  	s4 =	simm.s32 $0x1BF5;
	[smem:$0x3FAA] =	sst s0  }
0x18: {  	s0 =	sld [smem:$0x3F8D];
	_ =	swait.ge [sflag:s4], $0x0  }
0x19: {  	s7 =	sld [smem:$0x3F8E]  }
0x1a: {  	s8 =	sadd.s32 $0xFFFFE003, lr  }
0x1b: {  	s9 =	sadd.s32 $0xFFFFFEF7, lr;
	s5 =	simm.s32 $0xFFFFFFFF;
	p2 =	slt.u32 s8, $0xFFFFF086  }
0x1c: {  	p1 =	slt.u32 s9, $0xF7A;
	s5 =	simm.s32 @!p2 $0x0  }
0x1d: {  	s5 =	simm.s32 @p1 $0x1;
	p0 =	seq.s32 s7, s2  }
0x1e: {  	s7 =	smul.u32 @!p0 $0xF7A, s2;
	p2 =	seq.s32 @!p0 s5, $0x0  }
0x1f: {  	s9 =	smul.u32 $0xF7A, s1;
	s8 =	simm.s32 @!p0 $0x1BF5;
	p2 =	por !p2, p0  }
0x20: {  	[sflag:s8] =	ssyncset.s32 @!p0 $0xFFFFF086;
	s6 =	sadd.s32 @!p0 s3, s7;
	s7 =	simm.s32 @!p0 $0x108  }
0x21: {  	s3 =	sadd.s32 s3, s9;
	s6 =	sadd.s32 @!p0 $0x88, s6;
	s7 =	simm.s32 @p2 $0x1082  }
0x22: {  	[simem:s7], [sflag:s8] =	dma.local @!p0 [hbm:s6], $0xF7A  }
0x23: {  	s9 =	sor.u32 $0xD0000000, s2;
	s6 =	simm.s32 $0x108;
	_ =	swait.ge @!p0 [sflag:s8], $0x0  }
0x24: {  	s3 =	sadd.s32 $0x88, s3;
	s6 =	simm.s32 @!p1 $0x1082;
	[sflag:s4] =	ssyncset.s32 $0xFFFFF086  }
0x25: {  	[simem:s6], [sflag:s4] =	dma.local [hbm:s3], $0xF7A  }
0x26: {  	[smem:$0x3F8E] =	sst s1;
	(tag) =	ssettag s2;
	_ =	strace s9  }
0x27: {  	s1 =	sld [smem:$0x3F9E]  }
0x28: {  	s2 =	sld [smem:$0x3F9F]  }
0x29: {  	s4 =	sld [smem:$0x3FA1]  }
0x2a: {  	p0 =	seq.s32 s5, $0x0;
	s5 =	sld [smem:$0x3FA2]  }
0x2b: {  	s6 =	sld [smem:$0x3FA3]  }
0x2c: {  	s7 =	sld [smem:$0x3FA4]  }
0x2d: {  	s3 =	simm.s32 $0x108;
	s8 =	sld [smem:$0x3FA5]  }
0x2e: {  	s3 =	simm.s32 @!p0 $0x1082;
	s9 =	sld [smem:$0x3FA6]  }
0x2f: {  	lr =	sadd.s32 s0, s3;
	s0 =	sld [smem:$0x3F9D]  }
0x30: {  	s3 =	sld [smem:$0x3FA0]  }
0x31: {  	[smem:$0x3FA9] =	sst s10  }
0x32: {  	s10 =	sld [smem:$0x3FA7];
	_ =	sdelay $0x3  }
0x33: {  	p0 =	seq.s32 s10, $0x1;
	s10 =	sld [smem:$0x3FA9];
	_ =	sdelay $0x3  }
0x34: {  	[smem:$0x3FA9] =	sst s10  }
0x35: {  	s10 =	sld [smem:$0x3FA8];
	_ =	sdelay $0x3  }
0x36: {  	p1 =	seq.s32 s10, $0x1;
	s10 =	sld [smem:$0x3FA9];
	_ =	sdelay $0x3  }
0x37: {  	[smem:$0x3FA9] =	sst s10  }
0x38: {  	s10 =	sld [smem:$0x3FAA]  }
0x39: {  	_ = 	snop;
	(pc) =	sbr.ind lr, $3  }
0x3a: {  	_ = 	snop  }
0x3b: {  	_ = 	snop  }
0x3c: {  	p2 =	seq.s32 s10, $0x1;
	s10 =	sld [smem:$0x3FA9]  }
0x3d: {  	_ =	shalt  }
0x3e: {  	_ =	shalt  }
0x3f: {  	_ =	shalt  }
0x40: {  	_ =	shalt  }
0x41: {  	_ =	shalt  }
0x42: {  	_ =	shalt  }
0x43: {  	_ =	shalt  }
0x44: {  	_ =	shalt  }
0x45: {  	_ =	shalt  }
0x46: {  	_ =	shalt  }
0x47: {  	_ =	shalt  }
0x48: {  	_ =	shalt  }
0x49: {  	_ =	shalt  }
0x4a: {  	_ =	shalt  }
0x4b: {  	_ =	shalt  }
0x4c: {  	_ =	shalt  }
0x4d: {  	_ =	shalt  }
0x4e: {  	_ =	shalt  }
0x4f: {  	_ =	shalt  }
0x50: {  	_ =	shalt  }
0x51: {  	_ =	shalt  }
0x52: {  	_ =	shalt  }
0x53: {  	_ =	shalt  }
0x54: {  	_ =	shalt  }
0x55: {  	_ =	shalt  }
0x56: {  	_ =	shalt  }
0x57: {  	_ =	shalt  }
0x58: {  	_ =	shalt  }
0x59: {  	_ =	shalt  }
0x5a: {  	_ =	shalt  }
0x5b: {  	_ =	shalt  }
0x5c: {  	_ =	shalt  }
0x5d: {  	_ =	shalt  }
0x5e: {  	_ =	shalt  }
0x5f: {  	_ =	shalt  }
0x60: {  	_ =	shalt  }
0x61: {  	_ =	shalt  }
0x62: {  	_ =	shalt  }
0x63: {  	_ =	shalt  }
0x64: {  	_ =	shalt  }
0x65: {  	_ =	shalt  }
0x66: {  	_ =	shalt  }
0x67: {  	_ =	shalt  }
0x68: {  	_ =	shalt  }
0x69: {  	_ =	shalt  }
0x6a: {  	_ =	shalt  }
0x6b: {  	_ =	shalt  }
0x6c: {  	_ =	shalt  }
0x6d: {  	_ =	shalt  }
0x6e: {  	_ =	shalt  }
0x6f: {  	_ =	shalt  }
0x70: {  	_ =	shalt  }
0x71: {  	_ =	shalt  }
0x72: {  	_ =	shalt  }
0x73: {  	_ =	shalt  }
0x74: {  	_ =	shalt  }
0x75: {  	_ =	shalt  }
0x76: {  	_ =	shalt  }
0x77: {  	_ =	shalt  }
0x78: {  	_ =	shalt  }
0x79: {  	_ =	shalt  }
0x7a: {  	_ =	shalt  }
0x7b: {  	_ =	shalt  }
0x7c: {  	_ =	shalt  }
0x7d: {  	_ =	shalt  }
0x7e: {  	_ =	shalt  }
0x7f: {  	_ =	shalt  }
0x80: {  	_ =	shalt  }
0x81: {  	_ =	shalt  }
0x82: {  	_ =	shalt  }
0x83: {  	_ =	shalt  }
0x84: {  	_ =	shalt  }
0x85: {  	_ =	shalt  }
0x86: {  	_ =	shalt  }
0x87: {  	_ =	shalt  }
.Lfunc_end0:
.L_simem_size_0:
called_computation.5_lowered:
.L_overlay_start_0:
0x88: {  	s2 =	sld [smem:$0x3FD9]  }
0x89: {  	s3 =	sld [smem:$0x3FFE];
	_ =	sdelay $0x1  }
0x8a: {  	s1 =	srdreg.scid  }
0x8b: {  	s0 =	sand.u32 $0x1, s1  }
0x8c: {  	s16 =	sshll.u32 s0, $0xA;
	s2 =	sadd.s32 s3, s2  }
0x8d: {  	s2 =	sadd.s32 s2, s16  }
0x8e: {  	[smem:$0x3FB5] =	sst s2  }
0x8f: {  	_ = 	snop  }
0x90: {  	(tm) =	ssettm $0x1  }
0x91: {  	s17 =	sld [smem:$0x3FFB];
	_ =	sdelay $0x3  }
0x92: {  	_ =	strace s17  }
0x93: {  	s2 =	sld [smem:$0x3FFC];
	_ =	sdelay $0x3  }
0x94: {  	_ =	strace s2  }
0x95: {  	s2 =	sld [smem:$0x3FFD];
	_ =	sdelay $0x3  }
0x96: {  	_ =	strace s2  }
0x97: {  	_ =	strace $0x8FFFFFFF  }
0x98: {  	s18 =	sld [smem:$0x3FDB];
	_ =	sdelay $0x1  }
0x99: {  	s19 =	simm.s32 $_scs_section_size  }
0x9a: {  	s4 =	simm.s32 $_size__tile_overlayer_lowered;
	s5 =	simm.s32 $_tile_overlayer_lowered  }
0x9b: {  	s22 =	simm.s32 $0x1BFF;
	s21 =	sshll.u32 s5, $0x1;
	s2 =	sadd.s32 s19, s18  }
0x9c: {  	s6 =	simm.s32 $0x0;
	s20 =	sshll.u32 s4, $0x1;
	s4 =	sadd.s32 s21, s2  }
0x9d: {  	[timem:s6], [sflag:s22] =	dma.local [hbm:s4], s20  }
0x9e: {  	_ =	swait.ge [sflag:s22], s20  }
0x9f: {  	s3 =	ssub.s32 $0x0, s20;
	[sflag:s22] =	ssyncset.done $0x0  }
0xa0: {  	[sflag:s22] =	ssyncadd.s32 s3;
	_ =	sdelay $0x1  }
0xa1: {  	s23 =	simm.s32 $0x1B8B  }
0xa2: {  	_ =	swait.ge [sflag:s23], $0x1  }
0xa3: {  	[sflag:s23] =	ssyncset.done $0x0  }
0xa4: {  	s25 =	simm.s32 $0x1B8E;
	s24 =	sld [smem:$0x3FFE];
	[sflag:s23] =	ssyncadd.s32 $0xFFFFFFFF  }
0xa5: {  	s26 =	simm.s32 $execute0_lowered;
	[smem:$0x3FD2] =	sst s25  }
0xa6: {  	s4 =	sshll.u32 s26, $0x1;
	_ =	strace $0x80000055;
	[dreg:$0x1] =	wrdreg $0xFFFFFFFF  }
0xa7: {  	s28 =	simm.s32 $_size_execute0_lowered;
	s2 =	sadd.s32 s2, s4;
	[dreg:$0x0] =	wrdreg $0x0  }
0xa8: {  	s4 =	sshll.u32 s28, $0x1;
	[dreg:$0x2] =	wrdreg s2  }
0xa9: {  	[dreg:$0x3] =	wrdreg s4  }
0xaa: {  	[dreg:$0x4] =	wrdreg $0xC0  }
0xab: {  	_ =	task [dreg:s6], $0x5FFFF  }
0xac: {  	[dreg:$0x1] =	wrdreg $0xFFFFFFFF  }
0xad: {  	[dreg:$0x0] =	wrdreg $0x60  }
0xae: {  	[dreg:$0x2] =	wrdreg s24  }
0xaf: {  	[dreg:$0x3] =	wrdreg $0x49000  }
0xb0: {  	[dreg:$0x4] =	wrdreg $0x9  }
0xb1: {  	_ =	task.clear_ibuf [dreg:s6], $0x5FFFF;
	_ =	strace $0x90000055  }
0xb2: {  	s29 =	simm.s32 $0x9;
	_ =	strace $0x80000057  }
0xb3: {  	_ =	swait.ge [sflag:s29], $0x1  }
0xb4: {  	[sflag:s29] =	ssyncadd.s32 $0xFFFFFFFF  }
0xb5: {  	_ =	strace $0x90000057  }
0xb6: {  	_ =	sfence  }
0xb7: {  	s30 =	sld [smem:$0x0];
	_ =	sdelay $0x2  }
0xb8: {  	s31 =	sshll.u32 s1, $0xD;
	s1 =	sshrl.u32 s1, $0x2  }
0xb9: {  	s3 =	sand.u32 $0x4000, s31;
	s1 =	sadd.s32 s1, s30  }
0xba: {  	s0 =	sor.u32 s3, s0;
	s1 =	sshll.u32 s1, $0x11  }
0xbb: {  	s0 =	sor.u32 s1, s0  }
0xbc: {  	s0 =	sadd.s32 $0x8F2B, s0  }
0xbd: {  	[sflag:s0] =	ssyncadd.remote.s32 $0x1  }
0xbe: {  	_ =	sfence.sel $0xFFFF  }
0xbf: {  	[dreg:$0x0] =	wrdreg $0xFFFFFFFF;
	(pc) =	sbr.abs _section_cstart, $3  }
0xc0: {  	[dreg:$0x1] =	wrdreg $0xFFFFFFFF  }
0xc1: {  	_ =	task.clear_ibuf [dreg:s6], $0x2FFFF;
	_ =	strace $0x9FFFFFFF  }
0xc2: {  	(tm) =	ssettm $0x7FFFFFFF  }
0xc3: {  	_ =	shalt  }
tec
execute0_lowered:
.L_overlay_start_1:
0x0: {  	(tag) =	ssettag $0x1  }
0x1: {  	s0 =	rddreg [dreg:$0x0]  }
0x2: {  	s2 =	rddreg [dreg:$0x1];
	s3 =	simm.s32 $0x0  }
0x3: {  	s14 =	stileid.u32;
	s1 =	srdreg.scid;
	s17 =	simm.s32 $0xB2  }
0x4: {  	s19 =	simm.s32 $0x3;
	s20 =	simm.s32 $0x80;
	s21 =	simm.s32 $0x40  }
0x5: {  	s22 =	simm.s32 $0x100;
	s24 =	simm.s32 $0xC0;
	s25 =	simm.s32 $0x4500  }
0x6: {  	s28 =	simm.s32 $0x2100;
	s29 =	simm.s32 $0x0;
	[smem:$0x7FF] =	sst s3  }
0x7: {  	s8 =	smul.u32 $0x13C00, s14;
	s1 =	sand.u32 $0x1, s1;
	s4 =	sadd.s32 $0xFE00, s0  }
0x8: {  	s5 =	sadd.s32 $0x90E00, s0;
	s6 =	sadd.s32 $0x86E00, s0;
	s7 =	sadd.s32 $0x5E00, s0  }
0x9: {  	s13 =	smul.u32 $0x8E, s14;
	s30 =	sshll.u32 s14, $0x6;
	_ =	strace $0x80000056  }
0xa: {  	s9 =	smul.u32 $0x13C000, s1;
	s11 =	ssub.s32 $0x2, s1;
	p0 =	seq.s32 s1, $0x0  }
0xb: {  	s10 =	sshrl.u32 s8, $0x3;
	s12 =	sshrl.u32 s11, $0x1;
	s18 =	sadd.s32 s8, s2  }
0xc: {  	s1 =	sadd.s32 $0xB20, s13;
	s17 =	simm.s32 @!p0 $0x8E;
	s10 =	sadd.s32 s10, s0  }
0xd: {  	s9 =	sadd.s32 s8, s9;
	s16 =	ssub.s32 s11, s12;
	s18 =	sshrl.u32 s18, $0x3  }
0xe: {  	s9 =	sshrl.u32 s9, $0x3;
	s26 =	sadd.s32 $0x4FE00, s10;
	s16 =	smax.u32 s16, $0x1  }
0xf: {  	s0 =	sadd.s32 s9, s0;
	s9 =	smul.u32 $0xB2, s14;
	[dreg:$0x3] =	wrdreg s26  }
0x10: {  	s14 =	sshrl.u32 s17, $0x1;
	s17 =	sadd.s32 $0xFFFFFFFE, s17;
	s26 =	simm.s32 $0x1  }
0x11: {  	s15 =	sadd.s32 $0x130E00, s0;
	s1 =	smov.u32 @p0 s9;
	s9 =	sor.u32 $0x1C03, s30  }
0x12: {  	s10 =	sshll.u32 s1, $0x6;
	s31 =	sshll.u32 s1, $0x3;
	s1 =	sshll.u32 s1, $0x7  }
0x13: {  	s11 =	sadd.s32 s6, s31;
	s12 =	sadd.s32 s7, s31;
	s13 =	sadd.s32 s5, s1  }
.LBB2_1:
0x14: {  	s0 =	rddreg [dreg:$0x3]  }
0x15: {  	[spmem:s18], [sflag:s9] =	dma.local [hbm:s0], $0x2780  }
0x16: {  	_ =	swait.ge [sflag:s19], $0x2780  }
0x17: {  	[sflag:s19] =	ssyncset.done $0x0  }
0x18: {  	[sflag:s19] =	ssyncadd.s32 $0xFFFFD880  }
0x19: {  	[bflag:$0x0] =	sbarrier.arrive $0xFFFF  }
0x1a: {  	[tilespmem:s3], [sflag:$0x3] =	stream.linear.gather [hbm4b:s11+s3], $0x40, $0x38;
	[tilespmem:$0x18500] =	vst v63  }
0x1b: {  	_ =	swait.ge [sflag:s19], $0x40  }
0x1c: {  	[sflag:s19] =	ssyncset.done $0x0  }
0x1d: {  	[sflag:s19] =	ssyncadd.s32 $0xFFFFFFC0  }
0x1e: {  	[tilespmem:s20], [sflag:$0x3] =	stream.linear.gather [hbm4b:s12+s3], $0x40, $0x38;
	[tilespmem:$0x18500] =	vst v63  }
0x1f: {  	_ =	swait.ge [sflag:s19], $0x40  }
0x20: {  	[sflag:s19] =	ssyncset.done $0x0  }
0x21: {  	[sflag:s19] =	ssyncadd.s32 $0xFFFFFFC0  }
0x22: {  	[tilespmem:s22], [sflag:$0x1] =	stream.indirect.gather [hbm4b:s4+s21], $0x80, s3, s21, $0xb8;
	[tilespmem:$0x18500] =	vst v63  }
0x23: {  	s31 =	simm.s32 $0x4100  }
0x24: {  	[tilespmem:s31], [sflag:$0x3] =	stream.linear.gather [hbm4b:s13+s3], $0x400, $0x38;
	[tilespmem:$0x18500] =	vst v63  }
0x25: {  	_ =	swait.ge [sflag:s19], $0x400  }
0x26: {  	[sflag:s19] =	ssyncset.done $0x0  }
0x27: {  	s30 =	simm.s32 $0x0;
	[sflag:s19] =	ssyncadd.s32 $0xFFFFFC00  }
.LBB2_2:
0x28: {  	s0 =	sshll.u32 s30, $0x7  }
0x29: {  	s31 =	sadd.s32 s10, s0  }
0x2a: {  	s0 =	sor.u32 $0x40, s31  }
0x2b: {  	s1 =	sshrl.u32 s0, $0x3  }
0x2c: {  	s8 =	simm.s32 $0x0;
	s23 =	sadd.s32 s6, s1  }
0x2d: {  	[tilespmem:s21], [sflag:$0x3] =	stream.linear.gather [hbm4b:s23+s8], $0x40, $0x38;
	[tilespmem:$0x18500] =	vst v63  }
0x2e: {  	_ =	swait.ge [sflag:s19], $0x40  }
0x2f: {  	[sflag:s19] =	ssyncset.done $0x0  }
0x30: {  	s1 =	sadd.s32 s7, s1;
	[sflag:s19] =	ssyncadd.s32 $0xFFFFFFC0  }
0x31: {  	[tilespmem:s24], [sflag:$0x3] =	stream.linear.gather [hbm4b:s1+s8], $0x40, $0x38;
	[tilespmem:$0x18500] =	vst v63  }
0x32: {  	_ =	swait.ge [sflag:s19], $0x40  }
0x33: {  	s0 =	sshll.u32 s0, $0x1;
	[sflag:s19] =	ssyncset.done $0x0  }
0x34: {  	s0 =	sadd.s32 s5, s0;
	[sflag:s19] =	ssyncadd.s32 $0xFFFFFFC0  }
0x35: {  	[tilespmem:s25], [sflag:$0x3] =	stream.linear.gather [hbm4b:s0+s8], $0x400, $0x38;
	[tilespmem:$0x18500] =	vst v63  }
0x36: {  	_ =	swait.ge [sflag:s19], $0x400  }
0x37: {  	[sflag:s19] =	ssyncset.done $0x0  }
0x38: {  	[sflag:s19] =	ssyncadd.s32 $0xFFFFFC00  }
0x39: {  	_ =	swait.ge [sflag:s26], $0x2000  }
0x3a: {  	[sflag:s26] =	ssyncset.done $0x0  }
0x3b: {  	s0 =	simm.s32 $0x140;
	[sflag:s26] =	ssyncadd.s32 $0xFFFFE000  }
0x3c: {  	[tilespmem:s28], [sflag:$0x2] =	stream.indirect.gather [hbm4b:s4+s21], $0x80, s21, s21, $0xb8;
	[tilespmem:$0x18500] =	vst v63  }
0x3d: {  	s23 =	simm.s32 $0x0;
	v7 =	vld [tilespmem:s0+$0xFFFFFFD0]  }
0x3e: {  	v2 =	vld [tilespmem:s23+$0x4100]  }
0x3f: {  	v5 =	vld [tilespmem:s0+$0x20]  }
0x40: {  	v8 =	vld [tilespmem:s0+$0xFFFFFFC0]  }
0x41: {  	v11 =	vld [tilespmem:s0+$0xFFFFFFE0]  }
0x42: {  	v0 =	vld [tilespmem:s0+$0xFFFFFFF0]  }
0x43: {  	v1 =	vld [tilespmem:s0+$0x30];
	v9 =	vbroadcast v2, $0x0;
	v6 =	vbroadcast v2, $0x3  }
0x44: {  	v3 =	vld [tilespmem:s0+$0x0];
	v4 =	vbroadcast v2, $0x1  }
0x45: {  	v10 =	vmul.f32 v9, v8;
	v8 =	vmul.f32 v5, v6;
	v5 =	vld [tilespmem:s0+$0x10]  }
0x46: {  	v2 =	vbroadcast v2, $0x2  }
0x47: {  	s1 =	simm.s32 $0x40;
	s23 =	simm.s32 $0x140;
	v9 =	vmul.f32 v7, v9;
	v7 =	vmul.f32 v11, v4  }
.LBB2_3:
0x48: {  	p0 =	sne.s32 s1, $0xFC0  }
0x49: {  	[tilespmem:s0+$0xFFFFFFC0] =	vst v10;
	v3 =	vmul.f32 v3, v2;
	v1 =	vmul.f32 v1, v6;
	s23 =	sadd.s32 $0x80, s23;
	s8 =	smov.u32 s1;
	s1 =	sadd.s32 $0x40, s1  }
0x4a: {  	v4 =	vmul.f32 v0, v4;
	v2 =	vmul.f32 v5, v2;
	[tilespmem:s0+$0x20] =	vst v8  }
0x4b: {  	[tilespmem:s0+$0xFFFFFFD0] =	vst v9  }
0x4c: {  	[tilespmem:s0+$0xFFFFFFE0] =	vst v7  }
0x4d: {  	[tilespmem:s0+$0x30] =	vst v1  }
0x4e: {  	v0 =	vld [tilespmem:s23+$0xFFFFFFF0];
	[tilespmem:s0+$0x10] =	vst v2  }
0x4f: {  	v7 =	vld [tilespmem:s23+$0xFFFFFFD0];
	[tilespmem:s0+$0xFFFFFFF0] =	vst v4  }
0x50: {  	s8 =	sshra.s32 s8, $0x2;
	v8 =	vld [tilespmem:s23+$0x20];
	[tilespmem:s0+$0x0] =	vst v3;
	s0 =	smov.u32 s23  }
0x51: {  	v2 =	vld [tilespmem:s8+$0x4100]  }
0x52: {  	v1 =	vld [tilespmem:s23+$0x30]  }
0x53: {  	v9 =	vld [tilespmem:s23+$0xFFFFFFC0]  }
0x54: {  	v11 =	vld [tilespmem:s23+$0xFFFFFFE0]  }
.Ltmp0:
0x55: {  	v3 =	vld [tilespmem:s23+$0x0];
	(pc) =	sbr.rel @p0 .LBB2_3-.Ltmp0, $4  }
0x56: {  	v12 =	vbroadcast v2, $0x0;
	v5 =	vld [tilespmem:s23+$0x10];
	v6 =	vbroadcast v2, $0x3  }
0x57: {  	v4 =	vbroadcast v2, $0x1;
	v2 =	vbroadcast v2, $0x2  }
0x58: {  	v10 =	vmul.f32 v12, v9;
	v8 =	vmul.f32 v8, v6  }
0x59: {  	v9 =	vmul.f32 v7, v12;
	v7 =	vmul.f32 v11, v4  }
0x5a: {  	[tilespmem:s0+$0xFFFFFFC0] =	vst v10  }
0x5b: {  	[tilespmem:s0+$0x20] =	vst v8  }
0x5c: {  	v1 =	vmul.f32 v1, v6;
	[tilespmem:s0+$0xFFFFFFD0] =	vst v9  }
0x5d: {  	v0 =	vmul.f32 v0, v4;
	[tilespmem:s0+$0xFFFFFFE0] =	vst v7  }
0x5e: {  	v5 =	vmul.f32 v5, v2;
	[tilespmem:s0+$0x30] =	vst v1  }
0x5f: {  	v1 =	vmul.f32 v3, v2;
	[tilespmem:s0+$0xFFFFFFF0] =	vst v0  }
0x60: {  	[tilespmem:s0+$0x10] =	vst v5  }
0x61: {  	[tilespmem:s0+$0x0] =	vst v1  }
0x62: {  	[spmem:s2] =	stream.indirect.scatter.add.f32 [tilespmem:s22], [sflag:$0x3], $0x80, s20, s21, $0xb8;
	[tilespmem:$0x18500] =	vst v63  }
0x63: {  	s23 =	sshll.u32 s30, $0x1;
	_ =	swait.ge [sflag:s19], $0x2000  }
0x64: {  	p0 =	sge.u32 s23, s17;
	[sflag:s19] =	ssyncset.done $0x0  }
0x65: {  	s0 =	simm.s32 @p0 $0x2;
	[sflag:s19] =	ssyncadd.s32 $0xFFFFE000  }
0x66: {  	s1 =	sadd.s32 @!p0 $0x80, s31;
	_ =	swait.ge @p0 [sflag:s0], $0x2000  }
0x67: {  	s8 =	sshrl.u32 @!p0 s1, $0x3;
	[sflag:s0] =	ssyncset.done @p0 $0x0  }
0x68: {  	s23 =	simm.s32 @!p0 $0x0;
	[sflag:s0] =	ssyncadd.s32 @p0 $0xFFFFE000;
	s0 =	sadd.s32 @!p0 s6, s8  }
0x69: {  	[tilespmem:s23], [sflag:$0x3] =	stream.linear.gather @!p0 [hbm4b:s0+s23], $0x40, $0x38;
	[tilespmem:$0x18500] =	vst v63  }
0x6a: {  	s0 =	simm.s32 @!p0 $0x3  }
0x6b: {  	_ =	swait.ge @!p0 [sflag:s0], $0x40  }
0x6c: {  	[sflag:s0] =	ssyncset.done @!p0 $0x0  }
0x6d: {  	s31 =	simm.s32 @!p0 $0x80;
	s8 =	sadd.s32 @!p0 s7, s8;
	[sflag:s0] =	ssyncadd.s32 @!p0 $0xFFFFFFC0  }
0x6e: {  	[tilespmem:s31], [sflag:$0x3] =	stream.linear.gather @!p0 [hbm4b:s8+s23], $0x40, $0x38;
	[tilespmem:$0x18500] =	vst v63  }
0x6f: {  	_ =	swait.ge @!p0 [sflag:s0], $0x40  }
0x70: {  	s1 =	sshll.u32 @!p0 s1, $0x1;
	[sflag:s0] =	ssyncset.done @!p0 $0x0  }
0x71: {  	s1 =	sadd.s32 @!p0 s5, s1;
	s8 =	simm.s32 @!p0 $0x4100;
	[sflag:s0] =	ssyncadd.s32 @!p0 $0xFFFFFFC0  }
0x72: {  	[tilespmem:s8], [sflag:$0x3] =	stream.linear.gather @!p0 [hbm4b:s1+s23], $0x400, $0x38;
	[tilespmem:$0x18500] =	vst v63  }
0x73: {  	_ =	swait.ge @!p0 [sflag:s0], $0x400  }
0x74: {  	[sflag:s0] =	ssyncset.done @!p0 $0x0  }
0x75: {  	[sflag:s0] =	ssyncadd.s32 @!p0 $0xFFFFFC00;
	s0 =	simm.s32 @!p0 $0x2  }
0x76: {  	_ =	swait.ge @!p0 [sflag:s0], $0x2000  }
0x77: {  	[sflag:s0] =	ssyncset.done @!p0 $0x0  }
0x78: {  	s1 =	simm.s32 @!p0 $0x100;
	[sflag:s0] =	ssyncadd.s32 @!p0 $0xFFFFE000;
	s0 =	simm.s32 @!p0 $0x40  }
0x79: {  	[tilespmem:s1], [sflag:$0x1] =	stream.indirect.gather @!p0 [hbm4b:s4+s0], $0x80, s23, s0, $0xb8;
	[tilespmem:$0x18500] =	vst v63  }
0x7a: {  	s0 =	simm.s32 $0x2140  }
0x7b: {  	s31 =	simm.s32 $0x0;
	v7 =	vld [tilespmem:s0+$0xFFFFFFD0]  }
0x7c: {  	v2 =	vld [tilespmem:s31+$0x4500]  }
0x7d: {  	v5 =	vld [tilespmem:s0+$0x20]  }
0x7e: {  	v8 =	vld [tilespmem:s0+$0xFFFFFFC0]  }
0x7f: {  	v11 =	vld [tilespmem:s0+$0xFFFFFFE0]  }
0x80: {  	v0 =	vld [tilespmem:s0+$0xFFFFFFF0]  }
0x81: {  	v1 =	vld [tilespmem:s0+$0x30];
	v9 =	vbroadcast v2, $0x0;
	v6 =	vbroadcast v2, $0x3  }
0x82: {  	v3 =	vld [tilespmem:s0+$0x0];
	v4 =	vbroadcast v2, $0x1  }
0x83: {  	v10 =	vmul.f32 v9, v8;
	v8 =	vmul.f32 v5, v6;
	v5 =	vld [tilespmem:s0+$0x10]  }
0x84: {  	v2 =	vbroadcast v2, $0x2  }
0x85: {  	s1 =	simm.s32 $0x40;
	s23 =	simm.s32 $0x2140;
	v9 =	vmul.f32 v7, v9;
	v7 =	vmul.f32 v11, v4  }
.LBB2_5:
0x86: {  	p0 =	sne.s32 s1, $0xFC0  }
0x87: {  	[tilespmem:s0+$0xFFFFFFC0] =	vst v10;
	v3 =	vmul.f32 v3, v2;
	v1 =	vmul.f32 v1, v6;
	s23 =	sadd.s32 $0x80, s23;
	s8 =	smov.u32 s1;
	s1 =	sadd.s32 $0x40, s1  }
0x88: {  	v4 =	vmul.f32 v0, v4;
	v2 =	vmul.f32 v5, v2;
	[tilespmem:s0+$0x20] =	vst v8  }
0x89: {  	[tilespmem:s0+$0xFFFFFFD0] =	vst v9  }
0x8a: {  	[tilespmem:s0+$0xFFFFFFE0] =	vst v7  }
0x8b: {  	[tilespmem:s0+$0x30] =	vst v1  }
0x8c: {  	v0 =	vld [tilespmem:s23+$0xFFFFFFF0];
	[tilespmem:s0+$0x10] =	vst v2  }
0x8d: {  	v7 =	vld [tilespmem:s23+$0xFFFFFFD0];
	[tilespmem:s0+$0xFFFFFFF0] =	vst v4  }
0x8e: {  	s8 =	sshra.s32 s8, $0x2;
	v8 =	vld [tilespmem:s23+$0x20];
	[tilespmem:s0+$0x0] =	vst v3;
	s0 =	smov.u32 s23  }
0x8f: {  	v2 =	vld [tilespmem:s8+$0x4500]  }
0x90: {  	v1 =	vld [tilespmem:s23+$0x30]  }
0x91: {  	v9 =	vld [tilespmem:s23+$0xFFFFFFC0]  }
0x92: {  	v11 =	vld [tilespmem:s23+$0xFFFFFFE0]  }
.Ltmp1:
0x93: {  	v3 =	vld [tilespmem:s23+$0x0];
	(pc) =	sbr.rel @p0 .LBB2_5-.Ltmp1, $4  }
0x94: {  	v12 =	vbroadcast v2, $0x0;
	v5 =	vld [tilespmem:s23+$0x10];
	v6 =	vbroadcast v2, $0x3  }
0x95: {  	v4 =	vbroadcast v2, $0x1;
	v2 =	vbroadcast v2, $0x2  }
0x96: {  	v10 =	vmul.f32 v12, v9;
	v8 =	vmul.f32 v8, v6  }
0x97: {  	v9 =	vmul.f32 v7, v12;
	v7 =	vmul.f32 v11, v4  }
0x98: {  	[tilespmem:s0+$0xFFFFFFC0] =	vst v10  }
0x99: {  	[tilespmem:s0+$0x20] =	vst v8  }
0x9a: {  	v1 =	vmul.f32 v1, v6;
	[tilespmem:s0+$0xFFFFFFD0] =	vst v9  }
0x9b: {  	v0 =	vmul.f32 v0, v4;
	[tilespmem:s0+$0xFFFFFFE0] =	vst v7  }
0x9c: {  	v63 =	vmul.f32 v3, v2;
	[tilespmem:s0+$0x30] =	vst v1  }
0x9d: {  	s30 =	sadd.s32 $0x1, s30;
	v5 =	vmul.f32 v5, v2;
	[tilespmem:s0+$0xFFFFFFF0] =	vst v0  }
0x9e: {  	p0 =	sne.s32 s30, s14;
	[tilespmem:s0+$0x0] =	vst v63  }
.Ltmp2:
0x9f: {  	[tilespmem:s0+$0x10] =	vst v5;
	(pc) =	sbr.rel @p0 .LBB2_2-.Ltmp2, $4  }
0xa0: {  	[spmem:s2] =	stream.indirect.scatter.add.f32 [tilespmem:s28], [sflag:$0x3], $0x80, s24, s21, $0xb8;
	[tilespmem:$0x18500] =	vst v63  }
0xa1: {  	_ =	swait.ge [sflag:s19], $0x2000  }
0xa2: {  	[sflag:s19] =	ssyncset.done $0x0  }
0xa3: {  	[sflag:s19] =	ssyncadd.s32 $0xFFFFE000  }
0xa4: {  	s29 =	sadd.s32 $0x1, s29  }
0xa5: {  	p0 =	sne.s32 s29, s16  }
.Ltmp3:
0xa6: {  	[bflag:$0x0] =	sbarrier.arrive $0xFFFF;
	(pc) =	sbr.rel @p0 .LBB2_1-.Ltmp3, $4  }
0xa7: {  	[hbm:s15], [sflag:s9] =	dma.local [spmem:s18], $0x2780  }
0xa8: {  	_ =	swait.ge [sflag:s19], $0x2780  }
0xa9: {  	[sflag:s19] =	ssyncset.done $0x0  }
0xaa: {  	[sflag:s19] =	ssyncadd.s32 $0xFFFFD880  }
0xab: {  	_ =	sfence.sel $0x180000  }
0xac: {  	[bflag:$0x0] =	sbarrier.arrive $0xFFFF  }
0xad: {  	_ =	strace $0x90000056  }
0xae: {  	s0 =	stileid.u32;
	[bflag:$0x2] =	sbarrier.arrive $0xFFFF  }
0xaf: {  	p0 =	sne.s32 s0, $0x0;
	s0 =	rddreg [dreg:$0x2]  }
0xb0: {  	s0 =	sadd.s32 @!p0 $0x100000, s0  }
0xb1: {  	[sflag:s0] =	ssyncadd.tile.s32 @!p0 $0x1;
	_ =	shalt  }
.Lfunc_end2:
_tile_overlayer_lowered:
.L_overlay_start_2:
0xb2: {  	(tag) =	ssettag $0x2  }
0xb3: {  	s0 =	rddreg [dreg:$0x0];
	s2 =	stileid.u32  }
0xb4: {  	s1 =	rddreg [dreg:$0x1];
	p0 =	sne.s32 s2, $0x0  }
0xb5: {  	s3 =	rddreg [dreg:$0x2];
	[bflag:$0x3] =	sbarrier.arrive $0xFFFF;
	s2 =	simm.s32 @!p0 $0x1C03  }
0xb6: {  	[timem:s3], [sflag:s2] =	dma.local @!p0 [hbm:s0], s1  }
0xb7: {  	s0 =	simm.s32 @!p0 $0x3  }
0xb8: {  	_ =	swait.ge @!p0 [sflag:s0], s1  }
0xb9: {  	s1 =	ssub.s32 @!p0 $0x0, s1;
	[sflag:s0] =	ssyncset.done @!p0 $0x0  }
0xba: {  	[sflag:s0] =	ssyncadd.s32 @!p0 s1  }
0xbb: {  	[bflag:$0x3] =	sbarrier.arrive $0xFFFF  }
0xbc: {  	_ =	shalt  }

</sc_bundles>
